<compile_context>
chip_gen: v7x
topology: tpu7x:2x2x1
jax: 0.10.2.dev20260603
libtpu: 0.0.44.dev20260713+nightly
codegen_flags: <defaults>
</compile_context>

<pallas_src>
import functools

import jax
import jax.numpy as jnp
from jax import lax
from jax.experimental import pallas as pl
from jax.experimental.pallas import tpu as pltpu
from jax.experimental.pallas import tpu_sc as plsc

T = 2048
H = 1024
I = 512
E = 8
K = 2
B = 256
NUM_BLOCKS = 23
R_PAD = NUM_BLOCKS * B
NC, NS = 2, 16
NW = NC * NS
TOKS_PER_W = T // NW

_SC_MESH = plsc.VectorSubcoreMesh(core_axis_name="c", subcore_axis_name="s")


def _worker_id():
    return lax.axis_index("s") * NC + lax.axis_index("c")


@functools.partial(
    pl.kernel,
    out_type=(
        jax.ShapeDtypeStruct((R_PAD, H), jnp.float32),
        jax.ShapeDtypeStruct((R_PAD, 128), jnp.float32),
    ),
    mesh=_SC_MESH,
    name="sc_dispatch_scatter",
    scratch_types=[
        pltpu.VMEM((K, TOKS_PER_W), jnp.int32),
        pltpu.VMEM((TOKS_PER_W, H), jnp.float32),
        pltpu.VMEM((K, TOKS_PER_W, 128), jnp.float32),
        pltpu.SemaphoreType.DMA,
        pltpu.SemaphoreType.DMA,
        pltpu.SemaphoreType.DMA,
        pltpu.SemaphoreType.DMA,
    ],
)
def _dispatch(hid_hbm, pos3_hbm, w16_hbm, xs_hbm, ws_hbm,
              idx2_v, rows_v, wbuf_v, s0, s1, s2, s3):
    wid = _worker_id()
    base = wid * TOKS_PER_W
    pltpu.sync_copy(pos3_hbm.at[wid], idx2_v)
    pltpu.sync_copy(w16_hbm.at[wid], wbuf_v)
    pltpu.sync_copy(hid_hbm.at[pl.ds(base, TOKS_PER_W)], rows_v)
    ce = pltpu.async_copy(rows_v, xs_hbm.at[idx2_v.at[0]], s0)
    co = pltpu.async_copy(rows_v, xs_hbm.at[idx2_v.at[1]], s1)
    cwe = pltpu.async_copy(wbuf_v.at[0], ws_hbm.at[idx2_v.at[0]], s2)
    cwo = pltpu.async_copy(wbuf_v.at[1], ws_hbm.at[idx2_v.at[1]], s3)
    ce.wait()
    co.wait()
    cwe.wait()
    cwo.wait()


def _ffn_body(ge_ref, x_ref, gu_ref, dp_ref, w_ref, o_ref):
    del ge_ref
    x = x_ref[...]
    w1 = gu_ref[0]
    xw = lax.dot_general(x, w1, (((1,), (1,)), ((), ())),
                         preferred_element_type=jnp.float32)
    gate = xw[:, :I]
    up = xw[:, I:]
    h = gate * lax.logistic(gate) * up
    w2 = dp_ref[0]
    out = lax.dot_general(h, w2, (((1,), (1,)), ((), ())),
                          preferred_element_type=jnp.float32)
    o_ref[...] = out * w_ref[:, 0:1]


_ffn = pl.pallas_call(
    _ffn_body,
    grid_spec=pltpu.PrefetchScalarGridSpec(
        num_scalar_prefetch=1,
        grid=(NUM_BLOCKS,),
        in_specs=[
            pl.BlockSpec((B, H), lambda b, ge: (b, 0)),
            pl.BlockSpec((1, 2 * I, H), lambda b, ge: (ge[b], 0, 0)),
            pl.BlockSpec((1, H, I), lambda b, ge: (ge[b], 0, 0)),
            pl.BlockSpec((B, 128), lambda b, ge: (b, 0)),
        ],
        out_specs=pl.BlockSpec((B, H), lambda b, ge: (b, 0)),
    ),
    out_shape=jax.ShapeDtypeStruct((R_PAD, H), jnp.float32),
)


_CR = 16
_CN = TOKS_PER_W // _CR


@functools.partial(
    pl.kernel,
    out_type=jax.ShapeDtypeStruct((T, H), jnp.float32),
    mesh=_SC_MESH,
    name="sc_combine_gather",
    scratch_types=[
        pltpu.VMEM((TOKS_PER_W,), jnp.int32),
        pltpu.VMEM((TOKS_PER_W,), jnp.int32),
        pltpu.VMEM((_CR, H), jnp.float32),
        pltpu.VMEM((_CR, H), jnp.float32),
        pltpu.VMEM((_CR, H), jnp.float32),
        pltpu.VMEM((_CR, H), jnp.float32),
        pltpu.VMEM((_CR, H), jnp.float32),
        pltpu.VMEM((_CR, H), jnp.float32),
        pltpu.SemaphoreType.DMA,
        pltpu.SemaphoreType.DMA,
        pltpu.SemaphoreType.DMA,
        pltpu.SemaphoreType.DMA,
        pltpu.SemaphoreType.DMA,
        pltpu.SemaphoreType.DMA,
        pltpu.SemaphoreType.DMA,
        pltpu.SemaphoreType.DMA,
        pltpu.SemaphoreType.DMA,
    ],
)
def _combine_gather(os_hbm, pe_hbm, po_hbm, out_hbm,
                    ie_v, io_v, be0, bo0, be1, bo1, be2, bo2,
                    ge0, go0, ge1, go1, ge2, go2, ss0, ss1, ss2):
    base = _worker_id() * TOKS_PER_W
    pltpu.sync_copy(pe_hbm.at[pl.ds(base, TOKS_PER_W)], ie_v)
    pltpu.sync_copy(po_hbm.at[pl.ds(base, TOKS_PER_W)], io_v)
    bes = (be0, be1, be2)
    bos = (bo0, bo1, bo2)
    gesem = (ge0, ge1, ge2)
    gosem = (go0, go1, go2)
    ssem = (ss0, ss1, ss2)
    nbuf = 3

    def _gather(r):
        b = r % nbuf
        ce = pltpu.async_copy(
            os_hbm.at[ie_v.at[pl.ds(r * _CR, _CR)]], bes[b], gesem[b])
        co = pltpu.async_copy(
            os_hbm.at[io_v.at[pl.ds(r * _CR, _CR)]], bos[b], gosem[b])
        return ce, co

    gathers = [None] * _CN
    scatters = [None] * _CN
    for r in range(min(nbuf - 1, _CN)):
        gathers[r] = _gather(r)
    for r in range(_CN):
        b = r % nbuf
        pre = r + nbuf - 1
        if pre < _CN:
            if scatters[pre - nbuf] is not None:
                scatters[pre - nbuf].wait()
            gathers[pre] = _gather(pre)
        gathers[r][0].wait()
        gathers[r][1].wait()
        be_v = bes[b]
        bo_v = bos[b]

        def _add_row(i, _):
            for s in range(H // 16):
                be_v[i, pl.ds(s * 16, 16)] = (
                    be_v[i, pl.ds(s * 16, 16)] + bo_v[i, pl.ds(s * 16, 16)]
                )
            return 0

        lax.fori_loop(0, _CR, _add_row, 0)
        scatters[r] = pltpu.async_copy(
            bes[b], out_hbm.at[pl.ds(base + r * _CR, _CR)], ssem[b])
    for r in range(max(0, _CN - nbuf), _CN):
        scatters[r].wait()


def kernel(hidden_states, top_k_indices, top_k_weights, gate_up_proj, down_proj):
    e_flat = top_k_indices.reshape(-1).astype(jnp.int32)
    w_flat = top_k_weights.reshape(-1)
    onehot = (e_flat[:, None] == jnp.arange(E, dtype=jnp.int32)[None, :]
              ).astype(jnp.int32)
    ranks_inc = jnp.cumsum(onehot, axis=0)
    counts = ranks_inc[-1]
    rank = jnp.sum(ranks_inc * onehot, axis=1) - 1
    padded = ((counts + B - 1) // B) * B
    pend = jnp.cumsum(padded)
    pstart = pend - padded
    pos_flat = (pstart[e_flat] + rank).astype(jnp.int32)
    block_expert = jnp.minimum(
        jnp.searchsorted(pend, jnp.arange(NUM_BLOCKS, dtype=jnp.int32) * B,
                         side="right"),
        E - 1,
    ).astype(jnp.int32)
    pos_tk = pos_flat.reshape(T, K)
    pos_e = pos_tk[:, 0]
    pos_o = pos_tk[:, 1]
    pos3 = jnp.stack([pos_e.reshape(NW, TOKS_PER_W),
                      pos_o.reshape(NW, TOKS_PER_W)], axis=1)
    w3 = w_flat.reshape(NW, TOKS_PER_W, K).transpose(0, 2, 1)
    w16 = jnp.broadcast_to(w3[..., None], (NW, K, TOKS_PER_W, 128))

    x_sorted, w_rows = _dispatch(hidden_states, pos3, w16)
    out_sorted = _ffn(block_expert, x_sorted, gate_up_proj, down_proj,
                      w_rows)
    return _combine_gather(out_sorted, pos_e, pos_o)

# --- scband reference (transcript-rebuilt; emitter-appended) ---
"""Pipeline reference for scband-qwen3-5-experts-11802570129921 (READ-ONLY COPY).

The authoritative reference and input builder live on the scoring server;
editing this copy changes nothing except your own understanding.
"""

import jax, jax.numpy as jnp
import numpy as np

NUM_EXPERTS = 8
HIDDEN = 1024
INTER = 512
TOKENS = 2048
TOP_K = 2


def setup_inputs(seed: int = 0) -> dict:
    key = jax.random.key(seed)
    k1, k2, k3, k4, k5 = jax.random.split(key, 5)
    hidden_states = jax.random.normal(k1, (TOKENS, HIDDEN), dtype=jnp.float32)
    top_k_indices = jax.random.randint(k2, (TOKENS, TOP_K), 0, NUM_EXPERTS)
    top_k_weights = jax.random.uniform(k3, (TOKENS, TOP_K), dtype=jnp.float32)
    top_k_weights = top_k_weights / jnp.sum(top_k_weights, axis=-1, keepdims=True)
    gate_up_proj = jax.random.normal(k4, (NUM_EXPERTS, 2 * INTER, HIDDEN), dtype=jnp.float32) * 0.02
    down_proj = jax.random.normal(k5, (NUM_EXPERTS, HIDDEN, INTER), dtype=jnp.float32) * 0.02
    return {
        "hidden_states": hidden_states,
        "top_k_indices": top_k_indices,
        "top_k_weights": top_k_weights,
        "gate_up_proj": gate_up_proj,
        "down_proj": down_proj,
    }


def reference(hidden_states, top_k_indices, top_k_weights, gate_up_proj, down_proj):
    # Mathematically identical to Qwen3_5Experts._forward_dense: each token's
    # output is sum_k w[t,k] * down[e_k] @ (silu(gate) * up) with [gate|up] = gate_up[e_k] @ x_t.
    # Implemented as dense all-expert compute + one-hot routed combine (fixed-shape,
    # graph-compatible, avoids materializing per-token gathered weight tensors).
    xw = jnp.einsum('th,eih->eti', hidden_states, gate_up_proj)  # [E, T, 2I]
    gate, up = jnp.split(xw, 2, axis=-1)
    h = jax.nn.silu(gate) * up  # [E, T, I]
    out_e = jnp.einsum('eti,ehi->eth', h, down_proj)  # [E, T, H]
    onehot = jax.nn.one_hot(top_k_indices, NUM_EXPERTS, dtype=hidden_states.dtype)  # [T, K, E]
    combine = jnp.einsum('tke,tk->et', onehot, top_k_weights)  # [E, T]
    final = jnp.einsum('eth,et->th', out_e, combine)  # [T, H]
    return final

if __name__ == "__main__":
    import jax
    _d = setup_inputs()
    print(jax.jit(kernel)(*tuple(_d.values())))

</pallas_src>

<mosaic_0001>
#map = affine_map<(d0, d1) -> (0, 0)>
#map1 = affine_map<(d0, d1) -> (0)>
module attributes {stable_mosaic.version = 14 : i64} {
  func.func @sc_combine_gather(%arg0: i32, %arg1: i32, %arg2: memref<5888x1024xf32, #tpu.memory_space<hbm>>, %arg3: memref<2048xi32, #tpu.memory_space<hbm>>, %arg4: memref<2048xi32, #tpu.memory_space<hbm>>, %arg5: memref<2048x1024xf32, #tpu.memory_space<hbm>>, %arg6: memref<64xi32, #tpu.memory_space<vmem>>, %arg7: memref<64xi32, #tpu.memory_space<vmem>>, %arg8: memref<16x1024xf32, #tpu.memory_space<vmem>>, %arg9: memref<16x1024xf32, #tpu.memory_space<vmem>>, %arg10: memref<16x1024xf32, #tpu.memory_space<vmem>>, %arg11: memref<16x1024xf32, #tpu.memory_space<vmem>>, %arg12: memref<16x1024xf32, #tpu.memory_space<vmem>>, %arg13: memref<16x1024xf32, #tpu.memory_space<vmem>>, %arg14: memref<!tpu.dma_semaphore, #tpu.memory_space<semaphore_mem>>, %arg15: memref<!tpu.dma_semaphore, #tpu.memory_space<semaphore_mem>>, %arg16: memref<!tpu.dma_semaphore, #tpu.memory_space<semaphore_mem>>, %arg17: memref<!tpu.dma_semaphore, #tpu.memory_space<semaphore_mem>>, %arg18: memref<!tpu.dma_semaphore, #tpu.memory_space<semaphore_mem>>, %arg19: memref<!tpu.dma_semaphore, #tpu.memory_space<semaphore_mem>>, %arg20: memref<!tpu.dma_semaphore, #tpu.memory_space<semaphore_mem>>, %arg21: memref<!tpu.dma_semaphore, #tpu.memory_space<semaphore_mem>>, %arg22: memref<!tpu.dma_semaphore, #tpu.memory_space<semaphore_mem>>) attributes {dimension_semantics = [#tpu.dimension_semantics<core_parallel>, #tpu.dimension_semantics<subcore_parallel>], iteration_bounds = array<i64: 2, 16>, scalar_prefetch = 0 : i64, scratch_operands = 17 : i64, tpu.core_type = #tpu.core_type<sc_vector_subcore>, window_params = [{transform_indices = #map}, {transform_indices = #map1}, {transform_indices = #map1}, {transform_indices = #map}]} {
    %mul3A = arith.constant 2 : i32
    %mul3A_0 = arith.muli %arg1, %mul3A : i32
    %add3A = arith.addi %mul3A_0, %arg0 : i32
    %mul3A_1 = arith.constant 64 : i32
    %mul3A_2 = arith.muli %add3A, %mul3A_1 : i32
    "tpu.region"() ({
      %run_scoped3A = tpu.sem_alloc : memref<!tpu.dma_semaphore, #tpu.memory_space<semaphore_mem>>
      %dma_start3A_148 = tpu.memref_slice %arg3[%mul3A_2] : memref<2048xi32, #tpu.memory_space<hbm>> -> memref<64xi32, #tpu.memory_space<hbm>>
      %dma_start3A_149 = tpu.memref_slice %arg3[%mul3A_2] : memref<2048xi32, #tpu.memory_space<hbm>> -> memref<64xi32, #tpu.memory_space<hbm>>
      tpu.enqueue_dma source(%dma_start3A_149 : memref<64xi32, #tpu.memory_space<hbm>>) target(%arg6 : memref<64xi32, #tpu.memory_space<vmem>>) target_semaphore(%run_scoped3A : memref<!tpu.dma_semaphore, #tpu.memory_space<semaphore_mem>>)
      %dma_wait3A_150 = tpu.memref_slice %arg3[%mul3A_2] : memref<2048xi32, #tpu.memory_space<hbm>> -> memref<64xi32, #tpu.memory_space<hbm>>
      %dma_wait3A_151 = tpu.memref_slice %arg3[%mul3A_2] : memref<2048xi32, #tpu.memory_space<hbm>> -> memref<64xi32, #tpu.memory_space<hbm>>
      tpu.wait_dma2 semaphore(%run_scoped3A : memref<!tpu.dma_semaphore, #tpu.memory_space<semaphore_mem>>) src(%dma_wait3A_151 : memref<64xi32, #tpu.memory_space<hbm>>) dst(%arg6 : memref<64xi32, #tpu.memory_space<vmem>>)
      tpu.yield
    }) : () -> ()
    "tpu.region"() ({
      %run_scoped3A = tpu.sem_alloc : memref<!tpu.dma_semaphore, #tpu.memory_space<semaphore_mem>>
      %dma_start3A_148 = tpu.memref_slice %arg4[%mul3A_2] : memref<2048xi32, #tpu.memory_space<hbm>> -> memref<64xi32, #tpu.memory_space<hbm>>
      %dma_start3A_149 = tpu.memref_slice %arg4[%mul3A_2] : memref<2048xi32, #tpu.memory_space<hbm>> -> memref<64xi32, #tpu.memory_space<hbm>>
      tpu.enqueue_dma source(%dma_start3A_149 : memref<64xi32, #tpu.memory_space<hbm>>) target(%arg7 : memref<64xi32, #tpu.memory_space<vmem>>) target_semaphore(%run_scoped3A : memref<!tpu.dma_semaphore, #tpu.memory_space<semaphore_mem>>)
      %dma_wait3A_150 = tpu.memref_slice %arg4[%mul3A_2] : memref<2048xi32, #tpu.memory_space<hbm>> -> memref<64xi32, #tpu.memory_space<hbm>>
      %dma_wait3A_151 = tpu.memref_slice %arg4[%mul3A_2] : memref<2048xi32, #tpu.memory_space<hbm>> -> memref<64xi32, #tpu.memory_space<hbm>>
      tpu.wait_dma2 semaphore(%run_scoped3A : memref<!tpu.dma_semaphore, #tpu.memory_space<semaphore_mem>>) src(%dma_wait3A_151 : memref<64xi32, #tpu.memory_space<hbm>>) dst(%arg7 : memref<64xi32, #tpu.memory_space<vmem>>)
      tpu.yield
    }) : () -> ()
    %dma_start3A = arith.constant 0 : i32
    %dma_start3A_3 = tpu.memref_slice %arg6[%dma_start3A] : memref<64xi32, #tpu.memory_space<vmem>> -> memref<16xi32, #tpu.memory_space<vmem>>
    %dma_start3A_4 = arith.constant 0 : i32
    %dma_start3A_5 = arith.constant 0 : i32
    %dma_start3A_6 = tpu.memref_slice %arg2[%dma_start3A_4, %dma_start3A_5] : memref<5888x1024xf32, #tpu.memory_space<hbm>> -> memref<5888x1024xf32, #tpu.memory_space<hbm>>
    tpu.enqueue_indirect_dma source(%dma_start3A_6 : memref<5888x1024xf32, #tpu.memory_space<hbm>>) target(%arg8 : memref<16x1024xf32, #tpu.memory_space<vmem>>) offsets(%dma_start3A_3 : memref<16xi32, #tpu.memory_space<vmem>>) semaphore(%arg14 : memref<!tpu.dma_semaphore, #tpu.memory_space<semaphore_mem>>)
    %dma_start3A_7 = arith.constant 0 : i32
    %dma_start3A_8 = tpu.memref_slice %arg7[%dma_start3A_7] : memref<64xi32, #tpu.memory_space<vmem>> -> memref<16xi32, #tpu.memory_space<vmem>>
    %dma_start3A_9 = arith.constant 0 : i32
    %dma_start3A_10 = arith.constant 0 : i32
    %dma_start3A_11 = tpu.memref_slice %arg2[%dma_start3A_9, %dma_start3A_10] : memref<5888x1024xf32, #tpu.memory_space<hbm>> -> memref<5888x1024xf32, #tpu.memory_space<hbm>>
    tpu.enqueue_indirect_dma source(%dma_start3A_11 : memref<5888x1024xf32, #tpu.memory_space<hbm>>) target(%arg9 : memref<16x1024xf32, #tpu.memory_space<vmem>>) offsets(%dma_start3A_8 : memref<16xi32, #tpu.memory_space<vmem>>) semaphore(%arg15 : memref<!tpu.dma_semaphore, #tpu.memory_space<semaphore_mem>>)
    %dma_start3A_12 = arith.constant 16 : i32
    %dma_start3A_13 = tpu.memref_slice %arg6[%dma_start3A_12] : memref<64xi32, #tpu.memory_space<vmem>> -> memref<16xi32, #tpu.memory_space<vmem>>
    %dma_start3A_14 = arith.constant 0 : i32
    %dma_start3A_15 = arith.constant 0 : i32
    %dma_start3A_16 = tpu.memref_slice %arg2[%dma_start3A_14, %dma_start3A_15] : memref<5888x1024xf32, #tpu.memory_space<hbm>> -> memref<5888x1024xf32, #tpu.memory_space<hbm>>
    tpu.enqueue_indirect_dma source(%dma_start3A_16 : memref<5888x1024xf32, #tpu.memory_space<hbm>>) target(%arg10 : memref<16x1024xf32, #tpu.memory_space<vmem>>) offsets(%dma_start3A_13 : memref<16xi32, #tpu.memory_space<vmem>>) semaphore(%arg16 : memref<!tpu.dma_semaphore, #tpu.memory_space<semaphore_mem>>)
    %dma_start3A_17 = arith.constant 16 : i32
    %dma_start3A_18 = tpu.memref_slice %arg7[%dma_start3A_17] : memref<64xi32, #tpu.memory_space<vmem>> -> memref<16xi32, #tpu.memory_space<vmem>>
    %dma_start3A_19 = arith.constant 0 : i32
    %dma_start3A_20 = arith.constant 0 : i32
    %dma_start3A_21 = tpu.memref_slice %arg2[%dma_start3A_19, %dma_start3A_20] : memref<5888x1024xf32, #tpu.memory_space<hbm>> -> memref<5888x1024xf32, #tpu.memory_space<hbm>>
    tpu.enqueue_indirect_dma source(%dma_start3A_21 : memref<5888x1024xf32, #tpu.memory_space<hbm>>) target(%arg11 : memref<16x1024xf32, #tpu.memory_space<vmem>>) offsets(%dma_start3A_18 : memref<16xi32, #tpu.memory_space<vmem>>) semaphore(%arg17 : memref<!tpu.dma_semaphore, #tpu.memory_space<semaphore_mem>>)
    %dma_start3A_22 = arith.constant 32 : i32
    %dma_start3A_23 = tpu.memref_slice %arg6[%dma_start3A_22] : memref<64xi32, #tpu.memory_space<vmem>> -> memref<16xi32, #tpu.memory_space<vmem>>
    %dma_start3A_24 = arith.constant 0 : i32
    %dma_start3A_25 = arith.constant 0 : i32
    %dma_start3A_26 = tpu.memref_slice %arg2[%dma_start3A_24, %dma_start3A_25] : memref<5888x1024xf32, #tpu.memory_space<hbm>> -> memref<5888x1024xf32, #tpu.memory_space<hbm>>
    tpu.enqueue_indirect_dma source(%dma_start3A_26 : memref<5888x1024xf32, #tpu.memory_space<hbm>>) target(%arg12 : memref<16x1024xf32, #tpu.memory_space<vmem>>) offsets(%dma_start3A_23 : memref<16xi32, #tpu.memory_space<vmem>>) semaphore(%arg18 : memref<!tpu.dma_semaphore, #tpu.memory_space<semaphore_mem>>)
    %dma_start3A_27 = arith.constant 32 : i32
    %dma_start3A_28 = tpu.memref_slice %arg7[%dma_start3A_27] : memref<64xi32, #tpu.memory_space<vmem>> -> memref<16xi32, #tpu.memory_space<vmem>>
    %dma_start3A_29 = arith.constant 0 : i32
    %dma_start3A_30 = arith.constant 0 : i32
    %dma_start3A_31 = tpu.memref_slice %arg2[%dma_start3A_29, %dma_start3A_30] : memref<5888x1024xf32, #tpu.memory_space<hbm>> -> memref<5888x1024xf32, #tpu.memory_space<hbm>>
    tpu.enqueue_indirect_dma source(%dma_start3A_31 : memref<5888x1024xf32, #tpu.memory_space<hbm>>) target(%arg13 : memref<16x1024xf32, #tpu.memory_space<vmem>>) offsets(%dma_start3A_28 : memref<16xi32, #tpu.memory_space<vmem>>) semaphore(%arg19 : memref<!tpu.dma_semaphore, #tpu.memory_space<semaphore_mem>>)
    %dma_wait3A = arith.constant 0 : i32
    %dma_wait3A_32 = tpu.memref_slice %arg6[%dma_wait3A] : memref<64xi32, #tpu.memory_space<vmem>> -> memref<16xi32, #tpu.memory_space<vmem>>
    %dma_wait3A_33 = arith.constant 0 : i32
    %dma_wait3A_34 = arith.constant 0 : i32
    %dma_wait3A_35 = tpu.memref_slice %arg2[%dma_wait3A_33, %dma_wait3A_34] : memref<5888x1024xf32, #tpu.memory_space<hbm>> -> memref<5888x1024xf32, #tpu.memory_space<hbm>>
    tpu.wait_indirect_dma semaphore(%arg14 : memref<!tpu.dma_semaphore, #tpu.memory_space<semaphore_mem>>) src(%dma_wait3A_35 : memref<5888x1024xf32, #tpu.memory_space<hbm>>) dst(%arg8 : memref<16x1024xf32, #tpu.memory_space<vmem>>)
    %dma_wait3A_36 = arith.constant 0 : i32
    %dma_wait3A_37 = tpu.memref_slice %arg7[%dma_wait3A_36] : memref<64xi32, #tpu.memory_space<vmem>> -> memref<16xi32, #tpu.memory_space<vmem>>
    %dma_wait3A_38 = arith.constant 0 : i32
    %dma_wait3A_39 = arith.constant 0 : i32
    %dma_wait3A_40 = tpu.memref_slice %arg2[%dma_wait3A_38, %dma_wait3A_39] : memref<5888x1024xf32, #tpu.memory_space<hbm>> -> memref<5888x1024xf32, #tpu.memory_space<hbm>>
    tpu.wait_indirect_dma semaphore(%arg15 : memref<!tpu.dma_semaphore, #tpu.memory_space<semaphore_mem>>) src(%dma_wait3A_40 : memref<5888x1024xf32, #tpu.memory_space<hbm>>) dst(%arg9 : memref<16x1024xf32, #tpu.memory_space<vmem>>)
    %scan3A = arith.constant 0 : i32
    %scan3A_41 = arith.constant 0 : i32
    %scan3A_42 = arith.constant 16 : i32
    %scan3A_43 = arith.addi %scan3A_41, %scan3A_42 : i32
    %scan3A_44 = arith.constant 1 : i32
    %scan3A_45 = scf.for %scan3A_148 = %scan3A_41 to %scan3A_43 step %scan3A_44 iter_args(%scan3A_149 = %scan3A) -> (i32)  : i32 {
      %get3A = arith.index_cast %scan3A_148 : i32 to index
      %get3A_150 = arith.constant 0 : index
      %get3A_151 = tpu.vector_load %arg8[%get3A, %get3A_150] {strides = array<i32>} : memref<16x1024xf32, #tpu.memory_space<vmem>>, vector<1x16xf32>,
      %get3A_152 = vector.shape_cast %get3A_151 : vector<1x16xf32> to vector<16xf32>
      %get3A_153 = arith.index_cast %scan3A_148 : i32 to index
      %get3A_154 = arith.constant 0 : index
      %get3A_155 = tpu.vector_load %arg9[%get3A_153, %get3A_154] {strides = array<i32>} : memref<16x1024xf32, #tpu.memory_space<vmem>>, vector<1x16xf32>,
      %get3A_156 = vector.shape_cast %get3A_155 : vector<1x16xf32> to vector<16xf32>
      %add3A_157 = arith.addf %get3A_152, %get3A_156 : vector<16xf32>
      %swap3A = arith.index_cast %scan3A_148 : i32 to index
      %swap3A_158 = arith.constant 0 : index
      %swap3A_159 = tpu.vector_load %arg8[%swap3A, %swap3A_158] {strides = array<i32>} : memref<16x1024xf32, #tpu.memory_space<vmem>>, vector<1x16xf32>,
      %swap3A_160 = vector.shape_cast %swap3A_159 : vector<1x16xf32> to vector<16xf32>
      %swap3A_161 = vector.shape_cast %add3A_157 : vector<16xf32> to vector<1x16xf32>
      tpu.vector_store %arg8[%swap3A, %swap3A_158], %swap3A_161 {strides = array<i32>} : memref<16x1024xf32, #tpu.memory_space<vmem>>, vector<1x16xf32>,
      %get3A_162 = arith.index_cast %scan3A_148 : i32 to index
      %get3A_163 = arith.constant 16 : index
      %get3A_164 = tpu.vector_load %arg8[%get3A_162, %get3A_163] {strides = array<i32>} : memref<16x1024xf32, #tpu.memory_space<vmem>>, vector<1x16xf32>,
      %get3A_165 = vector.shape_cast %get3A_164 : vector<1x16xf32> to vector<16xf32>
      %get3A_166 = arith.index_cast %scan3A_148 : i32 to index
      %get3A_167 = arith.constant 16 : index
      %get3A_168 = tpu.vector_load %arg9[%get3A_166, %get3A_167] {strides = array<i32>} : memref<16x1024xf32, #tpu.memory_space<vmem>>, vector<1x16xf32>,
      %get3A_169 = vector.shape_cast %get3A_168 : vector<1x16xf32> to vector<16xf32>
      %add3A_170 = arith.addf %get3A_165, %get3A_169 : vector<16xf32>
      %swap3A_171 = arith.index_cast %scan3A_148 : i32 to index
      %swap3A_172 = arith.constant 16 : index
      %swap3A_173 = tpu.vector_load %arg8[%swap3A_171, %swap3A_172] {strides = array<i32>} : memref<16x1024xf32, #tpu.memory_space<vmem>>, vector<1x16xf32>,
      %swap3A_174 = vector.shape_cast %swap3A_173 : vector<1x16xf32> to vector<16xf32>
      %swap3A_175 = vector.shape_cast %add3A_170 : vector<16xf32> to vector<1x16xf32>
      tpu.vector_store %arg8[%swap3A_171, %swap3A_172], %swap3A_175 {strides = array<i32>} : memref<16x1024xf32, #tpu.memory_space<vmem>>, vector<1x16xf32>,
      %get3A_176 = arith.index_cast %scan3A_148 : i32 to index
      %get3A_177 = arith.constant 32 : index
      %get3A_178 = tpu.vector_load %arg8[%get3A_176, %get3A_177] {strides = array<i32>} : memref<16x1024xf32, #tpu.memory_space<vmem>>, vector<1x16xf32>,
      %get3A_179 = vector.shape_cast %get3A_178 : vector<1x16xf32> to vector<16xf32>
      %get3A_180 = arith.index_cast %scan3A_148 : i32 to index
      %get3A_181 = arith.constant 32 : index
      %get3A_182 = tpu.vector_load %arg9[%get3A_180, %get3A_181] {strides = array<i32>} : memref<16x1024xf32, #tpu.memory_space<vmem>>, vector<1x16xf32>,
      %get3A_183 = vector.shape_cast %get3A_182 : vector<1x16xf32> to vector<16xf32>
      %add3A_184 = arith.addf %get3A_179, %get3A_183 : vector<16xf32>
      %swap3A_185 = arith.index_cast %scan3A_148 : i32 to index
      %swap3A_186 = arith.constant 32 : index
      %swap3A_187 = tpu.vector_load %arg8[%swap3A_185, %swap3A_186] {strides = array<i32>} : memref<16x1024xf32, #tpu.memory_space<vmem>>, vector<1x16xf32>,
      %swap3A_188 = vector.shape_cast %swap3A_187 : vector<1x16xf32> to vector<16xf32>
      %swap3A_189 = vector.shape_cast %add3A_184 : vector<16xf32> to vector<1x16xf32>
      tpu.vector_store %arg8[%swap3A_185, %swap3A_186], %swap3A_189 {strides = array<i32>} : memref<16x1024xf32, #tpu.memory_space<vmem>>, vector<1x16xf32>,
      %get3A_190 = arith.index_cast %scan3A_148 : i32 to index
      %get3A_191 = arith.constant 48 : index
      %get3A_192 = tpu.vector_load %arg8[%get3A_190, %get3A_191] {strides = array<i32>} : memref<16x1024xf32, #tpu.memory_space<vmem>>, vector<1x16xf32>,
      %get3A_193 = vector.shape_cast %get3A_192 : vector<1x16xf32> to vector<16xf32>
      %get3A_194 = arith.index_cast %scan3A_148 : i32 to index
      %get3A_195 = arith.constant 48 : index
      %get3A_196 = tpu.vector_load %arg9[%get3A_194, %get3A_195] {strides = array<i32>} : memref<16x1024xf32, #tpu.memory_space<vmem>>, vector<1x16xf32>,
      %get3A_197 = vector.shape_cast %get3A_196 : vector<1x16xf32> to vector<16xf32>
      %add3A_198 = arith.addf %get3A_193, %get3A_197 : vector<16xf32>
      %swap3A_199 = arith.index_cast %scan3A_148 : i32 to index
      %swap3A_200 = arith.constant 48 : index
      %swap3A_201 = tpu.vector_load %arg8[%swap3A_199, %swap3A_200] {strides = array<i32>} : memref<16x1024xf32, #tpu.memory_space<vmem>>, vector<1x16xf32>,
      %swap3A_202 = vector.shape_cast %swap3A_201 : vector<1x16xf32> to vector<16xf32>
      %swap3A_203 = vector.shape_cast %add3A_198 : vector<16xf32> to vector<1x16xf32>
      tpu.vector_store %arg8[%swap3A_199, %swap3A_200], %swap3A_203 {strides = array<i32>} : memref<16x1024xf32, #tpu.memory_space<vmem>>, vector<1x16xf32>,
      %get3A_204 = arith.index_cast %scan3A_148 : i32 to index
      %get3A_205 = arith.constant 64 : index
      %get3A_206 = tpu.vector_load %arg8[%get3A_204, %get3A_205] {strides = array<i32>} : memref<16x1024xf32, #tpu.memory_space<vmem>>, vector<1x16xf32>,
      %get3A_207 = vector.shape_cast %get3A_206 : vector<1x16xf32> to vector<16xf32>
      %get3A_208 = arith.index_cast %scan3A_148 : i32 to index
      %get3A_209 = arith.constant 64 : index
      %get3A_210 = tpu.vector_load %arg9[%get3A_208, %get3A_209] {strides = array<i32>} : memref<16x1024xf32, #tpu.memory_space<vmem>>, vector<1x16xf32>,
      %get3A_211 = vector.shape_cast %get3A_210 : vector<1x16xf32> to vector<16xf32>
      %add3A_212 = arith.addf %get3A_207, %get3A_211 : vector<16xf32>
      %swap3A_213 = arith.index_cast %scan3A_148 : i32 to index
      %swap3A_214 = arith.constant 64 : index
      %swap3A_215 = tpu.vector_load %arg8[%swap3A_213, %swap3A_214] {strides = array<i32>} : memref<16x1024xf32, #tpu.memory_space<vmem>>, vector<1x16xf32>,
      %swap3A_216 = vector.shape_cast %swap3A_215 : vector<1x16xf32> to vector<16xf32>
      %swap3A_217 = vector.shape_cast %add3A_212 : vector<16xf32> to vector<1x16xf32>
      tpu.vector_store %arg8[%swap3A_213, %swap3A_214], %swap3A_217 {strides = array<i32>} : memref<16x1024xf32, #tpu.memory_space<vmem>>, vector<1x16xf32>,
      %get3A_218 = arith.index_cast %scan3A_148 : i32 to index
      %get3A_219 = arith.constant 80 : index
      %get3A_220 = tpu.vector_load %arg8[%get3A_218, %get3A_219] {strides = array<i32>} : memref<16x1024xf32, #tpu.memory_space<vmem>>, vector<1x16xf32>,
      %get3A_221 = vector.shape_cast %get3A_220 : vector<1x16xf32> to vector<16xf32>
      %get3A_222 = arith.index_cast %scan3A_148 : i32 to index
      %get3A_223 = arith.constant 80 : index
      %get3A_224 = tpu.vector_load %arg9[%get3A_222, %get3A_223] {strides = array<i32>} : memref<16x1024xf32, #tpu.memory_space<vmem>>, vector<1x16xf32>,
      %get3A_225 = vector.shape_cast %get3A_224 : vector<1x16xf32> to vector<16xf32>
      %add3A_226 = arith.addf %get3A_221, %get3A_225 : vector<16xf32>
      %swap3A_227 = arith.index_cast %scan3A_148 : i32 to index
      %swap3A_228 = arith.constant 80 : index
      %swap3A_229 = tpu.vector_load %arg8[%swap3A_227, %swap3A_228] {strides = array<i32>} : memref<16x1024xf32, #tpu.memory_space<vmem>>, vector<1x16xf32>,
      %swap3A_230 = vector.shape_cast %swap3A_229 : vector<1x16xf32> to vector<16xf32>
      %swap3A_231 = vector.shape_cast %add3A_226 : vector<16xf32> to vector<1x16xf32>
      tpu.vector_store %arg8[%swap3A_227, %swap3A_228], %swap3A_231 {strides = array<i32>} : memref<16x1024xf32, #tpu.memory_space<vmem>>, vector<1x16xf32>,
      %get3A_232 = arith.index_cast %scan3A_148 : i32 to index
      %get3A_233 = arith.constant 96 : index
      %get3A_234 = tpu.vector_load %arg8[%get3A_232, %get3A_233] {strides = array<i32>} : memref<16x1024xf32, #tpu.memory_space<vmem>>, vector<1x16xf32>,
      %get3A_235 = vector.shape_cast %get3A_234 : vector<1x16xf32> to vector<16xf32>
      %get3A_236 = arith.index_cast %scan3A_148 : i32 to index
      %get3A_237 = arith.constant 96 : index
      %get3A_238 = tpu.vector_load %arg9[%get3A_236, %get3A_237] {strides = array<i32>} : memref<16x1024xf32, #tpu.memory_space<vmem>>, vector<1x16xf32>,
      %get3A_239 = vector.shape_cast %get3A_238 : vector<1x16xf32> to vector<16xf32>
      %add3A_240 = arith.addf %get3A_235, %get3A_239 : vector<16xf32>
      %swap3A_241 = arith.index_cast %scan3A_148 : i32 to index
      %swap3A_242 = arith.constant 96 : index
      %swap3A_243 = tpu.vector_load %arg8[%swap3A_241, %swap3A_242] {strides = array<i32>} : memref<16x1024xf32, #tpu.memory_space<vmem>>, vector<1x16xf32>,
      %swap3A_244 = vector.shape_cast %swap3A_243 : vector<1x16xf32> to vector<16xf32>
      %swap3A_245 = vector.shape_cast %add3A_240 : vector<16xf32> to vector<1x16xf32>
      tpu.vector_store %arg8[%swap3A_241, %swap3A_242], %swap3A_245 {strides = array<i32>} : memref<16x1024xf32, #tpu.memory_space<vmem>>, vector<1x16xf32>,
      %get3A_246 = arith.index_cast %scan3A_148 : i32 to index
      %get3A_247 = arith.constant 112 : index
      %get3A_248 = tpu.vector_load %arg8[%get3A_246, %get3A_247] {strides = array<i32>} : memref<16x1024xf32, #tpu.memory_space<vmem>>, vector<1x16xf32>,
      %get3A_249 = vector.shape_cast %get3A_248 : vector<1x16xf32> to vector<16xf32>
      %get3A_250 = arith.index_cast %scan3A_148 : i32 to index
      %get3A_251 = arith.constant 112 : index
      %get3A_252 = tpu.vector_load %arg9[%get3A_250, %get3A_251] {strides = array<i32>} : memref<16x1024xf32, #tpu.memory_space<vmem>>, vector<1x16xf32>,
      %get3A_253 = vector.shape_cast %get3A_252 : vector<1x16xf32> to vector<16xf32>
      %add3A_254 = arith.addf %get3A_249, %get3A_253 : vector<16xf32>
      %swap3A_255 = arith.index_cast %scan3A_148 : i32 to index
      %swap3A_256 = arith.constant 112 : index
      %swap3A_257 = tpu.vector_load %arg8[%swap3A_255, %swap3A_256] {strides = array<i32>} : memref<16x1024xf32, #tpu.memory_space<vmem>>, vector<1x16xf32>,
      %swap3A_258 = vector.shape_cast %swap3A_257 : vector<1x16xf32> to vector<16xf32>
      %swap3A_259 = vector.shape_cast %add3A_254 : vector<16xf32> to vector<1x16xf32>
      tpu.vector_store %arg8[%swap3A_255, %swap3A_256], %swap3A_259 {strides = array<i32>} : memref<16x1024xf32, #tpu.memory_space<vmem>>, vector<1x16xf32>,
      %get3A_260 = arith.index_cast %scan3A_148 : i32 to index
      %get3A_261 = arith.constant 128 : index
      %get3A_262 = tpu.vector_load %arg8[%get3A_260, %get3A_261] {strides = array<i32>} : memref<16x1024xf32, #tpu.memory_space<vmem>>, vector<1x16xf32>,
      %get3A_263 = vector.shape_cast %get3A_262 : vector<1x16xf32> to vector<16xf32>
      %get3A_264 = arith.index_cast %scan3A_148 : i32 to index
      %get3A_265 = arith.constant 128 : index
      %get3A_266 = tpu.vector_load %arg9[%get3A_264, %get3A_265] {strides = array<i32>} : memref<16x1024xf32, #tpu.memory_space<vmem>>, vector<1x16xf32>,
      %get3A_267 = vector.shape_cast %get3A_266 : vector<1x16xf32> to vector<16xf32>
      %add3A_268 = arith.addf %get3A_263, %get3A_267 : vector<16xf32>
      %swap3A_269 = arith.index_cast %scan3A_148 : i32 to index
      %swap3A_270 = arith.constant 128 : index
      %swap3A_271 = tpu.vector_load %arg8[%swap3A_269, %swap3A_270] {strides = array<i32>} : memref<16x1024xf32, #tpu.memory_space<vmem>>, vector<1x16xf32>,
      %swap3A_272 = vector.shape_cast %swap3A_271 : vector<1x16xf32> to vector<16xf32>
      %swap3A_273 = vector.shape_cast %add3A_268 : vector<16xf32> to vector<1x16xf32>
      tpu.vector_store %arg8[%swap3A_269, %swap3A_270], %swap3A_273 {strides = array<i32>} : memref<16x1024xf32, #tpu.memory_space<vmem>>, vector<1x16xf32>,
      %get3A_274 = arith.index_cast %scan3A_148 : i32 to index
      %get3A_275 = arith.constant 144 : index
      %get3A_276 = tpu.vector_load %arg8[%get3A_274, %get3A_275] {strides = array<i32>} : memref<16x1024xf32, #tpu.memory_space<vmem>>, vector<1x16xf32>,
      %get3A_277 = vector.shape_cast %get3A_276 : vector<1x16xf32> to vector<16xf32>
      %get3A_278 = arith.index_cast %scan3A_148 : i32 to index
      %get3A_279 = arith.constant 144 : index
      %get3A_280 = tpu.vector_load %arg9[%get3A_278, %get3A_279] {strides = array<i32>} : memref<16x1024xf32, #tpu.memory_space<vmem>>, vector<1x16xf32>,
      %get3A_281 = vector.shape_cast %get3A_280 : vector<1x16xf32> to vector<16xf32>
      %add3A_282 = arith.addf %get3A_277, %get3A_281 : vector<16xf32>
      %swap3A_283 = arith.index_cast %scan3A_148 : i32 to index
      %swap3A_284 = arith.constant 144 : index
      %swap3A_285 = tpu.vector_load %arg8[%swap3A_283, %swap3A_284] {strides = array<i32>} : memref<16x1024xf32, #tpu.memory_space<vmem>>, vector<1x16xf32>,
      %swap3A_286 = vector.shape_cast %swap3A_285 : vector<1x16xf32> to vector<16xf32>
      %swap3A_287 = vector.shape_cast %add3A_282 : vector<16xf32> to vector<1x16xf32>
      tpu.vector_store %arg8[%swap3A_283, %swap3A_284], %swap3A_287 {strides = array<i32>} : memref<16x1024xf32, #tpu.memory_space<vmem>>, vector<1x16xf32>,
      %get3A_288 = arith.index_cast %scan3A_148 : i32 to index
      %get3A_289 = arith.constant 160 : index
      %get3A_290 = tpu.vector_load %arg8[%get3A_288, %get3A_289] {strides = array<i32>} : memref<16x1024xf32, #tpu.memory_space<vmem>>, vector<1x16xf32>,
      %get3A_291 = vector.shape_cast %get3A_290 : vector<1x16xf32> to vector<16xf32>
      %get3A_292 = arith.index_cast %scan3A_148 : i32 to index
      %get3A_293 = arith.constant 160 : index
      %get3A_294 = tpu.vector_load %arg9[%get3A_292, %get3A_293] {strides = array<i32>} : memref<16x1024xf32, #tpu.memory_space<vmem>>, vector<1x16xf32>,
      %get3A_295 = vector.shape_cast %get3A_294 : vector<1x16xf32> to vector<16xf32>
      %add3A_296 = arith.addf %get3A_291, %get3A_295 : vector<16xf32>
      %swap3A_297 = arith.index_cast %scan3A_148 : i32 to index
      %swap3A_298 = arith.constant 160 : index
      %swap3A_299 = tpu.vector_load %arg8[%swap3A_297, %swap3A_298] {strides = array<i32>} : memref<16x1024xf32, #tpu.memory_space<vmem>>, vector<1x16xf32>,
      %swap3A_300 = vector.shape_cast %swap3A_299 : vector<1x16xf32> to vector<16xf32>
      %swap3A_301 = vector.shape_cast %add3A_296 : vector<16xf32> to vector<1x16xf32>
      tpu.vector_store %arg8[%swap3A_297, %swap3A_298], %swap3A_301 {strides = array<i32>} : memref<16x1024xf32, #tpu.memory_space<vmem>>, vector<1x16xf32>,
      %get3A_302 = arith.index_cast %scan3A_148 : i32 to index
      %get3A_303 = arith.constant 176 : index
      %get3A_304 = tpu.vector_load %arg8[%get3A_302, %get3A_303] {strides = array<i32>} : memref<16x1024xf32, #tpu.memory_space<vmem>>, vector<1x16xf32>,
      %get3A_305 = vector.shape_cast %get3A_304 : vector<1x16xf32> to vector<16xf32>
      %get3A_306 = arith.index_cast %scan3A_148 : i32 to index
      %get3A_307 = arith.constant 176 : index
      %get3A_308 = tpu.vector_load %arg9[%get3A_306, %get3A_307] {strides = array<i32>} : memref<16x1024xf32, #tpu.memory_space<vmem>>, vector<1x16xf32>,
      %get3A_309 = vector.shape_cast %get3A_308 : vector<1x16xf32> to vector<16xf32>
      %add3A_310 = arith.addf %get3A_305, %get3A_309 : vector<16xf32>
      %swap3A_311 = arith.index_cast %scan3A_148 : i32 to index
      %swap3A_312 = arith.constant 176 : index
      %swap3A_313 = tpu.vector_load %arg8[%swap3A_311, %swap3A_312] {strides = array<i32>} : memref<16x1024xf32, #tpu.memory_space<vmem>>, vector<1x16xf32>,
      %swap3A_314 = vector.shape_cast %swap3A_313 : vector<1x16xf32> to vector<16xf32>
      %swap3A_315 = vector.shape_cast %add3A_310 : vector<16xf32> to vector<1x16xf32>
      tpu.vector_store %arg8[%swap3A_311, %swap3A_312], %swap3A_315 {strides = array<i32>} : memref<16x1024xf32, #tpu.memory_space<vmem>>, vector<1x16xf32>,
      %get3A_316 = arith.index_cast %scan3A_148 : i32 to index
      %get3A_317 = arith.constant 192 : index
      %get3A_318 = tpu.vector_load %arg8[%get3A_316, %get3A_317] {strides = array<i32>} : memref<16x1024xf32, #tpu.memory_space<vmem>>, vector<1x16xf32>,
      %get3A_319 = vector.shape_cast %get3A_318 : vector<1x16xf32> to vector<16xf32>
      %get3A_320 = arith.index_cast %scan3A_148 : i32 to index
      %get3A_321 = arith.constant 192 : index
      %get3A_322 = tpu.vector_load %arg9[%get3A_320, %get3A_321] {strides = array<i32>} : memref<16x1024xf32, #tpu.memory_space<vmem>>, vector<1x16xf32>,
      %get3A_323 = vector.shape_cast %get3A_322 : vector<1x16xf32> to vector<16xf32>
      %add3A_324 = arith.addf %get3A_319, %get3A_323 : vector<16xf32>
      %swap3A_325 = arith.index_cast %scan3A_148 : i32 to index
      %swap3A_326 = arith.constant 192 : index
      %swap3A_327 = tpu.vector_load %arg8[%swap3A_325, %swap3A_326] {strides = array<i32>} : memref<16x1024xf32, #tpu.memory_space<vmem>>, vector<1x16xf32>,
      %swap3A_328 = vector.shape_cast %swap3A_327 : vector<1x16xf32> to vector<16xf32>
      %swap3A_329 = vector.shape_cast %add3A_324 : vector<16xf32> to vector<1x16xf32>
      tpu.vector_store %arg8[%swap3A_325, %swap3A_326], %swap3A_329 {strides = array<i32>} : memref<16x1024xf32, #tpu.memory_space<vmem>>, vector<1x16xf32>,
      %get3A_330 = arith.index_cast %scan3A_148 : i32 to index
      %get3A_331 = arith.constant 208 : index
      %get3A_332 = tpu.vector_load %arg8[%get3A_330, %get3A_331] {strides = array<i32>} : memref<16x1024xf32, #tpu.memory_space<vmem>>, vector<1x16xf32>,
      %get3A_333 = vector.shape_cast %get3A_332 : vector<1x16xf32> to vector<16xf32>
      %get3A_334 = arith.index_cast %scan3A_148 : i32 to index
      %get3A_335 = arith.constant 208 : index
      %get3A_336 = tpu.vector_load %arg9[%get3A_334, %get3A_335] {strides = array<i32>} : memref<16x1024xf32, #tpu.memory_space<vmem>>, vector<1x16xf32>,
      %get3A_337 = vector.shape_cast %get3A_336 : vector<1x16xf32> to vector<16xf32>
      %add3A_338 = arith.addf %get3A_333, %get3A_337 : vector<16xf32>
      %swap3A_339 = arith.index_cast %scan3A_148 : i32 to index
      %swap3A_340 = arith.constant 208 : index
      %swap3A_341 = tpu.vector_load %arg8[%swap3A_339, %swap3A_340] {strides = array<i32>} : memref<16x1024xf32, #tpu.memory_space<vmem>>, vector<1x16xf32>,
      %swap3A_342 = vector.shape_cast %swap3A_341 : vector<1x16xf32> to vector<16xf32>
      %swap3A_343 = vector.shape_cast %add3A_338 : vector<16xf32> to vector<1x16xf32>
      tpu.vector_store %arg8[%swap3A_339, %swap3A_340], %swap3A_343 {strides = array<i32>} : memref<16x1024xf32, #tpu.memory_space<vmem>>, vector<1x16xf32>,
      %get3A_344 = arith.index_cast %scan3A_148 : i32 to index
      %get3A_345 = arith.constant 224 : index
      %get3A_346 = tpu.vector_load %arg8[%get3A_344, %get3A_345] {strides = array<i32>} : memref<16x1024xf32, #tpu.memory_space<vmem>>, vector<1x16xf32>,
      %get3A_347 = vector.shape_cast %get3A_346 : vector<1x16xf32> to vector<16xf32>
      %get3A_348 = arith.index_cast %scan3A_148 : i32 to index
      %get3A_349 = arith.constant 224 : index
      %get3A_350 = tpu.vector_load %arg9[%get3A_348, %get3A_349] {strides = array<i32>} : memref<16x1024xf32, #tpu.memory_space<vmem>>, vector<1x16xf32>,
      %get3A_351 = vector.shape_cast %get3A_350 : vector<1x16xf32> to vector<16xf32>
      %add3A_352 = arith.addf %get3A_347, %get3A_351 : vector<16xf32>
      %swap3A_353 = arith.index_cast %scan3A_148 : i32 to index
      %swap3A_354 = arith.constant 224 : index
      %swap3A_355 = tpu.vector_load %arg8[%swap3A_353, %swap3A_354] {strides = array<i32>} : memref<16x1024xf32, #tpu.memory_space<vmem>>, vector<1x16xf32>,
      %swap3A_356 = vector.shape_cast %swap3A_355 : vector<1x16xf32> to vector<16xf32>
      %swap3A_357 = vector.shape_cast %add3A_352 : vector<16xf32> to vector<1x16xf32>
      tpu.vector_store %arg8[%swap3A_353, %swap3A_354], %swap3A_357 {strides = array<i32>} : memref<16x1024xf32, #tpu.memory_space<vmem>>, vector<1x16xf32>,
      %get3A_358 = arith.index_cast %scan3A_148 : i32 to index
      %get3A_359 = arith.constant 240 : index
      %get3A_360 = tpu.vector_load %arg8[%get3A_358, %get3A_359] {strides = array<i32>} : memref<16x1024xf32, #tpu.memory_space<vmem>>, vector<1x16xf32>,
      %get3A_361 = vector.shape_cast %get3A_360 : vector<1x16xf32> to vector<16xf32>
      %get3A_362 = arith.index_cast %scan3A_148 : i32 to index
      %get3A_363 = arith.constant 240 : index
      %get3A_364 = tpu.vector_load %arg9[%get3A_362, %get3A_363] {strides = array<i32>} : memref<16x1024xf32, #tpu.memory_space<vmem>>, vector<1x16xf32>,
      %get3A_365 = vector.shape_cast %get3A_364 : vector<1x16xf32> to vector<16xf32>
      %add3A_366 = arith.addf %get3A_361, %get3A_365 : vector<16xf32>
      %swap3A_367 = arith.index_cast %scan3A_148 : i32 to index
      %swap3A_368 = arith.constant 240 : index
      %swap3A_369 = tpu.vector_load %arg8[%swap3A_367, %swap3A_368] {strides = array<i32>} : memref<16x1024xf32, #tpu.memory_space<vmem>>, vector<1x16xf32>,
      %swap3A_370 = vector.shape_cast %swap3A_369 : vector<1x16xf32> to vector<16xf32>
      %swap3A_371 = vector.shape_cast %add3A_366 : vector<16xf32> to vector<1x16xf32>
      tpu.vector_store %arg8[%swap3A_367, %swap3A_368], %swap3A_371 {strides = array<i32>} : memref<16x1024xf32, #tpu.memory_space<vmem>>, vector<1x16xf32>,
      %get3A_372 = arith.index_cast %scan3A_148 : i32 to index
      %get3A_373 = arith.constant 256 : index
      %get3A_374 = tpu.vector_load %arg8[%get3A_372, %get3A_373] {strides = array<i32>} : memref<16x1024xf32, #tpu.memory_space<vmem>>, vector<1x16xf32>,
      %get3A_375 = vector.shape_cast %get3A_374 : vector<1x16xf32> to vector<16xf32>
      %get3A_376 = arith.index_cast %scan3A_148 : i32 to index
      %get3A_377 = arith.constant 256 : index
      %get3A_378 = tpu.vector_load %arg9[%get3A_376, %get3A_377] {strides = array<i32>} : memref<16x1024xf32, #tpu.memory_space<vmem>>, vector<1x16xf32>,
      %get3A_379 = vector.shape_cast %get3A_378 : vector<1x16xf32> to vector<16xf32>
      %add3A_380 = arith.addf %get3A_375, %get3A_379 : vector<16xf32>
      %swap3A_381 = arith.index_cast %scan3A_148 : i32 to index
      %swap3A_382 = arith.constant 256 : index
      %swap3A_383 = tpu.vector_load %arg8[%swap3A_381, %swap3A_382] {strides = array<i32>} : memref<16x1024xf32, #tpu.memory_space<vmem>>, vector<1x16xf32>,
      %swap3A_384 = vector.shape_cast %swap3A_383 : vector<1x16xf32> to vector<16xf32>
      %swap3A_385 = vector.shape_cast %add3A_380 : vector<16xf32> to vector<1x16xf32>
      tpu.vector_store %arg8[%swap3A_381, %swap3A_382], %swap3A_385 {strides = array<i32>} : memref<16x1024xf32, #tpu.memory_space<vmem>>, vector<1x16xf32>,
      %get3A_386 = arith.index_cast %scan3A_148 : i32 to index
      %get3A_387 = arith.constant 272 : index
      %get3A_388 = tpu.vector_load %arg8[%get3A_386, %get3A_387] {strides = array<i32>} : memref<16x1024xf32, #tpu.memory_space<vmem>>, vector<1x16xf32>,
      %get3A_389 = vector.shape_cast %get3A_388 : vector<1x16xf32> to vector<16xf32>
      %get3A_390 = arith.index_cast %scan3A_148 : i32 to index
      %get3A_391 = arith.constant 272 : index
      %get3A_392 = tpu.vector_load %arg9[%get3A_390, %get3A_391] {strides = array<i32>} : memref<16x1024xf32, #tpu.memory_space<vmem>>, vector<1x16xf32>,
      %get3A_393 = vector.shape_cast %get3A_392 : vector<1x16xf32> to vector<16xf32>
      %add3A_394 = arith.addf %get3A_389, %get3A_393 : vector<16xf32>
      %swap3A_395 = arith.index_cast %scan3A_148 : i32 to index
      %swap3A_396 = arith.constant 272 : index
      %swap3A_397 = tpu.vector_load %arg8[%swap3A_395, %swap3A_396] {strides = array<i32>} : memref<16x1024xf32, #tpu.memory_space<vmem>>, vector<1x16xf32>,
      %swap3A_398 = vector.shape_cast %swap3A_397 : vector<1x16xf32> to vector<16xf32>
      %swap3A_399 = vector.shape_cast %add3A_394 : vector<16xf32> to vector<1x16xf32>
      tpu.vector_store %arg8[%swap3A_395, %swap3A_396], %swap3A_399 {strides = array<i32>} : memref<16x1024xf32, #tpu.memory_space<vmem>>, vector<1x16xf32>,
      %get3A_400 = arith.index_cast %scan3A_148 : i32 to index
      %get3A_401 = arith.constant 288 : index
      %get3A_402 = tpu.vector_load %arg8[%get3A_400, %get3A_401] {strides = array<i32>} : memref<16x1024xf32, #tpu.memory_space<vmem>>, vector<1x16xf32>,
      %get3A_403 = vector.shape_cast %get3A_402 : vector<1x16xf32> to vector<16xf32>
      %get3A_404 = arith.index_cast %scan3A_148 : i32 to index
      %get3A_405 = arith.constant 288 : index
      %get3A_406 = tpu.vector_load %arg9[%get3A_404, %get3A_405] {strides = array<i32>} : memref<16x1024xf32, #tpu.memory_space<vmem>>, vector<1x16xf32>,
      %get3A_407 = vector.shape_cast %get3A_406 : vector<1x16xf32> to vector<16xf32>
      %add3A_408 = arith.addf %get3A_403, %get3A_407 : vector<16xf32>
      %swap3A_409 = arith.index_cast %scan3A_148 : i32 to index
      %swap3A_410 = arith.constant 288 : index
      %swap3A_411 = tpu.vector_load %arg8[%swap3A_409, %swap3A_410] {strides = array<i32>} : memref<16x1024xf32, #tpu.memory_space<vmem>>, vector<1x16xf32>,
      %swap3A_412 = vector.shape_cast %swap3A_411 : vector<1x16xf32> to vector<16xf32>
      %swap3A_413 = vector.shape_cast %add3A_408 : vector<16xf32> to vector<1x16xf32>
      tpu.vector_store %arg8[%swap3A_409, %swap3A_410], %swap3A_413 {strides = array<i32>} : memref<16x1024xf32, #tpu.memory_space<vmem>>, vector<1x16xf32>,
      %get3A_414 = arith.index_cast %scan3A_148 : i32 to index
      %get3A_415 = arith.constant 304 : index
      %get3A_416 = tpu.vector_load %arg8[%get3A_414, %get3A_415] {strides = array<i32>} : memref<16x1024xf32, #tpu.memory_space<vmem>>, vector<1x16xf32>,
      %get3A_417 = vector.shape_cast %get3A_416 : vector<1x16xf32> to vector<16xf32>
      %get3A_418 = arith.index_cast %scan3A_148 : i32 to index
      %get3A_419 = arith.constant 304 : index
      %get3A_420 = tpu.vector_load %arg9[%get3A_418, %get3A_419] {strides = array<i32>} : memref<16x1024xf32, #tpu.memory_space<vmem>>, vector<1x16xf32>,
      %get3A_421 = vector.shape_cast %get3A_420 : vector<1x16xf32> to vector<16xf32>
      %add3A_422 = arith.addf %get3A_417, %get3A_421 : vector<16xf32>
      %swap3A_423 = arith.index_cast %scan3A_148 : i32 to index
      %swap3A_424 = arith.constant 304 : index
      %swap3A_425 = tpu.vector_load %arg8[%swap3A_423, %swap3A_424] {strides = array<i32>} : memref<16x1024xf32, #tpu.memory_space<vmem>>, vector<1x16xf32>,
      %swap3A_426 = vector.shape_cast %swap3A_425 : vector<1x16xf32> to vector<16xf32>
      %swap3A_427 = vector.shape_cast %add3A_422 : vector<16xf32> to vector<1x16xf32>
      tpu.vector_store %arg8[%swap3A_423, %swap3A_424], %swap3A_427 {strides = array<i32>} : memref<16x1024xf32, #tpu.memory_space<vmem>>, vector<1x16xf32>,
      %get3A_428 = arith.index_cast %scan3A_148 : i32 to index
      %get3A_429 = arith.constant 320 : index
      %get3A_430 = tpu.vector_load %arg8[%get3A_428, %get3A_429] {strides = array<i32>} : memref<16x1024xf32, #tpu.memory_space<vmem>>, vector<1x16xf32>,
      %get3A_431 = vector.shape_cast %get3A_430 : vector<1x16xf32> to vector<16xf32>
      %get3A_432 = arith.index_cast %scan3A_148 : i32 to index
      %get3A_433 = arith.constant 320 : index
      %get3A_434 = tpu.vector_load %arg9[%get3A_432, %get3A_433] {strides = array<i32>} : memref<16x1024xf32, #tpu.memory_space<vmem>>, vector<1x16xf32>,
      %get3A_435 = vector.shape_cast %get3A_434 : vector<1x16xf32> to vector<16xf32>
      %add3A_436 = arith.addf %get3A_431, %get3A_435 : vector<16xf32>
      %swap3A_437 = arith.index_cast %scan3A_148 : i32 to index
      %swap3A_438 = arith.constant 320 : index
      %swap3A_439 = tpu.vector_load %arg8[%swap3A_437, %swap3A_438] {strides = array<i32>} : memref<16x1024xf32, #tpu.memory_space<vmem>>, vector<1x16xf32>,
      %swap3A_440 = vector.shape_cast %swap3A_439 : vector<1x16xf32> to vector<16xf32>
      %swap3A_441 = vector.shape_cast %add3A_436 : vector<16xf32> to vector<1x16xf32>
      tpu.vector_store %arg8[%swap3A_437, %swap3A_438], %swap3A_441 {strides = array<i32>} : memref<16x1024xf32, #tpu.memory_space<vmem>>, vector<1x16xf32>,
      %get3A_442 = arith.index_cast %scan3A_148 : i32 to index
      %get3A_443 = arith.constant 336 : index
      %get3A_444 = tpu.vector_load %arg8[%get3A_442, %get3A_443] {strides = array<i32>} : memref<16x1024xf32, #tpu.memory_space<vmem>>, vector<1x16xf32>,
      %get3A_445 = vector.shape_cast %get3A_444 : vector<1x16xf32> to vector<16xf32>
      %get3A_446 = arith.index_cast %scan3A_148 : i32 to index
      %get3A_447 = arith.constant 336 : index
      %get3A_448 = tpu.vector_load %arg9[%get3A_446, %get3A_447] {strides = array<i32>} : memref<16x1024xf32, #tpu.memory_space<vmem>>, vector<1x16xf32>,
      %get3A_449 = vector.shape_cast %get3A_448 : vector<1x16xf32> to vector<16xf32>
      %add3A_450 = arith.addf %get3A_445, %get3A_449 : vector<16xf32>
      %swap3A_451 = arith.index_cast %scan3A_148 : i32 to index
      %swap3A_452 = arith.constant 336 : index
      %swap3A_453 = tpu.vector_load %arg8[%swap3A_451, %swap3A_452] {strides = array<i32>} : memref<16x1024xf32, #tpu.memory_space<vmem>>, vector<1x16xf32>,
      %swap3A_454 = vector.shape_cast %swap3A_453 : vector<1x16xf32> to vector<16xf32>
      %swap3A_455 = vector.shape_cast %add3A_450 : vector<16xf32> to vector<1x16xf32>
      tpu.vector_store %arg8[%swap3A_451, %swap3A_452], %swap3A_455 {strides = array<i32>} : memref<16x1024xf32, #tpu.memory_space<vmem>>, vector<1x16xf32>,
      %get3A_456 = arith.index_cast %scan3A_148 : i32 to index
      %get3A_457 = arith.constant 352 : index
      %get3A_458 = tpu.vector_load %arg8[%get3A_456, %get3A_457] {strides = array<i32>} : memref<16x1024xf32, #tpu.memory_space<vmem>>, vector<1x16xf32>,
      %get3A_459 = vector.shape_cast %get3A_458 : vector<1x16xf32> to vector<16xf32>
      %get3A_460 = arith.index_cast %scan3A_148 : i32 to index
      %get3A_461 = arith.constant 352 : index
      %get3A_462 = tpu.vector_load %arg9[%get3A_460, %get3A_461] {strides = array<i32>} : memref<16x1024xf32, #tpu.memory_space<vmem>>, vector<1x16xf32>,
      %get3A_463 = vector.shape_cast %get3A_462 : vector<1x16xf32> to vector<16xf32>
      %add3A_464 = arith.addf %get3A_459, %get3A_463 : vector<16xf32>
      %swap3A_465 = arith.index_cast %scan3A_148 : i32 to index
      %swap3A_466 = arith.constant 352 : index
      %swap3A_467 = tpu.vector_load %arg8[%swap3A_465, %swap3A_466] {strides = array<i32>} : memref<16x1024xf32, #tpu.memory_space<vmem>>, vector<1x16xf32>,
      %swap3A_468 = vector.shape_cast %swap3A_467 : vector<1x16xf32> to vector<16xf32>
      %swap3A_469 = vector.shape_cast %add3A_464 : vector<16xf32> to vector<1x16xf32>
      tpu.vector_store %arg8[%swap3A_465, %swap3A_466], %swap3A_469 {strides = array<i32>} : memref<16x1024xf32, #tpu.memory_space<vmem>>, vector<1x16xf32>,
      %get3A_470 = arith.index_cast %scan3A_148 : i32 to index
      %get3A_471 = arith.constant 368 : index
      %get3A_472 = tpu.vector_load %arg8[%get3A_470, %get3A_471] {strides = array<i32>} : memref<16x1024xf32, #tpu.memory_space<vmem>>, vector<1x16xf32>,
      %get3A_473 = vector.shape_cast %get3A_472 : vector<1x16xf32> to vector<16xf32>
      %get3A_474 = arith.index_cast %scan3A_148 : i32 to index
      %get3A_475 = arith.constant 368 : index
      %get3A_476 = tpu.vector_load %arg9[%get3A_474, %get3A_475] {strides = array<i32>} : memref<16x1024xf32, #tpu.memory_space<vmem>>, vector<1x16xf32>,
      %get3A_477 = vector.shape_cast %get3A_476 : vector<1x16xf32> to vector<16xf32>
      %add3A_478 = arith.addf %get3A_473, %get3A_477 : vector<16xf32>
      %swap3A_479 = arith.index_cast %scan3A_148 : i32 to index
      %swap3A_480 = arith.constant 368 : index
      %swap3A_481 = tpu.vector_load %arg8[%swap3A_479, %swap3A_480] {strides = array<i32>} : memref<16x1024xf32, #tpu.memory_space<vmem>>, vector<1x16xf32>,
      %swap3A_482 = vector.shape_cast %swap3A_481 : vector<1x16xf32> to vector<16xf32>
      %swap3A_483 = vector.shape_cast %add3A_478 : vector<16xf32> to vector<1x16xf32>
      tpu.vector_store %arg8[%swap3A_479, %swap3A_480], %swap3A_483 {strides = array<i32>} : memref<16x1024xf32, #tpu.memory_space<vmem>>, vector<1x16xf32>,
      %get3A_484 = arith.index_cast %scan3A_148 : i32 to index
      %get3A_485 = arith.constant 384 : index
      %get3A_486 = tpu.vector_load %arg8[%get3A_484, %get3A_485] {strides = array<i32>} : memref<16x1024xf32, #tpu.memory_space<vmem>>, vector<1x16xf32>,
      %get3A_487 = vector.shape_cast %get3A_486 : vector<1x16xf32> to vector<16xf32>
      %get3A_488 = arith.index_cast %scan3A_148 : i32 to index
      %get3A_489 = arith.constant 384 : index
      %get3A_490 = tpu.vector_load %arg9[%get3A_488, %get3A_489] {strides = array<i32>} : memref<16x1024xf32, #tpu.memory_space<vmem>>, vector<1x16xf32>,
      %get3A_491 = vector.shape_cast %get3A_490 : vector<1x16xf32> to vector<16xf32>
      %add3A_492 = arith.addf %get3A_487, %get3A_491 : vector<16xf32>
      %swap3A_493 = arith.index_cast %scan3A_148 : i32 to index
      %swap3A_494 = arith.constant 384 : index
      %swap3A_495 = tpu.vector_load %arg8[%swap3A_493, %swap3A_494] {strides = array<i32>} : memref<16x1024xf32, #tpu.memory_space<vmem>>, vector<1x16xf32>,
      %swap3A_496 = vector.shape_cast %swap3A_495 : vector<1x16xf32> to vector<16xf32>
      %swap3A_497 = vector.shape_cast %add3A_492 : vector<16xf32> to vector<1x16xf32>
      tpu.vector_store %arg8[%swap3A_493, %swap3A_494], %swap3A_497 {strides = array<i32>} : memref<16x1024xf32, #tpu.memory_space<vmem>>, vector<1x16xf32>,
      %get3A_498 = arith.index_cast %scan3A_148 : i32 to index
      %get3A_499 = arith.constant 400 : index
      %get3A_500 = tpu.vector_load %arg8[%get3A_498, %get3A_499] {strides = array<i32>} : memref<16x1024xf32, #tpu.memory_space<vmem>>, vector<1x16xf32>,
      %get3A_501 = vector.shape_cast %get3A_500 : vector<1x16xf32> to vector<16xf32>
      %get3A_502 = arith.index_cast %scan3A_148 : i32 to index
      %get3A_503 = arith.constant 400 : index
      %get3A_504 = tpu.vector_load %arg9[%get3A_502, %get3A_503] {strides = array<i32>} : memref<16x1024xf32, #tpu.memory_space<vmem>>, vector<1x16xf32>,
      %get3A_505 = vector.shape_cast %get3A_504 : vector<1x16xf32> to vector<16xf32>
      %add3A_506 = arith.addf %get3A_501, %get3A_505 : vector<16xf32>
      %swap3A_507 = arith.index_cast %scan3A_148 : i32 to index
      %swap3A_508 = arith.constant 400 : index
      %swap3A_509 = tpu.vector_load %arg8[%swap3A_507, %swap3A_508] {strides = array<i32>} : memref<16x1024xf32, #tpu.memory_space<vmem>>, vector<1x16xf32>,
      %swap3A_510 = vector.shape_cast %swap3A_509 : vector<1x16xf32> to vector<16xf32>
      %swap3A_511 = vector.shape_cast %add3A_506 : vector<16xf32> to vector<1x16xf32>
      tpu.vector_store %arg8[%swap3A_507, %swap3A_508], %swap3A_511 {strides = array<i32>} : memref<16x1024xf32, #tpu.memory_space<vmem>>, vector<1x16xf32>,
      %get3A_512 = arith.index_cast %scan3A_148 : i32 to index
      %get3A_513 = arith.constant 416 : index
      %get3A_514 = tpu.vector_load %arg8[%get3A_512, %get3A_513] {strides = array<i32>} : memref<16x1024xf32, #tpu.memory_space<vmem>>, vector<1x16xf32>,
      %get3A_515 = vector.shape_cast %get3A_514 : vector<1x16xf32> to vector<16xf32>
      %get3A_516 = arith.index_cast %scan3A_148 : i32 to index
      %get3A_517 = arith.constant 416 : index
      %get3A_518 = tpu.vector_load %arg9[%get3A_516, %get3A_517] {strides = array<i32>} : memref<16x1024xf32, #tpu.memory_space<vmem>>, vector<1x16xf32>,
      %get3A_519 = vector.shape_cast %get3A_518 : vector<1x16xf32> to vector<16xf32>
      %add3A_520 = arith.addf %get3A_515, %get3A_519 : vector<16xf32>
      %swap3A_521 = arith.index_cast %scan3A_148 : i32 to index
      %swap3A_522 = arith.constant 416 : index
      %swap3A_523 = tpu.vector_load %arg8[%swap3A_521, %swap3A_522] {strides = array<i32>} : memref<16x1024xf32, #tpu.memory_space<vmem>>, vector<1x16xf32>,
      %swap3A_524 = vector.shape_cast %swap3A_523 : vector<1x16xf32> to vector<16xf32>
      %swap3A_525 = vector.shape_cast %add3A_520 : vector<16xf32> to vector<1x16xf32>
      tpu.vector_store %arg8[%swap3A_521, %swap3A_522], %swap3A_525 {strides = array<i32>} : memref<16x1024xf32, #tpu.memory_space<vmem>>, vector<1x16xf32>,
      %get3A_526 = arith.index_cast %scan3A_148 : i32 to index
      %get3A_527 = arith.constant 432 : index
      %get3A_528 = tpu.vector_load %arg8[%get3A_526, %get3A_527] {strides = array<i32>} : memref<16x1024xf32, #tpu.memory_space<vmem>>, vector<1x16xf32>,
      %get3A_529 = vector.shape_cast %get3A_528 : vector<1x16xf32> to vector<16xf32>
      %get3A_530 = arith.index_cast %scan3A_148 : i32 to index
      %get3A_531 = arith.constant 432 : index
      %get3A_532 = tpu.vector_load %arg9[%get3A_530, %get3A_531] {strides = array<i32>} : memref<16x1024xf32, #tpu.memory_space<vmem>>, vector<1x16xf32>,
      %get3A_533 = vector.shape_cast %get3A_532 : vector<1x16xf32> to vector<16xf32>
      %add3A_534 = arith.addf %get3A_529, %get3A_533 : vector<16xf32>
      %swap3A_535 = arith.index_cast %scan3A_148 : i32 to index
      %swap3A_536 = arith.constant 432 : index
      %swap3A_537 = tpu.vector_load %arg8[%swap3A_535, %swap3A_536] {strides = array<i32>} : memref<16x1024xf32, #tpu.memory_space<vmem>>, vector<1x16xf32>,
      %swap3A_538 = vector.shape_cast %swap3A_537 : vector<1x16xf32> to vector<16xf32>
      %swap3A_539 = vector.shape_cast %add3A_534 : vector<16xf32> to vector<1x16xf32>
      tpu.vector_store %arg8[%swap3A_535, %swap3A_536], %swap3A_539 {strides = array<i32>} : memref<16x1024xf32, #tpu.memory_space<vmem>>, vector<1x16xf32>,
      %get3A_540 = arith.index_cast %scan3A_148 : i32 to index
      %get3A_541 = arith.constant 448 : index
      %get3A_542 = tpu.vector_load %arg8[%get3A_540, %get3A_541] {strides = array<i32>} : memref<16x1024xf32, #tpu.memory_space<vmem>>, vector<1x16xf32>,
      %get3A_543 = vector.shape_cast %get3A_542 : vector<1x16xf32> to vector<16xf32>
      %get3A_544 = arith.index_cast %scan3A_148 : i32 to index
      %get3A_545 = arith.constant 448 : index
      %get3A_546 = tpu.vector_load %arg9[%get3A_544, %get3A_545] {strides = array<i32>} : memref<16x1024xf32, #tpu.memory_space<vmem>>, vector<1x16xf32>,
      %get3A_547 = vector.shape_cast %get3A_546 : vector<1x16xf32> to vector<16xf32>
      %add3A_548 = arith.addf %get3A_543, %get3A_547 : vector<16xf32>
      %swap3A_549 = arith.index_cast %scan3A_148 : i32 to index
      %swap3A_550 = arith.constant 448 : index
      %swap3A_551 = tpu.vector_load %arg8[%swap3A_549, %swap3A_550] {strides = array<i32>} : memref<16x1024xf32, #tpu.memory_space<vmem>>, vector<1x16xf32>,
      %swap3A_552 = vector.shape_cast %swap3A_551 : vector<1x16xf32> to vector<16xf32>
      %swap3A_553 = vector.shape_cast %add3A_548 : vector<16xf32> to vector<1x16xf32>
      tpu.vector_store %arg8[%swap3A_549, %swap3A_550], %swap3A_553 {strides = array<i32>} : memref<16x1024xf32, #tpu.memory_space<vmem>>, vector<1x16xf32>,
      %get3A_554 = arith.index_cast %scan3A_148 : i32 to index
      %get3A_555 = arith.constant 464 : index
      %get3A_556 = tpu.vector_load %arg8[%get3A_554, %get3A_555] {strides = array<i32>} : memref<16x1024xf32, #tpu.memory_space<vmem>>, vector<1x16xf32>,
      %get3A_557 = vector.shape_cast %get3A_556 : vector<1x16xf32> to vector<16xf32>
      %get3A_558 = arith.index_cast %scan3A_148 : i32 to index
      %get3A_559 = arith.constant 464 : index
      %get3A_560 = tpu.vector_load %arg9[%get3A_558, %get3A_559] {strides = array<i32>} : memref<16x1024xf32, #tpu.memory_space<vmem>>, vector<1x16xf32>,
      %get3A_561 = vector.shape_cast %get3A_560 : vector<1x16xf32> to vector<16xf32>
      %add3A_562 = arith.addf %get3A_557, %get3A_561 : vector<16xf32>
      %swap3A_563 = arith.index_cast %scan3A_148 : i32 to index
      %swap3A_564 = arith.constant 464 : index
      %swap3A_565 = tpu.vector_load %arg8[%swap3A_563, %swap3A_564] {strides = array<i32>} : memref<16x1024xf32, #tpu.memory_space<vmem>>, vector<1x16xf32>,
      %swap3A_566 = vector.shape_cast %swap3A_565 : vector<1x16xf32> to vector<16xf32>
      %swap3A_567 = vector.shape_cast %add3A_562 : vector<16xf32> to vector<1x16xf32>
      tpu.vector_store %arg8[%swap3A_563, %swap3A_564], %swap3A_567 {strides = array<i32>} : memref<16x1024xf32, #tpu.memory_space<vmem>>, vector<1x16xf32>,
      %get3A_568 = arith.index_cast %scan3A_148 : i32 to index
      %get3A_569 = arith.constant 480 : index
      %get3A_570 = tpu.vector_load %arg8[%get3A_568, %get3A_569] {strides = array<i32>} : memref<16x1024xf32, #tpu.memory_space<vmem>>, vector<1x16xf32>,
      %get3A_571 = vector.shape_cast %get3A_570 : vector<1x16xf32> to vector<16xf32>
      %get3A_572 = arith.index_cast %scan3A_148 : i32 to index
      %get3A_573 = arith.constant 480 : index
      %get3A_574 = tpu.vector_load %arg9[%get3A_572, %get3A_573] {strides = array<i32>} : memref<16x1024xf32, #tpu.memory_space<vmem>>, vector<1x16xf32>,
      %get3A_575 = vector.shape_cast %get3A_574 : vector<1x16xf32> to vector<16xf32>
      %add3A_576 = arith.addf %get3A_571, %get3A_575 : vector<16xf32>
      %swap3A_577 = arith.index_cast %scan3A_148 : i32 to index
      %swap3A_578 = arith.constant 480 : index
      %swap3A_579 = tpu.vector_load %arg8[%swap3A_577, %swap3A_578] {strides = array<i32>} : memref<16x1024xf32, #tpu.memory_space<vmem>>, vector<1x16xf32>,
      %swap3A_580 = vector.shape_cast %swap3A_579 : vector<1x16xf32> to vector<16xf32>
      %swap3A_581 = vector.shape_cast %add3A_576 : vector<16xf32> to vector<1x16xf32>
      tpu.vector_store %arg8[%swap3A_577, %swap3A_578], %swap3A_581 {strides = array<i32>} : memref<16x1024xf32, #tpu.memory_space<vmem>>, vector<1x16xf32>,
      %get3A_582 = arith.index_cast %scan3A_148 : i32 to index
      %get3A_583 = arith.constant 496 : index
      %get3A_584 = tpu.vector_load %arg8[%get3A_582, %get3A_583] {strides = array<i32>} : memref<16x1024xf32, #tpu.memory_space<vmem>>, vector<1x16xf32>,
      %get3A_585 = vector.shape_cast %get3A_584 : vector<1x16xf32> to vector<16xf32>
      %get3A_586 = arith.index_cast %scan3A_148 : i32 to index
      %get3A_587 = arith.constant 496 : index
      %get3A_588 = tpu.vector_load %arg9[%get3A_586, %get3A_587] {strides = array<i32>} : memref<16x1024xf32, #tpu.memory_space<vmem>>, vector<1x16xf32>,
      %get3A_589 = vector.shape_cast %get3A_588 : vector<1x16xf32> to vector<16xf32>
      %add3A_590 = arith.addf %get3A_585, %get3A_589 : vector<16xf32>
      %swap3A_591 = arith.index_cast %scan3A_148 : i32 to index
      %swap3A_592 = arith.constant 496 : index
      %swap3A_593 = tpu.vector_load %arg8[%swap3A_591, %swap3A_592] {strides = array<i32>} : memref<16x1024xf32, #tpu.memory_space<vmem>>, vector<1x16xf32>,
      %swap3A_594 = vector.shape_cast %swap3A_593 : vector<1x16xf32> to vector<16xf32>
      %swap3A_595 = vector.shape_cast %add3A_590 : vector<16xf32> to vector<1x16xf32>
      tpu.vector_store %arg8[%swap3A_591, %swap3A_592], %swap3A_595 {strides = array<i32>} : memref<16x1024xf32, #tpu.memory_space<vmem>>, vector<1x16xf32>,
      %get3A_596 = arith.index_cast %scan3A_148 : i32 to index
      %get3A_597 = arith.constant 512 : index
      %get3A_598 = tpu.vector_load %arg8[%get3A_596, %get3A_597] {strides = array<i32>} : memref<16x1024xf32, #tpu.memory_space<vmem>>, vector<1x16xf32>,
      %get3A_599 = vector.shape_cast %get3A_598 : vector<1x16xf32> to vector<16xf32>
      %get3A_600 = arith.index_cast %scan3A_148 : i32 to index
      %get3A_601 = arith.constant 512 : index
      %get3A_602 = tpu.vector_load %arg9[%get3A_600, %get3A_601] {strides = array<i32>} : memref<16x1024xf32, #tpu.memory_space<vmem>>, vector<1x16xf32>,
      %get3A_603 = vector.shape_cast %get3A_602 : vector<1x16xf32> to vector<16xf32>
      %add3A_604 = arith.addf %get3A_599, %get3A_603 : vector<16xf32>
      %swap3A_605 = arith.index_cast %scan3A_148 : i32 to index
      %swap3A_606 = arith.constant 512 : index
      %swap3A_607 = tpu.vector_load %arg8[%swap3A_605, %swap3A_606] {strides = array<i32>} : memref<16x1024xf32, #tpu.memory_space<vmem>>, vector<1x16xf32>,
      %swap3A_608 = vector.shape_cast %swap3A_607 : vector<1x16xf32> to vector<16xf32>
      %swap3A_609 = vector.shape_cast %add3A_604 : vector<16xf32> to vector<1x16xf32>
      tpu.vector_store %arg8[%swap3A_605, %swap3A_606], %swap3A_609 {strides = array<i32>} : memref<16x1024xf32, #tpu.memory_space<vmem>>, vector<1x16xf32>,
      %get3A_610 = arith.index_cast %scan3A_148 : i32 to index
      %get3A_611 = arith.constant 528 : index
      %get3A_612 = tpu.vector_load %arg8[%get3A_610, %get3A_611] {strides = array<i32>} : memref<16x1024xf32, #tpu.memory_space<vmem>>, vector<1x16xf32>,
      %get3A_613 = vector.shape_cast %get3A_612 : vector<1x16xf32> to vector<16xf32>
      %get3A_614 = arith.index_cast %scan3A_148 : i32 to index
      %get3A_615 = arith.constant 528 : index
      %get3A_616 = tpu.vector_load %arg9[%get3A_614, %get3A_615] {strides = array<i32>} : memref<16x1024xf32, #tpu.memory_space<vmem>>, vector<1x16xf32>,
      %get3A_617 = vector.shape_cast %get3A_616 : vector<1x16xf32> to vector<16xf32>
      %add3A_618 = arith.addf %get3A_613, %get3A_617 : vector<16xf32>
      %swap3A_619 = arith.index_cast %scan3A_148 : i32 to index
      %swap3A_620 = arith.constant 528 : index
      %swap3A_621 = tpu.vector_load %arg8[%swap3A_619, %swap3A_620] {strides = array<i32>} : memref<16x1024xf32, #tpu.memory_space<vmem>>, vector<1x16xf32>,
      %swap3A_622 = vector.shape_cast %swap3A_621 : vector<1x16xf32> to vector<16xf32>
      %swap3A_623 = vector.shape_cast %add3A_618 : vector<16xf32> to vector<1x16xf32>
      tpu.vector_store %arg8[%swap3A_619, %swap3A_620], %swap3A_623 {strides = array<i32>} : memref<16x1024xf32, #tpu.memory_space<vmem>>, vector<1x16xf32>,
      %get3A_624 = arith.index_cast %scan3A_148 : i32 to index
      %get3A_625 = arith.constant 544 : index
      %get3A_626 = tpu.vector_load %arg8[%get3A_624, %get3A_625] {strides = array<i32>} : memref<16x1024xf32, #tpu.memory_space<vmem>>, vector<1x16xf32>,
      %get3A_627 = vector.shape_cast %get3A_626 : vector<1x16xf32> to vector<16xf32>
      %get3A_628 = arith.index_cast %scan3A_148 : i32 to index
      %get3A_629 = arith.constant 544 : index
      %get3A_630 = tpu.vector_load %arg9[%get3A_628, %get3A_629] {strides = array<i32>} : memref<16x1024xf32, #tpu.memory_space<vmem>>, vector<1x16xf32>,
      %get3A_631 = vector.shape_cast %get3A_630 : vector<1x16xf32> to vector<16xf32>
      %add3A_632 = arith.addf %get3A_627, %get3A_631 : vector<16xf32>
      %swap3A_633 = arith.index_cast %scan3A_148 : i32 to index
      %swap3A_634 = arith.constant 544 : index
      %swap3A_635 = tpu.vector_load %arg8[%swap3A_633, %swap3A_634] {strides = array<i32>} : memref<16x1024xf32, #tpu.memory_space<vmem>>, vector<1x16xf32>,
      %swap3A_636 = vector.shape_cast %swap3A_635 : vector<1x16xf32> to vector<16xf32>
      %swap3A_637 = vector.shape_cast %add3A_632 : vector<16xf32> to vector<1x16xf32>
      tpu.vector_store %arg8[%swap3A_633, %swap3A_634], %swap3A_637 {strides = array<i32>} : memref<16x1024xf32, #tpu.memory_space<vmem>>, vector<1x16xf32>,
      %get3A_638 = arith.index_cast %scan3A_148 : i32 to index
      %get3A_639 = arith.constant 560 : index
      %get3A_640 = tpu.vector_load %arg8[%get3A_638, %get3A_639] {strides = array<i32>} : memref<16x1024xf32, #tpu.memory_space<vmem>>, vector<1x16xf32>,
      %get3A_641 = vector.shape_cast %get3A_640 : vector<1x16xf32> to vector<16xf32>
      %get3A_642 = arith.index_cast %scan3A_148 : i32 to index
      %get3A_643 = arith.constant 560 : index
      %get3A_644 = tpu.vector_load %arg9[%get3A_642, %get3A_643] {strides = array<i32>} : memref<16x1024xf32, #tpu.memory_space<vmem>>, vector<1x16xf32>,
      %get3A_645 = vector.shape_cast %get3A_644 : vector<1x16xf32> to vector<16xf32>
      %add3A_646 = arith.addf %get3A_641, %get3A_645 : vector<16xf32>
      %swap3A_647 = arith.index_cast %scan3A_148 : i32 to index
      %swap3A_648 = arith.constant 560 : index
      %swap3A_649 = tpu.vector_load %arg8[%swap3A_647, %swap3A_648] {strides = array<i32>} : memref<16x1024xf32, #tpu.memory_space<vmem>>, vector<1x16xf32>,
      %swap3A_650 = vector.shape_cast %swap3A_649 : vector<1x16xf32> to vector<16xf32>
      %swap3A_651 = vector.shape_cast %add3A_646 : vector<16xf32> to vector<1x16xf32>
      tpu.vector_store %arg8[%swap3A_647, %swap3A_648], %swap3A_651 {strides = array<i32>} : memref<16x1024xf32, #tpu.memory_space<vmem>>, vector<1x16xf32>,
      %get3A_652 = arith.index_cast %scan3A_148 : i32 to index
      %get3A_653 = arith.constant 576 : index
      %get3A_654 = tpu.vector_load %arg8[%get3A_652, %get3A_653] {strides = array<i32>} : memref<16x1024xf32, #tpu.memory_space<vmem>>, vector<1x16xf32>,
      %get3A_655 = vector.shape_cast %get3A_654 : vector<1x16xf32> to vector<16xf32>
      %get3A_656 = arith.index_cast %scan3A_148 : i32 to index
      %get3A_657 = arith.constant 576 : index
      %get3A_658 = tpu.vector_load %arg9[%get3A_656, %get3A_657] {strides = array<i32>} : memref<16x1024xf32, #tpu.memory_space<vmem>>, vector<1x16xf32>,
      %get3A_659 = vector.shape_cast %get3A_658 : vector<1x16xf32> to vector<16xf32>
      %add3A_660 = arith.addf %get3A_655, %get3A_659 : vector<16xf32>
      %swap3A_661 = arith.index_cast %scan3A_148 : i32 to index
      %swap3A_662 = arith.constant 576 : index
      %swap3A_663 = tpu.vector_load %arg8[%swap3A_661, %swap3A_662] {strides = array<i32>} : memref<16x1024xf32, #tpu.memory_space<vmem>>, vector<1x16xf32>,
      %swap3A_664 = vector.shape_cast %swap3A_663 : vector<1x16xf32> to vector<16xf32>
      %swap3A_665 = vector.shape_cast %add3A_660 : vector<16xf32> to vector<1x16xf32>
      tpu.vector_store %arg8[%swap3A_661, %swap3A_662], %swap3A_665 {strides = array<i32>} : memref<16x1024xf32, #tpu.memory_space<vmem>>, vector<1x16xf32>,
      %get3A_666 = arith.index_cast %scan3A_148 : i32 to index
      %get3A_667 = arith.constant 592 : index
      %get3A_668 = tpu.vector_load %arg8[%get3A_666, %get3A_667] {strides = array<i32>} : memref<16x1024xf32, #tpu.memory_space<vmem>>, vector<1x16xf32>,
      %get3A_669 = vector.shape_cast %get3A_668 : vector<1x16xf32> to vector<16xf32>
      %get3A_670 = arith.index_cast %scan3A_148 : i32 to index
      %get3A_671 = arith.constant 592 : index
      %get3A_672 = tpu.vector_load %arg9[%get3A_670, %get3A_671] {strides = array<i32>} : memref<16x1024xf32, #tpu.memory_space<vmem>>, vector<1x16xf32>,
      %get3A_673 = vector.shape_cast %get3A_672 : vector<1x16xf32> to vector<16xf32>
      %add3A_674 = arith.addf %get3A_669, %get3A_673 : vector<16xf32>
      %swap3A_675 = arith.index_cast %scan3A_148 : i32 to index
      %swap3A_676 = arith.constant 592 : index
      %swap3A_677 = tpu.vector_load %arg8[%swap3A_675, %swap3A_676] {strides = array<i32>} : memref<16x1024xf32, #tpu.memory_space<vmem>>, vector<1x16xf32>,
      %swap3A_678 = vector.shape_cast %swap3A_677 : vector<1x16xf32> to vector<16xf32>
      %swap3A_679 = vector.shape_cast %add3A_674 : vector<16xf32> to vector<1x16xf32>
      tpu.vector_store %arg8[%swap3A_675, %swap3A_676], %swap3A_679 {strides = array<i32>} : memref<16x1024xf32, #tpu.memory_space<vmem>>, vector<1x16xf32>,
      %get3A_680 = arith.index_cast %scan3A_148 : i32 to index
      %get3A_681 = arith.constant 608 : index
      %get3A_682 = tpu.vector_load %arg8[%get3A_680, %get3A_681] {strides = array<i32>} : memref<16x1024xf32, #tpu.memory_space<vmem>>, vector<1x16xf32>,
      %get3A_683 = vector.shape_cast %get3A_682 : vector<1x16xf32> to vector<16xf32>
      %get3A_684 = arith.index_cast %scan3A_148 : i32 to index
      %get3A_685 = arith.constant 608 : index
      %get3A_686 = tpu.vector_load %arg9[%get3A_684, %get3A_685] {strides = array<i32>} : memref<16x1024xf32, #tpu.memory_space<vmem>>, vector<1x16xf32>,
      %get3A_687 = vector.shape_cast %get3A_686 : vector<1x16xf32> to vector<16xf32>
      %add3A_688 = arith.addf %get3A_683, %get3A_687 : vector<16xf32>
      %swap3A_689 = arith.index_cast %scan3A_148 : i32 to index
      %swap3A_690 = arith.constant 608 : index
      %swap3A_691 = tpu.vector_load %arg8[%swap3A_689, %swap3A_690] {strides = array<i32>} : memref<16x1024xf32, #tpu.memory_space<vmem>>, vector<1x16xf32>,
      %swap3A_692 = vector.shape_cast %swap3A_691 : vector<1x16xf32> to vector<16xf32>
      %swap3A_693 = vector.shape_cast %add3A_688 : vector<16xf32> to vector<1x16xf32>
      tpu.vector_store %arg8[%swap3A_689, %swap3A_690], %swap3A_693 {strides = array<i32>} : memref<16x1024xf32, #tpu.memory_space<vmem>>, vector<1x16xf32>,
      %get3A_694 = arith.index_cast %scan3A_148 : i32 to index
      %get3A_695 = arith.constant 624 : index
      %get3A_696 = tpu.vector_load %arg8[%get3A_694, %get3A_695] {strides = array<i32>} : memref<16x1024xf32, #tpu.memory_space<vmem>>, vector<1x16xf32>,
      %get3A_697 = vector.shape_cast %get3A_696 : vector<1x16xf32> to vector<16xf32>
      %get3A_698 = arith.index_cast %scan3A_148 : i32 to index
      %get3A_699 = arith.constant 624 : index
      %get3A_700 = tpu.vector_load %arg9[%get3A_698, %get3A_699] {strides = array<i32>} : memref<16x1024xf32, #tpu.memory_space<vmem>>, vector<1x16xf32>,
      %get3A_701 = vector.shape_cast %get3A_700 : vector<1x16xf32> to vector<16xf32>
      %add3A_702 = arith.addf %get3A_697, %get3A_701 : vector<16xf32>
      %swap3A_703 = arith.index_cast %scan3A_148 : i32 to index
      %swap3A_704 = arith.constant 624 : index
      %swap3A_705 = tpu.vector_load %arg8[%swap3A_703, %swap3A_704] {strides = array<i32>} : memref<16x1024xf32, #tpu.memory_space<vmem>>, vector<1x16xf32>,
      %swap3A_706 = vector.shape_cast %swap3A_705 : vector<1x16xf32> to vector<16xf32>
      %swap3A_707 = vector.shape_cast %add3A_702 : vector<16xf32> to vector<1x16xf32>
      tpu.vector_store %arg8[%swap3A_703, %swap3A_704], %swap3A_707 {strides = array<i32>} : memref<16x1024xf32, #tpu.memory_space<vmem>>, vector<1x16xf32>,
      %get3A_708 = arith.index_cast %scan3A_148 : i32 to index
      %get3A_709 = arith.constant 640 : index
      %get3A_710 = tpu.vector_load %arg8[%get3A_708, %get3A_709] {strides = array<i32>} : memref<16x1024xf32, #tpu.memory_space<vmem>>, vector<1x16xf32>,
      %get3A_711 = vector.shape_cast %get3A_710 : vector<1x16xf32> to vector<16xf32>
      %get3A_712 = arith.index_cast %scan3A_148 : i32 to index
      %get3A_713 = arith.constant 640 : index
      %get3A_714 = tpu.vector_load %arg9[%get3A_712, %get3A_713] {strides = array<i32>} : memref<16x1024xf32, #tpu.memory_space<vmem>>, vector<1x16xf32>,
      %get3A_715 = vector.shape_cast %get3A_714 : vector<1x16xf32> to vector<16xf32>
      %add3A_716 = arith.addf %get3A_711, %get3A_715 : vector<16xf32>
      %swap3A_717 = arith.index_cast %scan3A_148 : i32 to index
      %swap3A_718 = arith.constant 640 : index
      %swap3A_719 = tpu.vector_load %arg8[%swap3A_717, %swap3A_718] {strides = array<i32>} : memref<16x1024xf32, #tpu.memory_space<vmem>>, vector<1x16xf32>,
      %swap3A_720 = vector.shape_cast %swap3A_719 : vector<1x16xf32> to vector<16xf32>
      %swap3A_721 = vector.shape_cast %add3A_716 : vector<16xf32> to vector<1x16xf32>
      tpu.vector_store %arg8[%swap3A_717, %swap3A_718], %swap3A_721 {strides = array<i32>} : memref<16x1024xf32, #tpu.memory_space<vmem>>, vector<1x16xf32>,
      %get3A_722 = arith.index_cast %scan3A_148 : i32 to index
      %get3A_723 = arith.constant 656 : index
      %get3A_724 = tpu.vector_load %arg8[%get3A_722, %get3A_723] {strides = array<i32>} : memref<16x1024xf32, #tpu.memory_space<vmem>>, vector<1x16xf32>,
      %get3A_725 = vector.shape_cast %get3A_724 : vector<1x16xf32> to vector<16xf32>
      %get3A_726 = arith.index_cast %scan3A_148 : i32 to index
      %get3A_727 = arith.constant 656 : index
      %get3A_728 = tpu.vector_load %arg9[%get3A_726, %get3A_727] {strides = array<i32>} : memref<16x1024xf32, #tpu.memory_space<vmem>>, vector<1x16xf32>,
      %get3A_729 = vector.shape_cast %get3A_728 : vector<1x16xf32> to vector<16xf32>
      %add3A_730 = arith.addf %get3A_725, %get3A_729 : vector<16xf32>
      %swap3A_731 = arith.index_cast %scan3A_148 : i32 to index
      %swap3A_732 = arith.constant 656 : index
      %swap3A_733 = tpu.vector_load %arg8[%swap3A_731, %swap3A_732] {strides = array<i32>} : memref<16x1024xf32, #tpu.memory_space<vmem>>, vector<1x16xf32>,
      %swap3A_734 = vector.shape_cast %swap3A_733 : vector<1x16xf32> to vector<16xf32>
      %swap3A_735 = vector.shape_cast %add3A_730 : vector<16xf32> to vector<1x16xf32>
      tpu.vector_store %arg8[%swap3A_731, %swap3A_732], %swap3A_735 {strides = array<i32>} : memref<16x1024xf32, #tpu.memory_space<vmem>>, vector<1x16xf32>,
      %get3A_736 = arith.index_cast %scan3A_148 : i32 to index
      %get3A_737 = arith.constant 672 : index
      %get3A_738 = tpu.vector_load %arg8[%get3A_736, %get3A_737] {strides = array<i32>} : memref<16x1024xf32, #tpu.memory_space<vmem>>, vector<1x16xf32>,
      %get3A_739 = vector.shape_cast %get3A_738 : vector<1x16xf32> to vector<16xf32>
      %get3A_740 = arith.index_cast %scan3A_148 : i32 to index
      %get3A_741 = arith.constant 672 : index
      %get3A_742 = tpu.vector_load %arg9[%get3A_740, %get3A_741] {strides = array<i32>} : memref<16x1024xf32, #tpu.memory_space<vmem>>, vector<1x16xf32>,
      %get3A_743 = vector.shape_cast %get3A_742 : vector<1x16xf32> to vector<16xf32>
      %add3A_744 = arith.addf %get3A_739, %get3A_743 : vector<16xf32>
      %swap3A_745 = arith.index_cast %scan3A_148 : i32 to index
      %swap3A_746 = arith.constant 672 : index
      %swap3A_747 = tpu.vector_load %arg8[%swap3A_745, %swap3A_746] {strides = array<i32>} : memref<16x1024xf32, #tpu.memory_space<vmem>>, vector<1x16xf32>,
      %swap3A_748 = vector.shape_cast %swap3A_747 : vector<1x16xf32> to vector<16xf32>
      %swap3A_749 = vector.shape_cast %add3A_744 : vector<16xf32> to vector<1x16xf32>
      tpu.vector_store %arg8[%swap3A_745, %swap3A_746], %swap3A_749 {strides = array<i32>} : memref<16x1024xf32, #tpu.memory_space<vmem>>, vector<1x16xf32>,
      %get3A_750 = arith.index_cast %scan3A_148 : i32 to index
      %get3A_751 = arith.constant 688 : index
      %get3A_752 = tpu.vector_load %arg8[%get3A_750, %get3A_751] {strides = array<i32>} : memref<16x1024xf32, #tpu.memory_space<vmem>>, vector<1x16xf32>,
      %get3A_753 = vector.shape_cast %get3A_752 : vector<1x16xf32> to vector<16xf32>
      %get3A_754 = arith.index_cast %scan3A_148 : i32 to index
      %get3A_755 = arith.constant 688 : index
      %get3A_756 = tpu.vector_load %arg9[%get3A_754, %get3A_755] {strides = array<i32>} : memref<16x1024xf32, #tpu.memory_space<vmem>>, vector<1x16xf32>,
      %get3A_757 = vector.shape_cast %get3A_756 : vector<1x16xf32> to vector<16xf32>
      %add3A_758 = arith.addf %get3A_753, %get3A_757 : vector<16xf32>
      %swap3A_759 = arith.index_cast %scan3A_148 : i32 to index
      %swap3A_760 = arith.constant 688 : index
      %swap3A_761 = tpu.vector_load %arg8[%swap3A_759, %swap3A_760] {strides = array<i32>} : memref<16x1024xf32, #tpu.memory_space<vmem>>, vector<1x16xf32>,
      %swap3A_762 = vector.shape_cast %swap3A_761 : vector<1x16xf32> to vector<16xf32>
      %swap3A_763 = vector.shape_cast %add3A_758 : vector<16xf32> to vector<1x16xf32>
      tpu.vector_store %arg8[%swap3A_759, %swap3A_760], %swap3A_763 {strides = array<i32>} : memref<16x1024xf32, #tpu.memory_space<vmem>>, vector<1x16xf32>,
      %get3A_764 = arith.index_cast %scan3A_148 : i32 to index
      %get3A_765 = arith.constant 704 : index
      %get3A_766 = tpu.vector_load %arg8[%get3A_764, %get3A_765] {strides = array<i32>} : memref<16x1024xf32, #tpu.memory_space<vmem>>, vector<1x16xf32>,
      %get3A_767 = vector.shape_cast %get3A_766 : vector<1x16xf32> to vector<16xf32>
      %get3A_768 = arith.index_cast %scan3A_148 : i32 to index
      %get3A_769 = arith.constant 704 : index
      %get3A_770 = tpu.vector_load %arg9[%get3A_768, %get3A_769] {strides = array<i32>} : memref<16x1024xf32, #tpu.memory_space<vmem>>, vector<1x16xf32>,
      %get3A_771 = vector.shape_cast %get3A_770 : vector<1x16xf32> to vector<16xf32>
      %add3A_772 = arith.addf %get3A_767, %get3A_771 : vector<16xf32>
      %swap3A_773 = arith.index_cast %scan3A_148 : i32 to index
      %swap3A_774 = arith.constant 704 : index
      %swap3A_775 = tpu.vector_load %arg8[%swap3A_773, %swap3A_774] {strides = array<i32>} : memref<16x1024xf32, #tpu.memory_space<vmem>>, vector<1x16xf32>,
      %swap3A_776 = vector.shape_cast %swap3A_775 : vector<1x16xf32> to vector<16xf32>
      %swap3A_777 = vector.shape_cast %add3A_772 : vector<16xf32> to vector<1x16xf32>
      tpu.vector_store %arg8[%swap3A_773, %swap3A_774], %swap3A_777 {strides = array<i32>} : memref<16x1024xf32, #tpu.memory_space<vmem>>, vector<1x16xf32>,
      %get3A_778 = arith.index_cast %scan3A_148 : i32 to index
      %get3A_779 = arith.constant 720 : index
      %get3A_780 = tpu.vector_load %arg8[%get3A_778, %get3A_779] {strides = array<i32>} : memref<16x1024xf32, #tpu.memory_space<vmem>>, vector<1x16xf32>,
      %get3A_781 = vector.shape_cast %get3A_780 : vector<1x16xf32> to vector<16xf32>
      %get3A_782 = arith.index_cast %scan3A_148 : i32 to index
      %get3A_783 = arith.constant 720 : index
      %get3A_784 = tpu.vector_load %arg9[%get3A_782, %get3A_783] {strides = array<i32>} : memref<16x1024xf32, #tpu.memory_space<vmem>>, vector<1x16xf32>,
      %get3A_785 = vector.shape_cast %get3A_784 : vector<1x16xf32> to vector<16xf32>
      %add3A_786 = arith.addf %get3A_781, %get3A_785 : vector<16xf32>
      %swap3A_787 = arith.index_cast %scan3A_148 : i32 to index
      %swap3A_788 = arith.constant 720 : index
      %swap3A_789 = tpu.vector_load %arg8[%swap3A_787, %swap3A_788] {strides = array<i32>} : memref<16x1024xf32, #tpu.memory_space<vmem>>, vector<1x16xf32>,
      %swap3A_790 = vector.shape_cast %swap3A_789 : vector<1x16xf32> to vector<16xf32>
      %swap3A_791 = vector.shape_cast %add3A_786 : vector<16xf32> to vector<1x16xf32>
      tpu.vector_store %arg8[%swap3A_787, %swap3A_788], %swap3A_791 {strides = array<i32>} : memref<16x1024xf32, #tpu.memory_space<vmem>>, vector<1x16xf32>,
      %get3A_792 = arith.index_cast %scan3A_148 : i32 to index
      %get3A_793 = arith.constant 736 : index
      %get3A_794 = tpu.vector_load %arg8[%get3A_792, %get3A_793] {strides = array<i32>} : memref<16x1024xf32, #tpu.memory_space<vmem>>, vector<1x16xf32>,
      %get3A_795 = vector.shape_cast %get3A_794 : vector<1x16xf32> to vector<16xf32>
      %get3A_796 = arith.index_cast %scan3A_148 : i32 to index
      %get3A_797 = arith.constant 736 : index
      %get3A_798 = tpu.vector_load %arg9[%get3A_796, %get3A_797] {strides = array<i32>} : memref<16x1024xf32, #tpu.memory_space<vmem>>, vector<1x16xf32>,
      %get3A_799 = vector.shape_cast %get3A_798 : vector<1x16xf32> to vector<16xf32>
      %add3A_800 = arith.addf %get3A_795, %get3A_799 : vector<16xf32>
      %swap3A_801 = arith.index_cast %scan3A_148 : i32 to index
      %swap3A_802 = arith.constant 736 : index
      %swap3A_803 = tpu.vector_load %arg8[%swap3A_801, %swap3A_802] {strides = array<i32>} : memref<16x1024xf32, #tpu.memory_space<vmem>>, vector<1x16xf32>,
      %swap3A_804 = vector.shape_cast %swap3A_803 : vector<1x16xf32> to vector<16xf32>
      %swap3A_805 = vector.shape_cast %add3A_800 : vector<16xf32> to vector<1x16xf32>
      tpu.vector_store %arg8[%swap3A_801, %swap3A_802], %swap3A_805 {strides = array<i32>} : memref<16x1024xf32, #tpu.memory_space<vmem>>, vector<1x16xf32>,
      %get3A_806 = arith.index_cast %scan3A_148 : i32 to index
      %get3A_807 = arith.constant 752 : index
      %get3A_808 = tpu.vector_load %arg8[%get3A_806, %get3A_807] {strides = array<i32>} : memref<16x1024xf32, #tpu.memory_space<vmem>>, vector<1x16xf32>,
      %get3A_809 = vector.shape_cast %get3A_808 : vector<1x16xf32> to vector<16xf32>
      %get3A_810 = arith.index_cast %scan3A_148 : i32 to index
      %get3A_811 = arith.constant 752 : index
      %get3A_812 = tpu.vector_load %arg9[%get3A_810, %get3A_811] {strides = array<i32>} : memref<16x1024xf32, #tpu.memory_space<vmem>>, vector<1x16xf32>,
      %get3A_813 = vector.shape_cast %get3A_812 : vector<1x16xf32> to vector<16xf32>
      %add3A_814 = arith.addf %get3A_809, %get3A_813 : vector<16xf32>
      %swap3A_815 = arith.index_cast %scan3A_148 : i32 to index
      %swap3A_816 = arith.constant 752 : index
      %swap3A_817 = tpu.vector_load %arg8[%swap3A_815, %swap3A_816] {strides = array<i32>} : memref<16x1024xf32, #tpu.memory_space<vmem>>, vector<1x16xf32>,
      %swap3A_818 = vector.shape_cast %swap3A_817 : vector<1x16xf32> to vector<16xf32>
      %swap3A_819 = vector.shape_cast %add3A_814 : vector<16xf32> to vector<1x16xf32>
      tpu.vector_store %arg8[%swap3A_815, %swap3A_816], %swap3A_819 {strides = array<i32>} : memref<16x1024xf32, #tpu.memory_space<vmem>>, vector<1x16xf32>,
      %get3A_820 = arith.index_cast %scan3A_148 : i32 to index
      %get3A_821 = arith.constant 768 : index
      %get3A_822 = tpu.vector_load %arg8[%get3A_820, %get3A_821] {strides = array<i32>} : memref<16x1024xf32, #tpu.memory_space<vmem>>, vector<1x16xf32>,
      %get3A_823 = vector.shape_cast %get3A_822 : vector<1x16xf32> to vector<16xf32>
      %get3A_824 = arith.index_cast %scan3A_148 : i32 to index
      %get3A_825 = arith.constant 768 : index
      %get3A_826 = tpu.vector_load %arg9[%get3A_824, %get3A_825] {strides = array<i32>} : memref<16x1024xf32, #tpu.memory_space<vmem>>, vector<1x16xf32>,
      %get3A_827 = vector.shape_cast %get3A_826 : vector<1x16xf32> to vector<16xf32>
      %add3A_828 = arith.addf %get3A_823, %get3A_827 : vector<16xf32>
      %swap3A_829 = arith.index_cast %scan3A_148 : i32 to index
      %swap3A_830 = arith.constant 768 : index
      %swap3A_831 = tpu.vector_load %arg8[%swap3A_829, %swap3A_830] {strides = array<i32>} : memref<16x1024xf32, #tpu.memory_space<vmem>>, vector<1x16xf32>,
      %swap3A_832 = vector.shape_cast %swap3A_831 : vector<1x16xf32> to vector<16xf32>
      %swap3A_833 = vector.shape_cast %add3A_828 : vector<16xf32> to vector<1x16xf32>
      tpu.vector_store %arg8[%swap3A_829, %swap3A_830], %swap3A_833 {strides = array<i32>} : memref<16x1024xf32, #tpu.memory_space<vmem>>, vector<1x16xf32>,
      %get3A_834 = arith.index_cast %scan3A_148 : i32 to index
      %get3A_835 = arith.constant 784 : index
      %get3A_836 = tpu.vector_load %arg8[%get3A_834, %get3A_835] {strides = array<i32>} : memref<16x1024xf32, #tpu.memory_space<vmem>>, vector<1x16xf32>,
      %get3A_837 = vector.shape_cast %get3A_836 : vector<1x16xf32> to vector<16xf32>
      %get3A_838 = arith.index_cast %scan3A_148 : i32 to index
      %get3A_839 = arith.constant 784 : index
      %get3A_840 = tpu.vector_load %arg9[%get3A_838, %get3A_839] {strides = array<i32>} : memref<16x1024xf32, #tpu.memory_space<vmem>>, vector<1x16xf32>,
      %get3A_841 = vector.shape_cast %get3A_840 : vector<1x16xf32> to vector<16xf32>
      %add3A_842 = arith.addf %get3A_837, %get3A_841 : vector<16xf32>
      %swap3A_843 = arith.index_cast %scan3A_148 : i32 to index
      %swap3A_844 = arith.constant 784 : index
      %swap3A_845 = tpu.vector_load %arg8[%swap3A_843, %swap3A_844] {strides = array<i32>} : memref<16x1024xf32, #tpu.memory_space<vmem>>, vector<1x16xf32>,
      %swap3A_846 = vector.shape_cast %swap3A_845 : vector<1x16xf32> to vector<16xf32>
      %swap3A_847 = vector.shape_cast %add3A_842 : vector<16xf32> to vector<1x16xf32>
      tpu.vector_store %arg8[%swap3A_843, %swap3A_844], %swap3A_847 {strides = array<i32>} : memref<16x1024xf32, #tpu.memory_space<vmem>>, vector<1x16xf32>,
      %get3A_848 = arith.index_cast %scan3A_148 : i32 to index
      %get3A_849 = arith.constant 800 : index
      %get3A_850 = tpu.vector_load %arg8[%get3A_848, %get3A_849] {strides = array<i32>} : memref<16x1024xf32, #tpu.memory_space<vmem>>, vector<1x16xf32>,
      %get3A_851 = vector.shape_cast %get3A_850 : vector<1x16xf32> to vector<16xf32>
      %get3A_852 = arith.index_cast %scan3A_148 : i32 to index
      %get3A_853 = arith.constant 800 : index
      %get3A_854 = tpu.vector_load %arg9[%get3A_852, %get3A_853] {strides = array<i32>} : memref<16x1024xf32, #tpu.memory_space<vmem>>, vector<1x16xf32>,
      %get3A_855 = vector.shape_cast %get3A_854 : vector<1x16xf32> to vector<16xf32>
      %add3A_856 = arith.addf %get3A_851, %get3A_855 : vector<16xf32>
      %swap3A_857 = arith.index_cast %scan3A_148 : i32 to index
      %swap3A_858 = arith.constant 800 : index
      %swap3A_859 = tpu.vector_load %arg8[%swap3A_857, %swap3A_858] {strides = array<i32>} : memref<16x1024xf32, #tpu.memory_space<vmem>>, vector<1x16xf32>,
      %swap3A_860 = vector.shape_cast %swap3A_859 : vector<1x16xf32> to vector<16xf32>
      %swap3A_861 = vector.shape_cast %add3A_856 : vector<16xf32> to vector<1x16xf32>
      tpu.vector_store %arg8[%swap3A_857, %swap3A_858], %swap3A_861 {strides = array<i32>} : memref<16x1024xf32, #tpu.memory_space<vmem>>, vector<1x16xf32>,
      %get3A_862 = arith.index_cast %scan3A_148 : i32 to index
      %get3A_863 = arith.constant 816 : index
      %get3A_864 = tpu.vector_load %arg8[%get3A_862, %get3A_863] {strides = array<i32>} : memref<16x1024xf32, #tpu.memory_space<vmem>>, vector<1x16xf32>,
      %get3A_865 = vector.shape_cast %get3A_864 : vector<1x16xf32> to vector<16xf32>
      %get3A_866 = arith.index_cast %scan3A_148 : i32 to index
      %get3A_867 = arith.constant 816 : index
      %get3A_868 = tpu.vector_load %arg9[%get3A_866, %get3A_867] {strides = array<i32>} : memref<16x1024xf32, #tpu.memory_space<vmem>>, vector<1x16xf32>,
      %get3A_869 = vector.shape_cast %get3A_868 : vector<1x16xf32> to vector<16xf32>
      %add3A_870 = arith.addf %get3A_865, %get3A_869 : vector<16xf32>
      %swap3A_871 = arith.index_cast %scan3A_148 : i32 to index
      %swap3A_872 = arith.constant 816 : index
      %swap3A_873 = tpu.vector_load %arg8[%swap3A_871, %swap3A_872] {strides = array<i32>} : memref<16x1024xf32, #tpu.memory_space<vmem>>, vector<1x16xf32>,
      %swap3A_874 = vector.shape_cast %swap3A_873 : vector<1x16xf32> to vector<16xf32>
      %swap3A_875 = vector.shape_cast %add3A_870 : vector<16xf32> to vector<1x16xf32>
      tpu.vector_store %arg8[%swap3A_871, %swap3A_872], %swap3A_875 {strides = array<i32>} : memref<16x1024xf32, #tpu.memory_space<vmem>>, vector<1x16xf32>,
      %get3A_876 = arith.index_cast %scan3A_148 : i32 to index
      %get3A_877 = arith.constant 832 : index
      %get3A_878 = tpu.vector_load %arg8[%get3A_876, %get3A_877] {strides = array<i32>} : memref<16x1024xf32, #tpu.memory_space<vmem>>, vector<1x16xf32>,
      %get3A_879 = vector.shape_cast %get3A_878 : vector<1x16xf32> to vector<16xf32>
      %get3A_880 = arith.index_cast %scan3A_148 : i32 to index
      %get3A_881 = arith.constant 832 : index
      %get3A_882 = tpu.vector_load %arg9[%get3A_880, %get3A_881] {strides = array<i32>} : memref<16x1024xf32, #tpu.memory_space<vmem>>, vector<1x16xf32>,
      %get3A_883 = vector.shape_cast %get3A_882 : vector<1x16xf32> to vector<16xf32>
      %add3A_884 = arith.addf %get3A_879, %get3A_883 : vector<16xf32>
      %swap3A_885 = arith.index_cast %scan3A_148 : i32 to index
      %swap3A_886 = arith.constant 832 : index
      %swap3A_887 = tpu.vector_load %arg8[%swap3A_885, %swap3A_886] {strides = array<i32>} : memref<16x1024xf32, #tpu.memory_space<vmem>>, vector<1x16xf32>,
      %swap3A_888 = vector.shape_cast %swap3A_887 : vector<1x16xf32> to vector<16xf32>
      %swap3A_889 = vector.shape_cast %add3A_884 : vector<16xf32> to vector<1x16xf32>
      tpu.vector_store %arg8[%swap3A_885, %swap3A_886], %swap3A_889 {strides = array<i32>} : memref<16x1024xf32, #tpu.memory_space<vmem>>, vector<1x16xf32>,
      %get3A_890 = arith.index_cast %scan3A_148 : i32 to index
      %get3A_891 = arith.constant 848 : index
      %get3A_892 = tpu.vector_load %arg8[%get3A_890, %get3A_891] {strides = array<i32>} : memref<16x1024xf32, #tpu.memory_space<vmem>>, vector<1x16xf32>,
      %get3A_893 = vector.shape_cast %get3A_892 : vector<1x16xf32> to vector<16xf32>
      %get3A_894 = arith.index_cast %scan3A_148 : i32 to index
      %get3A_895 = arith.constant 848 : index
      %get3A_896 = tpu.vector_load %arg9[%get3A_894, %get3A_895] {strides = array<i32>} : memref<16x1024xf32, #tpu.memory_space<vmem>>, vector<1x16xf32>,
      %get3A_897 = vector.shape_cast %get3A_896 : vector<1x16xf32> to vector<16xf32>
      %add3A_898 = arith.addf %get3A_893, %get3A_897 : vector<16xf32>
      %swap3A_899 = arith.index_cast %scan3A_148 : i32 to index
      %swap3A_900 = arith.constant 848 : index
      %swap3A_901 = tpu.vector_load %arg8[%swap3A_899, %swap3A_900] {strides = array<i32>} : memref<16x1024xf32, #tpu.memory_space<vmem>>, vector<1x16xf32>,
      %swap3A_902 = vector.shape_cast %swap3A_901 : vector<1x16xf32> to vector<16xf32>
      %swap3A_903 = vector.shape_cast %add3A_898 : vector<16xf32> to vector<1x16xf32>
      tpu.vector_store %arg8[%swap3A_899, %swap3A_900], %swap3A_903 {strides = array<i32>} : memref<16x1024xf32, #tpu.memory_space<vmem>>, vector<1x16xf32>,
      %get3A_904 = arith.index_cast %scan3A_148 : i32 to index
      %get3A_905 = arith.constant 864 : index
      %get3A_906 = tpu.vector_load %arg8[%get3A_904, %get3A_905] {strides = array<i32>} : memref<16x1024xf32, #tpu.memory_space<vmem>>, vector<1x16xf32>,
      %get3A_907 = vector.shape_cast %get3A_906 : vector<1x16xf32> to vector<16xf32>
      %get3A_908 = arith.index_cast %scan3A_148 : i32 to index
      %get3A_909 = arith.constant 864 : index
      %get3A_910 = tpu.vector_load %arg9[%get3A_908, %get3A_909] {strides = array<i32>} : memref<16x1024xf32, #tpu.memory_space<vmem>>, vector<1x16xf32>,
      %get3A_911 = vector.shape_cast %get3A_910 : vector<1x16xf32> to vector<16xf32>
      %add3A_912 = arith.addf %get3A_907, %get3A_911 : vector<16xf32>
      %swap3A_913 = arith.index_cast %scan3A_148 : i32 to index
      %swap3A_914 = arith.constant 864 : index
      %swap3A_915 = tpu.vector_load %arg8[%swap3A_913, %swap3A_914] {strides = array<i32>} : memref<16x1024xf32, #tpu.memory_space<vmem>>, vector<1x16xf32>,
      %swap3A_916 = vector.shape_cast %swap3A_915 : vector<1x16xf32> to vector<16xf32>
      %swap3A_917 = vector.shape_cast %add3A_912 : vector<16xf32> to vector<1x16xf32>
      tpu.vector_store %arg8[%swap3A_913, %swap3A_914], %swap3A_917 {strides = array<i32>} : memref<16x1024xf32, #tpu.memory_space<vmem>>, vector<1x16xf32>,
      %get3A_918 = arith.index_cast %scan3A_148 : i32 to index
      %get3A_919 = arith.constant 880 : index
      %get3A_920 = tpu.vector_load %arg8[%get3A_918, %get3A_919] {strides = array<i32>} : memref<16x1024xf32, #tpu.memory_space<vmem>>, vector<1x16xf32>,
      %get3A_921 = vector.shape_cast %get3A_920 : vector<1x16xf32> to vector<16xf32>
      %get3A_922 = arith.index_cast %scan3A_148 : i32 to index
      %get3A_923 = arith.constant 880 : index
      %get3A_924 = tpu.vector_load %arg9[%get3A_922, %get3A_923] {strides = array<i32>} : memref<16x1024xf32, #tpu.memory_space<vmem>>, vector<1x16xf32>,
      %get3A_925 = vector.shape_cast %get3A_924 : vector<1x16xf32> to vector<16xf32>
      %add3A_926 = arith.addf %get3A_921, %get3A_925 : vector<16xf32>
      %swap3A_927 = arith.index_cast %scan3A_148 : i32 to index
      %swap3A_928 = arith.constant 880 : index
      %swap3A_929 = tpu.vector_load %arg8[%swap3A_927, %swap3A_928] {strides = array<i32>} : memref<16x1024xf32, #tpu.memory_space<vmem>>, vector<1x16xf32>,
      %swap3A_930 = vector.shape_cast %swap3A_929 : vector<1x16xf32> to vector<16xf32>
      %swap3A_931 = vector.shape_cast %add3A_926 : vector<16xf32> to vector<1x16xf32>
      tpu.vector_store %arg8[%swap3A_927, %swap3A_928], %swap3A_931 {strides = array<i32>} : memref<16x1024xf32, #tpu.memory_space<vmem>>, vector<1x16xf32>,
      %get3A_932 = arith.index_cast %scan3A_148 : i32 to index
      %get3A_933 = arith.constant 896 : index
      %get3A_934 = tpu.vector_load %arg8[%get3A_932, %get3A_933] {strides = array<i32>} : memref<16x1024xf32, #tpu.memory_space<vmem>>, vector<1x16xf32>,
      %get3A_935 = vector.shape_cast %get3A_934 : vector<1x16xf32> to vector<16xf32>
      %get3A_936 = arith.index_cast %scan3A_148 : i32 to index
      %get3A_937 = arith.constant 896 : index
      %get3A_938 = tpu.vector_load %arg9[%get3A_936, %get3A_937] {strides = array<i32>} : memref<16x1024xf32, #tpu.memory_space<vmem>>, vector<1x16xf32>,
      %get3A_939 = vector.shape_cast %get3A_938 : vector<1x16xf32> to vector<16xf32>
      %add3A_940 = arith.addf %get3A_935, %get3A_939 : vector<16xf32>
      %swap3A_941 = arith.index_cast %scan3A_148 : i32 to index
      %swap3A_942 = arith.constant 896 : index
      %swap3A_943 = tpu.vector_load %arg8[%swap3A_941, %swap3A_942] {strides = array<i32>} : memref<16x1024xf32, #tpu.memory_space<vmem>>, vector<1x16xf32>,
      %swap3A_944 = vector.shape_cast %swap3A_943 : vector<1x16xf32> to vector<16xf32>
      %swap3A_945 = vector.shape_cast %add3A_940 : vector<16xf32> to vector<1x16xf32>
      tpu.vector_store %arg8[%swap3A_941, %swap3A_942], %swap3A_945 {strides = array<i32>} : memref<16x1024xf32, #tpu.memory_space<vmem>>, vector<1x16xf32>,
      %get3A_946 = arith.index_cast %scan3A_148 : i32 to index
      %get3A_947 = arith.constant 912 : index
      %get3A_948 = tpu.vector_load %arg8[%get3A_946, %get3A_947] {strides = array<i32>} : memref<16x1024xf32, #tpu.memory_space<vmem>>, vector<1x16xf32>,
      %get3A_949 = vector.shape_cast %get3A_948 : vector<1x16xf32> to vector<16xf32>
      %get3A_950 = arith.index_cast %scan3A_148 : i32 to index
      %get3A_951 = arith.constant 912 : index
      %get3A_952 = tpu.vector_load %arg9[%get3A_950, %get3A_951] {strides = array<i32>} : memref<16x1024xf32, #tpu.memory_space<vmem>>, vector<1x16xf32>,
      %get3A_953 = vector.shape_cast %get3A_952 : vector<1x16xf32> to vector<16xf32>
      %add3A_954 = arith.addf %get3A_949, %get3A_953 : vector<16xf32>
      %swap3A_955 = arith.index_cast %scan3A_148 : i32 to index
      %swap3A_956 = arith.constant 912 : index
      %swap3A_957 = tpu.vector_load %arg8[%swap3A_955, %swap3A_956] {strides = array<i32>} : memref<16x1024xf32, #tpu.memory_space<vmem>>, vector<1x16xf32>,
      %swap3A_958 = vector.shape_cast %swap3A_957 : vector<1x16xf32> to vector<16xf32>
      %swap3A_959 = vector.shape_cast %add3A_954 : vector<16xf32> to vector<1x16xf32>
      tpu.vector_store %arg8[%swap3A_955, %swap3A_956], %swap3A_959 {strides = array<i32>} : memref<16x1024xf32, #tpu.memory_space<vmem>>, vector<1x16xf32>,
      %get3A_960 = arith.index_cast %scan3A_148 : i32 to index
      %get3A_961 = arith.constant 928 : index
      %get3A_962 = tpu.vector_load %arg8[%get3A_960, %get3A_961] {strides = array<i32>} : memref<16x1024xf32, #tpu.memory_space<vmem>>, vector<1x16xf32>,
      %get3A_963 = vector.shape_cast %get3A_962 : vector<1x16xf32> to vector<16xf32>
      %get3A_964 = arith.index_cast %scan3A_148 : i32 to index
      %get3A_965 = arith.constant 928 : index
      %get3A_966 = tpu.vector_load %arg9[%get3A_964, %get3A_965] {strides = array<i32>} : memref<16x1024xf32, #tpu.memory_space<vmem>>, vector<1x16xf32>,
      %get3A_967 = vector.shape_cast %get3A_966 : vector<1x16xf32> to vector<16xf32>
      %add3A_968 = arith.addf %get3A_963, %get3A_967 : vector<16xf32>
      %swap3A_969 = arith.index_cast %scan3A_148 : i32 to index
      %swap3A_970 = arith.constant 928 : index
      %swap3A_971 = tpu.vector_load %arg8[%swap3A_969, %swap3A_970] {strides = array<i32>} : memref<16x1024xf32, #tpu.memory_space<vmem>>, vector<1x16xf32>,
      %swap3A_972 = vector.shape_cast %swap3A_971 : vector<1x16xf32> to vector<16xf32>
      %swap3A_973 = vector.shape_cast %add3A_968 : vector<16xf32> to vector<1x16xf32>
      tpu.vector_store %arg8[%swap3A_969, %swap3A_970], %swap3A_973 {strides = array<i32>} : memref<16x1024xf32, #tpu.memory_space<vmem>>, vector<1x16xf32>,
      %get3A_974 = arith.index_cast %scan3A_148 : i32 to index
      %get3A_975 = arith.constant 944 : index
      %get3A_976 = tpu.vector_load %arg8[%get3A_974, %get3A_975] {strides = array<i32>} : memref<16x1024xf32, #tpu.memory_space<vmem>>, vector<1x16xf32>,
      %get3A_977 = vector.shape_cast %get3A_976 : vector<1x16xf32> to vector<16xf32>
      %get3A_978 = arith.index_cast %scan3A_148 : i32 to index
      %get3A_979 = arith.constant 944 : index
      %get3A_980 = tpu.vector_load %arg9[%get3A_978, %get3A_979] {strides = array<i32>} : memref<16x1024xf32, #tpu.memory_space<vmem>>, vector<1x16xf32>,
      %get3A_981 = vector.shape_cast %get3A_980 : vector<1x16xf32> to vector<16xf32>
      %add3A_982 = arith.addf %get3A_977, %get3A_981 : vector<16xf32>
      %swap3A_983 = arith.index_cast %scan3A_148 : i32 to index
      %swap3A_984 = arith.constant 944 : index
      %swap3A_985 = tpu.vector_load %arg8[%swap3A_983, %swap3A_984] {strides = array<i32>} : memref<16x1024xf32, #tpu.memory_space<vmem>>, vector<1x16xf32>,
      %swap3A_986 = vector.shape_cast %swap3A_985 : vector<1x16xf32> to vector<16xf32>
      %swap3A_987 = vector.shape_cast %add3A_982 : vector<16xf32> to vector<1x16xf32>
      tpu.vector_store %arg8[%swap3A_983, %swap3A_984], %swap3A_987 {strides = array<i32>} : memref<16x1024xf32, #tpu.memory_space<vmem>>, vector<1x16xf32>,
      %get3A_988 = arith.index_cast %scan3A_148 : i32 to index
      %get3A_989 = arith.constant 960 : index
      %get3A_990 = tpu.vector_load %arg8[%get3A_988, %get3A_989] {strides = array<i32>} : memref<16x1024xf32, #tpu.memory_space<vmem>>, vector<1x16xf32>,
      %get3A_991 = vector.shape_cast %get3A_990 : vector<1x16xf32> to vector<16xf32>
      %get3A_992 = arith.index_cast %scan3A_148 : i32 to index
      %get3A_993 = arith.constant 960 : index
      %get3A_994 = tpu.vector_load %arg9[%get3A_992, %get3A_993] {strides = array<i32>} : memref<16x1024xf32, #tpu.memory_space<vmem>>, vector<1x16xf32>,
      %get3A_995 = vector.shape_cast %get3A_994 : vector<1x16xf32> to vector<16xf32>
      %add3A_996 = arith.addf %get3A_991, %get3A_995 : vector<16xf32>
      %swap3A_997 = arith.index_cast %scan3A_148 : i32 to index
      %swap3A_998 = arith.constant 960 : index
      %swap3A_999 = tpu.vector_load %arg8[%swap3A_997, %swap3A_998] {strides = array<i32>} : memref<16x1024xf32, #tpu.memory_space<vmem>>, vector<1x16xf32>,
      %swap3A_1000 = vector.shape_cast %swap3A_999 : vector<1x16xf32> to vector<16xf32>
      %swap3A_1001 = vector.shape_cast %add3A_996 : vector<16xf32> to vector<1x16xf32>
      tpu.vector_store %arg8[%swap3A_997, %swap3A_998], %swap3A_1001 {strides = array<i32>} : memref<16x1024xf32, #tpu.memory_space<vmem>>, vector<1x16xf32>,
      %get3A_1002 = arith.index_cast %scan3A_148 : i32 to index
      %get3A_1003 = arith.constant 976 : index
      %get3A_1004 = tpu.vector_load %arg8[%get3A_1002, %get3A_1003] {strides = array<i32>} : memref<16x1024xf32, #tpu.memory_space<vmem>>, vector<1x16xf32>,
      %get3A_1005 = vector.shape_cast %get3A_1004 : vector<1x16xf32> to vector<16xf32>
      %get3A_1006 = arith.index_cast %scan3A_148 : i32 to index
      %get3A_1007 = arith.constant 976 : index
      %get3A_1008 = tpu.vector_load %arg9[%get3A_1006, %get3A_1007] {strides = array<i32>} : memref<16x1024xf32, #tpu.memory_space<vmem>>, vector<1x16xf32>,
      %get3A_1009 = vector.shape_cast %get3A_1008 : vector<1x16xf32> to vector<16xf32>
      %add3A_1010 = arith.addf %get3A_1005, %get3A_1009 : vector<16xf32>
      %swap3A_1011 = arith.index_cast %scan3A_148 : i32 to index
      %swap3A_1012 = arith.constant 976 : index
      %swap3A_1013 = tpu.vector_load %arg8[%swap3A_1011, %swap3A_1012] {strides = array<i32>} : memref<16x1024xf32, #tpu.memory_space<vmem>>, vector<1x16xf32>,
      %swap3A_1014 = vector.shape_cast %swap3A_1013 : vector<1x16xf32> to vector<16xf32>
      %swap3A_1015 = vector.shape_cast %add3A_1010 : vector<16xf32> to vector<1x16xf32>
      tpu.vector_store %arg8[%swap3A_1011, %swap3A_1012], %swap3A_1015 {strides = array<i32>} : memref<16x1024xf32, #tpu.memory_space<vmem>>, vector<1x16xf32>,
      %get3A_1016 = arith.index_cast %scan3A_148 : i32 to index
      %get3A_1017 = arith.constant 992 : index
      %get3A_1018 = tpu.vector_load %arg8[%get3A_1016, %get3A_1017] {strides = array<i32>} : memref<16x1024xf32, #tpu.memory_space<vmem>>, vector<1x16xf32>,
      %get3A_1019 = vector.shape_cast %get3A_1018 : vector<1x16xf32> to vector<16xf32>
      %get3A_1020 = arith.index_cast %scan3A_148 : i32 to index
      %get3A_1021 = arith.constant 992 : index
      %get3A_1022 = tpu.vector_load %arg9[%get3A_1020, %get3A_1021] {strides = array<i32>} : memref<16x1024xf32, #tpu.memory_space<vmem>>, vector<1x16xf32>,
      %get3A_1023 = vector.shape_cast %get3A_1022 : vector<1x16xf32> to vector<16xf32>
      %add3A_1024 = arith.addf %get3A_1019, %get3A_1023 : vector<16xf32>
      %swap3A_1025 = arith.index_cast %scan3A_148 : i32 to index
      %swap3A_1026 = arith.constant 992 : index
      %swap3A_1027 = tpu.vector_load %arg8[%swap3A_1025, %swap3A_1026] {strides = array<i32>} : memref<16x1024xf32, #tpu.memory_space<vmem>>, vector<1x16xf32>,
      %swap3A_1028 = vector.shape_cast %swap3A_1027 : vector<1x16xf32> to vector<16xf32>
      %swap3A_1029 = vector.shape_cast %add3A_1024 : vector<16xf32> to vector<1x16xf32>
      tpu.vector_store %arg8[%swap3A_1025, %swap3A_1026], %swap3A_1029 {strides = array<i32>} : memref<16x1024xf32, #tpu.memory_space<vmem>>, vector<1x16xf32>,
      %get3A_1030 = arith.index_cast %scan3A_148 : i32 to index
      %get3A_1031 = arith.constant 1008 : index
      %get3A_1032 = tpu.vector_load %arg8[%get3A_1030, %get3A_1031] {strides = array<i32>} : memref<16x1024xf32, #tpu.memory_space<vmem>>, vector<1x16xf32>,
      %get3A_1033 = vector.shape_cast %get3A_1032 : vector<1x16xf32> to vector<16xf32>
      %get3A_1034 = arith.index_cast %scan3A_148 : i32 to index
      %get3A_1035 = arith.constant 1008 : index
      %get3A_1036 = tpu.vector_load %arg9[%get3A_1034, %get3A_1035] {strides = array<i32>} : memref<16x1024xf32, #tpu.memory_space<vmem>>, vector<1x16xf32>,
      %get3A_1037 = vector.shape_cast %get3A_1036 : vector<1x16xf32> to vector<16xf32>
      %add3A_1038 = arith.addf %get3A_1033, %get3A_1037 : vector<16xf32>
      %swap3A_1039 = arith.index_cast %scan3A_148 : i32 to index
      %swap3A_1040 = arith.constant 1008 : index
      %swap3A_1041 = tpu.vector_load %arg8[%swap3A_1039, %swap3A_1040] {strides = array<i32>} : memref<16x1024xf32, #tpu.memory_space<vmem>>, vector<1x16xf32>,
      %swap3A_1042 = vector.shape_cast %swap3A_1041 : vector<1x16xf32> to vector<16xf32>
      %swap3A_1043 = vector.shape_cast %add3A_1038 : vector<16xf32> to vector<1x16xf32>
      tpu.vector_store %arg8[%swap3A_1039, %swap3A_1040], %swap3A_1043 {strides = array<i32>} : memref<16x1024xf32, #tpu.memory_space<vmem>>, vector<1x16xf32>,
      %scan3A_1044 = arith.constant 0 : i32
      scf.yield %scan3A_1044 : i32
    }
    %scan3A_46 = arith.constant 16 : i32
    %add3A_47 = arith.constant 0 : i32
    %add3A_48 = arith.addi %mul3A_2, %add3A_47 : i32
    %dma_start3A_49 = arith.constant 0 : i32
    %dma_start3A_50 = tpu.memref_slice %arg5[%add3A_48, %dma_start3A_49] : memref<2048x1024xf32, #tpu.memory_space<hbm>> -> memref<16x1024xf32, #tpu.memory_space<hbm>>
    %dma_start3A_51 = arith.constant 0 : i32
    %dma_start3A_52 = tpu.memref_slice %arg5[%add3A_48, %dma_start3A_51] : memref<2048x1024xf32, #tpu.memory_space<hbm>> -> memref<16x1024xf32, #tpu.memory_space<hbm>>
    tpu.enqueue_dma source(%arg8 : memref<16x1024xf32, #tpu.memory_space<vmem>>) target(%dma_start3A_52 : memref<16x1024xf32, #tpu.memory_space<hbm>>) target_semaphore(%arg20 : memref<!tpu.dma_semaphore, #tpu.memory_space<semaphore_mem>>)
    %dma_wait3A_53 = arith.constant 0 : i32
    %dma_wait3A_54 = tpu.memref_slice %arg5[%add3A_48, %dma_wait3A_53] : memref<2048x1024xf32, #tpu.memory_space<hbm>> -> memref<16x1024xf32, #tpu.memory_space<hbm>>
    %dma_wait3A_55 = arith.constant 0 : i32
    %dma_wait3A_56 = tpu.memref_slice %arg5[%add3A_48, %dma_wait3A_55] : memref<2048x1024xf32, #tpu.memory_space<hbm>> -> memref<16x1024xf32, #tpu.memory_space<hbm>>
    tpu.wait_dma2 semaphore(%arg20 : memref<!tpu.dma_semaphore, #tpu.memory_space<semaphore_mem>>) src(%arg8 : memref<16x1024xf32, #tpu.memory_space<vmem>>) dst(%dma_wait3A_56 : memref<16x1024xf32, #tpu.memory_space<hbm>>)
    %dma_start3A_57 = arith.constant 48 : i32
    %dma_start3A_58 = tpu.memref_slice %arg6[%dma_start3A_57] : memref<64xi32, #tpu.memory_space<vmem>> -> memref<16xi32, #tpu.memory_space<vmem>>
    %dma_start3A_59 = arith.constant 0 : i32
    %dma_start3A_60 = arith.constant 0 : i32
    %dma_start3A_61 = tpu.memref_slice %arg2[%dma_start3A_59, %dma_start3A_60] : memref<5888x1024xf32, #tpu.memory_space<hbm>> -> memref<5888x1024xf32, #tpu.memory_space<hbm>>
    tpu.enqueue_indirect_dma source(%dma_start3A_61 : memref<5888x1024xf32, #tpu.memory_space<hbm>>) target(%arg8 : memref<16x1024xf32, #tpu.memory_space<vmem>>) offsets(%dma_start3A_58 : memref<16xi32, #tpu.memory_space<vmem>>) semaphore(%arg14 : memref<!tpu.dma_semaphore, #tpu.memory_space<semaphore_mem>>)
    %dma_start3A_62 = arith.constant 48 : i32
    %dma_start3A_63 = tpu.memref_slice %arg7[%dma_start3A_62] : memref<64xi32, #tpu.memory_space<vmem>> -> memref<16xi32, #tpu.memory_space<vmem>>
    %dma_start3A_64 = arith.constant 0 : i32
    %dma_start3A_65 = arith.constant 0 : i32
    %dma_start3A_66 = tpu.memref_slice %arg2[%dma_start3A_64, %dma_start3A_65] : memref<5888x1024xf32, #tpu.memory_space<hbm>> -> memref<5888x1024xf32, #tpu.memory_space<hbm>>
    tpu.enqueue_indirect_dma source(%dma_start3A_66 : memref<5888x1024xf32, #tpu.memory_space<hbm>>) target(%arg9 : memref<16x1024xf32, #tpu.memory_space<vmem>>) offsets(%dma_start3A_63 : memref<16xi32, #tpu.memory_space<vmem>>) semaphore(%arg15 : memref<!tpu.dma_semaphore, #tpu.memory_space<semaphore_mem>>)
    %dma_wait3A_67 = arith.constant 16 : i32
    %dma_wait3A_68 = tpu.memref_slice %arg6[%dma_wait3A_67] : memref<64xi32, #tpu.memory_space<vmem>> -> memref<16xi32, #tpu.memory_space<vmem>>
    %dma_wait3A_69 = arith.constant 0 : i32
    %dma_wait3A_70 = arith.constant 0 : i32
    %dma_wait3A_71 = tpu.memref_slice %arg2[%dma_wait3A_69, %dma_wait3A_70] : memref<5888x1024xf32, #tpu.memory_space<hbm>> -> memref<5888x1024xf32, #tpu.memory_space<hbm>>
    tpu.wait_indirect_dma semaphore(%arg16 : memref<!tpu.dma_semaphore, #tpu.memory_space<semaphore_mem>>) src(%dma_wait3A_71 : memref<5888x1024xf32, #tpu.memory_space<hbm>>) dst(%arg10 : memref<16x1024xf32, #tpu.memory_space<vmem>>)
    %dma_wait3A_72 = arith.constant 16 : i32
    %dma_wait3A_73 = tpu.memref_slice %arg7[%dma_wait3A_72] : memref<64xi32, #tpu.memory_space<vmem>> -> memref<16xi32, #tpu.memory_space<vmem>>
    %dma_wait3A_74 = arith.constant 0 : i32
    %dma_wait3A_75 = arith.constant 0 : i32
    %dma_wait3A_76 = tpu.memref_slice %arg2[%dma_wait3A_74, %dma_wait3A_75] : memref<5888x1024xf32, #tpu.memory_space<hbm>> -> memref<5888x1024xf32, #tpu.memory_space<hbm>>
    tpu.wait_indirect_dma semaphore(%arg17 : memref<!tpu.dma_semaphore, #tpu.memory_space<semaphore_mem>>) src(%dma_wait3A_76 : memref<5888x1024xf32, #tpu.memory_space<hbm>>) dst(%arg11 : memref<16x1024xf32, #tpu.memory_space<vmem>>)
    %scan3A_77 = arith.constant 0 : i32
    %scan3A_78 = arith.constant 0 : i32
    %scan3A_79 = arith.constant 16 : i32
    %scan3A_80 = arith.addi %scan3A_78, %scan3A_79 : i32
    %scan3A_81 = arith.constant 1 : i32
    %scan3A_82 = scf.for %scan3A_148 = %scan3A_78 to %scan3A_80 step %scan3A_81 iter_args(%scan3A_149 = %scan3A_77) -> (i32)  : i32 {
      %get3A = arith.index_cast %scan3A_148 : i32 to index
      %get3A_150 = arith.constant 0 : index
      %get3A_151 = tpu.vector_load %arg10[%get3A, %get3A_150] {strides = array<i32>} : memref<16x1024xf32, #tpu.memory_space<vmem>>, vector<1x16xf32>,
      %get3A_152 = vector.shape_cast %get3A_151 : vector<1x16xf32> to vector<16xf32>
      %get3A_153 = arith.index_cast %scan3A_148 : i32 to index
      %get3A_154 = arith.constant 0 : index
      %get3A_155 = tpu.vector_load %arg11[%get3A_153, %get3A_154] {strides = array<i32>} : memref<16x1024xf32, #tpu.memory_space<vmem>>, vector<1x16xf32>,
      %get3A_156 = vector.shape_cast %get3A_155 : vector<1x16xf32> to vector<16xf32>
      %add3A_157 = arith.addf %get3A_152, %get3A_156 : vector<16xf32>
      %swap3A = arith.index_cast %scan3A_148 : i32 to index
      %swap3A_158 = arith.constant 0 : index
      %swap3A_159 = tpu.vector_load %arg10[%swap3A, %swap3A_158] {strides = array<i32>} : memref<16x1024xf32, #tpu.memory_space<vmem>>, vector<1x16xf32>,
      %swap3A_160 = vector.shape_cast %swap3A_159 : vector<1x16xf32> to vector<16xf32>
      %swap3A_161 = vector.shape_cast %add3A_157 : vector<16xf32> to vector<1x16xf32>
      tpu.vector_store %arg10[%swap3A, %swap3A_158], %swap3A_161 {strides = array<i32>} : memref<16x1024xf32, #tpu.memory_space<vmem>>, vector<1x16xf32>,
      %get3A_162 = arith.index_cast %scan3A_148 : i32 to index
      %get3A_163 = arith.constant 16 : index
      %get3A_164 = tpu.vector_load %arg10[%get3A_162, %get3A_163] {strides = array<i32>} : memref<16x1024xf32, #tpu.memory_space<vmem>>, vector<1x16xf32>,
      %get3A_165 = vector.shape_cast %get3A_164 : vector<1x16xf32> to vector<16xf32>
      %get3A_166 = arith.index_cast %scan3A_148 : i32 to index
      %get3A_167 = arith.constant 16 : index
      %get3A_168 = tpu.vector_load %arg11[%get3A_166, %get3A_167] {strides = array<i32>} : memref<16x1024xf32, #tpu.memory_space<vmem>>, vector<1x16xf32>,
      %get3A_169 = vector.shape_cast %get3A_168 : vector<1x16xf32> to vector<16xf32>
      %add3A_170 = arith.addf %get3A_165, %get3A_169 : vector<16xf32>
      %swap3A_171 = arith.index_cast %scan3A_148 : i32 to index
      %swap3A_172 = arith.constant 16 : index
      %swap3A_173 = tpu.vector_load %arg10[%swap3A_171, %swap3A_172] {strides = array<i32>} : memref<16x1024xf32, #tpu.memory_space<vmem>>, vector<1x16xf32>,
      %swap3A_174 = vector.shape_cast %swap3A_173 : vector<1x16xf32> to vector<16xf32>
      %swap3A_175 = vector.shape_cast %add3A_170 : vector<16xf32> to vector<1x16xf32>
      tpu.vector_store %arg10[%swap3A_171, %swap3A_172], %swap3A_175 {strides = array<i32>} : memref<16x1024xf32, #tpu.memory_space<vmem>>, vector<1x16xf32>,
      %get3A_176 = arith.index_cast %scan3A_148 : i32 to index
      %get3A_177 = arith.constant 32 : index
      %get3A_178 = tpu.vector_load %arg10[%get3A_176, %get3A_177] {strides = array<i32>} : memref<16x1024xf32, #tpu.memory_space<vmem>>, vector<1x16xf32>,
      %get3A_179 = vector.shape_cast %get3A_178 : vector<1x16xf32> to vector<16xf32>
      %get3A_180 = arith.index_cast %scan3A_148 : i32 to index
      %get3A_181 = arith.constant 32 : index
      %get3A_182 = tpu.vector_load %arg11[%get3A_180, %get3A_181] {strides = array<i32>} : memref<16x1024xf32, #tpu.memory_space<vmem>>, vector<1x16xf32>,
      %get3A_183 = vector.shape_cast %get3A_182 : vector<1x16xf32> to vector<16xf32>
      %add3A_184 = arith.addf %get3A_179, %get3A_183 : vector<16xf32>
      %swap3A_185 = arith.index_cast %scan3A_148 : i32 to index
      %swap3A_186 = arith.constant 32 : index
      %swap3A_187 = tpu.vector_load %arg10[%swap3A_185, %swap3A_186] {strides = array<i32>} : memref<16x1024xf32, #tpu.memory_space<vmem>>, vector<1x16xf32>,
      %swap3A_188 = vector.shape_cast %swap3A_187 : vector<1x16xf32> to vector<16xf32>
      %swap3A_189 = vector.shape_cast %add3A_184 : vector<16xf32> to vector<1x16xf32>
      tpu.vector_store %arg10[%swap3A_185, %swap3A_186], %swap3A_189 {strides = array<i32>} : memref<16x1024xf32, #tpu.memory_space<vmem>>, vector<1x16xf32>,
      %get3A_190 = arith.index_cast %scan3A_148 : i32 to index
      %get3A_191 = arith.constant 48 : index
      %get3A_192 = tpu.vector_load %arg10[%get3A_190, %get3A_191] {strides = array<i32>} : memref<16x1024xf32, #tpu.memory_space<vmem>>, vector<1x16xf32>,
      %get3A_193 = vector.shape_cast %get3A_192 : vector<1x16xf32> to vector<16xf32>
      %get3A_194 = arith.index_cast %scan3A_148 : i32 to index
      %get3A_195 = arith.constant 48 : index
      %get3A_196 = tpu.vector_load %arg11[%get3A_194, %get3A_195] {strides = array<i32>} : memref<16x1024xf32, #tpu.memory_space<vmem>>, vector<1x16xf32>,
      %get3A_197 = vector.shape_cast %get3A_196 : vector<1x16xf32> to vector<16xf32>
      %add3A_198 = arith.addf %get3A_193, %get3A_197 : vector<16xf32>
      %swap3A_199 = arith.index_cast %scan3A_148 : i32 to index
      %swap3A_200 = arith.constant 48 : index
      %swap3A_201 = tpu.vector_load %arg10[%swap3A_199, %swap3A_200] {strides = array<i32>} : memref<16x1024xf32, #tpu.memory_space<vmem>>, vector<1x16xf32>,
      %swap3A_202 = vector.shape_cast %swap3A_201 : vector<1x16xf32> to vector<16xf32>
      %swap3A_203 = vector.shape_cast %add3A_198 : vector<16xf32> to vector<1x16xf32>
      tpu.vector_store %arg10[%swap3A_199, %swap3A_200], %swap3A_203 {strides = array<i32>} : memref<16x1024xf32, #tpu.memory_space<vmem>>, vector<1x16xf32>,
      %get3A_204 = arith.index_cast %scan3A_148 : i32 to index
      %get3A_205 = arith.constant 64 : index
      %get3A_206 = tpu.vector_load %arg10[%get3A_204, %get3A_205] {strides = array<i32>} : memref<16x1024xf32, #tpu.memory_space<vmem>>, vector<1x16xf32>,
      %get3A_207 = vector.shape_cast %get3A_206 : vector<1x16xf32> to vector<16xf32>
      %get3A_208 = arith.index_cast %scan3A_148 : i32 to index
      %get3A_209 = arith.constant 64 : index
      %get3A_210 = tpu.vector_load %arg11[%get3A_208, %get3A_209] {strides = array<i32>} : memref<16x1024xf32, #tpu.memory_space<vmem>>, vector<1x16xf32>,
      %get3A_211 = vector.shape_cast %get3A_210 : vector<1x16xf32> to vector<16xf32>
      %add3A_212 = arith.addf %get3A_207, %get3A_211 : vector<16xf32>
      %swap3A_213 = arith.index_cast %scan3A_148 : i32 to index
      %swap3A_214 = arith.constant 64 : index
      %swap3A_215 = tpu.vector_load %arg10[%swap3A_213, %swap3A_214] {strides = array<i32>} : memref<16x1024xf32, #tpu.memory_space<vmem>>, vector<1x16xf32>,
      %swap3A_216 = vector.shape_cast %swap3A_215 : vector<1x16xf32> to vector<16xf32>
      %swap3A_217 = vector.shape_cast %add3A_212 : vector<16xf32> to vector<1x16xf32>
      tpu.vector_store %arg10[%swap3A_213, %swap3A_214], %swap3A_217 {strides = array<i32>} : memref<16x1024xf32, #tpu.memory_space<vmem>>, vector<1x16xf32>,
      %get3A_218 = arith.index_cast %scan3A_148 : i32 to index
      %get3A_219 = arith.constant 80 : index
      %get3A_220 = tpu.vector_load %arg10[%get3A_218, %get3A_219] {strides = array<i32>} : memref<16x1024xf32, #tpu.memory_space<vmem>>, vector<1x16xf32>,
      %get3A_221 = vector.shape_cast %get3A_220 : vector<1x16xf32> to vector<16xf32>
      %get3A_222 = arith.index_cast %scan3A_148 : i32 to index
      %get3A_223 = arith.constant 80 : index
      %get3A_224 = tpu.vector_load %arg11[%get3A_222, %get3A_223] {strides = array<i32>} : memref<16x1024xf32, #tpu.memory_space<vmem>>, vector<1x16xf32>,
      %get3A_225 = vector.shape_cast %get3A_224 : vector<1x16xf32> to vector<16xf32>
      %add3A_226 = arith.addf %get3A_221, %get3A_225 : vector<16xf32>
      %swap3A_227 = arith.index_cast %scan3A_148 : i32 to index
      %swap3A_228 = arith.constant 80 : index
      %swap3A_229 = tpu.vector_load %arg10[%swap3A_227, %swap3A_228] {strides = array<i32>} : memref<16x1024xf32, #tpu.memory_space<vmem>>, vector<1x16xf32>,
      %swap3A_230 = vector.shape_cast %swap3A_229 : vector<1x16xf32> to vector<16xf32>
      %swap3A_231 = vector.shape_cast %add3A_226 : vector<16xf32> to vector<1x16xf32>
      tpu.vector_store %arg10[%swap3A_227, %swap3A_228], %swap3A_231 {strides = array<i32>} : memref<16x1024xf32, #tpu.memory_space<vmem>>, vector<1x16xf32>,
      %get3A_232 = arith.index_cast %scan3A_148 : i32 to index
      %get3A_233 = arith.constant 96 : index
      %get3A_234 = tpu.vector_load %arg10[%get3A_232, %get3A_233] {strides = array<i32>} : memref<16x1024xf32, #tpu.memory_space<vmem>>, vector<1x16xf32>,
      %get3A_235 = vector.shape_cast %get3A_234 : vector<1x16xf32> to vector<16xf32>
      %get3A_236 = arith.index_cast %scan3A_148 : i32 to index
      %get3A_237 = arith.constant 96 : index
      %get3A_238 = tpu.vector_load %arg11[%get3A_236, %get3A_237] {strides = array<i32>} : memref<16x1024xf32, #tpu.memory_space<vmem>>, vector<1x16xf32>,
      %get3A_239 = vector.shape_cast %get3A_238 : vector<1x16xf32> to vector<16xf32>
      %add3A_240 = arith.addf %get3A_235, %get3A_239 : vector<16xf32>
      %swap3A_241 = arith.index_cast %scan3A_148 : i32 to index
      %swap3A_242 = arith.constant 96 : index
      %swap3A_243 = tpu.vector_load %arg10[%swap3A_241, %swap3A_242] {strides = array<i32>} : memref<16x1024xf32, #tpu.memory_space<vmem>>, vector<1x16xf32>,
      %swap3A_244 = vector.shape_cast %swap3A_243 : vector<1x16xf32> to vector<16xf32>
      %swap3A_245 = vector.shape_cast %add3A_240 : vector<16xf32> to vector<1x16xf32>
      tpu.vector_store %arg10[%swap3A_241, %swap3A_242], %swap3A_245 {strides = array<i32>} : memref<16x1024xf32, #tpu.memory_space<vmem>>, vector<1x16xf32>,
      %get3A_246 = arith.index_cast %scan3A_148 : i32 to index
      %get3A_247 = arith.constant 112 : index
      %get3A_248 = tpu.vector_load %arg10[%get3A_246, %get3A_247] {strides = array<i32>} : memref<16x1024xf32, #tpu.memory_space<vmem>>, vector<1x16xf32>,
      %get3A_249 = vector.shape_cast %get3A_248 : vector<1x16xf32> to vector<16xf32>
      %get3A_250 = arith.index_cast %scan3A_148 : i32 to index
      %get3A_251 = arith.constant 112 : index
      %get3A_252 = tpu.vector_load %arg11[%get3A_250, %get3A_251] {strides = array<i32>} : memref<16x1024xf32, #tpu.memory_space<vmem>>, vector<1x16xf32>,
      %get3A_253 = vector.shape_cast %get3A_252 : vector<1x16xf32> to vector<16xf32>
      %add3A_254 = arith.addf %get3A_249, %get3A_253 : vector<16xf32>
      %swap3A_255 = arith.index_cast %scan3A_148 : i32 to index
      %swap3A_256 = arith.constant 112 : index
      %swap3A_257 = tpu.vector_load %arg10[%swap3A_255, %swap3A_256] {strides = array<i32>} : memref<16x1024xf32, #tpu.memory_space<vmem>>, vector<1x16xf32>,
      %swap3A_258 = vector.shape_cast %swap3A_257 : vector<1x16xf32> to vector<16xf32>
      %swap3A_259 = vector.shape_cast %add3A_254 : vector<16xf32> to vector<1x16xf32>
      tpu.vector_store %arg10[%swap3A_255, %swap3A_256], %swap3A_259 {strides = array<i32>} : memref<16x1024xf32, #tpu.memory_space<vmem>>, vector<1x16xf32>,
      %get3A_260 = arith.index_cast %scan3A_148 : i32 to index
      %get3A_261 = arith.constant 128 : index
      %get3A_262 = tpu.vector_load %arg10[%get3A_260, %get3A_261] {strides = array<i32>} : memref<16x1024xf32, #tpu.memory_space<vmem>>, vector<1x16xf32>,
      %get3A_263 = vector.shape_cast %get3A_262 : vector<1x16xf32> to vector<16xf32>
      %get3A_264 = arith.index_cast %scan3A_148 : i32 to index
      %get3A_265 = arith.constant 128 : index
      %get3A_266 = tpu.vector_load %arg11[%get3A_264, %get3A_265] {strides = array<i32>} : memref<16x1024xf32, #tpu.memory_space<vmem>>, vector<1x16xf32>,
      %get3A_267 = vector.shape_cast %get3A_266 : vector<1x16xf32> to vector<16xf32>
      %add3A_268 = arith.addf %get3A_263, %get3A_267 : vector<16xf32>
      %swap3A_269 = arith.index_cast %scan3A_148 : i32 to index
      %swap3A_270 = arith.constant 128 : index
      %swap3A_271 = tpu.vector_load %arg10[%swap3A_269, %swap3A_270] {strides = array<i32>} : memref<16x1024xf32, #tpu.memory_space<vmem>>, vector<1x16xf32>,
      %swap3A_272 = vector.shape_cast %swap3A_271 : vector<1x16xf32> to vector<16xf32>
      %swap3A_273 = vector.shape_cast %add3A_268 : vector<16xf32> to vector<1x16xf32>
      tpu.vector_store %arg10[%swap3A_269, %swap3A_270], %swap3A_273 {strides = array<i32>} : memref<16x1024xf32, #tpu.memory_space<vmem>>, vector<1x16xf32>,
      %get3A_274 = arith.index_cast %scan3A_148 : i32 to index
      %get3A_275 = arith.constant 144 : index
      %get3A_276 = tpu.vector_load %arg10[%get3A_274, %get3A_275] {strides = array<i32>} : memref<16x1024xf32, #tpu.memory_space<vmem>>, vector<1x16xf32>,
      %get3A_277 = vector.shape_cast %get3A_276 : vector<1x16xf32> to vector<16xf32>
      %get3A_278 = arith.index_cast %scan3A_148 : i32 to index
      %get3A_279 = arith.constant 144 : index
      %get3A_280 = tpu.vector_load %arg11[%get3A_278, %get3A_279] {strides = array<i32>} : memref<16x1024xf32, #tpu.memory_space<vmem>>, vector<1x16xf32>,
      %get3A_281 = vector.shape_cast %get3A_280 : vector<1x16xf32> to vector<16xf32>
      %add3A_282 = arith.addf %get3A_277, %get3A_281 : vector<16xf32>
      %swap3A_283 = arith.index_cast %scan3A_148 : i32 to index
      %swap3A_284 = arith.constant 144 : index
      %swap3A_285 = tpu.vector_load %arg10[%swap3A_283, %swap3A_284] {strides = array<i32>} : memref<16x1024xf32, #tpu.memory_space<vmem>>, vector<1x16xf32>,
      %swap3A_286 = vector.shape_cast %swap3A_285 : vector<1x16xf32> to vector<16xf32>
      %swap3A_287 = vector.shape_cast %add3A_282 : vector<16xf32> to vector<1x16xf32>
      tpu.vector_store %arg10[%swap3A_283, %swap3A_284], %swap3A_287 {strides = array<i32>} : memref<16x1024xf32, #tpu.memory_space<vmem>>, vector<1x16xf32>,
      %get3A_288 = arith.index_cast %scan3A_148 : i32 to index
      %get3A_289 = arith.constant 160 : index
      %get3A_290 = tpu.vector_load %arg10[%get3A_288, %get3A_289] {strides = array<i32>} : memref<16x1024xf32, #tpu.memory_space<vmem>>, vector<1x16xf32>,
      %get3A_291 = vector.shape_cast %get3A_290 : vector<1x16xf32> to vector<16xf32>
      %get3A_292 = arith.index_cast %scan3A_148 : i32 to index
      %get3A_293 = arith.constant 160 : index
      %get3A_294 = tpu.vector_load %arg11[%get3A_292, %get3A_293] {strides = array<i32>} : memref<16x1024xf32, #tpu.memory_space<vmem>>, vector<1x16xf32>,
      %get3A_295 = vector.shape_cast %get3A_294 : vector<1x16xf32> to vector<16xf32>
      %add3A_296 = arith.addf %get3A_291, %get3A_295 : vector<16xf32>
      %swap3A_297 = arith.index_cast %scan3A_148 : i32 to index
      %swap3A_298 = arith.constant 160 : index
      %swap3A_299 = tpu.vector_load %arg10[%swap3A_297, %swap3A_298] {strides = array<i32>} : memref<16x1024xf32, #tpu.memory_space<vmem>>, vector<1x16xf32>,
      %swap3A_300 = vector.shape_cast %swap3A_299 : vector<1x16xf32> to vector<16xf32>
      %swap3A_301 = vector.shape_cast %add3A_296 : vector<16xf32> to vector<1x16xf32>
      tpu.vector_store %arg10[%swap3A_297, %swap3A_298], %swap3A_301 {strides = array<i32>} : memref<16x1024xf32, #tpu.memory_space<vmem>>, vector<1x16xf32>,
      %get3A_302 = arith.index_cast %scan3A_148 : i32 to index
      %get3A_303 = arith.constant 176 : index
      %get3A_304 = tpu.vector_load %arg10[%get3A_302, %get3A_303] {strides = array<i32>} : memref<16x1024xf32, #tpu.memory_space<vmem>>, vector<1x16xf32>,
      %get3A_305 = vector.shape_cast %get3A_304 : vector<1x16xf32> to vector<16xf32>
      %get3A_306 = arith.index_cast %scan3A_148 : i32 to index
      %get3A_307 = arith.constant 176 : index
      %get3A_308 = tpu.vector_load %arg11[%get3A_306, %get3A_307] {strides = array<i32>} : memref<16x1024xf32, #tpu.memory_space<vmem>>, vector<1x16xf32>,
      %get3A_309 = vector.shape_cast %get3A_308 : vector<1x16xf32> to vector<16xf32>
      %add3A_310 = arith.addf %get3A_305, %get3A_309 : vector<16xf32>
      %swap3A_311 = arith.index_cast %scan3A_148 : i32 to index
      %swap3A_312 = arith.constant 176 : index
      %swap3A_313 = tpu.vector_load %arg10[%swap3A_311, %swap3A_312] {strides = array<i32>} : memref<16x1024xf32, #tpu.memory_space<vmem>>, vector<1x16xf32>,
      %swap3A_314 = vector.shape_cast %swap3A_313 : vector<1x16xf32> to vector<16xf32>
      %swap3A_315 = vector.shape_cast %add3A_310 : vector<16xf32> to vector<1x16xf32>
      tpu.vector_store %arg10[%swap3A_311, %swap3A_312], %swap3A_315 {strides = array<i32>} : memref<16x1024xf32, #tpu.memory_space<vmem>>, vector<1x16xf32>,
      %get3A_316 = arith.index_cast %scan3A_148 : i32 to index
      %get3A_317 = arith.constant 192 : index
      %get3A_318 = tpu.vector_load %arg10[%get3A_316, %get3A_317] {strides = array<i32>} : memref<16x1024xf32, #tpu.memory_space<vmem>>, vector<1x16xf32>,
      %get3A_319 = vector.shape_cast %get3A_318 : vector<1x16xf32> to vector<16xf32>
      %get3A_320 = arith.index_cast %scan3A_148 : i32 to index
      %get3A_321 = arith.constant 192 : index
      %get3A_322 = tpu.vector_load %arg11[%get3A_320, %get3A_321] {strides = array<i32>} : memref<16x1024xf32, #tpu.memory_space<vmem>>, vector<1x16xf32>,
      %get3A_323 = vector.shape_cast %get3A_322 : vector<1x16xf32> to vector<16xf32>
      %add3A_324 = arith.addf %get3A_319, %get3A_323 : vector<16xf32>
      %swap3A_325 = arith.index_cast %scan3A_148 : i32 to index
      %swap3A_326 = arith.constant 192 : index
      %swap3A_327 = tpu.vector_load %arg10[%swap3A_325, %swap3A_326] {strides = array<i32>} : memref<16x1024xf32, #tpu.memory_space<vmem>>, vector<1x16xf32>,
      %swap3A_328 = vector.shape_cast %swap3A_327 : vector<1x16xf32> to vector<16xf32>
      %swap3A_329 = vector.shape_cast %add3A_324 : vector<16xf32> to vector<1x16xf32>
      tpu.vector_store %arg10[%swap3A_325, %swap3A_326], %swap3A_329 {strides = array<i32>} : memref<16x1024xf32, #tpu.memory_space<vmem>>, vector<1x16xf32>,
      %get3A_330 = arith.index_cast %scan3A_148 : i32 to index
      %get3A_331 = arith.constant 208 : index
      %get3A_332 = tpu.vector_load %arg10[%get3A_330, %get3A_331] {strides = array<i32>} : memref<16x1024xf32, #tpu.memory_space<vmem>>, vector<1x16xf32>,
      %get3A_333 = vector.shape_cast %get3A_332 : vector<1x16xf32> to vector<16xf32>
      %get3A_334 = arith.index_cast %scan3A_148 : i32 to index
      %get3A_335 = arith.constant 208 : index
      %get3A_336 = tpu.vector_load %arg11[%get3A_334, %get3A_335] {strides = array<i32>} : memref<16x1024xf32, #tpu.memory_space<vmem>>, vector<1x16xf32>,
      %get3A_337 = vector.shape_cast %get3A_336 : vector<1x16xf32> to vector<16xf32>
      %add3A_338 = arith.addf %get3A_333, %get3A_337 : vector<16xf32>
      %swap3A_339 = arith.index_cast %scan3A_148 : i32 to index
      %swap3A_340 = arith.constant 208 : index
      %swap3A_341 = tpu.vector_load %arg10[%swap3A_339, %swap3A_340] {strides = array<i32>} : memref<16x1024xf32, #tpu.memory_space<vmem>>, vector<1x16xf32>,
      %swap3A_342 = vector.shape_cast %swap3A_341 : vector<1x16xf32> to vector<16xf32>
      %swap3A_343 = vector.shape_cast %add3A_338 : vector<16xf32> to vector<1x16xf32>
      tpu.vector_store %arg10[%swap3A_339, %swap3A_340], %swap3A_343 {strides = array<i32>} : memref<16x1024xf32, #tpu.memory_space<vmem>>, vector<1x16xf32>,
      %get3A_344 = arith.index_cast %scan3A_148 : i32 to index
      %get3A_345 = arith.constant 224 : index
      %get3A_346 = tpu.vector_load %arg10[%get3A_344, %get3A_345] {strides = array<i32>} : memref<16x1024xf32, #tpu.memory_space<vmem>>, vector<1x16xf32>,
      %get3A_347 = vector.shape_cast %get3A_346 : vector<1x16xf32> to vector<16xf32>
      %get3A_348 = arith.index_cast %scan3A_148 : i32 to index
      %get3A_349 = arith.constant 224 : index
      %get3A_350 = tpu.vector_load %arg11[%get3A_348, %get3A_349] {strides = array<i32>} : memref<16x1024xf32, #tpu.memory_space<vmem>>, vector<1x16xf32>,
      %get3A_351 = vector.shape_cast %get3A_350 : vector<1x16xf32> to vector<16xf32>
      %add3A_352 = arith.addf %get3A_347, %get3A_351 : vector<16xf32>
      %swap3A_353 = arith.index_cast %scan3A_148 : i32 to index
      %swap3A_354 = arith.constant 224 : index
      %swap3A_355 = tpu.vector_load %arg10[%swap3A_353, %swap3A_354] {strides = array<i32>} : memref<16x1024xf32, #tpu.memory_space<vmem>>, vector<1x16xf32>,
      %swap3A_356 = vector.shape_cast %swap3A_355 : vector<1x16xf32> to vector<16xf32>
      %swap3A_357 = vector.shape_cast %add3A_352 : vector<16xf32> to vector<1x16xf32>
      tpu.vector_store %arg10[%swap3A_353, %swap3A_354], %swap3A_357 {strides = array<i32>} : memref<16x1024xf32, #tpu.memory_space<vmem>>, vector<1x16xf32>,
      %get3A_358 = arith.index_cast %scan3A_148 : i32 to index
      %get3A_359 = arith.constant 240 : index
      %get3A_360 = tpu.vector_load %arg10[%get3A_358, %get3A_359] {strides = array<i32>} : memref<16x1024xf32, #tpu.memory_space<vmem>>, vector<1x16xf32>,
      %get3A_361 = vector.shape_cast %get3A_360 : vector<1x16xf32> to vector<16xf32>
      %get3A_362 = arith.index_cast %scan3A_148 : i32 to index
      %get3A_363 = arith.constant 240 : index
      %get3A_364 = tpu.vector_load %arg11[%get3A_362, %get3A_363] {strides = array<i32>} : memref<16x1024xf32, #tpu.memory_space<vmem>>, vector<1x16xf32>,
      %get3A_365 = vector.shape_cast %get3A_364 : vector<1x16xf32> to vector<16xf32>
      %add3A_366 = arith.addf %get3A_361, %get3A_365 : vector<16xf32>
      %swap3A_367 = arith.index_cast %scan3A_148 : i32 to index
      %swap3A_368 = arith.constant 240 : index
      %swap3A_369 = tpu.vector_load %arg10[%swap3A_367, %swap3A_368] {strides = array<i32>} : memref<16x1024xf32, #tpu.memory_space<vmem>>, vector<1x16xf32>,
      %swap3A_370 = vector.shape_cast %swap3A_369 : vector<1x16xf32> to vector<16xf32>
      %swap3A_371 = vector.shape_cast %add3A_366 : vector<16xf32> to vector<1x16xf32>
      tpu.vector_store %arg10[%swap3A_367, %swap3A_368], %swap3A_371 {strides = array<i32>} : memref<16x1024xf32, #tpu.memory_space<vmem>>, vector<1x16xf32>,
      %get3A_372 = arith.index_cast %scan3A_148 : i32 to index
      %get3A_373 = arith.constant 256 : index
      %get3A_374 = tpu.vector_load %arg10[%get3A_372, %get3A_373] {strides = array<i32>} : memref<16x1024xf32, #tpu.memory_space<vmem>>, vector<1x16xf32>,
      %get3A_375 = vector.shape_cast %get3A_374 : vector<1x16xf32> to vector<16xf32>
      %get3A_376 = arith.index_cast %scan3A_148 : i32 to index
      %get3A_377 = arith.constant 256 : index
      %get3A_378 = tpu.vector_load %arg11[%get3A_376, %get3A_377] {strides = array<i32>} : memref<16x1024xf32, #tpu.memory_space<vmem>>, vector<1x16xf32>,
      %get3A_379 = vector.shape_cast %get3A_378 : vector<1x16xf32> to vector<16xf32>
      %add3A_380 = arith.addf %get3A_375, %get3A_379 : vector<16xf32>
      %swap3A_381 = arith.index_cast %scan3A_148 : i32 to index
      %swap3A_382 = arith.constant 256 : index
      %swap3A_383 = tpu.vector_load %arg10[%swap3A_381, %swap3A_382] {strides = array<i32>} : memref<16x1024xf32, #tpu.memory_space<vmem>>, vector<1x16xf32>,
      %swap3A_384 = vector.shape_cast %swap3A_383 : vector<1x16xf32> to vector<16xf32>
      %swap3A_385 = vector.shape_cast %add3A_380 : vector<16xf32> to vector<1x16xf32>
      tpu.vector_store %arg10[%swap3A_381, %swap3A_382], %swap3A_385 {strides = array<i32>} : memref<16x1024xf32, #tpu.memory_space<vmem>>, vector<1x16xf32>,
      %get3A_386 = arith.index_cast %scan3A_148 : i32 to index
      %get3A_387 = arith.constant 272 : index
      %get3A_388 = tpu.vector_load %arg10[%get3A_386, %get3A_387] {strides = array<i32>} : memref<16x1024xf32, #tpu.memory_space<vmem>>, vector<1x16xf32>,
      %get3A_389 = vector.shape_cast %get3A_388 : vector<1x16xf32> to vector<16xf32>
      %get3A_390 = arith.index_cast %scan3A_148 : i32 to index
      %get3A_391 = arith.constant 272 : index
      %get3A_392 = tpu.vector_load %arg11[%get3A_390, %get3A_391] {strides = array<i32>} : memref<16x1024xf32, #tpu.memory_space<vmem>>, vector<1x16xf32>,
      %get3A_393 = vector.shape_cast %get3A_392 : vector<1x16xf32> to vector<16xf32>
      %add3A_394 = arith.addf %get3A_389, %get3A_393 : vector<16xf32>
      %swap3A_395 = arith.index_cast %scan3A_148 : i32 to index
      %swap3A_396 = arith.constant 272 : index
      %swap3A_397 = tpu.vector_load %arg10[%swap3A_395, %swap3A_396] {strides = array<i32>} : memref<16x1024xf32, #tpu.memory_space<vmem>>, vector<1x16xf32>,
      %swap3A_398 = vector.shape_cast %swap3A_397 : vector<1x16xf32> to vector<16xf32>
      %swap3A_399 = vector.shape_cast %add3A_394 : vector<16xf32> to vector<1x16xf32>
      tpu.vector_store %arg10[%swap3A_395, %swap3A_396], %swap3A_399 {strides = array<i32>} : memref<16x1024xf32, #tpu.memory_space<vmem>>, vector<1x16xf32>,
      %get3A_400 = arith.index_cast %scan3A_148 : i32 to index
      %get3A_401 = arith.constant 288 : index
      %get3A_402 = tpu.vector_load %arg10[%get3A_400, %get3A_401] {strides = array<i32>} : memref<16x1024xf32, #tpu.memory_space<vmem>>, vector<1x16xf32>,
      %get3A_403 = vector.shape_cast %get3A_402 : vector<1x16xf32> to vector<16xf32>
      %get3A_404 = arith.index_cast %scan3A_148 : i32 to index
      %get3A_405 = arith.constant 288 : index
      %get3A_406 = tpu.vector_load %arg11[%get3A_404, %get3A_405] {strides = array<i32>} : memref<16x1024xf32, #tpu.memory_space<vmem>>, vector<1x16xf32>,
      %get3A_407 = vector.shape_cast %get3A_406 : vector<1x16xf32> to vector<16xf32>
      %add3A_408 = arith.addf %get3A_403, %get3A_407 : vector<16xf32>
      %swap3A_409 = arith.index_cast %scan3A_148 : i32 to index
      %swap3A_410 = arith.constant 288 : index
      %swap3A_411 = tpu.vector_load %arg10[%swap3A_409, %swap3A_410] {strides = array<i32>} : memref<16x1024xf32, #tpu.memory_space<vmem>>, vector<1x16xf32>,
      %swap3A_412 = vector.shape_cast %swap3A_411 : vector<1x16xf32> to vector<16xf32>
      %swap3A_413 = vector.shape_cast %add3A_408 : vector<16xf32> to vector<1x16xf32>
      tpu.vector_store %arg10[%swap3A_409, %swap3A_410], %swap3A_413 {strides = array<i32>} : memref<16x1024xf32, #tpu.memory_space<vmem>>, vector<1x16xf32>,
      %get3A_414 = arith.index_cast %scan3A_148 : i32 to index
      %get3A_415 = arith.constant 304 : index
      %get3A_416 = tpu.vector_load %arg10[%get3A_414, %get3A_415] {strides = array<i32>} : memref<16x1024xf32, #tpu.memory_space<vmem>>, vector<1x16xf32>,
      %get3A_417 = vector.shape_cast %get3A_416 : vector<1x16xf32> to vector<16xf32>
      %get3A_418 = arith.index_cast %scan3A_148 : i32 to index
      %get3A_419 = arith.constant 304 : index
      %get3A_420 = tpu.vector_load %arg11[%get3A_418, %get3A_419] {strides = array<i32>} : memref<16x1024xf32, #tpu.memory_space<vmem>>, vector<1x16xf32>,
      %get3A_421 = vector.shape_cast %get3A_420 : vector<1x16xf32> to vector<16xf32>
      %add3A_422 = arith.addf %get3A_417, %get3A_421 : vector<16xf32>
      %swap3A_423 = arith.index_cast %scan3A_148 : i32 to index
      %swap3A_424 = arith.constant 304 : index
      %swap3A_425 = tpu.vector_load %arg10[%swap3A_423, %swap3A_424] {strides = array<i32>} : memref<16x1024xf32, #tpu.memory_space<vmem>>, vector<1x16xf32>,
      %swap3A_426 = vector.shape_cast %swap3A_425 : vector<1x16xf32> to vector<16xf32>
      %swap3A_427 = vector.shape_cast %add3A_422 : vector<16xf32> to vector<1x16xf32>
      tpu.vector_store %arg10[%swap3A_423, %swap3A_424], %swap3A_427 {strides = array<i32>} : memref<16x1024xf32, #tpu.memory_space<vmem>>, vector<1x16xf32>,
      %get3A_428 = arith.index_cast %scan3A_148 : i32 to index
      %get3A_429 = arith.constant 320 : index
      %get3A_430 = tpu.vector_load %arg10[%get3A_428, %get3A_429] {strides = array<i32>} : memref<16x1024xf32, #tpu.memory_space<vmem>>, vector<1x16xf32>,
      %get3A_431 = vector.shape_cast %get3A_430 : vector<1x16xf32> to vector<16xf32>
      %get3A_432 = arith.index_cast %scan3A_148 : i32 to index
      %get3A_433 = arith.constant 320 : index
      %get3A_434 = tpu.vector_load %arg11[%get3A_432, %get3A_433] {strides = array<i32>} : memref<16x1024xf32, #tpu.memory_space<vmem>>, vector<1x16xf32>,
      %get3A_435 = vector.shape_cast %get3A_434 : vector<1x16xf32> to vector<16xf32>
      %add3A_436 = arith.addf %get3A_431, %get3A_435 : vector<16xf32>
      %swap3A_437 = arith.index_cast %scan3A_148 : i32 to index
      %swap3A_438 = arith.constant 320 : index
      %swap3A_439 = tpu.vector_load %arg10[%swap3A_437, %swap3A_438] {strides = array<i32>} : memref<16x1024xf32, #tpu.memory_space<vmem>>, vector<1x16xf32>,
      %swap3A_440 = vector.shape_cast %swap3A_439 : vector<1x16xf32> to vector<16xf32>
      %swap3A_441 = vector.shape_cast %add3A_436 : vector<16xf32> to vector<1x16xf32>
      tpu.vector_store %arg10[%swap3A_437, %swap3A_438], %swap3A_441 {strides = array<i32>} : memref<16x1024xf32, #tpu.memory_space<vmem>>, vector<1x16xf32>,
      %get3A_442 = arith.index_cast %scan3A_148 : i32 to index
      %get3A_443 = arith.constant 336 : index
      %get3A_444 = tpu.vector_load %arg10[%get3A_442, %get3A_443] {strides = array<i32>} : memref<16x1024xf32, #tpu.memory_space<vmem>>, vector<1x16xf32>,
      %get3A_445 = vector.shape_cast %get3A_444 : vector<1x16xf32> to vector<16xf32>
      %get3A_446 = arith.index_cast %scan3A_148 : i32 to index
      %get3A_447 = arith.constant 336 : index
      %get3A_448 = tpu.vector_load %arg11[%get3A_446, %get3A_447] {strides = array<i32>} : memref<16x1024xf32, #tpu.memory_space<vmem>>, vector<1x16xf32>,
      %get3A_449 = vector.shape_cast %get3A_448 : vector<1x16xf32> to vector<16xf32>
      %add3A_450 = arith.addf %get3A_445, %get3A_449 : vector<16xf32>
      %swap3A_451 = arith.index_cast %scan3A_148 : i32 to index
      %swap3A_452 = arith.constant 336 : index
      %swap3A_453 = tpu.vector_load %arg10[%swap3A_451, %swap3A_452] {strides = array<i32>} : memref<16x1024xf32, #tpu.memory_space<vmem>>, vector<1x16xf32>,
      %swap3A_454 = vector.shape_cast %swap3A_453 : vector<1x16xf32> to vector<16xf32>
      %swap3A_455 = vector.shape_cast %add3A_450 : vector<16xf32> to vector<1x16xf32>
      tpu.vector_store %arg10[%swap3A_451, %swap3A_452], %swap3A_455 {strides = array<i32>} : memref<16x1024xf32, #tpu.memory_space<vmem>>, vector<1x16xf32>,
      %get3A_456 = arith.index_cast %scan3A_148 : i32 to index
      %get3A_457 = arith.constant 352 : index
      %get3A_458 = tpu.vector_load %arg10[%get3A_456, %get3A_457] {strides = array<i32>} : memref<16x1024xf32, #tpu.memory_space<vmem>>, vector<1x16xf32>,
      %get3A_459 = vector.shape_cast %get3A_458 : vector<1x16xf32> to vector<16xf32>
      %get3A_460 = arith.index_cast %scan3A_148 : i32 to index
      %get3A_461 = arith.constant 352 : index
      %get3A_462 = tpu.vector_load %arg11[%get3A_460, %get3A_461] {strides = array<i32>} : memref<16x1024xf32, #tpu.memory_space<vmem>>, vector<1x16xf32>,
      %get3A_463 = vector.shape_cast %get3A_462 : vector<1x16xf32> to vector<16xf32>
      %add3A_464 = arith.addf %get3A_459, %get3A_463 : vector<16xf32>
      %swap3A_465 = arith.index_cast %scan3A_148 : i32 to index
      %swap3A_466 = arith.constant 352 : index
      %swap3A_467 = tpu.vector_load %arg10[%swap3A_465, %swap3A_466] {strides = array<i32>} : memref<16x1024xf32, #tpu.memory_space<vmem>>, vector<1x16xf32>,
      %swap3A_468 = vector.shape_cast %swap3A_467 : vector<1x16xf32> to vector<16xf32>
      %swap3A_469 = vector.shape_cast %add3A_464 : vector<16xf32> to vector<1x16xf32>
      tpu.vector_store %arg10[%swap3A_465, %swap3A_466], %swap3A_469 {strides = array<i32>} : memref<16x1024xf32, #tpu.memory_space<vmem>>, vector<1x16xf32>,
      %get3A_470 = arith.index_cast %scan3A_148 : i32 to index
      %get3A_471 = arith.constant 368 : index
      %get3A_472 = tpu.vector_load %arg10[%get3A_470, %get3A_471] {strides = array<i32>} : memref<16x1024xf32, #tpu.memory_space<vmem>>, vector<1x16xf32>,
      %get3A_473 = vector.shape_cast %get3A_472 : vector<1x16xf32> to vector<16xf32>
      %get3A_474 = arith.index_cast %scan3A_148 : i32 to index
      %get3A_475 = arith.constant 368 : index
      %get3A_476 = tpu.vector_load %arg11[%get3A_474, %get3A_475] {strides = array<i32>} : memref<16x1024xf32, #tpu.memory_space<vmem>>, vector<1x16xf32>,
      %get3A_477 = vector.shape_cast %get3A_476 : vector<1x16xf32> to vector<16xf32>
      %add3A_478 = arith.addf %get3A_473, %get3A_477 : vector<16xf32>
      %swap3A_479 = arith.index_cast %scan3A_148 : i32 to index
      %swap3A_480 = arith.constant 368 : index
      %swap3A_481 = tpu.vector_load %arg10[%swap3A_479, %swap3A_480] {strides = array<i32>} : memref<16x1024xf32, #tpu.memory_space<vmem>>, vector<1x16xf32>,
      %swap3A_482 = vector.shape_cast %swap3A_481 : vector<1x16xf32> to vector<16xf32>
      %swap3A_483 = vector.shape_cast %add3A_478 : vector<16xf32> to vector<1x16xf32>
      tpu.vector_store %arg10[%swap3A_479, %swap3A_480], %swap3A_483 {strides = array<i32>} : memref<16x1024xf32, #tpu.memory_space<vmem>>, vector<1x16xf32>,
      %get3A_484 = arith.index_cast %scan3A_148 : i32 to index
      %get3A_485 = arith.constant 384 : index
      %get3A_486 = tpu.vector_load %arg10[%get3A_484, %get3A_485] {strides = array<i32>} : memref<16x1024xf32, #tpu.memory_space<vmem>>, vector<1x16xf32>,
      %get3A_487 = vector.shape_cast %get3A_486 : vector<1x16xf32> to vector<16xf32>
      %get3A_488 = arith.index_cast %scan3A_148 : i32 to index
      %get3A_489 = arith.constant 384 : index
      %get3A_490 = tpu.vector_load %arg11[%get3A_488, %get3A_489] {strides = array<i32>} : memref<16x1024xf32, #tpu.memory_space<vmem>>, vector<1x16xf32>,
      %get3A_491 = vector.shape_cast %get3A_490 : vector<1x16xf32> to vector<16xf32>
      %add3A_492 = arith.addf %get3A_487, %get3A_491 : vector<16xf32>
      %swap3A_493 = arith.index_cast %scan3A_148 : i32 to index
      %swap3A_494 = arith.constant 384 : index
      %swap3A_495 = tpu.vector_load %arg10[%swap3A_493, %swap3A_494] {strides = array<i32>} : memref<16x1024xf32, #tpu.memory_space<vmem>>, vector<1x16xf32>,
      %swap3A_496 = vector.shape_cast %swap3A_495 : vector<1x16xf32> to vector<16xf32>
      %swap3A_497 = vector.shape_cast %add3A_492 : vector<16xf32> to vector<1x16xf32>
      tpu.vector_store %arg10[%swap3A_493, %swap3A_494], %swap3A_497 {strides = array<i32>} : memref<16x1024xf32, #tpu.memory_space<vmem>>, vector<1x16xf32>,
      %get3A_498 = arith.index_cast %scan3A_148 : i32 to index
      %get3A_499 = arith.constant 400 : index
      %get3A_500 = tpu.vector_load %arg10[%get3A_498, %get3A_499] {strides = array<i32>} : memref<16x1024xf32, #tpu.memory_space<vmem>>, vector<1x16xf32>,
      %get3A_501 = vector.shape_cast %get3A_500 : vector<1x16xf32> to vector<16xf32>
      %get3A_502 = arith.index_cast %scan3A_148 : i32 to index
      %get3A_503 = arith.constant 400 : index
      %get3A_504 = tpu.vector_load %arg11[%get3A_502, %get3A_503] {strides = array<i32>} : memref<16x1024xf32, #tpu.memory_space<vmem>>, vector<1x16xf32>,
      %get3A_505 = vector.shape_cast %get3A_504 : vector<1x16xf32> to vector<16xf32>
      %add3A_506 = arith.addf %get3A_501, %get3A_505 : vector<16xf32>
      %swap3A_507 = arith.index_cast %scan3A_148 : i32 to index
      %swap3A_508 = arith.constant 400 : index
      %swap3A_509 = tpu.vector_load %arg10[%swap3A_507, %swap3A_508] {strides = array<i32>} : memref<16x1024xf32, #tpu.memory_space<vmem>>, vector<1x16xf32>,
      %swap3A_510 = vector.shape_cast %swap3A_509 : vector<1x16xf32> to vector<16xf32>
      %swap3A_511 = vector.shape_cast %add3A_506 : vector<16xf32> to vector<1x16xf32>
      tpu.vector_store %arg10[%swap3A_507, %swap3A_508], %swap3A_511 {strides = array<i32>} : memref<16x1024xf32, #tpu.memory_space<vmem>>, vector<1x16xf32>,
      %get3A_512 = arith.index_cast %scan3A_148 : i32 to index
      %get3A_513 = arith.constant 416 : index
      %get3A_514 = tpu.vector_load %arg10[%get3A_512, %get3A_513] {strides = array<i32>} : memref<16x1024xf32, #tpu.memory_space<vmem>>, vector<1x16xf32>,
      %get3A_515 = vector.shape_cast %get3A_514 : vector<1x16xf32> to vector<16xf32>
      %get3A_516 = arith.index_cast %scan3A_148 : i32 to index
      %get3A_517 = arith.constant 416 : index
      %get3A_518 = tpu.vector_load %arg11[%get3A_516, %get3A_517] {strides = array<i32>} : memref<16x1024xf32, #tpu.memory_space<vmem>>, vector<1x16xf32>,
      %get3A_519 = vector.shape_cast %get3A_518 : vector<1x16xf32> to vector<16xf32>
      %add3A_520 = arith.addf %get3A_515, %get3A_519 : vector<16xf32>
      %swap3A_521 = arith.index_cast %scan3A_148 : i32 to index
      %swap3A_522 = arith.constant 416 : index
      %swap3A_523 = tpu.vector_load %arg10[%swap3A_521, %swap3A_522] {strides = array<i32>} : memref<16x1024xf32, #tpu.memory_space<vmem>>, vector<1x16xf32>,
      %swap3A_524 = vector.shape_cast %swap3A_523 : vector<1x16xf32> to vector<16xf32>
      %swap3A_525 = vector.shape_cast %add3A_520 : vector<16xf32> to vector<1x16xf32>
      tpu.vector_store %arg10[%swap3A_521, %swap3A_522], %swap3A_525 {strides = array<i32>} : memref<16x1024xf32, #tpu.memory_space<vmem>>, vector<1x16xf32>,
      %get3A_526 = arith.index_cast %scan3A_148 : i32 to index
      %get3A_527 = arith.constant 432 : index
      %get3A_528 = tpu.vector_load %arg10[%get3A_526, %get3A_527] {strides = array<i32>} : memref<16x1024xf32, #tpu.memory_space<vmem>>, vector<1x16xf32>,
      %get3A_529 = vector.shape_cast %get3A_528 : vector<1x16xf32> to vector<16xf32>
      %get3A_530 = arith.index_cast %scan3A_148 : i32 to index
      %get3A_531 = arith.constant 432 : index
      %get3A_532 = tpu.vector_load %arg11[%get3A_530, %get3A_531] {strides = array<i32>} : memref<16x1024xf32, #tpu.memory_space<vmem>>, vector<1x16xf32>,
      %get3A_533 = vector.shape_cast %get3A_532 : vector<1x16xf32> to vector<16xf32>
      %add3A_534 = arith.addf %get3A_529, %get3A_533 : vector<16xf32>
      %swap3A_535 = arith.index_cast %scan3A_148 : i32 to index
      %swap3A_536 = arith.constant 432 : index
      %swap3A_537 = tpu.vector_load %arg10[%swap3A_535, %swap3A_536] {strides = array<i32>} : memref<16x1024xf32, #tpu.memory_space<vmem>>, vector<1x16xf32>,
      %swap3A_538 = vector.shape_cast %swap3A_537 : vector<1x16xf32> to vector<16xf32>
      %swap3A_539 = vector.shape_cast %add3A_534 : vector<16xf32> to vector<1x16xf32>
      tpu.vector_store %arg10[%swap3A_535, %swap3A_536], %swap3A_539 {strides = array<i32>} : memref<16x1024xf32, #tpu.memory_space<vmem>>, vector<1x16xf32>,
      %get3A_540 = arith.index_cast %scan3A_148 : i32 to index
      %get3A_541 = arith.constant 448 : index
      %get3A_542 = tpu.vector_load %arg10[%get3A_540, %get3A_541] {strides = array<i32>} : memref<16x1024xf32, #tpu.memory_space<vmem>>, vector<1x16xf32>,
      %get3A_543 = vector.shape_cast %get3A_542 : vector<1x16xf32> to vector<16xf32>
      %get3A_544 = arith.index_cast %scan3A_148 : i32 to index
      %get3A_545 = arith.constant 448 : index
      %get3A_546 = tpu.vector_load %arg11[%get3A_544, %get3A_545] {strides = array<i32>} : memref<16x1024xf32, #tpu.memory_space<vmem>>, vector<1x16xf32>,
      %get3A_547 = vector.shape_cast %get3A_546 : vector<1x16xf32> to vector<16xf32>
      %add3A_548 = arith.addf %get3A_543, %get3A_547 : vector<16xf32>
      %swap3A_549 = arith.index_cast %scan3A_148 : i32 to index
      %swap3A_550 = arith.constant 448 : index
      %swap3A_551 = tpu.vector_load %arg10[%swap3A_549, %swap3A_550] {strides = array<i32>} : memref<16x1024xf32, #tpu.memory_space<vmem>>, vector<1x16xf32>,
      %swap3A_552 = vector.shape_cast %swap3A_551 : vector<1x16xf32> to vector<16xf32>
      %swap3A_553 = vector.shape_cast %add3A_548 : vector<16xf32> to vector<1x16xf32>
      tpu.vector_store %arg10[%swap3A_549, %swap3A_550], %swap3A_553 {strides = array<i32>} : memref<16x1024xf32, #tpu.memory_space<vmem>>, vector<1x16xf32>,
      %get3A_554 = arith.index_cast %scan3A_148 : i32 to index
      %get3A_555 = arith.constant 464 : index
      %get3A_556 = tpu.vector_load %arg10[%get3A_554, %get3A_555] {strides = array<i32>} : memref<16x1024xf32, #tpu.memory_space<vmem>>, vector<1x16xf32>,
      %get3A_557 = vector.shape_cast %get3A_556 : vector<1x16xf32> to vector<16xf32>
      %get3A_558 = arith.index_cast %scan3A_148 : i32 to index
      %get3A_559 = arith.constant 464 : index
      %get3A_560 = tpu.vector_load %arg11[%get3A_558, %get3A_559] {strides = array<i32>} : memref<16x1024xf32, #tpu.memory_space<vmem>>, vector<1x16xf32>,
      %get3A_561 = vector.shape_cast %get3A_560 : vector<1x16xf32> to vector<16xf32>
      %add3A_562 = arith.addf %get3A_557, %get3A_561 : vector<16xf32>
      %swap3A_563 = arith.index_cast %scan3A_148 : i32 to index
      %swap3A_564 = arith.constant 464 : index
      %swap3A_565 = tpu.vector_load %arg10[%swap3A_563, %swap3A_564] {strides = array<i32>} : memref<16x1024xf32, #tpu.memory_space<vmem>>, vector<1x16xf32>,
      %swap3A_566 = vector.shape_cast %swap3A_565 : vector<1x16xf32> to vector<16xf32>
      %swap3A_567 = vector.shape_cast %add3A_562 : vector<16xf32> to vector<1x16xf32>
      tpu.vector_store %arg10[%swap3A_563, %swap3A_564], %swap3A_567 {strides = array<i32>} : memref<16x1024xf32, #tpu.memory_space<vmem>>, vector<1x16xf32>,
      %get3A_568 = arith.index_cast %scan3A_148 : i32 to index
      %get3A_569 = arith.constant 480 : index
      %get3A_570 = tpu.vector_load %arg10[%get3A_568, %get3A_569] {strides = array<i32>} : memref<16x1024xf32, #tpu.memory_space<vmem>>, vector<1x16xf32>,
      %get3A_571 = vector.shape_cast %get3A_570 : vector<1x16xf32> to vector<16xf32>
      %get3A_572 = arith.index_cast %scan3A_148 : i32 to index
      %get3A_573 = arith.constant 480 : index
      %get3A_574 = tpu.vector_load %arg11[%get3A_572, %get3A_573] {strides = array<i32>} : memref<16x1024xf32, #tpu.memory_space<vmem>>, vector<1x16xf32>,
      %get3A_575 = vector.shape_cast %get3A_574 : vector<1x16xf32> to vector<16xf32>
      %add3A_576 = arith.addf %get3A_571, %get3A_575 : vector<16xf32>
      %swap3A_577 = arith.index_cast %scan3A_148 : i32 to index
      %swap3A_578 = arith.constant 480 : index
      %swap3A_579 = tpu.vector_load %arg10[%swap3A_577, %swap3A_578] {strides = array<i32>} : memref<16x1024xf32, #tpu.memory_space<vmem>>, vector<1x16xf32>,
      %swap3A_580 = vector.shape_cast %swap3A_579 : vector<1x16xf32> to vector<16xf32>
      %swap3A_581 = vector.shape_cast %add3A_576 : vector<16xf32> to vector<1x16xf32>
      tpu.vector_store %arg10[%swap3A_577, %swap3A_578], %swap3A_581 {strides = array<i32>} : memref<16x1024xf32, #tpu.memory_space<vmem>>, vector<1x16xf32>,
      %get3A_582 = arith.index_cast %scan3A_148 : i32 to index
      %get3A_583 = arith.constant 496 : index
      %get3A_584 = tpu.vector_load %arg10[%get3A_582, %get3A_583] {strides = array<i32>} : memref<16x1024xf32, #tpu.memory_space<vmem>>, vector<1x16xf32>,
      %get3A_585 = vector.shape_cast %get3A_584 : vector<1x16xf32> to vector<16xf32>
      %get3A_586 = arith.index_cast %scan3A_148 : i32 to index
      %get3A_587 = arith.constant 496 : index
      %get3A_588 = tpu.vector_load %arg11[%get3A_586, %get3A_587] {strides = array<i32>} : memref<16x1024xf32, #tpu.memory_space<vmem>>, vector<1x16xf32>,
      %get3A_589 = vector.shape_cast %get3A_588 : vector<1x16xf32> to vector<16xf32>
      %add3A_590 = arith.addf %get3A_585, %get3A_589 : vector<16xf32>
      %swap3A_591 = arith.index_cast %scan3A_148 : i32 to index
      %swap3A_592 = arith.constant 496 : index
      %swap3A_593 = tpu.vector_load %arg10[%swap3A_591, %swap3A_592] {strides = array<i32>} : memref<16x1024xf32, #tpu.memory_space<vmem>>, vector<1x16xf32>,
      %swap3A_594 = vector.shape_cast %swap3A_593 : vector<1x16xf32> to vector<16xf32>
      %swap3A_595 = vector.shape_cast %add3A_590 : vector<16xf32> to vector<1x16xf32>
      tpu.vector_store %arg10[%swap3A_591, %swap3A_592], %swap3A_595 {strides = array<i32>} : memref<16x1024xf32, #tpu.memory_space<vmem>>, vector<1x16xf32>,
      %get3A_596 = arith.index_cast %scan3A_148 : i32 to index
      %get3A_597 = arith.constant 512 : index
      %get3A_598 = tpu.vector_load %arg10[%get3A_596, %get3A_597] {strides = array<i32>} : memref<16x1024xf32, #tpu.memory_space<vmem>>, vector<1x16xf32>,
      %get3A_599 = vector.shape_cast %get3A_598 : vector<1x16xf32> to vector<16xf32>
      %get3A_600 = arith.index_cast %scan3A_148 : i32 to index
      %get3A_601 = arith.constant 512 : index
      %get3A_602 = tpu.vector_load %arg11[%get3A_600, %get3A_601] {strides = array<i32>} : memref<16x1024xf32, #tpu.memory_space<vmem>>, vector<1x16xf32>,
      %get3A_603 = vector.shape_cast %get3A_602 : vector<1x16xf32> to vector<16xf32>
      %add3A_604 = arith.addf %get3A_599, %get3A_603 : vector<16xf32>
      %swap3A_605 = arith.index_cast %scan3A_148 : i32 to index
      %swap3A_606 = arith.constant 512 : index
      %swap3A_607 = tpu.vector_load %arg10[%swap3A_605, %swap3A_606] {strides = array<i32>} : memref<16x1024xf32, #tpu.memory_space<vmem>>, vector<1x16xf32>,
      %swap3A_608 = vector.shape_cast %swap3A_607 : vector<1x16xf32> to vector<16xf32>
      %swap3A_609 = vector.shape_cast %add3A_604 : vector<16xf32> to vector<1x16xf32>
      tpu.vector_store %arg10[%swap3A_605, %swap3A_606], %swap3A_609 {strides = array<i32>} : memref<16x1024xf32, #tpu.memory_space<vmem>>, vector<1x16xf32>,
      %get3A_610 = arith.index_cast %scan3A_148 : i32 to index
      %get3A_611 = arith.constant 528 : index
      %get3A_612 = tpu.vector_load %arg10[%get3A_610, %get3A_611] {strides = array<i32>} : memref<16x1024xf32, #tpu.memory_space<vmem>>, vector<1x16xf32>,
      %get3A_613 = vector.shape_cast %get3A_612 : vector<1x16xf32> to vector<16xf32>
      %get3A_614 = arith.index_cast %scan3A_148 : i32 to index
      %get3A_615 = arith.constant 528 : index
      %get3A_616 = tpu.vector_load %arg11[%get3A_614, %get3A_615] {strides = array<i32>} : memref<16x1024xf32, #tpu.memory_space<vmem>>, vector<1x16xf32>,
      %get3A_617 = vector.shape_cast %get3A_616 : vector<1x16xf32> to vector<16xf32>
      %add3A_618 = arith.addf %get3A_613, %get3A_617 : vector<16xf32>
      %swap3A_619 = arith.index_cast %scan3A_148 : i32 to index
      %swap3A_620 = arith.constant 528 : index
      %swap3A_621 = tpu.vector_load %arg10[%swap3A_619, %swap3A_620] {strides = array<i32>} : memref<16x1024xf32, #tpu.memory_space<vmem>>, vector<1x16xf32>,
      %swap3A_622 = vector.shape_cast %swap3A_621 : vector<1x16xf32> to vector<16xf32>
      %swap3A_623 = vector.shape_cast %add3A_618 : vector<16xf32> to vector<1x16xf32>
      tpu.vector_store %arg10[%swap3A_619, %swap3A_620], %swap3A_623 {strides = array<i32>} : memref<16x1024xf32, #tpu.memory_space<vmem>>, vector<1x16xf32>,
      %get3A_624 = arith.index_cast %scan3A_148 : i32 to index
      %get3A_625 = arith.constant 544 : index
      %get3A_626 = tpu.vector_load %arg10[%get3A_624, %get3A_625] {strides = array<i32>} : memref<16x1024xf32, #tpu.memory_space<vmem>>, vector<1x16xf32>,
      %get3A_627 = vector.shape_cast %get3A_626 : vector<1x16xf32> to vector<16xf32>
      %get3A_628 = arith.index_cast %scan3A_148 : i32 to index
      %get3A_629 = arith.constant 544 : index
      %get3A_630 = tpu.vector_load %arg11[%get3A_628, %get3A_629] {strides = array<i32>} : memref<16x1024xf32, #tpu.memory_space<vmem>>, vector<1x16xf32>,
      %get3A_631 = vector.shape_cast %get3A_630 : vector<1x16xf32> to vector<16xf32>
      %add3A_632 = arith.addf %get3A_627, %get3A_631 : vector<16xf32>
      %swap3A_633 = arith.index_cast %scan3A_148 : i32 to index
      %swap3A_634 = arith.constant 544 : index
      %swap3A_635 = tpu.vector_load %arg10[%swap3A_633, %swap3A_634] {strides = array<i32>} : memref<16x1024xf32, #tpu.memory_space<vmem>>, vector<1x16xf32>,
      %swap3A_636 = vector.shape_cast %swap3A_635 : vector<1x16xf32> to vector<16xf32>
      %swap3A_637 = vector.shape_cast %add3A_632 : vector<16xf32> to vector<1x16xf32>
      tpu.vector_store %arg10[%swap3A_633, %swap3A_634], %swap3A_637 {strides = array<i32>} : memref<16x1024xf32, #tpu.memory_space<vmem>>, vector<1x16xf32>,
      %get3A_638 = arith.index_cast %scan3A_148 : i32 to index
      %get3A_639 = arith.constant 560 : index
      %get3A_640 = tpu.vector_load %arg10[%get3A_638, %get3A_639] {strides = array<i32>} : memref<16x1024xf32, #tpu.memory_space<vmem>>, vector<1x16xf32>,
      %get3A_641 = vector.shape_cast %get3A_640 : vector<1x16xf32> to vector<16xf32>
      %get3A_642 = arith.index_cast %scan3A_148 : i32 to index
      %get3A_643 = arith.constant 560 : index
      %get3A_644 = tpu.vector_load %arg11[%get3A_642, %get3A_643] {strides = array<i32>} : memref<16x1024xf32, #tpu.memory_space<vmem>>, vector<1x16xf32>,
      %get3A_645 = vector.shape_cast %get3A_644 : vector<1x16xf32> to vector<16xf32>
      %add3A_646 = arith.addf %get3A_641, %get3A_645 : vector<16xf32>
      %swap3A_647 = arith.index_cast %scan3A_148 : i32 to index
      %swap3A_648 = arith.constant 560 : index
      %swap3A_649 = tpu.vector_load %arg10[%swap3A_647, %swap3A_648] {strides = array<i32>} : memref<16x1024xf32, #tpu.memory_space<vmem>>, vector<1x16xf32>,
      %swap3A_650 = vector.shape_cast %swap3A_649 : vector<1x16xf32> to vector<16xf32>
      %swap3A_651 = vector.shape_cast %add3A_646 : vector<16xf32> to vector<1x16xf32>
      tpu.vector_store %arg10[%swap3A_647, %swap3A_648], %swap3A_651 {strides = array<i32>} : memref<16x1024xf32, #tpu.memory_space<vmem>>, vector<1x16xf32>,
      %get3A_652 = arith.index_cast %scan3A_148 : i32 to index
      %get3A_653 = arith.constant 576 : index
      %get3A_654 = tpu.vector_load %arg10[%get3A_652, %get3A_653] {strides = array<i32>} : memref<16x1024xf32, #tpu.memory_space<vmem>>, vector<1x16xf32>,
      %get3A_655 = vector.shape_cast %get3A_654 : vector<1x16xf32> to vector<16xf32>
      %get3A_656 = arith.index_cast %scan3A_148 : i32 to index
      %get3A_657 = arith.constant 576 : index
      %get3A_658 = tpu.vector_load %arg11[%get3A_656, %get3A_657] {strides = array<i32>} : memref<16x1024xf32, #tpu.memory_space<vmem>>, vector<1x16xf32>,
      %get3A_659 = vector.shape_cast %get3A_658 : vector<1x16xf32> to vector<16xf32>
      %add3A_660 = arith.addf %get3A_655, %get3A_659 : vector<16xf32>
      %swap3A_661 = arith.index_cast %scan3A_148 : i32 to index
      %swap3A_662 = arith.constant 576 : index
      %swap3A_663 = tpu.vector_load %arg10[%swap3A_661, %swap3A_662] {strides = array<i32>} : memref<16x1024xf32, #tpu.memory_space<vmem>>, vector<1x16xf32>,
      %swap3A_664 = vector.shape_cast %swap3A_663 : vector<1x16xf32> to vector<16xf32>
      %swap3A_665 = vector.shape_cast %add3A_660 : vector<16xf32> to vector<1x16xf32>
      tpu.vector_store %arg10[%swap3A_661, %swap3A_662], %swap3A_665 {strides = array<i32>} : memref<16x1024xf32, #tpu.memory_space<vmem>>, vector<1x16xf32>,
      %get3A_666 = arith.index_cast %scan3A_148 : i32 to index
      %get3A_667 = arith.constant 592 : index
      %get3A_668 = tpu.vector_load %arg10[%get3A_666, %get3A_667] {strides = array<i32>} : memref<16x1024xf32, #tpu.memory_space<vmem>>, vector<1x16xf32>,
      %get3A_669 = vector.shape_cast %get3A_668 : vector<1x16xf32> to vector<16xf32>
      %get3A_670 = arith.index_cast %scan3A_148 : i32 to index
      %get3A_671 = arith.constant 592 : index
      %get3A_672 = tpu.vector_load %arg11[%get3A_670, %get3A_671] {strides = array<i32>} : memref<16x1024xf32, #tpu.memory_space<vmem>>, vector<1x16xf32>,
      %get3A_673 = vector.shape_cast %get3A_672 : vector<1x16xf32> to vector<16xf32>
      %add3A_674 = arith.addf %get3A_669, %get3A_673 : vector<16xf32>
      %swap3A_675 = arith.index_cast %scan3A_148 : i32 to index
      %swap3A_676 = arith.constant 592 : index
      %swap3A_677 = tpu.vector_load %arg10[%swap3A_675, %swap3A_676] {strides = array<i32>} : memref<16x1024xf32, #tpu.memory_space<vmem>>, vector<1x16xf32>,
      %swap3A_678 = vector.shape_cast %swap3A_677 : vector<1x16xf32> to vector<16xf32>
      %swap3A_679 = vector.shape_cast %add3A_674 : vector<16xf32> to vector<1x16xf32>
      tpu.vector_store %arg10[%swap3A_675, %swap3A_676], %swap3A_679 {strides = array<i32>} : memref<16x1024xf32, #tpu.memory_space<vmem>>, vector<1x16xf32>,
      %get3A_680 = arith.index_cast %scan3A_148 : i32 to index
      %get3A_681 = arith.constant 608 : index
      %get3A_682 = tpu.vector_load %arg10[%get3A_680, %get3A_681] {strides = array<i32>} : memref<16x1024xf32, #tpu.memory_space<vmem>>, vector<1x16xf32>,
      %get3A_683 = vector.shape_cast %get3A_682 : vector<1x16xf32> to vector<16xf32>
      %get3A_684 = arith.index_cast %scan3A_148 : i32 to index
      %get3A_685 = arith.constant 608 : index
      %get3A_686 = tpu.vector_load %arg11[%get3A_684, %get3A_685] {strides = array<i32>} : memref<16x1024xf32, #tpu.memory_space<vmem>>, vector<1x16xf32>,
      %get3A_687 = vector.shape_cast %get3A_686 : vector<1x16xf32> to vector<16xf32>
      %add3A_688 = arith.addf %get3A_683, %get3A_687 : vector<16xf32>
      %swap3A_689 = arith.index_cast %scan3A_148 : i32 to index
      %swap3A_690 = arith.constant 608 : index
      %swap3A_691 = tpu.vector_load %arg10[%swap3A_689, %swap3A_690] {strides = array<i32>} : memref<16x1024xf32, #tpu.memory_space<vmem>>, vector<1x16xf32>,
      %swap3A_692 = vector.shape_cast %swap3A_691 : vector<1x16xf32> to vector<16xf32>
      %swap3A_693 = vector.shape_cast %add3A_688 : vector<16xf32> to vector<1x16xf32>
      tpu.vector_store %arg10[%swap3A_689, %swap3A_690], %swap3A_693 {strides = array<i32>} : memref<16x1024xf32, #tpu.memory_space<vmem>>, vector<1x16xf32>,
      %get3A_694 = arith.index_cast %scan3A_148 : i32 to index
      %get3A_695 = arith.constant 624 : index
      %get3A_696 = tpu.vector_load %arg10[%get3A_694, %get3A_695] {strides = array<i32>} : memref<16x1024xf32, #tpu.memory_space<vmem>>, vector<1x16xf32>,
      %get3A_697 = vector.shape_cast %get3A_696 : vector<1x16xf32> to vector<16xf32>
      %get3A_698 = arith.index_cast %scan3A_148 : i32 to index
      %get3A_699 = arith.constant 624 : index
      %get3A_700 = tpu.vector_load %arg11[%get3A_698, %get3A_699] {strides = array<i32>} : memref<16x1024xf32, #tpu.memory_space<vmem>>, vector<1x16xf32>,
      %get3A_701 = vector.shape_cast %get3A_700 : vector<1x16xf32> to vector<16xf32>
      %add3A_702 = arith.addf %get3A_697, %get3A_701 : vector<16xf32>
      %swap3A_703 = arith.index_cast %scan3A_148 : i32 to index
      %swap3A_704 = arith.constant 624 : index
      %swap3A_705 = tpu.vector_load %arg10[%swap3A_703, %swap3A_704] {strides = array<i32>} : memref<16x1024xf32, #tpu.memory_space<vmem>>, vector<1x16xf32>,
      %swap3A_706 = vector.shape_cast %swap3A_705 : vector<1x16xf32> to vector<16xf32>
      %swap3A_707 = vector.shape_cast %add3A_702 : vector<16xf32> to vector<1x16xf32>
      tpu.vector_store %arg10[%swap3A_703, %swap3A_704], %swap3A_707 {strides = array<i32>} : memref<16x1024xf32, #tpu.memory_space<vmem>>, vector<1x16xf32>,
      %get3A_708 = arith.index_cast %scan3A_148 : i32 to index
      %get3A_709 = arith.constant 640 : index
      %get3A_710 = tpu.vector_load %arg10[%get3A_708, %get3A_709] {strides = array<i32>} : memref<16x1024xf32, #tpu.memory_space<vmem>>, vector<1x16xf32>,
      %get3A_711 = vector.shape_cast %get3A_710 : vector<1x16xf32> to vector<16xf32>
      %get3A_712 = arith.index_cast %scan3A_148 : i32 to index
      %get3A_713 = arith.constant 640 : index
      %get3A_714 = tpu.vector_load %arg11[%get3A_712, %get3A_713] {strides = array<i32>} : memref<16x1024xf32, #tpu.memory_space<vmem>>, vector<1x16xf32>,
      %get3A_715 = vector.shape_cast %get3A_714 : vector<1x16xf32> to vector<16xf32>
      %add3A_716 = arith.addf %get3A_711, %get3A_715 : vector<16xf32>
      %swap3A_717 = arith.index_cast %scan3A_148 : i32 to index
      %swap3A_718 = arith.constant 640 : index
      %swap3A_719 = tpu.vector_load %arg10[%swap3A_717, %swap3A_718] {strides = array<i32>} : memref<16x1024xf32, #tpu.memory_space<vmem>>, vector<1x16xf32>,
      %swap3A_720 = vector.shape_cast %swap3A_719 : vector<1x16xf32> to vector<16xf32>
      %swap3A_721 = vector.shape_cast %add3A_716 : vector<16xf32> to vector<1x16xf32>
      tpu.vector_store %arg10[%swap3A_717, %swap3A_718], %swap3A_721 {strides = array<i32>} : memref<16x1024xf32, #tpu.memory_space<vmem>>, vector<1x16xf32>,
      %get3A_722 = arith.index_cast %scan3A_148 : i32 to index
      %get3A_723 = arith.constant 656 : index
      %get3A_724 = tpu.vector_load %arg10[%get3A_722, %get3A_723] {strides = array<i32>} : memref<16x1024xf32, #tpu.memory_space<vmem>>, vector<1x16xf32>,
      %get3A_725 = vector.shape_cast %get3A_724 : vector<1x16xf32> to vector<16xf32>
      %get3A_726 = arith.index_cast %scan3A_148 : i32 to index
      %get3A_727 = arith.constant 656 : index
      %get3A_728 = tpu.vector_load %arg11[%get3A_726, %get3A_727] {strides = array<i32>} : memref<16x1024xf32, #tpu.memory_space<vmem>>, vector<1x16xf32>,
      %get3A_729 = vector.shape_cast %get3A_728 : vector<1x16xf32> to vector<16xf32>
      %add3A_730 = arith.addf %get3A_725, %get3A_729 : vector<16xf32>
      %swap3A_731 = arith.index_cast %scan3A_148 : i32 to index
      %swap3A_732 = arith.constant 656 : index
      %swap3A_733 = tpu.vector_load %arg10[%swap3A_731, %swap3A_732] {strides = array<i32>} : memref<16x1024xf32, #tpu.memory_space<vmem>>, vector<1x16xf32>,
      %swap3A_734 = vector.shape_cast %swap3A_733 : vector<1x16xf32> to vector<16xf32>
      %swap3A_735 = vector.shape_cast %add3A_730 : vector<16xf32> to vector<1x16xf32>
      tpu.vector_store %arg10[%swap3A_731, %swap3A_732], %swap3A_735 {strides = array<i32>} : memref<16x1024xf32, #tpu.memory_space<vmem>>, vector<1x16xf32>,
      %get3A_736 = arith.index_cast %scan3A_148 : i32 to index
      %get3A_737 = arith.constant 672 : index
      %get3A_738 = tpu.vector_load %arg10[%get3A_736, %get3A_737] {strides = array<i32>} : memref<16x1024xf32, #tpu.memory_space<vmem>>, vector<1x16xf32>,
      %get3A_739 = vector.shape_cast %get3A_738 : vector<1x16xf32> to vector<16xf32>
      %get3A_740 = arith.index_cast %scan3A_148 : i32 to index
      %get3A_741 = arith.constant 672 : index
      %get3A_742 = tpu.vector_load %arg11[%get3A_740, %get3A_741] {strides = array<i32>} : memref<16x1024xf32, #tpu.memory_space<vmem>>, vector<1x16xf32>,
      %get3A_743 = vector.shape_cast %get3A_742 : vector<1x16xf32> to vector<16xf32>
      %add3A_744 = arith.addf %get3A_739, %get3A_743 : vector<16xf32>
      %swap3A_745 = arith.index_cast %scan3A_148 : i32 to index
      %swap3A_746 = arith.constant 672 : index
      %swap3A_747 = tpu.vector_load %arg10[%swap3A_745, %swap3A_746] {strides = array<i32>} : memref<16x1024xf32, #tpu.memory_space<vmem>>, vector<1x16xf32>,
      %swap3A_748 = vector.shape_cast %swap3A_747 : vector<1x16xf32> to vector<16xf32>
      %swap3A_749 = vector.shape_cast %add3A_744 : vector<16xf32> to vector<1x16xf32>
      tpu.vector_store %arg10[%swap3A_745, %swap3A_746], %swap3A_749 {strides = array<i32>} : memref<16x1024xf32, #tpu.memory_space<vmem>>, vector<1x16xf32>,
      %get3A_750 = arith.index_cast %scan3A_148 : i32 to index
      %get3A_751 = arith.constant 688 : index
      %get3A_752 = tpu.vector_load %arg10[%get3A_750, %get3A_751] {strides = array<i32>} : memref<16x1024xf32, #tpu.memory_space<vmem>>, vector<1x16xf32>,
      %get3A_753 = vector.shape_cast %get3A_752 : vector<1x16xf32> to vector<16xf32>
      %get3A_754 = arith.index_cast %scan3A_148 : i32 to index
      %get3A_755 = arith.constant 688 : index
      %get3A_756 = tpu.vector_load %arg11[%get3A_754, %get3A_755] {strides = array<i32>} : memref<16x1024xf32, #tpu.memory_space<vmem>>, vector<1x16xf32>,
      %get3A_757 = vector.shape_cast %get3A_756 : vector<1x16xf32> to vector<16xf32>
      %add3A_758 = arith.addf %get3A_753, %get3A_757 : vector<16xf32>
      %swap3A_759 = arith.index_cast %scan3A_148 : i32 to index
      %swap3A_760 = arith.constant 688 : index
      %swap3A_761 = tpu.vector_load %arg10[%swap3A_759, %swap3A_760] {strides = array<i32>} : memref<16x1024xf32, #tpu.memory_space<vmem>>, vector<1x16xf32>,
      %swap3A_762 = vector.shape_cast %swap3A_761 : vector<1x16xf32> to vector<16xf32>
      %swap3A_763 = vector.shape_cast %add3A_758 : vector<16xf32> to vector<1x16xf32>
      tpu.vector_store %arg10[%swap3A_759, %swap3A_760], %swap3A_763 {strides = array<i32>} : memref<16x1024xf32, #tpu.memory_space<vmem>>, vector<1x16xf32>,
      %get3A_764 = arith.index_cast %scan3A_148 : i32 to index
      %get3A_765 = arith.constant 704 : index
      %get3A_766 = tpu.vector_load %arg10[%get3A_764, %get3A_765] {strides = array<i32>} : memref<16x1024xf32, #tpu.memory_space<vmem>>, vector<1x16xf32>,
      %get3A_767 = vector.shape_cast %get3A_766 : vector<1x16xf32> to vector<16xf32>
      %get3A_768 = arith.index_cast %scan3A_148 : i32 to index
      %get3A_769 = arith.constant 704 : index
      %get3A_770 = tpu.vector_load %arg11[%get3A_768, %get3A_769] {strides = array<i32>} : memref<16x1024xf32, #tpu.memory_space<vmem>>, vector<1x16xf32>,
      %get3A_771 = vector.shape_cast %get3A_770 : vector<1x16xf32> to vector<16xf32>
      %add3A_772 = arith.addf %get3A_767, %get3A_771 : vector<16xf32>
      %swap3A_773 = arith.index_cast %scan3A_148 : i32 to index
      %swap3A_774 = arith.constant 704 : index
      %swap3A_775 = tpu.vector_load %arg10[%swap3A_773, %swap3A_774] {strides = array<i32>} : memref<16x1024xf32, #tpu.memory_space<vmem>>, vector<1x16xf32>,
      %swap3A_776 = vector.shape_cast %swap3A_775 : vector<1x16xf32> to vector<16xf32>
      %swap3A_777 = vector.shape_cast %add3A_772 : vector<16xf32> to vector<1x16xf32>
      tpu.vector_store %arg10[%swap3A_773, %swap3A_774], %swap3A_777 {strides = array<i32>} : memref<16x1024xf32, #tpu.memory_space<vmem>>, vector<1x16xf32>,
      %get3A_778 = arith.index_cast %scan3A_148 : i32 to index
      %get3A_779 = arith.constant 720 : index
      %get3A_780 = tpu.vector_load %arg10[%get3A_778, %get3A_779] {strides = array<i32>} : memref<16x1024xf32, #tpu.memory_space<vmem>>, vector<1x16xf32>,
      %get3A_781 = vector.shape_cast %get3A_780 : vector<1x16xf32> to vector<16xf32>
      %get3A_782 = arith.index_cast %scan3A_148 : i32 to index
      %get3A_783 = arith.constant 720 : index
      %get3A_784 = tpu.vector_load %arg11[%get3A_782, %get3A_783] {strides = array<i32>} : memref<16x1024xf32, #tpu.memory_space<vmem>>, vector<1x16xf32>,
      %get3A_785 = vector.shape_cast %get3A_784 : vector<1x16xf32> to vector<16xf32>
      %add3A_786 = arith.addf %get3A_781, %get3A_785 : vector<16xf32>
      %swap3A_787 = arith.index_cast %scan3A_148 : i32 to index
      %swap3A_788 = arith.constant 720 : index
      %swap3A_789 = tpu.vector_load %arg10[%swap3A_787, %swap3A_788] {strides = array<i32>} : memref<16x1024xf32, #tpu.memory_space<vmem>>, vector<1x16xf32>,
      %swap3A_790 = vector.shape_cast %swap3A_789 : vector<1x16xf32> to vector<16xf32>
      %swap3A_791 = vector.shape_cast %add3A_786 : vector<16xf32> to vector<1x16xf32>
      tpu.vector_store %arg10[%swap3A_787, %swap3A_788], %swap3A_791 {strides = array<i32>} : memref<16x1024xf32, #tpu.memory_space<vmem>>, vector<1x16xf32>,
      %get3A_792 = arith.index_cast %scan3A_148 : i32 to index
      %get3A_793 = arith.constant 736 : index
      %get3A_794 = tpu.vector_load %arg10[%get3A_792, %get3A_793] {strides = array<i32>} : memref<16x1024xf32, #tpu.memory_space<vmem>>, vector<1x16xf32>,
      %get3A_795 = vector.shape_cast %get3A_794 : vector<1x16xf32> to vector<16xf32>
      %get3A_796 = arith.index_cast %scan3A_148 : i32 to index
      %get3A_797 = arith.constant 736 : index
      %get3A_798 = tpu.vector_load %arg11[%get3A_796, %get3A_797] {strides = array<i32>} : memref<16x1024xf32, #tpu.memory_space<vmem>>, vector<1x16xf32>,
      %get3A_799 = vector.shape_cast %get3A_798 : vector<1x16xf32> to vector<16xf32>
      %add3A_800 = arith.addf %get3A_795, %get3A_799 : vector<16xf32>
      %swap3A_801 = arith.index_cast %scan3A_148 : i32 to index
      %swap3A_802 = arith.constant 736 : index
      %swap3A_803 = tpu.vector_load %arg10[%swap3A_801, %swap3A_802] {strides = array<i32>} : memref<16x1024xf32, #tpu.memory_space<vmem>>, vector<1x16xf32>,
      %swap3A_804 = vector.shape_cast %swap3A_803 : vector<1x16xf32> to vector<16xf32>
      %swap3A_805 = vector.shape_cast %add3A_800 : vector<16xf32> to vector<1x16xf32>
      tpu.vector_store %arg10[%swap3A_801, %swap3A_802], %swap3A_805 {strides = array<i32>} : memref<16x1024xf32, #tpu.memory_space<vmem>>, vector<1x16xf32>,
      %get3A_806 = arith.index_cast %scan3A_148 : i32 to index
      %get3A_807 = arith.constant 752 : index
      %get3A_808 = tpu.vector_load %arg10[%get3A_806, %get3A_807] {strides = array<i32>} : memref<16x1024xf32, #tpu.memory_space<vmem>>, vector<1x16xf32>,
      %get3A_809 = vector.shape_cast %get3A_808 : vector<1x16xf32> to vector<16xf32>
      %get3A_810 = arith.index_cast %scan3A_148 : i32 to index
      %get3A_811 = arith.constant 752 : index
      %get3A_812 = tpu.vector_load %arg11[%get3A_810, %get3A_811] {strides = array<i32>} : memref<16x1024xf32, #tpu.memory_space<vmem>>, vector<1x16xf32>,
      %get3A_813 = vector.shape_cast %get3A_812 : vector<1x16xf32> to vector<16xf32>
      %add3A_814 = arith.addf %get3A_809, %get3A_813 : vector<16xf32>
      %swap3A_815 = arith.index_cast %scan3A_148 : i32 to index
      %swap3A_816 = arith.constant 752 : index
      %swap3A_817 = tpu.vector_load %arg10[%swap3A_815, %swap3A_816] {strides = array<i32>} : memref<16x1024xf32, #tpu.memory_space<vmem>>, vector<1x16xf32>,
      %swap3A_818 = vector.shape_cast %swap3A_817 : vector<1x16xf32> to vector<16xf32>
      %swap3A_819 = vector.shape_cast %add3A_814 : vector<16xf32> to vector<1x16xf32>
      tpu.vector_store %arg10[%swap3A_815, %swap3A_816], %swap3A_819 {strides = array<i32>} : memref<16x1024xf32, #tpu.memory_space<vmem>>, vector<1x16xf32>,
      %get3A_820 = arith.index_cast %scan3A_148 : i32 to index
      %get3A_821 = arith.constant 768 : index
      %get3A_822 = tpu.vector_load %arg10[%get3A_820, %get3A_821] {strides = array<i32>} : memref<16x1024xf32, #tpu.memory_space<vmem>>, vector<1x16xf32>,
      %get3A_823 = vector.shape_cast %get3A_822 : vector<1x16xf32> to vector<16xf32>
      %get3A_824 = arith.index_cast %scan3A_148 : i32 to index
      %get3A_825 = arith.constant 768 : index
      %get3A_826 = tpu.vector_load %arg11[%get3A_824, %get3A_825] {strides = array<i32>} : memref<16x1024xf32, #tpu.memory_space<vmem>>, vector<1x16xf32>,
      %get3A_827 = vector.shape_cast %get3A_826 : vector<1x16xf32> to vector<16xf32>
      %add3A_828 = arith.addf %get3A_823, %get3A_827 : vector<16xf32>
      %swap3A_829 = arith.index_cast %scan3A_148 : i32 to index
      %swap3A_830 = arith.constant 768 : index
      %swap3A_831 = tpu.vector_load %arg10[%swap3A_829, %swap3A_830] {strides = array<i32>} : memref<16x1024xf32, #tpu.memory_space<vmem>>, vector<1x16xf32>,
      %swap3A_832 = vector.shape_cast %swap3A_831 : vector<1x16xf32> to vector<16xf32>
      %swap3A_833 = vector.shape_cast %add3A_828 : vector<16xf32> to vector<1x16xf32>
      tpu.vector_store %arg10[%swap3A_829, %swap3A_830], %swap3A_833 {strides = array<i32>} : memref<16x1024xf32, #tpu.memory_space<vmem>>, vector<1x16xf32>,
      %get3A_834 = arith.index_cast %scan3A_148 : i32 to index
      %get3A_835 = arith.constant 784 : index
      %get3A_836 = tpu.vector_load %arg10[%get3A_834, %get3A_835] {strides = array<i32>} : memref<16x1024xf32, #tpu.memory_space<vmem>>, vector<1x16xf32>,
      %get3A_837 = vector.shape_cast %get3A_836 : vector<1x16xf32> to vector<16xf32>
      %get3A_838 = arith.index_cast %scan3A_148 : i32 to index
      %get3A_839 = arith.constant 784 : index
      %get3A_840 = tpu.vector_load %arg11[%get3A_838, %get3A_839] {strides = array<i32>} : memref<16x1024xf32, #tpu.memory_space<vmem>>, vector<1x16xf32>,
      %get3A_841 = vector.shape_cast %get3A_840 : vector<1x16xf32> to vector<16xf32>
      %add3A_842 = arith.addf %get3A_837, %get3A_841 : vector<16xf32>
      %swap3A_843 = arith.index_cast %scan3A_148 : i32 to index
      %swap3A_844 = arith.constant 784 : index
      %swap3A_845 = tpu.vector_load %arg10[%swap3A_843, %swap3A_844] {strides = array<i32>} : memref<16x1024xf32, #tpu.memory_space<vmem>>, vector<1x16xf32>,
      %swap3A_846 = vector.shape_cast %swap3A_845 : vector<1x16xf32> to vector<16xf32>
      %swap3A_847 = vector.shape_cast %add3A_842 : vector<16xf32> to vector<1x16xf32>
      tpu.vector_store %arg10[%swap3A_843, %swap3A_844], %swap3A_847 {strides = array<i32>} : memref<16x1024xf32, #tpu.memory_space<vmem>>, vector<1x16xf32>,
      %get3A_848 = arith.index_cast %scan3A_148 : i32 to index
      %get3A_849 = arith.constant 800 : index
      %get3A_850 = tpu.vector_load %arg10[%get3A_848, %get3A_849] {strides = array<i32>} : memref<16x1024xf32, #tpu.memory_space<vmem>>, vector<1x16xf32>,
      %get3A_851 = vector.shape_cast %get3A_850 : vector<1x16xf32> to vector<16xf32>
      %get3A_852 = arith.index_cast %scan3A_148 : i32 to index
      %get3A_853 = arith.constant 800 : index
      %get3A_854 = tpu.vector_load %arg11[%get3A_852, %get3A_853] {strides = array<i32>} : memref<16x1024xf32, #tpu.memory_space<vmem>>, vector<1x16xf32>,
      %get3A_855 = vector.shape_cast %get3A_854 : vector<1x16xf32> to vector<16xf32>
      %add3A_856 = arith.addf %get3A_851, %get3A_855 : vector<16xf32>
      %swap3A_857 = arith.index_cast %scan3A_148 : i32 to index
      %swap3A_858 = arith.constant 800 : index
      %swap3A_859 = tpu.vector_load %arg10[%swap3A_857, %swap3A_858] {strides = array<i32>} : memref<16x1024xf32, #tpu.memory_space<vmem>>, vector<1x16xf32>,
      %swap3A_860 = vector.shape_cast %swap3A_859 : vector<1x16xf32> to vector<16xf32>
      %swap3A_861 = vector.shape_cast %add3A_856 : vector<16xf32> to vector<1x16xf32>
      tpu.vector_store %arg10[%swap3A_857, %swap3A_858], %swap3A_861 {strides = array<i32>} : memref<16x1024xf32, #tpu.memory_space<vmem>>, vector<1x16xf32>,
      %get3A_862 = arith.index_cast %scan3A_148 : i32 to index
      %get3A_863 = arith.constant 816 : index
      %get3A_864 = tpu.vector_load %arg10[%get3A_862, %get3A_863] {strides = array<i32>} : memref<16x1024xf32, #tpu.memory_space<vmem>>, vector<1x16xf32>,
      %get3A_865 = vector.shape_cast %get3A_864 : vector<1x16xf32> to vector<16xf32>
      %get3A_866 = arith.index_cast %scan3A_148 : i32 to index
      %get3A_867 = arith.constant 816 : index
      %get3A_868 = tpu.vector_load %arg11[%get3A_866, %get3A_867] {strides = array<i32>} : memref<16x1024xf32, #tpu.memory_space<vmem>>, vector<1x16xf32>,
      %get3A_869 = vector.shape_cast %get3A_868 : vector<1x16xf32> to vector<16xf32>
      %add3A_870 = arith.addf %get3A_865, %get3A_869 : vector<16xf32>
      %swap3A_871 = arith.index_cast %scan3A_148 : i32 to index
      %swap3A_872 = arith.constant 816 : index
      %swap3A_873 = tpu.vector_load %arg10[%swap3A_871, %swap3A_872] {strides = array<i32>} : memref<16x1024xf32, #tpu.memory_space<vmem>>, vector<1x16xf32>,
      %swap3A_874 = vector.shape_cast %swap3A_873 : vector<1x16xf32> to vector<16xf32>
      %swap3A_875 = vector.shape_cast %add3A_870 : vector<16xf32> to vector<1x16xf32>
      tpu.vector_store %arg10[%swap3A_871, %swap3A_872], %swap3A_875 {strides = array<i32>} : memref<16x1024xf32, #tpu.memory_space<vmem>>, vector<1x16xf32>,
      %get3A_876 = arith.index_cast %scan3A_148 : i32 to index
      %get3A_877 = arith.constant 832 : index
      %get3A_878 = tpu.vector_load %arg10[%get3A_876, %get3A_877] {strides = array<i32>} : memref<16x1024xf32, #tpu.memory_space<vmem>>, vector<1x16xf32>,
      %get3A_879 = vector.shape_cast %get3A_878 : vector<1x16xf32> to vector<16xf32>
      %get3A_880 = arith.index_cast %scan3A_148 : i32 to index
      %get3A_881 = arith.constant 832 : index
      %get3A_882 = tpu.vector_load %arg11[%get3A_880, %get3A_881] {strides = array<i32>} : memref<16x1024xf32, #tpu.memory_space<vmem>>, vector<1x16xf32>,
      %get3A_883 = vector.shape_cast %get3A_882 : vector<1x16xf32> to vector<16xf32>
      %add3A_884 = arith.addf %get3A_879, %get3A_883 : vector<16xf32>
      %swap3A_885 = arith.index_cast %scan3A_148 : i32 to index
      %swap3A_886 = arith.constant 832 : index
      %swap3A_887 = tpu.vector_load %arg10[%swap3A_885, %swap3A_886] {strides = array<i32>} : memref<16x1024xf32, #tpu.memory_space<vmem>>, vector<1x16xf32>,
      %swap3A_888 = vector.shape_cast %swap3A_887 : vector<1x16xf32> to vector<16xf32>
      %swap3A_889 = vector.shape_cast %add3A_884 : vector<16xf32> to vector<1x16xf32>
      tpu.vector_store %arg10[%swap3A_885, %swap3A_886], %swap3A_889 {strides = array<i32>} : memref<16x1024xf32, #tpu.memory_space<vmem>>, vector<1x16xf32>,
      %get3A_890 = arith.index_cast %scan3A_148 : i32 to index
      %get3A_891 = arith.constant 848 : index
      %get3A_892 = tpu.vector_load %arg10[%get3A_890, %get3A_891] {strides = array<i32>} : memref<16x1024xf32, #tpu.memory_space<vmem>>, vector<1x16xf32>,
      %get3A_893 = vector.shape_cast %get3A_892 : vector<1x16xf32> to vector<16xf32>
      %get3A_894 = arith.index_cast %scan3A_148 : i32 to index
      %get3A_895 = arith.constant 848 : index
      %get3A_896 = tpu.vector_load %arg11[%get3A_894, %get3A_895] {strides = array<i32>} : memref<16x1024xf32, #tpu.memory_space<vmem>>, vector<1x16xf32>,
      %get3A_897 = vector.shape_cast %get3A_896 : vector<1x16xf32> to vector<16xf32>
      %add3A_898 = arith.addf %get3A_893, %get3A_897 : vector<16xf32>
      %swap3A_899 = arith.index_cast %scan3A_148 : i32 to index
      %swap3A_900 = arith.constant 848 : index
      %swap3A_901 = tpu.vector_load %arg10[%swap3A_899, %swap3A_900] {strides = array<i32>} : memref<16x1024xf32, #tpu.memory_space<vmem>>, vector<1x16xf32>,
      %swap3A_902 = vector.shape_cast %swap3A_901 : vector<1x16xf32> to vector<16xf32>
      %swap3A_903 = vector.shape_cast %add3A_898 : vector<16xf32> to vector<1x16xf32>
      tpu.vector_store %arg10[%swap3A_899, %swap3A_900], %swap3A_903 {strides = array<i32>} : memref<16x1024xf32, #tpu.memory_space<vmem>>, vector<1x16xf32>,
      %get3A_904 = arith.index_cast %scan3A_148 : i32 to index
      %get3A_905 = arith.constant 864 : index
      %get3A_906 = tpu.vector_load %arg10[%get3A_904, %get3A_905] {strides = array<i32>} : memref<16x1024xf32, #tpu.memory_space<vmem>>, vector<1x16xf32>,
      %get3A_907 = vector.shape_cast %get3A_906 : vector<1x16xf32> to vector<16xf32>
      %get3A_908 = arith.index_cast %scan3A_148 : i32 to index
      %get3A_909 = arith.constant 864 : index
      %get3A_910 = tpu.vector_load %arg11[%get3A_908, %get3A_909] {strides = array<i32>} : memref<16x1024xf32, #tpu.memory_space<vmem>>, vector<1x16xf32>,
      %get3A_911 = vector.shape_cast %get3A_910 : vector<1x16xf32> to vector<16xf32>
      %add3A_912 = arith.addf %get3A_907, %get3A_911 : vector<16xf32>
      %swap3A_913 = arith.index_cast %scan3A_148 : i32 to index
      %swap3A_914 = arith.constant 864 : index
      %swap3A_915 = tpu.vector_load %arg10[%swap3A_913, %swap3A_914] {strides = array<i32>} : memref<16x1024xf32, #tpu.memory_space<vmem>>, vector<1x16xf32>,
      %swap3A_916 = vector.shape_cast %swap3A_915 : vector<1x16xf32> to vector<16xf32>
      %swap3A_917 = vector.shape_cast %add3A_912 : vector<16xf32> to vector<1x16xf32>
      tpu.vector_store %arg10[%swap3A_913, %swap3A_914], %swap3A_917 {strides = array<i32>} : memref<16x1024xf32, #tpu.memory_space<vmem>>, vector<1x16xf32>,
      %get3A_918 = arith.index_cast %scan3A_148 : i32 to index
      %get3A_919 = arith.constant 880 : index
      %get3A_920 = tpu.vector_load %arg10[%get3A_918, %get3A_919] {strides = array<i32>} : memref<16x1024xf32, #tpu.memory_space<vmem>>, vector<1x16xf32>,
      %get3A_921 = vector.shape_cast %get3A_920 : vector<1x16xf32> to vector<16xf32>
      %get3A_922 = arith.index_cast %scan3A_148 : i32 to index
      %get3A_923 = arith.constant 880 : index
      %get3A_924 = tpu.vector_load %arg11[%get3A_922, %get3A_923] {strides = array<i32>} : memref<16x1024xf32, #tpu.memory_space<vmem>>, vector<1x16xf32>,
      %get3A_925 = vector.shape_cast %get3A_924 : vector<1x16xf32> to vector<16xf32>
      %add3A_926 = arith.addf %get3A_921, %get3A_925 : vector<16xf32>
      %swap3A_927 = arith.index_cast %scan3A_148 : i32 to index
      %swap3A_928 = arith.constant 880 : index
      %swap3A_929 = tpu.vector_load %arg10[%swap3A_927, %swap3A_928] {strides = array<i32>} : memref<16x1024xf32, #tpu.memory_space<vmem>>, vector<1x16xf32>,
      %swap3A_930 = vector.shape_cast %swap3A_929 : vector<1x16xf32> to vector<16xf32>
      %swap3A_931 = vector.shape_cast %add3A_926 : vector<16xf32> to vector<1x16xf32>
      tpu.vector_store %arg10[%swap3A_927, %swap3A_928], %swap3A_931 {strides = array<i32>} : memref<16x1024xf32, #tpu.memory_space<vmem>>, vector<1x16xf32>,
      %get3A_932 = arith.index_cast %scan3A_148 : i32 to index
      %get3A_933 = arith.constant 896 : index
      %get3A_934 = tpu.vector_load %arg10[%get3A_932, %get3A_933] {strides = array<i32>} : memref<16x1024xf32, #tpu.memory_space<vmem>>, vector<1x16xf32>,
      %get3A_935 = vector.shape_cast %get3A_934 : vector<1x16xf32> to vector<16xf32>
      %get3A_936 = arith.index_cast %scan3A_148 : i32 to index
      %get3A_937 = arith.constant 896 : index
      %get3A_938 = tpu.vector_load %arg11[%get3A_936, %get3A_937] {strides = array<i32>} : memref<16x1024xf32, #tpu.memory_space<vmem>>, vector<1x16xf32>,
      %get3A_939 = vector.shape_cast %get3A_938 : vector<1x16xf32> to vector<16xf32>
      %add3A_940 = arith.addf %get3A_935, %get3A_939 : vector<16xf32>
      %swap3A_941 = arith.index_cast %scan3A_148 : i32 to index
      %swap3A_942 = arith.constant 896 : index
      %swap3A_943 = tpu.vector_load %arg10[%swap3A_941, %swap3A_942] {strides = array<i32>} : memref<16x1024xf32, #tpu.memory_space<vmem>>, vector<1x16xf32>,
      %swap3A_944 = vector.shape_cast %swap3A_943 : vector<1x16xf32> to vector<16xf32>
      %swap3A_945 = vector.shape_cast %add3A_940 : vector<16xf32> to vector<1x16xf32>
      tpu.vector_store %arg10[%swap3A_941, %swap3A_942], %swap3A_945 {strides = array<i32>} : memref<16x1024xf32, #tpu.memory_space<vmem>>, vector<1x16xf32>,
      %get3A_946 = arith.index_cast %scan3A_148 : i32 to index
      %get3A_947 = arith.constant 912 : index
      %get3A_948 = tpu.vector_load %arg10[%get3A_946, %get3A_947] {strides = array<i32>} : memref<16x1024xf32, #tpu.memory_space<vmem>>, vector<1x16xf32>,
      %get3A_949 = vector.shape_cast %get3A_948 : vector<1x16xf32> to vector<16xf32>
      %get3A_950 = arith.index_cast %scan3A_148 : i32 to index
      %get3A_951 = arith.constant 912 : index
      %get3A_952 = tpu.vector_load %arg11[%get3A_950, %get3A_951] {strides = array<i32>} : memref<16x1024xf32, #tpu.memory_space<vmem>>, vector<1x16xf32>,
      %get3A_953 = vector.shape_cast %get3A_952 : vector<1x16xf32> to vector<16xf32>
      %add3A_954 = arith.addf %get3A_949, %get3A_953 : vector<16xf32>
      %swap3A_955 = arith.index_cast %scan3A_148 : i32 to index
      %swap3A_956 = arith.constant 912 : index
      %swap3A_957 = tpu.vector_load %arg10[%swap3A_955, %swap3A_956] {strides = array<i32>} : memref<16x1024xf32, #tpu.memory_space<vmem>>, vector<1x16xf32>,
      %swap3A_958 = vector.shape_cast %swap3A_957 : vector<1x16xf32> to vector<16xf32>
      %swap3A_959 = vector.shape_cast %add3A_954 : vector<16xf32> to vector<1x16xf32>
      tpu.vector_store %arg10[%swap3A_955, %swap3A_956], %swap3A_959 {strides = array<i32>} : memref<16x1024xf32, #tpu.memory_space<vmem>>, vector<1x16xf32>,
      %get3A_960 = arith.index_cast %scan3A_148 : i32 to index
      %get3A_961 = arith.constant 928 : index
      %get3A_962 = tpu.vector_load %arg10[%get3A_960, %get3A_961] {strides = array<i32>} : memref<16x1024xf32, #tpu.memory_space<vmem>>, vector<1x16xf32>,
      %get3A_963 = vector.shape_cast %get3A_962 : vector<1x16xf32> to vector<16xf32>
      %get3A_964 = arith.index_cast %scan3A_148 : i32 to index
      %get3A_965 = arith.constant 928 : index
      %get3A_966 = tpu.vector_load %arg11[%get3A_964, %get3A_965] {strides = array<i32>} : memref<16x1024xf32, #tpu.memory_space<vmem>>, vector<1x16xf32>,
      %get3A_967 = vector.shape_cast %get3A_966 : vector<1x16xf32> to vector<16xf32>
      %add3A_968 = arith.addf %get3A_963, %get3A_967 : vector<16xf32>
      %swap3A_969 = arith.index_cast %scan3A_148 : i32 to index
      %swap3A_970 = arith.constant 928 : index
      %swap3A_971 = tpu.vector_load %arg10[%swap3A_969, %swap3A_970] {strides = array<i32>} : memref<16x1024xf32, #tpu.memory_space<vmem>>, vector<1x16xf32>,
      %swap3A_972 = vector.shape_cast %swap3A_971 : vector<1x16xf32> to vector<16xf32>
      %swap3A_973 = vector.shape_cast %add3A_968 : vector<16xf32> to vector<1x16xf32>
      tpu.vector_store %arg10[%swap3A_969, %swap3A_970], %swap3A_973 {strides = array<i32>} : memref<16x1024xf32, #tpu.memory_space<vmem>>, vector<1x16xf32>,
      %get3A_974 = arith.index_cast %scan3A_148 : i32 to index
      %get3A_975 = arith.constant 944 : index
      %get3A_976 = tpu.vector_load %arg10[%get3A_974, %get3A_975] {strides = array<i32>} : memref<16x1024xf32, #tpu.memory_space<vmem>>, vector<1x16xf32>,
      %get3A_977 = vector.shape_cast %get3A_976 : vector<1x16xf32> to vector<16xf32>
      %get3A_978 = arith.index_cast %scan3A_148 : i32 to index
      %get3A_979 = arith.constant 944 : index
      %get3A_980 = tpu.vector_load %arg11[%get3A_978, %get3A_979] {strides = array<i32>} : memref<16x1024xf32, #tpu.memory_space<vmem>>, vector<1x16xf32>,
      %get3A_981 = vector.shape_cast %get3A_980 : vector<1x16xf32> to vector<16xf32>
      %add3A_982 = arith.addf %get3A_977, %get3A_981 : vector<16xf32>
      %swap3A_983 = arith.index_cast %scan3A_148 : i32 to index
      %swap3A_984 = arith.constant 944 : index
      %swap3A_985 = tpu.vector_load %arg10[%swap3A_983, %swap3A_984] {strides = array<i32>} : memref<16x1024xf32, #tpu.memory_space<vmem>>, vector<1x16xf32>,
      %swap3A_986 = vector.shape_cast %swap3A_985 : vector<1x16xf32> to vector<16xf32>
      %swap3A_987 = vector.shape_cast %add3A_982 : vector<16xf32> to vector<1x16xf32>
      tpu.vector_store %arg10[%swap3A_983, %swap3A_984], %swap3A_987 {strides = array<i32>} : memref<16x1024xf32, #tpu.memory_space<vmem>>, vector<1x16xf32>,
      %get3A_988 = arith.index_cast %scan3A_148 : i32 to index
      %get3A_989 = arith.constant 960 : index
      %get3A_990 = tpu.vector_load %arg10[%get3A_988, %get3A_989] {strides = array<i32>} : memref<16x1024xf32, #tpu.memory_space<vmem>>, vector<1x16xf32>,
      %get3A_991 = vector.shape_cast %get3A_990 : vector<1x16xf32> to vector<16xf32>
      %get3A_992 = arith.index_cast %scan3A_148 : i32 to index
      %get3A_993 = arith.constant 960 : index
      %get3A_994 = tpu.vector_load %arg11[%get3A_992, %get3A_993] {strides = array<i32>} : memref<16x1024xf32, #tpu.memory_space<vmem>>, vector<1x16xf32>,
      %get3A_995 = vector.shape_cast %get3A_994 : vector<1x16xf32> to vector<16xf32>
      %add3A_996 = arith.addf %get3A_991, %get3A_995 : vector<16xf32>
      %swap3A_997 = arith.index_cast %scan3A_148 : i32 to index
      %swap3A_998 = arith.constant 960 : index
      %swap3A_999 = tpu.vector_load %arg10[%swap3A_997, %swap3A_998] {strides = array<i32>} : memref<16x1024xf32, #tpu.memory_space<vmem>>, vector<1x16xf32>,
      %swap3A_1000 = vector.shape_cast %swap3A_999 : vector<1x16xf32> to vector<16xf32>
      %swap3A_1001 = vector.shape_cast %add3A_996 : vector<16xf32> to vector<1x16xf32>
      tpu.vector_store %arg10[%swap3A_997, %swap3A_998], %swap3A_1001 {strides = array<i32>} : memref<16x1024xf32, #tpu.memory_space<vmem>>, vector<1x16xf32>,
      %get3A_1002 = arith.index_cast %scan3A_148 : i32 to index
      %get3A_1003 = arith.constant 976 : index
      %get3A_1004 = tpu.vector_load %arg10[%get3A_1002, %get3A_1003] {strides = array<i32>} : memref<16x1024xf32, #tpu.memory_space<vmem>>, vector<1x16xf32>,
      %get3A_1005 = vector.shape_cast %get3A_1004 : vector<1x16xf32> to vector<16xf32>
      %get3A_1006 = arith.index_cast %scan3A_148 : i32 to index
      %get3A_1007 = arith.constant 976 : index
      %get3A_1008 = tpu.vector_load %arg11[%get3A_1006, %get3A_1007] {strides = array<i32>} : memref<16x1024xf32, #tpu.memory_space<vmem>>, vector<1x16xf32>,
      %get3A_1009 = vector.shape_cast %get3A_1008 : vector<1x16xf32> to vector<16xf32>
      %add3A_1010 = arith.addf %get3A_1005, %get3A_1009 : vector<16xf32>
      %swap3A_1011 = arith.index_cast %scan3A_148 : i32 to index
      %swap3A_1012 = arith.constant 976 : index
      %swap3A_1013 = tpu.vector_load %arg10[%swap3A_1011, %swap3A_1012] {strides = array<i32>} : memref<16x1024xf32, #tpu.memory_space<vmem>>, vector<1x16xf32>,
      %swap3A_1014 = vector.shape_cast %swap3A_1013 : vector<1x16xf32> to vector<16xf32>
      %swap3A_1015 = vector.shape_cast %add3A_1010 : vector<16xf32> to vector<1x16xf32>
      tpu.vector_store %arg10[%swap3A_1011, %swap3A_1012], %swap3A_1015 {strides = array<i32>} : memref<16x1024xf32, #tpu.memory_space<vmem>>, vector<1x16xf32>,
      %get3A_1016 = arith.index_cast %scan3A_148 : i32 to index
      %get3A_1017 = arith.constant 992 : index
      %get3A_1018 = tpu.vector_load %arg10[%get3A_1016, %get3A_1017] {strides = array<i32>} : memref<16x1024xf32, #tpu.memory_space<vmem>>, vector<1x16xf32>,
      %get3A_1019 = vector.shape_cast %get3A_1018 : vector<1x16xf32> to vector<16xf32>
      %get3A_1020 = arith.index_cast %scan3A_148 : i32 to index
      %get3A_1021 = arith.constant 992 : index
      %get3A_1022 = tpu.vector_load %arg11[%get3A_1020, %get3A_1021] {strides = array<i32>} : memref<16x1024xf32, #tpu.memory_space<vmem>>, vector<1x16xf32>,
      %get3A_1023 = vector.shape_cast %get3A_1022 : vector<1x16xf32> to vector<16xf32>
      %add3A_1024 = arith.addf %get3A_1019, %get3A_1023 : vector<16xf32>
      %swap3A_1025 = arith.index_cast %scan3A_148 : i32 to index
      %swap3A_1026 = arith.constant 992 : index
      %swap3A_1027 = tpu.vector_load %arg10[%swap3A_1025, %swap3A_1026] {strides = array<i32>} : memref<16x1024xf32, #tpu.memory_space<vmem>>, vector<1x16xf32>,
      %swap3A_1028 = vector.shape_cast %swap3A_1027 : vector<1x16xf32> to vector<16xf32>
      %swap3A_1029 = vector.shape_cast %add3A_1024 : vector<16xf32> to vector<1x16xf32>
      tpu.vector_store %arg10[%swap3A_1025, %swap3A_1026], %swap3A_1029 {strides = array<i32>} : memref<16x1024xf32, #tpu.memory_space<vmem>>, vector<1x16xf32>,
      %get3A_1030 = arith.index_cast %scan3A_148 : i32 to index
      %get3A_1031 = arith.constant 1008 : index
      %get3A_1032 = tpu.vector_load %arg10[%get3A_1030, %get3A_1031] {strides = array<i32>} : memref<16x1024xf32, #tpu.memory_space<vmem>>, vector<1x16xf32>,
      %get3A_1033 = vector.shape_cast %get3A_1032 : vector<1x16xf32> to vector<16xf32>
      %get3A_1034 = arith.index_cast %scan3A_148 : i32 to index
      %get3A_1035 = arith.constant 1008 : index
      %get3A_1036 = tpu.vector_load %arg11[%get3A_1034, %get3A_1035] {strides = array<i32>} : memref<16x1024xf32, #tpu.memory_space<vmem>>, vector<1x16xf32>,
      %get3A_1037 = vector.shape_cast %get3A_1036 : vector<1x16xf32> to vector<16xf32>
      %add3A_1038 = arith.addf %get3A_1033, %get3A_1037 : vector<16xf32>
      %swap3A_1039 = arith.index_cast %scan3A_148 : i32 to index
      %swap3A_1040 = arith.constant 1008 : index
      %swap3A_1041 = tpu.vector_load %arg10[%swap3A_1039, %swap3A_1040] {strides = array<i32>} : memref<16x1024xf32, #tpu.memory_space<vmem>>, vector<1x16xf32>,
      %swap3A_1042 = vector.shape_cast %swap3A_1041 : vector<1x16xf32> to vector<16xf32>
      %swap3A_1043 = vector.shape_cast %add3A_1038 : vector<16xf32> to vector<1x16xf32>
      tpu.vector_store %arg10[%swap3A_1039, %swap3A_1040], %swap3A_1043 {strides = array<i32>} : memref<16x1024xf32, #tpu.memory_space<vmem>>, vector<1x16xf32>,
      %scan3A_1044 = arith.constant 0 : i32
      scf.yield %scan3A_1044 : i32
    }
    %scan3A_83 = arith.constant 16 : i32
    %add3A_84 = arith.constant 16 : i32
    %add3A_85 = arith.addi %mul3A_2, %add3A_84 : i32
    %dma_start3A_86 = arith.constant 0 : i32
    %dma_start3A_87 = tpu.memref_slice %arg5[%add3A_85, %dma_start3A_86] : memref<2048x1024xf32, #tpu.memory_space<hbm>> -> memref<16x1024xf32, #tpu.memory_space<hbm>>
    %dma_start3A_88 = arith.constant 0 : i32
    %dma_start3A_89 = tpu.memref_slice %arg5[%add3A_85, %dma_start3A_88] : memref<2048x1024xf32, #tpu.memory_space<hbm>> -> memref<16x1024xf32, #tpu.memory_space<hbm>>
    tpu.enqueue_dma source(%arg10 : memref<16x1024xf32, #tpu.memory_space<vmem>>) target(%dma_start3A_89 : memref<16x1024xf32, #tpu.memory_space<hbm>>) target_semaphore(%arg21 : memref<!tpu.dma_semaphore, #tpu.memory_space<semaphore_mem>>)
    %dma_wait3A_90 = arith.constant 32 : i32
    %dma_wait3A_91 = tpu.memref_slice %arg6[%dma_wait3A_90] : memref<64xi32, #tpu.memory_space<vmem>> -> memref<16xi32, #tpu.memory_space<vmem>>
    %dma_wait3A_92 = arith.constant 0 : i32
    %dma_wait3A_93 = arith.constant 0 : i32
    %dma_wait3A_94 = tpu.memref_slice %arg2[%dma_wait3A_92, %dma_wait3A_93] : memref<5888x1024xf32, #tpu.memory_space<hbm>> -> memref<5888x1024xf32, #tpu.memory_space<hbm>>
    tpu.wait_indirect_dma semaphore(%arg18 : memref<!tpu.dma_semaphore, #tpu.memory_space<semaphore_mem>>) src(%dma_wait3A_94 : memref<5888x1024xf32, #tpu.memory_space<hbm>>) dst(%arg12 : memref<16x1024xf32, #tpu.memory_space<vmem>>)
    %dma_wait3A_95 = arith.constant 32 : i32
    %dma_wait3A_96 = tpu.memref_slice %arg7[%dma_wait3A_95] : memref<64xi32, #tpu.memory_space<vmem>> -> memref<16xi32, #tpu.memory_space<vmem>>
    %dma_wait3A_97 = arith.constant 0 : i32
    %dma_wait3A_98 = arith.constant 0 : i32
    %dma_wait3A_99 = tpu.memref_slice %arg2[%dma_wait3A_97, %dma_wait3A_98] : memref<5888x1024xf32, #tpu.memory_space<hbm>> -> memref<5888x1024xf32, #tpu.memory_space<hbm>>
    tpu.wait_indirect_dma semaphore(%arg19 : memref<!tpu.dma_semaphore, #tpu.memory_space<semaphore_mem>>) src(%dma_wait3A_99 : memref<5888x1024xf32, #tpu.memory_space<hbm>>) dst(%arg13 : memref<16x1024xf32, #tpu.memory_space<vmem>>)
    %scan3A_100 = arith.constant 0 : i32
    %scan3A_101 = arith.constant 0 : i32
    %scan3A_102 = arith.constant 16 : i32
    %scan3A_103 = arith.addi %scan3A_101, %scan3A_102 : i32
    %scan3A_104 = arith.constant 1 : i32
    %scan3A_105 = scf.for %scan3A_148 = %scan3A_101 to %scan3A_103 step %scan3A_104 iter_args(%scan3A_149 = %scan3A_100) -> (i32)  : i32 {
      %get3A = arith.index_cast %scan3A_148 : i32 to index
      %get3A_150 = arith.constant 0 : index
      %get3A_151 = tpu.vector_load %arg12[%get3A, %get3A_150] {strides = array<i32>} : memref<16x1024xf32, #tpu.memory_space<vmem>>, vector<1x16xf32>,
      %get3A_152 = vector.shape_cast %get3A_151 : vector<1x16xf32> to vector<16xf32>
      %get3A_153 = arith.index_cast %scan3A_148 : i32 to index
      %get3A_154 = arith.constant 0 : index
      %get3A_155 = tpu.vector_load %arg13[%get3A_153, %get3A_154] {strides = array<i32>} : memref<16x1024xf32, #tpu.memory_space<vmem>>, vector<1x16xf32>,
      %get3A_156 = vector.shape_cast %get3A_155 : vector<1x16xf32> to vector<16xf32>
      %add3A_157 = arith.addf %get3A_152, %get3A_156 : vector<16xf32>
      %swap3A = arith.index_cast %scan3A_148 : i32 to index
      %swap3A_158 = arith.constant 0 : index
      %swap3A_159 = tpu.vector_load %arg12[%swap3A, %swap3A_158] {strides = array<i32>} : memref<16x1024xf32, #tpu.memory_space<vmem>>, vector<1x16xf32>,
      %swap3A_160 = vector.shape_cast %swap3A_159 : vector<1x16xf32> to vector<16xf32>
      %swap3A_161 = vector.shape_cast %add3A_157 : vector<16xf32> to vector<1x16xf32>
      tpu.vector_store %arg12[%swap3A, %swap3A_158], %swap3A_161 {strides = array<i32>} : memref<16x1024xf32, #tpu.memory_space<vmem>>, vector<1x16xf32>,
      %get3A_162 = arith.index_cast %scan3A_148 : i32 to index
      %get3A_163 = arith.constant 16 : index
      %get3A_164 = tpu.vector_load %arg12[%get3A_162, %get3A_163] {strides = array<i32>} : memref<16x1024xf32, #tpu.memory_space<vmem>>, vector<1x16xf32>,
      %get3A_165 = vector.shape_cast %get3A_164 : vector<1x16xf32> to vector<16xf32>
      %get3A_166 = arith.index_cast %scan3A_148 : i32 to index
      %get3A_167 = arith.constant 16 : index
      %get3A_168 = tpu.vector_load %arg13[%get3A_166, %get3A_167] {strides = array<i32>} : memref<16x1024xf32, #tpu.memory_space<vmem>>, vector<1x16xf32>,
      %get3A_169 = vector.shape_cast %get3A_168 : vector<1x16xf32> to vector<16xf32>
      %add3A_170 = arith.addf %get3A_165, %get3A_169 : vector<16xf32>
      %swap3A_171 = arith.index_cast %scan3A_148 : i32 to index
      %swap3A_172 = arith.constant 16 : index
      %swap3A_173 = tpu.vector_load %arg12[%swap3A_171, %swap3A_172] {strides = array<i32>} : memref<16x1024xf32, #tpu.memory_space<vmem>>, vector<1x16xf32>,
      %swap3A_174 = vector.shape_cast %swap3A_173 : vector<1x16xf32> to vector<16xf32>
      %swap3A_175 = vector.shape_cast %add3A_170 : vector<16xf32> to vector<1x16xf32>
      tpu.vector_store %arg12[%swap3A_171, %swap3A_172], %swap3A_175 {strides = array<i32>} : memref<16x1024xf32, #tpu.memory_space<vmem>>, vector<1x16xf32>,
      %get3A_176 = arith.index_cast %scan3A_148 : i32 to index
      %get3A_177 = arith.constant 32 : index
      %get3A_178 = tpu.vector_load %arg12[%get3A_176, %get3A_177] {strides = array<i32>} : memref<16x1024xf32, #tpu.memory_space<vmem>>, vector<1x16xf32>,
      %get3A_179 = vector.shape_cast %get3A_178 : vector<1x16xf32> to vector<16xf32>
      %get3A_180 = arith.index_cast %scan3A_148 : i32 to index
      %get3A_181 = arith.constant 32 : index
      %get3A_182 = tpu.vector_load %arg13[%get3A_180, %get3A_181] {strides = array<i32>} : memref<16x1024xf32, #tpu.memory_space<vmem>>, vector<1x16xf32>,
      %get3A_183 = vector.shape_cast %get3A_182 : vector<1x16xf32> to vector<16xf32>
      %add3A_184 = arith.addf %get3A_179, %get3A_183 : vector<16xf32>
      %swap3A_185 = arith.index_cast %scan3A_148 : i32 to index
      %swap3A_186 = arith.constant 32 : index
      %swap3A_187 = tpu.vector_load %arg12[%swap3A_185, %swap3A_186] {strides = array<i32>} : memref<16x1024xf32, #tpu.memory_space<vmem>>, vector<1x16xf32>,
      %swap3A_188 = vector.shape_cast %swap3A_187 : vector<1x16xf32> to vector<16xf32>
      %swap3A_189 = vector.shape_cast %add3A_184 : vector<16xf32> to vector<1x16xf32>
      tpu.vector_store %arg12[%swap3A_185, %swap3A_186], %swap3A_189 {strides = array<i32>} : memref<16x1024xf32, #tpu.memory_space<vmem>>, vector<1x16xf32>,
      %get3A_190 = arith.index_cast %scan3A_148 : i32 to index
      %get3A_191 = arith.constant 48 : index
      %get3A_192 = tpu.vector_load %arg12[%get3A_190, %get3A_191] {strides = array<i32>} : memref<16x1024xf32, #tpu.memory_space<vmem>>, vector<1x16xf32>,
      %get3A_193 = vector.shape_cast %get3A_192 : vector<1x16xf32> to vector<16xf32>
      %get3A_194 = arith.index_cast %scan3A_148 : i32 to index
      %get3A_195 = arith.constant 48 : index
      %get3A_196 = tpu.vector_load %arg13[%get3A_194, %get3A_195] {strides = array<i32>} : memref<16x1024xf32, #tpu.memory_space<vmem>>, vector<1x16xf32>,
      %get3A_197 = vector.shape_cast %get3A_196 : vector<1x16xf32> to vector<16xf32>
      %add3A_198 = arith.addf %get3A_193, %get3A_197 : vector<16xf32>
      %swap3A_199 = arith.index_cast %scan3A_148 : i32 to index
      %swap3A_200 = arith.constant 48 : index
      %swap3A_201 = tpu.vector_load %arg12[%swap3A_199, %swap3A_200] {strides = array<i32>} : memref<16x1024xf32, #tpu.memory_space<vmem>>, vector<1x16xf32>,
      %swap3A_202 = vector.shape_cast %swap3A_201 : vector<1x16xf32> to vector<16xf32>
      %swap3A_203 = vector.shape_cast %add3A_198 : vector<16xf32> to vector<1x16xf32>
      tpu.vector_store %arg12[%swap3A_199, %swap3A_200], %swap3A_203 {strides = array<i32>} : memref<16x1024xf32, #tpu.memory_space<vmem>>, vector<1x16xf32>,
      %get3A_204 = arith.index_cast %scan3A_148 : i32 to index
      %get3A_205 = arith.constant 64 : index
      %get3A_206 = tpu.vector_load %arg12[%get3A_204, %get3A_205] {strides = array<i32>} : memref<16x1024xf32, #tpu.memory_space<vmem>>, vector<1x16xf32>,
      %get3A_207 = vector.shape_cast %get3A_206 : vector<1x16xf32> to vector<16xf32>
      %get3A_208 = arith.index_cast %scan3A_148 : i32 to index
      %get3A_209 = arith.constant 64 : index
      %get3A_210 = tpu.vector_load %arg13[%get3A_208, %get3A_209] {strides = array<i32>} : memref<16x1024xf32, #tpu.memory_space<vmem>>, vector<1x16xf32>,
      %get3A_211 = vector.shape_cast %get3A_210 : vector<1x16xf32> to vector<16xf32>
      %add3A_212 = arith.addf %get3A_207, %get3A_211 : vector<16xf32>
      %swap3A_213 = arith.index_cast %scan3A_148 : i32 to index
      %swap3A_214 = arith.constant 64 : index
      %swap3A_215 = tpu.vector_load %arg12[%swap3A_213, %swap3A_214] {strides = array<i32>} : memref<16x1024xf32, #tpu.memory_space<vmem>>, vector<1x16xf32>,
      %swap3A_216 = vector.shape_cast %swap3A_215 : vector<1x16xf32> to vector<16xf32>
      %swap3A_217 = vector.shape_cast %add3A_212 : vector<16xf32> to vector<1x16xf32>
      tpu.vector_store %arg12[%swap3A_213, %swap3A_214], %swap3A_217 {strides = array<i32>} : memref<16x1024xf32, #tpu.memory_space<vmem>>, vector<1x16xf32>,
      %get3A_218 = arith.index_cast %scan3A_148 : i32 to index
      %get3A_219 = arith.constant 80 : index
      %get3A_220 = tpu.vector_load %arg12[%get3A_218, %get3A_219] {strides = array<i32>} : memref<16x1024xf32, #tpu.memory_space<vmem>>, vector<1x16xf32>,
      %get3A_221 = vector.shape_cast %get3A_220 : vector<1x16xf32> to vector<16xf32>
      %get3A_222 = arith.index_cast %scan3A_148 : i32 to index
      %get3A_223 = arith.constant 80 : index
      %get3A_224 = tpu.vector_load %arg13[%get3A_222, %get3A_223] {strides = array<i32>} : memref<16x1024xf32, #tpu.memory_space<vmem>>, vector<1x16xf32>,
      %get3A_225 = vector.shape_cast %get3A_224 : vector<1x16xf32> to vector<16xf32>
      %add3A_226 = arith.addf %get3A_221, %get3A_225 : vector<16xf32>
      %swap3A_227 = arith.index_cast %scan3A_148 : i32 to index
      %swap3A_228 = arith.constant 80 : index
      %swap3A_229 = tpu.vector_load %arg12[%swap3A_227, %swap3A_228] {strides = array<i32>} : memref<16x1024xf32, #tpu.memory_space<vmem>>, vector<1x16xf32>,
      %swap3A_230 = vector.shape_cast %swap3A_229 : vector<1x16xf32> to vector<16xf32>
      %swap3A_231 = vector.shape_cast %add3A_226 : vector<16xf32> to vector<1x16xf32>
      tpu.vector_store %arg12[%swap3A_227, %swap3A_228], %swap3A_231 {strides = array<i32>} : memref<16x1024xf32, #tpu.memory_space<vmem>>, vector<1x16xf32>,
      %get3A_232 = arith.index_cast %scan3A_148 : i32 to index
      %get3A_233 = arith.constant 96 : index
      %get3A_234 = tpu.vector_load %arg12[%get3A_232, %get3A_233] {strides = array<i32>} : memref<16x1024xf32, #tpu.memory_space<vmem>>, vector<1x16xf32>,
      %get3A_235 = vector.shape_cast %get3A_234 : vector<1x16xf32> to vector<16xf32>
      %get3A_236 = arith.index_cast %scan3A_148 : i32 to index
      %get3A_237 = arith.constant 96 : index
      %get3A_238 = tpu.vector_load %arg13[%get3A_236, %get3A_237] {strides = array<i32>} : memref<16x1024xf32, #tpu.memory_space<vmem>>, vector<1x16xf32>,
      %get3A_239 = vector.shape_cast %get3A_238 : vector<1x16xf32> to vector<16xf32>
      %add3A_240 = arith.addf %get3A_235, %get3A_239 : vector<16xf32>
      %swap3A_241 = arith.index_cast %scan3A_148 : i32 to index
      %swap3A_242 = arith.constant 96 : index
      %swap3A_243 = tpu.vector_load %arg12[%swap3A_241, %swap3A_242] {strides = array<i32>} : memref<16x1024xf32, #tpu.memory_space<vmem>>, vector<1x16xf32>,
      %swap3A_244 = vector.shape_cast %swap3A_243 : vector<1x16xf32> to vector<16xf32>
      %swap3A_245 = vector.shape_cast %add3A_240 : vector<16xf32> to vector<1x16xf32>
      tpu.vector_store %arg12[%swap3A_241, %swap3A_242], %swap3A_245 {strides = array<i32>} : memref<16x1024xf32, #tpu.memory_space<vmem>>, vector<1x16xf32>,
      %get3A_246 = arith.index_cast %scan3A_148 : i32 to index
      %get3A_247 = arith.constant 112 : index
      %get3A_248 = tpu.vector_load %arg12[%get3A_246, %get3A_247] {strides = array<i32>} : memref<16x1024xf32, #tpu.memory_space<vmem>>, vector<1x16xf32>,
      %get3A_249 = vector.shape_cast %get3A_248 : vector<1x16xf32> to vector<16xf32>
      %get3A_250 = arith.index_cast %scan3A_148 : i32 to index
      %get3A_251 = arith.constant 112 : index
      %get3A_252 = tpu.vector_load %arg13[%get3A_250, %get3A_251] {strides = array<i32>} : memref<16x1024xf32, #tpu.memory_space<vmem>>, vector<1x16xf32>,
      %get3A_253 = vector.shape_cast %get3A_252 : vector<1x16xf32> to vector<16xf32>
      %add3A_254 = arith.addf %get3A_249, %get3A_253 : vector<16xf32>
      %swap3A_255 = arith.index_cast %scan3A_148 : i32 to index
      %swap3A_256 = arith.constant 112 : index
      %swap3A_257 = tpu.vector_load %arg12[%swap3A_255, %swap3A_256] {strides = array<i32>} : memref<16x1024xf32, #tpu.memory_space<vmem>>, vector<1x16xf32>,
      %swap3A_258 = vector.shape_cast %swap3A_257 : vector<1x16xf32> to vector<16xf32>
      %swap3A_259 = vector.shape_cast %add3A_254 : vector<16xf32> to vector<1x16xf32>
      tpu.vector_store %arg12[%swap3A_255, %swap3A_256], %swap3A_259 {strides = array<i32>} : memref<16x1024xf32, #tpu.memory_space<vmem>>, vector<1x16xf32>,
      %get3A_260 = arith.index_cast %scan3A_148 : i32 to index
      %get3A_261 = arith.constant 128 : index
      %get3A_262 = tpu.vector_load %arg12[%get3A_260, %get3A_261] {strides = array<i32>} : memref<16x1024xf32, #tpu.memory_space<vmem>>, vector<1x16xf32>,
      %get3A_263 = vector.shape_cast %get3A_262 : vector<1x16xf32> to vector<16xf32>
      %get3A_264 = arith.index_cast %scan3A_148 : i32 to index
      %get3A_265 = arith.constant 128 : index
      %get3A_266 = tpu.vector_load %arg13[%get3A_264, %get3A_265] {strides = array<i32>} : memref<16x1024xf32, #tpu.memory_space<vmem>>, vector<1x16xf32>,
      %get3A_267 = vector.shape_cast %get3A_266 : vector<1x16xf32> to vector<16xf32>
      %add3A_268 = arith.addf %get3A_263, %get3A_267 : vector<16xf32>
      %swap3A_269 = arith.index_cast %scan3A_148 : i32 to index
      %swap3A_270 = arith.constant 128 : index
      %swap3A_271 = tpu.vector_load %arg12[%swap3A_269, %swap3A_270] {strides = array<i32>} : memref<16x1024xf32, #tpu.memory_space<vmem>>, vector<1x16xf32>,
      %swap3A_272 = vector.shape_cast %swap3A_271 : vector<1x16xf32> to vector<16xf32>
      %swap3A_273 = vector.shape_cast %add3A_268 : vector<16xf32> to vector<1x16xf32>
      tpu.vector_store %arg12[%swap3A_269, %swap3A_270], %swap3A_273 {strides = array<i32>} : memref<16x1024xf32, #tpu.memory_space<vmem>>, vector<1x16xf32>,
      %get3A_274 = arith.index_cast %scan3A_148 : i32 to index
      %get3A_275 = arith.constant 144 : index
      %get3A_276 = tpu.vector_load %arg12[%get3A_274, %get3A_275] {strides = array<i32>} : memref<16x1024xf32, #tpu.memory_space<vmem>>, vector<1x16xf32>,
      %get3A_277 = vector.shape_cast %get3A_276 : vector<1x16xf32> to vector<16xf32>
      %get3A_278 = arith.index_cast %scan3A_148 : i32 to index
      %get3A_279 = arith.constant 144 : index
      %get3A_280 = tpu.vector_load %arg13[%get3A_278, %get3A_279] {strides = array<i32>} : memref<16x1024xf32, #tpu.memory_space<vmem>>, vector<1x16xf32>,
      %get3A_281 = vector.shape_cast %get3A_280 : vector<1x16xf32> to vector<16xf32>
      %add3A_282 = arith.addf %get3A_277, %get3A_281 : vector<16xf32>
      %swap3A_283 = arith.index_cast %scan3A_148 : i32 to index
      %swap3A_284 = arith.constant 144 : index
      %swap3A_285 = tpu.vector_load %arg12[%swap3A_283, %swap3A_284] {strides = array<i32>} : memref<16x1024xf32, #tpu.memory_space<vmem>>, vector<1x16xf32>,
      %swap3A_286 = vector.shape_cast %swap3A_285 : vector<1x16xf32> to vector<16xf32>
      %swap3A_287 = vector.shape_cast %add3A_282 : vector<16xf32> to vector<1x16xf32>
      tpu.vector_store %arg12[%swap3A_283, %swap3A_284], %swap3A_287 {strides = array<i32>} : memref<16x1024xf32, #tpu.memory_space<vmem>>, vector<1x16xf32>,
      %get3A_288 = arith.index_cast %scan3A_148 : i32 to index
      %get3A_289 = arith.constant 160 : index
      %get3A_290 = tpu.vector_load %arg12[%get3A_288, %get3A_289] {strides = array<i32>} : memref<16x1024xf32, #tpu.memory_space<vmem>>, vector<1x16xf32>,
      %get3A_291 = vector.shape_cast %get3A_290 : vector<1x16xf32> to vector<16xf32>
      %get3A_292 = arith.index_cast %scan3A_148 : i32 to index
      %get3A_293 = arith.constant 160 : index
      %get3A_294 = tpu.vector_load %arg13[%get3A_292, %get3A_293] {strides = array<i32>} : memref<16x1024xf32, #tpu.memory_space<vmem>>, vector<1x16xf32>,
      %get3A_295 = vector.shape_cast %get3A_294 : vector<1x16xf32> to vector<16xf32>
      %add3A_296 = arith.addf %get3A_291, %get3A_295 : vector<16xf32>
      %swap3A_297 = arith.index_cast %scan3A_148 : i32 to index
      %swap3A_298 = arith.constant 160 : index
      %swap3A_299 = tpu.vector_load %arg12[%swap3A_297, %swap3A_298] {strides = array<i32>} : memref<16x1024xf32, #tpu.memory_space<vmem>>, vector<1x16xf32>,
      %swap3A_300 = vector.shape_cast %swap3A_299 : vector<1x16xf32> to vector<16xf32>
      %swap3A_301 = vector.shape_cast %add3A_296 : vector<16xf32> to vector<1x16xf32>
      tpu.vector_store %arg12[%swap3A_297, %swap3A_298], %swap3A_301 {strides = array<i32>} : memref<16x1024xf32, #tpu.memory_space<vmem>>, vector<1x16xf32>,
      %get3A_302 = arith.index_cast %scan3A_148 : i32 to index
      %get3A_303 = arith.constant 176 : index
      %get3A_304 = tpu.vector_load %arg12[%get3A_302, %get3A_303] {strides = array<i32>} : memref<16x1024xf32, #tpu.memory_space<vmem>>, vector<1x16xf32>,
      %get3A_305 = vector.shape_cast %get3A_304 : vector<1x16xf32> to vector<16xf32>
      %get3A_306 = arith.index_cast %scan3A_148 : i32 to index
      %get3A_307 = arith.constant 176 : index
      %get3A_308 = tpu.vector_load %arg13[%get3A_306, %get3A_307] {strides = array<i32>} : memref<16x1024xf32, #tpu.memory_space<vmem>>, vector<1x16xf32>,
      %get3A_309 = vector.shape_cast %get3A_308 : vector<1x16xf32> to vector<16xf32>
      %add3A_310 = arith.addf %get3A_305, %get3A_309 : vector<16xf32>
      %swap3A_311 = arith.index_cast %scan3A_148 : i32 to index
      %swap3A_312 = arith.constant 176 : index
      %swap3A_313 = tpu.vector_load %arg12[%swap3A_311, %swap3A_312] {strides = array<i32>} : memref<16x1024xf32, #tpu.memory_space<vmem>>, vector<1x16xf32>,
      %swap3A_314 = vector.shape_cast %swap3A_313 : vector<1x16xf32> to vector<16xf32>
      %swap3A_315 = vector.shape_cast %add3A_310 : vector<16xf32> to vector<1x16xf32>
      tpu.vector_store %arg12[%swap3A_311, %swap3A_312], %swap3A_315 {strides = array<i32>} : memref<16x1024xf32, #tpu.memory_space<vmem>>, vector<1x16xf32>,
      %get3A_316 = arith.index_cast %scan3A_148 : i32 to index
      %get3A_317 = arith.constant 192 : index
      %get3A_318 = tpu.vector_load %arg12[%get3A_316, %get3A_317] {strides = array<i32>} : memref<16x1024xf32, #tpu.memory_space<vmem>>, vector<1x16xf32>,
      %get3A_319 = vector.shape_cast %get3A_318 : vector<1x16xf32> to vector<16xf32>
      %get3A_320 = arith.index_cast %scan3A_148 : i32 to index
      %get3A_321 = arith.constant 192 : index
      %get3A_322 = tpu.vector_load %arg13[%get3A_320, %get3A_321] {strides = array<i32>} : memref<16x1024xf32, #tpu.memory_space<vmem>>, vector<1x16xf32>,
      %get3A_323 = vector.shape_cast %get3A_322 : vector<1x16xf32> to vector<16xf32>
      %add3A_324 = arith.addf %get3A_319, %get3A_323 : vector<16xf32>
      %swap3A_325 = arith.index_cast %scan3A_148 : i32 to index
      %swap3A_326 = arith.constant 192 : index
      %swap3A_327 = tpu.vector_load %arg12[%swap3A_325, %swap3A_326] {strides = array<i32>} : memref<16x1024xf32, #tpu.memory_space<vmem>>, vector<1x16xf32>,
      %swap3A_328 = vector.shape_cast %swap3A_327 : vector<1x16xf32> to vector<16xf32>
      %swap3A_329 = vector.shape_cast %add3A_324 : vector<16xf32> to vector<1x16xf32>
      tpu.vector_store %arg12[%swap3A_325, %swap3A_326], %swap3A_329 {strides = array<i32>} : memref<16x1024xf32, #tpu.memory_space<vmem>>, vector<1x16xf32>,
      %get3A_330 = arith.index_cast %scan3A_148 : i32 to index
      %get3A_331 = arith.constant 208 : index
      %get3A_332 = tpu.vector_load %arg12[%get3A_330, %get3A_331] {strides = array<i32>} : memref<16x1024xf32, #tpu.memory_space<vmem>>, vector<1x16xf32>,
      %get3A_333 = vector.shape_cast %get3A_332 : vector<1x16xf32> to vector<16xf32>
      %get3A_334 = arith.index_cast %scan3A_148 : i32 to index
      %get3A_335 = arith.constant 208 : index
      %get3A_336 = tpu.vector_load %arg13[%get3A_334, %get3A_335] {strides = array<i32>} : memref<16x1024xf32, #tpu.memory_space<vmem>>, vector<1x16xf32>,
      %get3A_337 = vector.shape_cast %get3A_336 : vector<1x16xf32> to vector<16xf32>
      %add3A_338 = arith.addf %get3A_333, %get3A_337 : vector<16xf32>
      %swap3A_339 = arith.index_cast %scan3A_148 : i32 to index
      %swap3A_340 = arith.constant 208 : index
      %swap3A_341 = tpu.vector_load %arg12[%swap3A_339, %swap3A_340] {strides = array<i32>} : memref<16x1024xf32, #tpu.memory_space<vmem>>, vector<1x16xf32>,
      %swap3A_342 = vector.shape_cast %swap3A_341 : vector<1x16xf32> to vector<16xf32>
      %swap3A_343 = vector.shape_cast %add3A_338 : vector<16xf32> to vector<1x16xf32>
      tpu.vector_store %arg12[%swap3A_339, %swap3A_340], %swap3A_343 {strides = array<i32>} : memref<16x1024xf32, #tpu.memory_space<vmem>>, vector<1x16xf32>,
      %get3A_344 = arith.index_cast %scan3A_148 : i32 to index
      %get3A_345 = arith.constant 224 : index
      %get3A_346 = tpu.vector_load %arg12[%get3A_344, %get3A_345] {strides = array<i32>} : memref<16x1024xf32, #tpu.memory_space<vmem>>, vector<1x16xf32>,
      %get3A_347 = vector.shape_cast %get3A_346 : vector<1x16xf32> to vector<16xf32>
      %get3A_348 = arith.index_cast %scan3A_148 : i32 to index
      %get3A_349 = arith.constant 224 : index
      %get3A_350 = tpu.vector_load %arg13[%get3A_348, %get3A_349] {strides = array<i32>} : memref<16x1024xf32, #tpu.memory_space<vmem>>, vector<1x16xf32>,
      %get3A_351 = vector.shape_cast %get3A_350 : vector<1x16xf32> to vector<16xf32>
      %add3A_352 = arith.addf %get3A_347, %get3A_351 : vector<16xf32>
      %swap3A_353 = arith.index_cast %scan3A_148 : i32 to index
      %swap3A_354 = arith.constant 224 : index
      %swap3A_355 = tpu.vector_load %arg12[%swap3A_353, %swap3A_354] {strides = array<i32>} : memref<16x1024xf32, #tpu.memory_space<vmem>>, vector<1x16xf32>,
      %swap3A_356 = vector.shape_cast %swap3A_355 : vector<1x16xf32> to vector<16xf32>
      %swap3A_357 = vector.shape_cast %add3A_352 : vector<16xf32> to vector<1x16xf32>
      tpu.vector_store %arg12[%swap3A_353, %swap3A_354], %swap3A_357 {strides = array<i32>} : memref<16x1024xf32, #tpu.memory_space<vmem>>, vector<1x16xf32>,
      %get3A_358 = arith.index_cast %scan3A_148 : i32 to index
      %get3A_359 = arith.constant 240 : index
      %get3A_360 = tpu.vector_load %arg12[%get3A_358, %get3A_359] {strides = array<i32>} : memref<16x1024xf32, #tpu.memory_space<vmem>>, vector<1x16xf32>,
      %get3A_361 = vector.shape_cast %get3A_360 : vector<1x16xf32> to vector<16xf32>
      %get3A_362 = arith.index_cast %scan3A_148 : i32 to index
      %get3A_363 = arith.constant 240 : index
      %get3A_364 = tpu.vector_load %arg13[%get3A_362, %get3A_363] {strides = array<i32>} : memref<16x1024xf32, #tpu.memory_space<vmem>>, vector<1x16xf32>,
      %get3A_365 = vector.shape_cast %get3A_364 : vector<1x16xf32> to vector<16xf32>
      %add3A_366 = arith.addf %get3A_361, %get3A_365 : vector<16xf32>
      %swap3A_367 = arith.index_cast %scan3A_148 : i32 to index
      %swap3A_368 = arith.constant 240 : index
      %swap3A_369 = tpu.vector_load %arg12[%swap3A_367, %swap3A_368] {strides = array<i32>} : memref<16x1024xf32, #tpu.memory_space<vmem>>, vector<1x16xf32>,
      %swap3A_370 = vector.shape_cast %swap3A_369 : vector<1x16xf32> to vector<16xf32>
      %swap3A_371 = vector.shape_cast %add3A_366 : vector<16xf32> to vector<1x16xf32>
      tpu.vector_store %arg12[%swap3A_367, %swap3A_368], %swap3A_371 {strides = array<i32>} : memref<16x1024xf32, #tpu.memory_space<vmem>>, vector<1x16xf32>,
      %get3A_372 = arith.index_cast %scan3A_148 : i32 to index
      %get3A_373 = arith.constant 256 : index
      %get3A_374 = tpu.vector_load %arg12[%get3A_372, %get3A_373] {strides = array<i32>} : memref<16x1024xf32, #tpu.memory_space<vmem>>, vector<1x16xf32>,
      %get3A_375 = vector.shape_cast %get3A_374 : vector<1x16xf32> to vector<16xf32>
      %get3A_376 = arith.index_cast %scan3A_148 : i32 to index
      %get3A_377 = arith.constant 256 : index
      %get3A_378 = tpu.vector_load %arg13[%get3A_376, %get3A_377] {strides = array<i32>} : memref<16x1024xf32, #tpu.memory_space<vmem>>, vector<1x16xf32>,
      %get3A_379 = vector.shape_cast %get3A_378 : vector<1x16xf32> to vector<16xf32>
      %add3A_380 = arith.addf %get3A_375, %get3A_379 : vector<16xf32>
      %swap3A_381 = arith.index_cast %scan3A_148 : i32 to index
      %swap3A_382 = arith.constant 256 : index
      %swap3A_383 = tpu.vector_load %arg12[%swap3A_381, %swap3A_382] {strides = array<i32>} : memref<16x1024xf32, #tpu.memory_space<vmem>>, vector<1x16xf32>,
      %swap3A_384 = vector.shape_cast %swap3A_383 : vector<1x16xf32> to vector<16xf32>
      %swap3A_385 = vector.shape_cast %add3A_380 : vector<16xf32> to vector<1x16xf32>
      tpu.vector_store %arg12[%swap3A_381, %swap3A_382], %swap3A_385 {strides = array<i32>} : memref<16x1024xf32, #tpu.memory_space<vmem>>, vector<1x16xf32>,
      %get3A_386 = arith.index_cast %scan3A_148 : i32 to index
      %get3A_387 = arith.constant 272 : index
      %get3A_388 = tpu.vector_load %arg12[%get3A_386, %get3A_387] {strides = array<i32>} : memref<16x1024xf32, #tpu.memory_space<vmem>>, vector<1x16xf32>,
      %get3A_389 = vector.shape_cast %get3A_388 : vector<1x16xf32> to vector<16xf32>
      %get3A_390 = arith.index_cast %scan3A_148 : i32 to index
      %get3A_391 = arith.constant 272 : index
      %get3A_392 = tpu.vector_load %arg13[%get3A_390, %get3A_391] {strides = array<i32>} : memref<16x1024xf32, #tpu.memory_space<vmem>>, vector<1x16xf32>,
      %get3A_393 = vector.shape_cast %get3A_392 : vector<1x16xf32> to vector<16xf32>
      %add3A_394 = arith.addf %get3A_389, %get3A_393 : vector<16xf32>
      %swap3A_395 = arith.index_cast %scan3A_148 : i32 to index
      %swap3A_396 = arith.constant 272 : index
      %swap3A_397 = tpu.vector_load %arg12[%swap3A_395, %swap3A_396] {strides = array<i32>} : memref<16x1024xf32, #tpu.memory_space<vmem>>, vector<1x16xf32>,
      %swap3A_398 = vector.shape_cast %swap3A_397 : vector<1x16xf32> to vector<16xf32>
      %swap3A_399 = vector.shape_cast %add3A_394 : vector<16xf32> to vector<1x16xf32>
      tpu.vector_store %arg12[%swap3A_395, %swap3A_396], %swap3A_399 {strides = array<i32>} : memref<16x1024xf32, #tpu.memory_space<vmem>>, vector<1x16xf32>,
      %get3A_400 = arith.index_cast %scan3A_148 : i32 to index
      %get3A_401 = arith.constant 288 : index
      %get3A_402 = tpu.vector_load %arg12[%get3A_400, %get3A_401] {strides = array<i32>} : memref<16x1024xf32, #tpu.memory_space<vmem>>, vector<1x16xf32>,
      %get3A_403 = vector.shape_cast %get3A_402 : vector<1x16xf32> to vector<16xf32>
      %get3A_404 = arith.index_cast %scan3A_148 : i32 to index
      %get3A_405 = arith.constant 288 : index
      %get3A_406 = tpu.vector_load %arg13[%get3A_404, %get3A_405] {strides = array<i32>} : memref<16x1024xf32, #tpu.memory_space<vmem>>, vector<1x16xf32>,
      %get3A_407 = vector.shape_cast %get3A_406 : vector<1x16xf32> to vector<16xf32>
      %add3A_408 = arith.addf %get3A_403, %get3A_407 : vector<16xf32>
      %swap3A_409 = arith.index_cast %scan3A_148 : i32 to index
      %swap3A_410 = arith.constant 288 : index
      %swap3A_411 = tpu.vector_load %arg12[%swap3A_409, %swap3A_410] {strides = array<i32>} : memref<16x1024xf32, #tpu.memory_space<vmem>>, vector<1x16xf32>,
      %swap3A_412 = vector.shape_cast %swap3A_411 : vector<1x16xf32> to vector<16xf32>
      %swap3A_413 = vector.shape_cast %add3A_408 : vector<16xf32> to vector<1x16xf32>
      tpu.vector_store %arg12[%swap3A_409, %swap3A_410], %swap3A_413 {strides = array<i32>} : memref<16x1024xf32, #tpu.memory_space<vmem>>, vector<1x16xf32>,
      %get3A_414 = arith.index_cast %scan3A_148 : i32 to index
      %get3A_415 = arith.constant 304 : index
      %get3A_416 = tpu.vector_load %arg12[%get3A_414, %get3A_415] {strides = array<i32>} : memref<16x1024xf32, #tpu.memory_space<vmem>>, vector<1x16xf32>,
      %get3A_417 = vector.shape_cast %get3A_416 : vector<1x16xf32> to vector<16xf32>
      %get3A_418 = arith.index_cast %scan3A_148 : i32 to index
      %get3A_419 = arith.constant 304 : index
      %get3A_420 = tpu.vector_load %arg13[%get3A_418, %get3A_419] {strides = array<i32>} : memref<16x1024xf32, #tpu.memory_space<vmem>>, vector<1x16xf32>,
      %get3A_421 = vector.shape_cast %get3A_420 : vector<1x16xf32> to vector<16xf32>
      %add3A_422 = arith.addf %get3A_417, %get3A_421 : vector<16xf32>
      %swap3A_423 = arith.index_cast %scan3A_148 : i32 to index
      %swap3A_424 = arith.constant 304 : index
      %swap3A_425 = tpu.vector_load %arg12[%swap3A_423, %swap3A_424] {strides = array<i32>} : memref<16x1024xf32, #tpu.memory_space<vmem>>, vector<1x16xf32>,
      %swap3A_426 = vector.shape_cast %swap3A_425 : vector<1x16xf32> to vector<16xf32>
      %swap3A_427 = vector.shape_cast %add3A_422 : vector<16xf32> to vector<1x16xf32>
      tpu.vector_store %arg12[%swap3A_423, %swap3A_424], %swap3A_427 {strides = array<i32>} : memref<16x1024xf32, #tpu.memory_space<vmem>>, vector<1x16xf32>,
      %get3A_428 = arith.index_cast %scan3A_148 : i32 to index
      %get3A_429 = arith.constant 320 : index
      %get3A_430 = tpu.vector_load %arg12[%get3A_428, %get3A_429] {strides = array<i32>} : memref<16x1024xf32, #tpu.memory_space<vmem>>, vector<1x16xf32>,
      %get3A_431 = vector.shape_cast %get3A_430 : vector<1x16xf32> to vector<16xf32>
      %get3A_432 = arith.index_cast %scan3A_148 : i32 to index
      %get3A_433 = arith.constant 320 : index
      %get3A_434 = tpu.vector_load %arg13[%get3A_432, %get3A_433] {strides = array<i32>} : memref<16x1024xf32, #tpu.memory_space<vmem>>, vector<1x16xf32>,
      %get3A_435 = vector.shape_cast %get3A_434 : vector<1x16xf32> to vector<16xf32>
      %add3A_436 = arith.addf %get3A_431, %get3A_435 : vector<16xf32>
      %swap3A_437 = arith.index_cast %scan3A_148 : i32 to index
      %swap3A_438 = arith.constant 320 : index
      %swap3A_439 = tpu.vector_load %arg12[%swap3A_437, %swap3A_438] {strides = array<i32>} : memref<16x1024xf32, #tpu.memory_space<vmem>>, vector<1x16xf32>,
      %swap3A_440 = vector.shape_cast %swap3A_439 : vector<1x16xf32> to vector<16xf32>
      %swap3A_441 = vector.shape_cast %add3A_436 : vector<16xf32> to vector<1x16xf32>
      tpu.vector_store %arg12[%swap3A_437, %swap3A_438], %swap3A_441 {strides = array<i32>} : memref<16x1024xf32, #tpu.memory_space<vmem>>, vector<1x16xf32>,
      %get3A_442 = arith.index_cast %scan3A_148 : i32 to index
      %get3A_443 = arith.constant 336 : index
      %get3A_444 = tpu.vector_load %arg12[%get3A_442, %get3A_443] {strides = array<i32>} : memref<16x1024xf32, #tpu.memory_space<vmem>>, vector<1x16xf32>,
      %get3A_445 = vector.shape_cast %get3A_444 : vector<1x16xf32> to vector<16xf32>
      %get3A_446 = arith.index_cast %scan3A_148 : i32 to index
      %get3A_447 = arith.constant 336 : index
      %get3A_448 = tpu.vector_load %arg13[%get3A_446, %get3A_447] {strides = array<i32>} : memref<16x1024xf32, #tpu.memory_space<vmem>>, vector<1x16xf32>,
      %get3A_449 = vector.shape_cast %get3A_448 : vector<1x16xf32> to vector<16xf32>
      %add3A_450 = arith.addf %get3A_445, %get3A_449 : vector<16xf32>
      %swap3A_451 = arith.index_cast %scan3A_148 : i32 to index
      %swap3A_452 = arith.constant 336 : index
      %swap3A_453 = tpu.vector_load %arg12[%swap3A_451, %swap3A_452] {strides = array<i32>} : memref<16x1024xf32, #tpu.memory_space<vmem>>, vector<1x16xf32>,
      %swap3A_454 = vector.shape_cast %swap3A_453 : vector<1x16xf32> to vector<16xf32>
      %swap3A_455 = vector.shape_cast %add3A_450 : vector<16xf32> to vector<1x16xf32>
      tpu.vector_store %arg12[%swap3A_451, %swap3A_452], %swap3A_455 {strides = array<i32>} : memref<16x1024xf32, #tpu.memory_space<vmem>>, vector<1x16xf32>,
      %get3A_456 = arith.index_cast %scan3A_148 : i32 to index
      %get3A_457 = arith.constant 352 : index
      %get3A_458 = tpu.vector_load %arg12[%get3A_456, %get3A_457] {strides = array<i32>} : memref<16x1024xf32, #tpu.memory_space<vmem>>, vector<1x16xf32>,
      %get3A_459 = vector.shape_cast %get3A_458 : vector<1x16xf32> to vector<16xf32>
      %get3A_460 = arith.index_cast %scan3A_148 : i32 to index
      %get3A_461 = arith.constant 352 : index
      %get3A_462 = tpu.vector_load %arg13[%get3A_460, %get3A_461] {strides = array<i32>} : memref<16x1024xf32, #tpu.memory_space<vmem>>, vector<1x16xf32>,
      %get3A_463 = vector.shape_cast %get3A_462 : vector<1x16xf32> to vector<16xf32>
      %add3A_464 = arith.addf %get3A_459, %get3A_463 : vector<16xf32>
      %swap3A_465 = arith.index_cast %scan3A_148 : i32 to index
      %swap3A_466 = arith.constant 352 : index
      %swap3A_467 = tpu.vector_load %arg12[%swap3A_465, %swap3A_466] {strides = array<i32>} : memref<16x1024xf32, #tpu.memory_space<vmem>>, vector<1x16xf32>,
      %swap3A_468 = vector.shape_cast %swap3A_467 : vector<1x16xf32> to vector<16xf32>
      %swap3A_469 = vector.shape_cast %add3A_464 : vector<16xf32> to vector<1x16xf32>
      tpu.vector_store %arg12[%swap3A_465, %swap3A_466], %swap3A_469 {strides = array<i32>} : memref<16x1024xf32, #tpu.memory_space<vmem>>, vector<1x16xf32>,
      %get3A_470 = arith.index_cast %scan3A_148 : i32 to index
      %get3A_471 = arith.constant 368 : index
      %get3A_472 = tpu.vector_load %arg12[%get3A_470, %get3A_471] {strides = array<i32>} : memref<16x1024xf32, #tpu.memory_space<vmem>>, vector<1x16xf32>,
      %get3A_473 = vector.shape_cast %get3A_472 : vector<1x16xf32> to vector<16xf32>
      %get3A_474 = arith.index_cast %scan3A_148 : i32 to index
      %get3A_475 = arith.constant 368 : index
      %get3A_476 = tpu.vector_load %arg13[%get3A_474, %get3A_475] {strides = array<i32>} : memref<16x1024xf32, #tpu.memory_space<vmem>>, vector<1x16xf32>,
      %get3A_477 = vector.shape_cast %get3A_476 : vector<1x16xf32> to vector<16xf32>
      %add3A_478 = arith.addf %get3A_473, %get3A_477 : vector<16xf32>
      %swap3A_479 = arith.index_cast %scan3A_148 : i32 to index
      %swap3A_480 = arith.constant 368 : index
      %swap3A_481 = tpu.vector_load %arg12[%swap3A_479, %swap3A_480] {strides = array<i32>} : memref<16x1024xf32, #tpu.memory_space<vmem>>, vector<1x16xf32>,
      %swap3A_482 = vector.shape_cast %swap3A_481 : vector<1x16xf32> to vector<16xf32>
      %swap3A_483 = vector.shape_cast %add3A_478 : vector<16xf32> to vector<1x16xf32>
      tpu.vector_store %arg12[%swap3A_479, %swap3A_480], %swap3A_483 {strides = array<i32>} : memref<16x1024xf32, #tpu.memory_space<vmem>>, vector<1x16xf32>,
      %get3A_484 = arith.index_cast %scan3A_148 : i32 to index
      %get3A_485 = arith.constant 384 : index
      %get3A_486 = tpu.vector_load %arg12[%get3A_484, %get3A_485] {strides = array<i32>} : memref<16x1024xf32, #tpu.memory_space<vmem>>, vector<1x16xf32>,
      %get3A_487 = vector.shape_cast %get3A_486 : vector<1x16xf32> to vector<16xf32>
      %get3A_488 = arith.index_cast %scan3A_148 : i32 to index
      %get3A_489 = arith.constant 384 : index
      %get3A_490 = tpu.vector_load %arg13[%get3A_488, %get3A_489] {strides = array<i32>} : memref<16x1024xf32, #tpu.memory_space<vmem>>, vector<1x16xf32>,
      %get3A_491 = vector.shape_cast %get3A_490 : vector<1x16xf32> to vector<16xf32>
      %add3A_492 = arith.addf %get3A_487, %get3A_491 : vector<16xf32>
      %swap3A_493 = arith.index_cast %scan3A_148 : i32 to index
      %swap3A_494 = arith.constant 384 : index
      %swap3A_495 = tpu.vector_load %arg12[%swap3A_493, %swap3A_494] {strides = array<i32>} : memref<16x1024xf32, #tpu.memory_space<vmem>>, vector<1x16xf32>,
      %swap3A_496 = vector.shape_cast %swap3A_495 : vector<1x16xf32> to vector<16xf32>
      %swap3A_497 = vector.shape_cast %add3A_492 : vector<16xf32> to vector<1x16xf32>
      tpu.vector_store %arg12[%swap3A_493, %swap3A_494], %swap3A_497 {strides = array<i32>} : memref<16x1024xf32, #tpu.memory_space<vmem>>, vector<1x16xf32>,
      %get3A_498 = arith.index_cast %scan3A_148 : i32 to index
      %get3A_499 = arith.constant 400 : index
      %get3A_500 = tpu.vector_load %arg12[%get3A_498, %get3A_499] {strides = array<i32>} : memref<16x1024xf32, #tpu.memory_space<vmem>>, vector<1x16xf32>,
      %get3A_501 = vector.shape_cast %get3A_500 : vector<1x16xf32> to vector<16xf32>
      %get3A_502 = arith.index_cast %scan3A_148 : i32 to index
      %get3A_503 = arith.constant 400 : index
      %get3A_504 = tpu.vector_load %arg13[%get3A_502, %get3A_503] {strides = array<i32>} : memref<16x1024xf32, #tpu.memory_space<vmem>>, vector<1x16xf32>,
      %get3A_505 = vector.shape_cast %get3A_504 : vector<1x16xf32> to vector<16xf32>
      %add3A_506 = arith.addf %get3A_501, %get3A_505 : vector<16xf32>
      %swap3A_507 = arith.index_cast %scan3A_148 : i32 to index
      %swap3A_508 = arith.constant 400 : index
      %swap3A_509 = tpu.vector_load %arg12[%swap3A_507, %swap3A_508] {strides = array<i32>} : memref<16x1024xf32, #tpu.memory_space<vmem>>, vector<1x16xf32>,
      %swap3A_510 = vector.shape_cast %swap3A_509 : vector<1x16xf32> to vector<16xf32>
      %swap3A_511 = vector.shape_cast %add3A_506 : vector<16xf32> to vector<1x16xf32>
      tpu.vector_store %arg12[%swap3A_507, %swap3A_508], %swap3A_511 {strides = array<i32>} : memref<16x1024xf32, #tpu.memory_space<vmem>>, vector<1x16xf32>,
      %get3A_512 = arith.index_cast %scan3A_148 : i32 to index
      %get3A_513 = arith.constant 416 : index
      %get3A_514 = tpu.vector_load %arg12[%get3A_512, %get3A_513] {strides = array<i32>} : memref<16x1024xf32, #tpu.memory_space<vmem>>, vector<1x16xf32>,
      %get3A_515 = vector.shape_cast %get3A_514 : vector<1x16xf32> to vector<16xf32>
      %get3A_516 = arith.index_cast %scan3A_148 : i32 to index
      %get3A_517 = arith.constant 416 : index
      %get3A_518 = tpu.vector_load %arg13[%get3A_516, %get3A_517] {strides = array<i32>} : memref<16x1024xf32, #tpu.memory_space<vmem>>, vector<1x16xf32>,
      %get3A_519 = vector.shape_cast %get3A_518 : vector<1x16xf32> to vector<16xf32>
      %add3A_520 = arith.addf %get3A_515, %get3A_519 : vector<16xf32>
      %swap3A_521 = arith.index_cast %scan3A_148 : i32 to index
      %swap3A_522 = arith.constant 416 : index
      %swap3A_523 = tpu.vector_load %arg12[%swap3A_521, %swap3A_522] {strides = array<i32>} : memref<16x1024xf32, #tpu.memory_space<vmem>>, vector<1x16xf32>,
      %swap3A_524 = vector.shape_cast %swap3A_523 : vector<1x16xf32> to vector<16xf32>
      %swap3A_525 = vector.shape_cast %add3A_520 : vector<16xf32> to vector<1x16xf32>
      tpu.vector_store %arg12[%swap3A_521, %swap3A_522], %swap3A_525 {strides = array<i32>} : memref<16x1024xf32, #tpu.memory_space<vmem>>, vector<1x16xf32>,
      %get3A_526 = arith.index_cast %scan3A_148 : i32 to index
      %get3A_527 = arith.constant 432 : index
      %get3A_528 = tpu.vector_load %arg12[%get3A_526, %get3A_527] {strides = array<i32>} : memref<16x1024xf32, #tpu.memory_space<vmem>>, vector<1x16xf32>,
      %get3A_529 = vector.shape_cast %get3A_528 : vector<1x16xf32> to vector<16xf32>
      %get3A_530 = arith.index_cast %scan3A_148 : i32 to index
      %get3A_531 = arith.constant 432 : index
      %get3A_532 = tpu.vector_load %arg13[%get3A_530, %get3A_531] {strides = array<i32>} : memref<16x1024xf32, #tpu.memory_space<vmem>>, vector<1x16xf32>,
      %get3A_533 = vector.shape_cast %get3A_532 : vector<1x16xf32> to vector<16xf32>
      %add3A_534 = arith.addf %get3A_529, %get3A_533 : vector<16xf32>
      %swap3A_535 = arith.index_cast %scan3A_148 : i32 to index
      %swap3A_536 = arith.constant 432 : index
      %swap3A_537 = tpu.vector_load %arg12[%swap3A_535, %swap3A_536] {strides = array<i32>} : memref<16x1024xf32, #tpu.memory_space<vmem>>, vector<1x16xf32>,
      %swap3A_538 = vector.shape_cast %swap3A_537 : vector<1x16xf32> to vector<16xf32>
      %swap3A_539 = vector.shape_cast %add3A_534 : vector<16xf32> to vector<1x16xf32>
      tpu.vector_store %arg12[%swap3A_535, %swap3A_536], %swap3A_539 {strides = array<i32>} : memref<16x1024xf32, #tpu.memory_space<vmem>>, vector<1x16xf32>,
      %get3A_540 = arith.index_cast %scan3A_148 : i32 to index
      %get3A_541 = arith.constant 448 : index
      %get3A_542 = tpu.vector_load %arg12[%get3A_540, %get3A_541] {strides = array<i32>} : memref<16x1024xf32, #tpu.memory_space<vmem>>, vector<1x16xf32>,
      %get3A_543 = vector.shape_cast %get3A_542 : vector<1x16xf32> to vector<16xf32>
      %get3A_544 = arith.index_cast %scan3A_148 : i32 to index
      %get3A_545 = arith.constant 448 : index
      %get3A_546 = tpu.vector_load %arg13[%get3A_544, %get3A_545] {strides = array<i32>} : memref<16x1024xf32, #tpu.memory_space<vmem>>, vector<1x16xf32>,
      %get3A_547 = vector.shape_cast %get3A_546 : vector<1x16xf32> to vector<16xf32>
      %add3A_548 = arith.addf %get3A_543, %get3A_547 : vector<16xf32>
      %swap3A_549 = arith.index_cast %scan3A_148 : i32 to index
      %swap3A_550 = arith.constant 448 : index
      %swap3A_551 = tpu.vector_load %arg12[%swap3A_549, %swap3A_550] {strides = array<i32>} : memref<16x1024xf32, #tpu.memory_space<vmem>>, vector<1x16xf32>,
      %swap3A_552 = vector.shape_cast %swap3A_551 : vector<1x16xf32> to vector<16xf32>
      %swap3A_553 = vector.shape_cast %add3A_548 : vector<16xf32> to vector<1x16xf32>
      tpu.vector_store %arg12[%swap3A_549, %swap3A_550], %swap3A_553 {strides = array<i32>} : memref<16x1024xf32, #tpu.memory_space<vmem>>, vector<1x16xf32>,
      %get3A_554 = arith.index_cast %scan3A_148 : i32 to index
      %get3A_555 = arith.constant 464 : index
      %get3A_556 = tpu.vector_load %arg12[%get3A_554, %get3A_555] {strides = array<i32>} : memref<16x1024xf32, #tpu.memory_space<vmem>>, vector<1x16xf32>,
      %get3A_557 = vector.shape_cast %get3A_556 : vector<1x16xf32> to vector<16xf32>
      %get3A_558 = arith.index_cast %scan3A_148 : i32 to index
      %get3A_559 = arith.constant 464 : index
      %get3A_560 = tpu.vector_load %arg13[%get3A_558, %get3A_559] {strides = array<i32>} : memref<16x1024xf32, #tpu.memory_space<vmem>>, vector<1x16xf32>,
      %get3A_561 = vector.shape_cast %get3A_560 : vector<1x16xf32> to vector<16xf32>
      %add3A_562 = arith.addf %get3A_557, %get3A_561 : vector<16xf32>
      %swap3A_563 = arith.index_cast %scan3A_148 : i32 to index
      %swap3A_564 = arith.constant 464 : index
      %swap3A_565 = tpu.vector_load %arg12[%swap3A_563, %swap3A_564] {strides = array<i32>} : memref<16x1024xf32, #tpu.memory_space<vmem>>, vector<1x16xf32>,
      %swap3A_566 = vector.shape_cast %swap3A_565 : vector<1x16xf32> to vector<16xf32>
      %swap3A_567 = vector.shape_cast %add3A_562 : vector<16xf32> to vector<1x16xf32>
      tpu.vector_store %arg12[%swap3A_563, %swap3A_564], %swap3A_567 {strides = array<i32>} : memref<16x1024xf32, #tpu.memory_space<vmem>>, vector<1x16xf32>,
      %get3A_568 = arith.index_cast %scan3A_148 : i32 to index
      %get3A_569 = arith.constant 480 : index
      %get3A_570 = tpu.vector_load %arg12[%get3A_568, %get3A_569] {strides = array<i32>} : memref<16x1024xf32, #tpu.memory_space<vmem>>, vector<1x16xf32>,
      %get3A_571 = vector.shape_cast %get3A_570 : vector<1x16xf32> to vector<16xf32>
      %get3A_572 = arith.index_cast %scan3A_148 : i32 to index
      %get3A_573 = arith.constant 480 : index
      %get3A_574 = tpu.vector_load %arg13[%get3A_572, %get3A_573] {strides = array<i32>} : memref<16x1024xf32, #tpu.memory_space<vmem>>, vector<1x16xf32>,
      %get3A_575 = vector.shape_cast %get3A_574 : vector<1x16xf32> to vector<16xf32>
      %add3A_576 = arith.addf %get3A_571, %get3A_575 : vector<16xf32>
      %swap3A_577 = arith.index_cast %scan3A_148 : i32 to index
      %swap3A_578 = arith.constant 480 : index
      %swap3A_579 = tpu.vector_load %arg12[%swap3A_577, %swap3A_578] {strides = array<i32>} : memref<16x1024xf32, #tpu.memory_space<vmem>>, vector<1x16xf32>,
      %swap3A_580 = vector.shape_cast %swap3A_579 : vector<1x16xf32> to vector<16xf32>
      %swap3A_581 = vector.shape_cast %add3A_576 : vector<16xf32> to vector<1x16xf32>
      tpu.vector_store %arg12[%swap3A_577, %swap3A_578], %swap3A_581 {strides = array<i32>} : memref<16x1024xf32, #tpu.memory_space<vmem>>, vector<1x16xf32>,
      %get3A_582 = arith.index_cast %scan3A_148 : i32 to index
      %get3A_583 = arith.constant 496 : index
      %get3A_584 = tpu.vector_load %arg12[%get3A_582, %get3A_583] {strides = array<i32>} : memref<16x1024xf32, #tpu.memory_space<vmem>>, vector<1x16xf32>,
      %get3A_585 = vector.shape_cast %get3A_584 : vector<1x16xf32> to vector<16xf32>
      %get3A_586 = arith.index_cast %scan3A_148 : i32 to index
      %get3A_587 = arith.constant 496 : index
      %get3A_588 = tpu.vector_load %arg13[%get3A_586, %get3A_587] {strides = array<i32>} : memref<16x1024xf32, #tpu.memory_space<vmem>>, vector<1x16xf32>,
      %get3A_589 = vector.shape_cast %get3A_588 : vector<1x16xf32> to vector<16xf32>
      %add3A_590 = arith.addf %get3A_585, %get3A_589 : vector<16xf32>
      %swap3A_591 = arith.index_cast %scan3A_148 : i32 to index
      %swap3A_592 = arith.constant 496 : index
      %swap3A_593 = tpu.vector_load %arg12[%swap3A_591, %swap3A_592] {strides = array<i32>} : memref<16x1024xf32, #tpu.memory_space<vmem>>, vector<1x16xf32>,
      %swap3A_594 = vector.shape_cast %swap3A_593 : vector<1x16xf32> to vector<16xf32>
      %swap3A_595 = vector.shape_cast %add3A_590 : vector<16xf32> to vector<1x16xf32>
      tpu.vector_store %arg12[%swap3A_591, %swap3A_592], %swap3A_595 {strides = array<i32>} : memref<16x1024xf32, #tpu.memory_space<vmem>>, vector<1x16xf32>,
      %get3A_596 = arith.index_cast %scan3A_148 : i32 to index
      %get3A_597 = arith.constant 512 : index
      %get3A_598 = tpu.vector_load %arg12[%get3A_596, %get3A_597] {strides = array<i32>} : memref<16x1024xf32, #tpu.memory_space<vmem>>, vector<1x16xf32>,
      %get3A_599 = vector.shape_cast %get3A_598 : vector<1x16xf32> to vector<16xf32>
      %get3A_600 = arith.index_cast %scan3A_148 : i32 to index
      %get3A_601 = arith.constant 512 : index
      %get3A_602 = tpu.vector_load %arg13[%get3A_600, %get3A_601] {strides = array<i32>} : memref<16x1024xf32, #tpu.memory_space<vmem>>, vector<1x16xf32>,
      %get3A_603 = vector.shape_cast %get3A_602 : vector<1x16xf32> to vector<16xf32>
      %add3A_604 = arith.addf %get3A_599, %get3A_603 : vector<16xf32>
      %swap3A_605 = arith.index_cast %scan3A_148 : i32 to index
      %swap3A_606 = arith.constant 512 : index
      %swap3A_607 = tpu.vector_load %arg12[%swap3A_605, %swap3A_606] {strides = array<i32>} : memref<16x1024xf32, #tpu.memory_space<vmem>>, vector<1x16xf32>,
      %swap3A_608 = vector.shape_cast %swap3A_607 : vector<1x16xf32> to vector<16xf32>
      %swap3A_609 = vector.shape_cast %add3A_604 : vector<16xf32> to vector<1x16xf32>
      tpu.vector_store %arg12[%swap3A_605, %swap3A_606], %swap3A_609 {strides = array<i32>} : memref<16x1024xf32, #tpu.memory_space<vmem>>, vector<1x16xf32>,
      %get3A_610 = arith.index_cast %scan3A_148 : i32 to index
      %get3A_611 = arith.constant 528 : index
      %get3A_612 = tpu.vector_load %arg12[%get3A_610, %get3A_611] {strides = array<i32>} : memref<16x1024xf32, #tpu.memory_space<vmem>>, vector<1x16xf32>,
      %get3A_613 = vector.shape_cast %get3A_612 : vector<1x16xf32> to vector<16xf32>
      %get3A_614 = arith.index_cast %scan3A_148 : i32 to index
      %get3A_615 = arith.constant 528 : index
      %get3A_616 = tpu.vector_load %arg13[%get3A_614, %get3A_615] {strides = array<i32>} : memref<16x1024xf32, #tpu.memory_space<vmem>>, vector<1x16xf32>,
      %get3A_617 = vector.shape_cast %get3A_616 : vector<1x16xf32> to vector<16xf32>
      %add3A_618 = arith.addf %get3A_613, %get3A_617 : vector<16xf32>
      %swap3A_619 = arith.index_cast %scan3A_148 : i32 to index
      %swap3A_620 = arith.constant 528 : index
      %swap3A_621 = tpu.vector_load %arg12[%swap3A_619, %swap3A_620] {strides = array<i32>} : memref<16x1024xf32, #tpu.memory_space<vmem>>, vector<1x16xf32>,
      %swap3A_622 = vector.shape_cast %swap3A_621 : vector<1x16xf32> to vector<16xf32>
      %swap3A_623 = vector.shape_cast %add3A_618 : vector<16xf32> to vector<1x16xf32>
      tpu.vector_store %arg12[%swap3A_619, %swap3A_620], %swap3A_623 {strides = array<i32>} : memref<16x1024xf32, #tpu.memory_space<vmem>>, vector<1x16xf32>,
      %get3A_624 = arith.index_cast %scan3A_148 : i32 to index
      %get3A_625 = arith.constant 544 : index
      %get3A_626 = tpu.vector_load %arg12[%get3A_624, %get3A_625] {strides = array<i32>} : memref<16x1024xf32, #tpu.memory_space<vmem>>, vector<1x16xf32>,
      %get3A_627 = vector.shape_cast %get3A_626 : vector<1x16xf32> to vector<16xf32>
      %get3A_628 = arith.index_cast %scan3A_148 : i32 to index
      %get3A_629 = arith.constant 544 : index
      %get3A_630 = tpu.vector_load %arg13[%get3A_628, %get3A_629] {strides = array<i32>} : memref<16x1024xf32, #tpu.memory_space<vmem>>, vector<1x16xf32>,
      %get3A_631 = vector.shape_cast %get3A_630 : vector<1x16xf32> to vector<16xf32>
      %add3A_632 = arith.addf %get3A_627, %get3A_631 : vector<16xf32>
      %swap3A_633 = arith.index_cast %scan3A_148 : i32 to index
      %swap3A_634 = arith.constant 544 : index
      %swap3A_635 = tpu.vector_load %arg12[%swap3A_633, %swap3A_634] {strides = array<i32>} : memref<16x1024xf32, #tpu.memory_space<vmem>>, vector<1x16xf32>,
      %swap3A_636 = vector.shape_cast %swap3A_635 : vector<1x16xf32> to vector<16xf32>
      %swap3A_637 = vector.shape_cast %add3A_632 : vector<16xf32> to vector<1x16xf32>
      tpu.vector_store %arg12[%swap3A_633, %swap3A_634], %swap3A_637 {strides = array<i32>} : memref<16x1024xf32, #tpu.memory_space<vmem>>, vector<1x16xf32>,
      %get3A_638 = arith.index_cast %scan3A_148 : i32 to index
      %get3A_639 = arith.constant 560 : index
      %get3A_640 = tpu.vector_load %arg12[%get3A_638, %get3A_639] {strides = array<i32>} : memref<16x1024xf32, #tpu.memory_space<vmem>>, vector<1x16xf32>,
      %get3A_641 = vector.shape_cast %get3A_640 : vector<1x16xf32> to vector<16xf32>
      %get3A_642 = arith.index_cast %scan3A_148 : i32 to index
      %get3A_643 = arith.constant 560 : index
      %get3A_644 = tpu.vector_load %arg13[%get3A_642, %get3A_643] {strides = array<i32>} : memref<16x1024xf32, #tpu.memory_space<vmem>>, vector<1x16xf32>,
      %get3A_645 = vector.shape_cast %get3A_644 : vector<1x16xf32> to vector<16xf32>
      %add3A_646 = arith.addf %get3A_641, %get3A_645 : vector<16xf32>
      %swap3A_647 = arith.index_cast %scan3A_148 : i32 to index
      %swap3A_648 = arith.constant 560 : index
      %swap3A_649 = tpu.vector_load %arg12[%swap3A_647, %swap3A_648] {strides = array<i32>} : memref<16x1024xf32, #tpu.memory_space<vmem>>, vector<1x16xf32>,
      %swap3A_650 = vector.shape_cast %swap3A_649 : vector<1x16xf32> to vector<16xf32>
      %swap3A_651 = vector.shape_cast %add3A_646 : vector<16xf32> to vector<1x16xf32>
      tpu.vector_store %arg12[%swap3A_647, %swap3A_648], %swap3A_651 {strides = array<i32>} : memref<16x1024xf32, #tpu.memory_space<vmem>>, vector<1x16xf32>,
      %get3A_652 = arith.index_cast %scan3A_148 : i32 to index
      %get3A_653 = arith.constant 576 : index
      %get3A_654 = tpu.vector_load %arg12[%get3A_652, %get3A_653] {strides = array<i32>} : memref<16x1024xf32, #tpu.memory_space<vmem>>, vector<1x16xf32>,
      %get3A_655 = vector.shape_cast %get3A_654 : vector<1x16xf32> to vector<16xf32>
      %get3A_656 = arith.index_cast %scan3A_148 : i32 to index
      %get3A_657 = arith.constant 576 : index
      %get3A_658 = tpu.vector_load %arg13[%get3A_656, %get3A_657] {strides = array<i32>} : memref<16x1024xf32, #tpu.memory_space<vmem>>, vector<1x16xf32>,
      %get3A_659 = vector.shape_cast %get3A_658 : vector<1x16xf32> to vector<16xf32>
      %add3A_660 = arith.addf %get3A_655, %get3A_659 : vector<16xf32>
      %swap3A_661 = arith.index_cast %scan3A_148 : i32 to index
      %swap3A_662 = arith.constant 576 : index
      %swap3A_663 = tpu.vector_load %arg12[%swap3A_661, %swap3A_662] {strides = array<i32>} : memref<16x1024xf32, #tpu.memory_space<vmem>>, vector<1x16xf32>,
      %swap3A_664 = vector.shape_cast %swap3A_663 : vector<1x16xf32> to vector<16xf32>
      %swap3A_665 = vector.shape_cast %add3A_660 : vector<16xf32> to vector<1x16xf32>
      tpu.vector_store %arg12[%swap3A_661, %swap3A_662], %swap3A_665 {strides = array<i32>} : memref<16x1024xf32, #tpu.memory_space<vmem>>, vector<1x16xf32>,
      %get3A_666 = arith.index_cast %scan3A_148 : i32 to index
      %get3A_667 = arith.constant 592 : index
      %get3A_668 = tpu.vector_load %arg12[%get3A_666, %get3A_667] {strides = array<i32>} : memref<16x1024xf32, #tpu.memory_space<vmem>>, vector<1x16xf32>,
      %get3A_669 = vector.shape_cast %get3A_668 : vector<1x16xf32> to vector<16xf32>
      %get3A_670 = arith.index_cast %scan3A_148 : i32 to index
      %get3A_671 = arith.constant 592 : index
      %get3A_672 = tpu.vector_load %arg13[%get3A_670, %get3A_671] {strides = array<i32>} : memref<16x1024xf32, #tpu.memory_space<vmem>>, vector<1x16xf32>,
      %get3A_673 = vector.shape_cast %get3A_672 : vector<1x16xf32> to vector<16xf32>
      %add3A_674 = arith.addf %get3A_669, %get3A_673 : vector<16xf32>
      %swap3A_675 = arith.index_cast %scan3A_148 : i32 to index
      %swap3A_676 = arith.constant 592 : index
      %swap3A_677 = tpu.vector_load %arg12[%swap3A_675, %swap3A_676] {strides = array<i32>} : memref<16x1024xf32, #tpu.memory_space<vmem>>, vector<1x16xf32>,
      %swap3A_678 = vector.shape_cast %swap3A_677 : vector<1x16xf32> to vector<16xf32>
      %swap3A_679 = vector.shape_cast %add3A_674 : vector<16xf32> to vector<1x16xf32>
      tpu.vector_store %arg12[%swap3A_675, %swap3A_676], %swap3A_679 {strides = array<i32>} : memref<16x1024xf32, #tpu.memory_space<vmem>>, vector<1x16xf32>,
      %get3A_680 = arith.index_cast %scan3A_148 : i32 to index
      %get3A_681 = arith.constant 608 : index
      %get3A_682 = tpu.vector_load %arg12[%get3A_680, %get3A_681] {strides = array<i32>} : memref<16x1024xf32, #tpu.memory_space<vmem>>, vector<1x16xf32>,
      %get3A_683 = vector.shape_cast %get3A_682 : vector<1x16xf32> to vector<16xf32>
      %get3A_684 = arith.index_cast %scan3A_148 : i32 to index
      %get3A_685 = arith.constant 608 : index
      %get3A_686 = tpu.vector_load %arg13[%get3A_684, %get3A_685] {strides = array<i32>} : memref<16x1024xf32, #tpu.memory_space<vmem>>, vector<1x16xf32>,
      %get3A_687 = vector.shape_cast %get3A_686 : vector<1x16xf32> to vector<16xf32>
      %add3A_688 = arith.addf %get3A_683, %get3A_687 : vector<16xf32>
      %swap3A_689 = arith.index_cast %scan3A_148 : i32 to index
      %swap3A_690 = arith.constant 608 : index
      %swap3A_691 = tpu.vector_load %arg12[%swap3A_689, %swap3A_690] {strides = array<i32>} : memref<16x1024xf32, #tpu.memory_space<vmem>>, vector<1x16xf32>,
      %swap3A_692 = vector.shape_cast %swap3A_691 : vector<1x16xf32> to vector<16xf32>
      %swap3A_693 = vector.shape_cast %add3A_688 : vector<16xf32> to vector<1x16xf32>
      tpu.vector_store %arg12[%swap3A_689, %swap3A_690], %swap3A_693 {strides = array<i32>} : memref<16x1024xf32, #tpu.memory_space<vmem>>, vector<1x16xf32>,
      %get3A_694 = arith.index_cast %scan3A_148 : i32 to index
      %get3A_695 = arith.constant 624 : index
      %get3A_696 = tpu.vector_load %arg12[%get3A_694, %get3A_695] {strides = array<i32>} : memref<16x1024xf32, #tpu.memory_space<vmem>>, vector<1x16xf32>,
      %get3A_697 = vector.shape_cast %get3A_696 : vector<1x16xf32> to vector<16xf32>
      %get3A_698 = arith.index_cast %scan3A_148 : i32 to index
      %get3A_699 = arith.constant 624 : index
      %get3A_700 = tpu.vector_load %arg13[%get3A_698, %get3A_699] {strides = array<i32>} : memref<16x1024xf32, #tpu.memory_space<vmem>>, vector<1x16xf32>,
      %get3A_701 = vector.shape_cast %get3A_700 : vector<1x16xf32> to vector<16xf32>
      %add3A_702 = arith.addf %get3A_697, %get3A_701 : vector<16xf32>
      %swap3A_703 = arith.index_cast %scan3A_148 : i32 to index
      %swap3A_704 = arith.constant 624 : index
      %swap3A_705 = tpu.vector_load %arg12[%swap3A_703, %swap3A_704] {strides = array<i32>} : memref<16x1024xf32, #tpu.memory_space<vmem>>, vector<1x16xf32>,
      %swap3A_706 = vector.shape_cast %swap3A_705 : vector<1x16xf32> to vector<16xf32>
      %swap3A_707 = vector.shape_cast %add3A_702 : vector<16xf32> to vector<1x16xf32>
      tpu.vector_store %arg12[%swap3A_703, %swap3A_704], %swap3A_707 {strides = array<i32>} : memref<16x1024xf32, #tpu.memory_space<vmem>>, vector<1x16xf32>,
      %get3A_708 = arith.index_cast %scan3A_148 : i32 to index
      %get3A_709 = arith.constant 640 : index
      %get3A_710 = tpu.vector_load %arg12[%get3A_708, %get3A_709] {strides = array<i32>} : memref<16x1024xf32, #tpu.memory_space<vmem>>, vector<1x16xf32>,
      %get3A_711 = vector.shape_cast %get3A_710 : vector<1x16xf32> to vector<16xf32>
      %get3A_712 = arith.index_cast %scan3A_148 : i32 to index
      %get3A_713 = arith.constant 640 : index
      %get3A_714 = tpu.vector_load %arg13[%get3A_712, %get3A_713] {strides = array<i32>} : memref<16x1024xf32, #tpu.memory_space<vmem>>, vector<1x16xf32>,
      %get3A_715 = vector.shape_cast %get3A_714 : vector<1x16xf32> to vector<16xf32>
      %add3A_716 = arith.addf %get3A_711, %get3A_715 : vector<16xf32>
      %swap3A_717 = arith.index_cast %scan3A_148 : i32 to index
      %swap3A_718 = arith.constant 640 : index
      %swap3A_719 = tpu.vector_load %arg12[%swap3A_717, %swap3A_718] {strides = array<i32>} : memref<16x1024xf32, #tpu.memory_space<vmem>>, vector<1x16xf32>,
      %swap3A_720 = vector.shape_cast %swap3A_719 : vector<1x16xf32> to vector<16xf32>
      %swap3A_721 = vector.shape_cast %add3A_716 : vector<16xf32> to vector<1x16xf32>
      tpu.vector_store %arg12[%swap3A_717, %swap3A_718], %swap3A_721 {strides = array<i32>} : memref<16x1024xf32, #tpu.memory_space<vmem>>, vector<1x16xf32>,
      %get3A_722 = arith.index_cast %scan3A_148 : i32 to index
      %get3A_723 = arith.constant 656 : index
      %get3A_724 = tpu.vector_load %arg12[%get3A_722, %get3A_723] {strides = array<i32>} : memref<16x1024xf32, #tpu.memory_space<vmem>>, vector<1x16xf32>,
      %get3A_725 = vector.shape_cast %get3A_724 : vector<1x16xf32> to vector<16xf32>
      %get3A_726 = arith.index_cast %scan3A_148 : i32 to index
      %get3A_727 = arith.constant 656 : index
      %get3A_728 = tpu.vector_load %arg13[%get3A_726, %get3A_727] {strides = array<i32>} : memref<16x1024xf32, #tpu.memory_space<vmem>>, vector<1x16xf32>,
      %get3A_729 = vector.shape_cast %get3A_728 : vector<1x16xf32> to vector<16xf32>
      %add3A_730 = arith.addf %get3A_725, %get3A_729 : vector<16xf32>
      %swap3A_731 = arith.index_cast %scan3A_148 : i32 to index
      %swap3A_732 = arith.constant 656 : index
      %swap3A_733 = tpu.vector_load %arg12[%swap3A_731, %swap3A_732] {strides = array<i32>} : memref<16x1024xf32, #tpu.memory_space<vmem>>, vector<1x16xf32>,
      %swap3A_734 = vector.shape_cast %swap3A_733 : vector<1x16xf32> to vector<16xf32>
      %swap3A_735 = vector.shape_cast %add3A_730 : vector<16xf32> to vector<1x16xf32>
      tpu.vector_store %arg12[%swap3A_731, %swap3A_732], %swap3A_735 {strides = array<i32>} : memref<16x1024xf32, #tpu.memory_space<vmem>>, vector<1x16xf32>,
      %get3A_736 = arith.index_cast %scan3A_148 : i32 to index
      %get3A_737 = arith.constant 672 : index
      %get3A_738 = tpu.vector_load %arg12[%get3A_736, %get3A_737] {strides = array<i32>} : memref<16x1024xf32, #tpu.memory_space<vmem>>, vector<1x16xf32>,
      %get3A_739 = vector.shape_cast %get3A_738 : vector<1x16xf32> to vector<16xf32>
      %get3A_740 = arith.index_cast %scan3A_148 : i32 to index
      %get3A_741 = arith.constant 672 : index
      %get3A_742 = tpu.vector_load %arg13[%get3A_740, %get3A_741] {strides = array<i32>} : memref<16x1024xf32, #tpu.memory_space<vmem>>, vector<1x16xf32>,
      %get3A_743 = vector.shape_cast %get3A_742 : vector<1x16xf32> to vector<16xf32>
      %add3A_744 = arith.addf %get3A_739, %get3A_743 : vector<16xf32>
      %swap3A_745 = arith.index_cast %scan3A_148 : i32 to index
      %swap3A_746 = arith.constant 672 : index
      %swap3A_747 = tpu.vector_load %arg12[%swap3A_745, %swap3A_746] {strides = array<i32>} : memref<16x1024xf32, #tpu.memory_space<vmem>>, vector<1x16xf32>,
      %swap3A_748 = vector.shape_cast %swap3A_747 : vector<1x16xf32> to vector<16xf32>
      %swap3A_749 = vector.shape_cast %add3A_744 : vector<16xf32> to vector<1x16xf32>
      tpu.vector_store %arg12[%swap3A_745, %swap3A_746], %swap3A_749 {strides = array<i32>} : memref<16x1024xf32, #tpu.memory_space<vmem>>, vector<1x16xf32>,
      %get3A_750 = arith.index_cast %scan3A_148 : i32 to index
      %get3A_751 = arith.constant 688 : index
      %get3A_752 = tpu.vector_load %arg12[%get3A_750, %get3A_751] {strides = array<i32>} : memref<16x1024xf32, #tpu.memory_space<vmem>>, vector<1x16xf32>,
      %get3A_753 = vector.shape_cast %get3A_752 : vector<1x16xf32> to vector<16xf32>
      %get3A_754 = arith.index_cast %scan3A_148 : i32 to index
      %get3A_755 = arith.constant 688 : index
      %get3A_756 = tpu.vector_load %arg13[%get3A_754, %get3A_755] {strides = array<i32>} : memref<16x1024xf32, #tpu.memory_space<vmem>>, vector<1x16xf32>,
      %get3A_757 = vector.shape_cast %get3A_756 : vector<1x16xf32> to vector<16xf32>
      %add3A_758 = arith.addf %get3A_753, %get3A_757 : vector<16xf32>
      %swap3A_759 = arith.index_cast %scan3A_148 : i32 to index
      %swap3A_760 = arith.constant 688 : index
      %swap3A_761 = tpu.vector_load %arg12[%swap3A_759, %swap3A_760] {strides = array<i32>} : memref<16x1024xf32, #tpu.memory_space<vmem>>, vector<1x16xf32>,
      %swap3A_762 = vector.shape_cast %swap3A_761 : vector<1x16xf32> to vector<16xf32>
      %swap3A_763 = vector.shape_cast %add3A_758 : vector<16xf32> to vector<1x16xf32>
      tpu.vector_store %arg12[%swap3A_759, %swap3A_760], %swap3A_763 {strides = array<i32>} : memref<16x1024xf32, #tpu.memory_space<vmem>>, vector<1x16xf32>,
      %get3A_764 = arith.index_cast %scan3A_148 : i32 to index
      %get3A_765 = arith.constant 704 : index
      %get3A_766 = tpu.vector_load %arg12[%get3A_764, %get3A_765] {strides = array<i32>} : memref<16x1024xf32, #tpu.memory_space<vmem>>, vector<1x16xf32>,
      %get3A_767 = vector.shape_cast %get3A_766 : vector<1x16xf32> to vector<16xf32>
      %get3A_768 = arith.index_cast %scan3A_148 : i32 to index
      %get3A_769 = arith.constant 704 : index
      %get3A_770 = tpu.vector_load %arg13[%get3A_768, %get3A_769] {strides = array<i32>} : memref<16x1024xf32, #tpu.memory_space<vmem>>, vector<1x16xf32>,
      %get3A_771 = vector.shape_cast %get3A_770 : vector<1x16xf32> to vector<16xf32>
      %add3A_772 = arith.addf %get3A_767, %get3A_771 : vector<16xf32>
      %swap3A_773 = arith.index_cast %scan3A_148 : i32 to index
      %swap3A_774 = arith.constant 704 : index
      %swap3A_775 = tpu.vector_load %arg12[%swap3A_773, %swap3A_774] {strides = array<i32>} : memref<16x1024xf32, #tpu.memory_space<vmem>>, vector<1x16xf32>,
      %swap3A_776 = vector.shape_cast %swap3A_775 : vector<1x16xf32> to vector<16xf32>
      %swap3A_777 = vector.shape_cast %add3A_772 : vector<16xf32> to vector<1x16xf32>
      tpu.vector_store %arg12[%swap3A_773, %swap3A_774], %swap3A_777 {strides = array<i32>} : memref<16x1024xf32, #tpu.memory_space<vmem>>, vector<1x16xf32>,
      %get3A_778 = arith.index_cast %scan3A_148 : i32 to index
      %get3A_779 = arith.constant 720 : index
      %get3A_780 = tpu.vector_load %arg12[%get3A_778, %get3A_779] {strides = array<i32>} : memref<16x1024xf32, #tpu.memory_space<vmem>>, vector<1x16xf32>,
      %get3A_781 = vector.shape_cast %get3A_780 : vector<1x16xf32> to vector<16xf32>
      %get3A_782 = arith.index_cast %scan3A_148 : i32 to index
      %get3A_783 = arith.constant 720 : index
      %get3A_784 = tpu.vector_load %arg13[%get3A_782, %get3A_783] {strides = array<i32>} : memref<16x1024xf32, #tpu.memory_space<vmem>>, vector<1x16xf32>,
      %get3A_785 = vector.shape_cast %get3A_784 : vector<1x16xf32> to vector<16xf32>
      %add3A_786 = arith.addf %get3A_781, %get3A_785 : vector<16xf32>
      %swap3A_787 = arith.index_cast %scan3A_148 : i32 to index
      %swap3A_788 = arith.constant 720 : index
      %swap3A_789 = tpu.vector_load %arg12[%swap3A_787, %swap3A_788] {strides = array<i32>} : memref<16x1024xf32, #tpu.memory_space<vmem>>, vector<1x16xf32>,
      %swap3A_790 = vector.shape_cast %swap3A_789 : vector<1x16xf32> to vector<16xf32>
      %swap3A_791 = vector.shape_cast %add3A_786 : vector<16xf32> to vector<1x16xf32>
      tpu.vector_store %arg12[%swap3A_787, %swap3A_788], %swap3A_791 {strides = array<i32>} : memref<16x1024xf32, #tpu.memory_space<vmem>>, vector<1x16xf32>,
      %get3A_792 = arith.index_cast %scan3A_148 : i32 to index
      %get3A_793 = arith.constant 736 : index
      %get3A_794 = tpu.vector_load %arg12[%get3A_792, %get3A_793] {strides = array<i32>} : memref<16x1024xf32, #tpu.memory_space<vmem>>, vector<1x16xf32>,
      %get3A_795 = vector.shape_cast %get3A_794 : vector<1x16xf32> to vector<16xf32>
      %get3A_796 = arith.index_cast %scan3A_148 : i32 to index
      %get3A_797 = arith.constant 736 : index
      %get3A_798 = tpu.vector_load %arg13[%get3A_796, %get3A_797] {strides = array<i32>} : memref<16x1024xf32, #tpu.memory_space<vmem>>, vector<1x16xf32>,
      %get3A_799 = vector.shape_cast %get3A_798 : vector<1x16xf32> to vector<16xf32>
      %add3A_800 = arith.addf %get3A_795, %get3A_799 : vector<16xf32>
      %swap3A_801 = arith.index_cast %scan3A_148 : i32 to index
      %swap3A_802 = arith.constant 736 : index
      %swap3A_803 = tpu.vector_load %arg12[%swap3A_801, %swap3A_802] {strides = array<i32>} : memref<16x1024xf32, #tpu.memory_space<vmem>>, vector<1x16xf32>,
      %swap3A_804 = vector.shape_cast %swap3A_803 : vector<1x16xf32> to vector<16xf32>
      %swap3A_805 = vector.shape_cast %add3A_800 : vector<16xf32> to vector<1x16xf32>
      tpu.vector_store %arg12[%swap3A_801, %swap3A_802], %swap3A_805 {strides = array<i32>} : memref<16x1024xf32, #tpu.memory_space<vmem>>, vector<1x16xf32>,
      %get3A_806 = arith.index_cast %scan3A_148 : i32 to index
      %get3A_807 = arith.constant 752 : index
      %get3A_808 = tpu.vector_load %arg12[%get3A_806, %get3A_807] {strides = array<i32>} : memref<16x1024xf32, #tpu.memory_space<vmem>>, vector<1x16xf32>,
      %get3A_809 = vector.shape_cast %get3A_808 : vector<1x16xf32> to vector<16xf32>
      %get3A_810 = arith.index_cast %scan3A_148 : i32 to index
      %get3A_811 = arith.constant 752 : index
      %get3A_812 = tpu.vector_load %arg13[%get3A_810, %get3A_811] {strides = array<i32>} : memref<16x1024xf32, #tpu.memory_space<vmem>>, vector<1x16xf32>,
      %get3A_813 = vector.shape_cast %get3A_812 : vector<1x16xf32> to vector<16xf32>
      %add3A_814 = arith.addf %get3A_809, %get3A_813 : vector<16xf32>
      %swap3A_815 = arith.index_cast %scan3A_148 : i32 to index
      %swap3A_816 = arith.constant 752 : index
      %swap3A_817 = tpu.vector_load %arg12[%swap3A_815, %swap3A_816] {strides = array<i32>} : memref<16x1024xf32, #tpu.memory_space<vmem>>, vector<1x16xf32>,
      %swap3A_818 = vector.shape_cast %swap3A_817 : vector<1x16xf32> to vector<16xf32>
      %swap3A_819 = vector.shape_cast %add3A_814 : vector<16xf32> to vector<1x16xf32>
      tpu.vector_store %arg12[%swap3A_815, %swap3A_816], %swap3A_819 {strides = array<i32>} : memref<16x1024xf32, #tpu.memory_space<vmem>>, vector<1x16xf32>,
      %get3A_820 = arith.index_cast %scan3A_148 : i32 to index
      %get3A_821 = arith.constant 768 : index
      %get3A_822 = tpu.vector_load %arg12[%get3A_820, %get3A_821] {strides = array<i32>} : memref<16x1024xf32, #tpu.memory_space<vmem>>, vector<1x16xf32>,
      %get3A_823 = vector.shape_cast %get3A_822 : vector<1x16xf32> to vector<16xf32>
      %get3A_824 = arith.index_cast %scan3A_148 : i32 to index
      %get3A_825 = arith.constant 768 : index
      %get3A_826 = tpu.vector_load %arg13[%get3A_824, %get3A_825] {strides = array<i32>} : memref<16x1024xf32, #tpu.memory_space<vmem>>, vector<1x16xf32>,
      %get3A_827 = vector.shape_cast %get3A_826 : vector<1x16xf32> to vector<16xf32>
      %add3A_828 = arith.addf %get3A_823, %get3A_827 : vector<16xf32>
      %swap3A_829 = arith.index_cast %scan3A_148 : i32 to index
      %swap3A_830 = arith.constant 768 : index
      %swap3A_831 = tpu.vector_load %arg12[%swap3A_829, %swap3A_830] {strides = array<i32>} : memref<16x1024xf32, #tpu.memory_space<vmem>>, vector<1x16xf32>,
      %swap3A_832 = vector.shape_cast %swap3A_831 : vector<1x16xf32> to vector<16xf32>
      %swap3A_833 = vector.shape_cast %add3A_828 : vector<16xf32> to vector<1x16xf32>
      tpu.vector_store %arg12[%swap3A_829, %swap3A_830], %swap3A_833 {strides = array<i32>} : memref<16x1024xf32, #tpu.memory_space<vmem>>, vector<1x16xf32>,
      %get3A_834 = arith.index_cast %scan3A_148 : i32 to index
      %get3A_835 = arith.constant 784 : index
      %get3A_836 = tpu.vector_load %arg12[%get3A_834, %get3A_835] {strides = array<i32>} : memref<16x1024xf32, #tpu.memory_space<vmem>>, vector<1x16xf32>,
      %get3A_837 = vector.shape_cast %get3A_836 : vector<1x16xf32> to vector<16xf32>
      %get3A_838 = arith.index_cast %scan3A_148 : i32 to index
      %get3A_839 = arith.constant 784 : index
      %get3A_840 = tpu.vector_load %arg13[%get3A_838, %get3A_839] {strides = array<i32>} : memref<16x1024xf32, #tpu.memory_space<vmem>>, vector<1x16xf32>,
      %get3A_841 = vector.shape_cast %get3A_840 : vector<1x16xf32> to vector<16xf32>
      %add3A_842 = arith.addf %get3A_837, %get3A_841 : vector<16xf32>
      %swap3A_843 = arith.index_cast %scan3A_148 : i32 to index
      %swap3A_844 = arith.constant 784 : index
      %swap3A_845 = tpu.vector_load %arg12[%swap3A_843, %swap3A_844] {strides = array<i32>} : memref<16x1024xf32, #tpu.memory_space<vmem>>, vector<1x16xf32>,
      %swap3A_846 = vector.shape_cast %swap3A_845 : vector<1x16xf32> to vector<16xf32>
      %swap3A_847 = vector.shape_cast %add3A_842 : vector<16xf32> to vector<1x16xf32>
      tpu.vector_store %arg12[%swap3A_843, %swap3A_844], %swap3A_847 {strides = array<i32>} : memref<16x1024xf32, #tpu.memory_space<vmem>>, vector<1x16xf32>,
      %get3A_848 = arith.index_cast %scan3A_148 : i32 to index
      %get3A_849 = arith.constant 800 : index
      %get3A_850 = tpu.vector_load %arg12[%get3A_848, %get3A_849] {strides = array<i32>} : memref<16x1024xf32, #tpu.memory_space<vmem>>, vector<1x16xf32>,
      %get3A_851 = vector.shape_cast %get3A_850 : vector<1x16xf32> to vector<16xf32>
      %get3A_852 = arith.index_cast %scan3A_148 : i32 to index
      %get3A_853 = arith.constant 800 : index
      %get3A_854 = tpu.vector_load %arg13[%get3A_852, %get3A_853] {strides = array<i32>} : memref<16x1024xf32, #tpu.memory_space<vmem>>, vector<1x16xf32>,
      %get3A_855 = vector.shape_cast %get3A_854 : vector<1x16xf32> to vector<16xf32>
      %add3A_856 = arith.addf %get3A_851, %get3A_855 : vector<16xf32>
      %swap3A_857 = arith.index_cast %scan3A_148 : i32 to index
      %swap3A_858 = arith.constant 800 : index
      %swap3A_859 = tpu.vector_load %arg12[%swap3A_857, %swap3A_858] {strides = array<i32>} : memref<16x1024xf32, #tpu.memory_space<vmem>>, vector<1x16xf32>,
      %swap3A_860 = vector.shape_cast %swap3A_859 : vector<1x16xf32> to vector<16xf32>
      %swap3A_861 = vector.shape_cast %add3A_856 : vector<16xf32> to vector<1x16xf32>
      tpu.vector_store %arg12[%swap3A_857, %swap3A_858], %swap3A_861 {strides = array<i32>} : memref<16x1024xf32, #tpu.memory_space<vmem>>, vector<1x16xf32>,
      %get3A_862 = arith.index_cast %scan3A_148 : i32 to index
      %get3A_863 = arith.constant 816 : index
      %get3A_864 = tpu.vector_load %arg12[%get3A_862, %get3A_863] {strides = array<i32>} : memref<16x1024xf32, #tpu.memory_space<vmem>>, vector<1x16xf32>,
      %get3A_865 = vector.shape_cast %get3A_864 : vector<1x16xf32> to vector<16xf32>
      %get3A_866 = arith.index_cast %scan3A_148 : i32 to index
      %get3A_867 = arith.constant 816 : index
      %get3A_868 = tpu.vector_load %arg13[%get3A_866, %get3A_867] {strides = array<i32>} : memref<16x1024xf32, #tpu.memory_space<vmem>>, vector<1x16xf32>,
      %get3A_869 = vector.shape_cast %get3A_868 : vector<1x16xf32> to vector<16xf32>
      %add3A_870 = arith.addf %get3A_865, %get3A_869 : vector<16xf32>
      %swap3A_871 = arith.index_cast %scan3A_148 : i32 to index
      %swap3A_872 = arith.constant 816 : index
      %swap3A_873 = tpu.vector_load %arg12[%swap3A_871, %swap3A_872] {strides = array<i32>} : memref<16x1024xf32, #tpu.memory_space<vmem>>, vector<1x16xf32>,
      %swap3A_874 = vector.shape_cast %swap3A_873 : vector<1x16xf32> to vector<16xf32>
      %swap3A_875 = vector.shape_cast %add3A_870 : vector<16xf32> to vector<1x16xf32>
      tpu.vector_store %arg12[%swap3A_871, %swap3A_872], %swap3A_875 {strides = array<i32>} : memref<16x1024xf32, #tpu.memory_space<vmem>>, vector<1x16xf32>,
      %get3A_876 = arith.index_cast %scan3A_148 : i32 to index
      %get3A_877 = arith.constant 832 : index
      %get3A_878 = tpu.vector_load %arg12[%get3A_876, %get3A_877] {strides = array<i32>} : memref<16x1024xf32, #tpu.memory_space<vmem>>, vector<1x16xf32>,
      %get3A_879 = vector.shape_cast %get3A_878 : vector<1x16xf32> to vector<16xf32>
      %get3A_880 = arith.index_cast %scan3A_148 : i32 to index
      %get3A_881 = arith.constant 832 : index
      %get3A_882 = tpu.vector_load %arg13[%get3A_880, %get3A_881] {strides = array<i32>} : memref<16x1024xf32, #tpu.memory_space<vmem>>, vector<1x16xf32>,
      %get3A_883 = vector.shape_cast %get3A_882 : vector<1x16xf32> to vector<16xf32>
      %add3A_884 = arith.addf %get3A_879, %get3A_883 : vector<16xf32>
      %swap3A_885 = arith.index_cast %scan3A_148 : i32 to index
      %swap3A_886 = arith.constant 832 : index
      %swap3A_887 = tpu.vector_load %arg12[%swap3A_885, %swap3A_886] {strides = array<i32>} : memref<16x1024xf32, #tpu.memory_space<vmem>>, vector<1x16xf32>,
      %swap3A_888 = vector.shape_cast %swap3A_887 : vector<1x16xf32> to vector<16xf32>
      %swap3A_889 = vector.shape_cast %add3A_884 : vector<16xf32> to vector<1x16xf32>
      tpu.vector_store %arg12[%swap3A_885, %swap3A_886], %swap3A_889 {strides = array<i32>} : memref<16x1024xf32, #tpu.memory_space<vmem>>, vector<1x16xf32>,
      %get3A_890 = arith.index_cast %scan3A_148 : i32 to index
      %get3A_891 = arith.constant 848 : index
      %get3A_892 = tpu.vector_load %arg12[%get3A_890, %get3A_891] {strides = array<i32>} : memref<16x1024xf32, #tpu.memory_space<vmem>>, vector<1x16xf32>,
      %get3A_893 = vector.shape_cast %get3A_892 : vector<1x16xf32> to vector<16xf32>
      %get3A_894 = arith.index_cast %scan3A_148 : i32 to index
      %get3A_895 = arith.constant 848 : index
      %get3A_896 = tpu.vector_load %arg13[%get3A_894, %get3A_895] {strides = array<i32>} : memref<16x1024xf32, #tpu.memory_space<vmem>>, vector<1x16xf32>,
      %get3A_897 = vector.shape_cast %get3A_896 : vector<1x16xf32> to vector<16xf32>
      %add3A_898 = arith.addf %get3A_893, %get3A_897 : vector<16xf32>
      %swap3A_899 = arith.index_cast %scan3A_148 : i32 to index
      %swap3A_900 = arith.constant 848 : index
      %swap3A_901 = tpu.vector_load %arg12[%swap3A_899, %swap3A_900] {strides = array<i32>} : memref<16x1024xf32, #tpu.memory_space<vmem>>, vector<1x16xf32>,
      %swap3A_902 = vector.shape_cast %swap3A_901 : vector<1x16xf32> to vector<16xf32>
      %swap3A_903 = vector.shape_cast %add3A_898 : vector<16xf32> to vector<1x16xf32>
      tpu.vector_store %arg12[%swap3A_899, %swap3A_900], %swap3A_903 {strides = array<i32>} : memref<16x1024xf32, #tpu.memory_space<vmem>>, vector<1x16xf32>,
      %get3A_904 = arith.index_cast %scan3A_148 : i32 to index
      %get3A_905 = arith.constant 864 : index
      %get3A_906 = tpu.vector_load %arg12[%get3A_904, %get3A_905] {strides = array<i32>} : memref<16x1024xf32, #tpu.memory_space<vmem>>, vector<1x16xf32>,
      %get3A_907 = vector.shape_cast %get3A_906 : vector<1x16xf32> to vector<16xf32>
      %get3A_908 = arith.index_cast %scan3A_148 : i32 to index
      %get3A_909 = arith.constant 864 : index
      %get3A_910 = tpu.vector_load %arg13[%get3A_908, %get3A_909] {strides = array<i32>} : memref<16x1024xf32, #tpu.memory_space<vmem>>, vector<1x16xf32>,
      %get3A_911 = vector.shape_cast %get3A_910 : vector<1x16xf32> to vector<16xf32>
      %add3A_912 = arith.addf %get3A_907, %get3A_911 : vector<16xf32>
      %swap3A_913 = arith.index_cast %scan3A_148 : i32 to index
      %swap3A_914 = arith.constant 864 : index
      %swap3A_915 = tpu.vector_load %arg12[%swap3A_913, %swap3A_914] {strides = array<i32>} : memref<16x1024xf32, #tpu.memory_space<vmem>>, vector<1x16xf32>,
      %swap3A_916 = vector.shape_cast %swap3A_915 : vector<1x16xf32> to vector<16xf32>
      %swap3A_917 = vector.shape_cast %add3A_912 : vector<16xf32> to vector<1x16xf32>
      tpu.vector_store %arg12[%swap3A_913, %swap3A_914], %swap3A_917 {strides = array<i32>} : memref<16x1024xf32, #tpu.memory_space<vmem>>, vector<1x16xf32>,
      %get3A_918 = arith.index_cast %scan3A_148 : i32 to index
      %get3A_919 = arith.constant 880 : index
      %get3A_920 = tpu.vector_load %arg12[%get3A_918, %get3A_919] {strides = array<i32>} : memref<16x1024xf32, #tpu.memory_space<vmem>>, vector<1x16xf32>,
      %get3A_921 = vector.shape_cast %get3A_920 : vector<1x16xf32> to vector<16xf32>
      %get3A_922 = arith.index_cast %scan3A_148 : i32 to index
      %get3A_923 = arith.constant 880 : index
      %get3A_924 = tpu.vector_load %arg13[%get3A_922, %get3A_923] {strides = array<i32>} : memref<16x1024xf32, #tpu.memory_space<vmem>>, vector<1x16xf32>,
      %get3A_925 = vector.shape_cast %get3A_924 : vector<1x16xf32> to vector<16xf32>
      %add3A_926 = arith.addf %get3A_921, %get3A_925 : vector<16xf32>
      %swap3A_927 = arith.index_cast %scan3A_148 : i32 to index
      %swap3A_928 = arith.constant 880 : index
      %swap3A_929 = tpu.vector_load %arg12[%swap3A_927, %swap3A_928] {strides = array<i32>} : memref<16x1024xf32, #tpu.memory_space<vmem>>, vector<1x16xf32>,
      %swap3A_930 = vector.shape_cast %swap3A_929 : vector<1x16xf32> to vector<16xf32>
      %swap3A_931 = vector.shape_cast %add3A_926 : vector<16xf32> to vector<1x16xf32>
      tpu.vector_store %arg12[%swap3A_927, %swap3A_928], %swap3A_931 {strides = array<i32>} : memref<16x1024xf32, #tpu.memory_space<vmem>>, vector<1x16xf32>,
      %get3A_932 = arith.index_cast %scan3A_148 : i32 to index
      %get3A_933 = arith.constant 896 : index
      %get3A_934 = tpu.vector_load %arg12[%get3A_932, %get3A_933] {strides = array<i32>} : memref<16x1024xf32, #tpu.memory_space<vmem>>, vector<1x16xf32>,
      %get3A_935 = vector.shape_cast %get3A_934 : vector<1x16xf32> to vector<16xf32>
      %get3A_936 = arith.index_cast %scan3A_148 : i32 to index
      %get3A_937 = arith.constant 896 : index
      %get3A_938 = tpu.vector_load %arg13[%get3A_936, %get3A_937] {strides = array<i32>} : memref<16x1024xf32, #tpu.memory_space<vmem>>, vector<1x16xf32>,
      %get3A_939 = vector.shape_cast %get3A_938 : vector<1x16xf32> to vector<16xf32>
      %add3A_940 = arith.addf %get3A_935, %get3A_939 : vector<16xf32>
      %swap3A_941 = arith.index_cast %scan3A_148 : i32 to index
      %swap3A_942 = arith.constant 896 : index
      %swap3A_943 = tpu.vector_load %arg12[%swap3A_941, %swap3A_942] {strides = array<i32>} : memref<16x1024xf32, #tpu.memory_space<vmem>>, vector<1x16xf32>,
      %swap3A_944 = vector.shape_cast %swap3A_943 : vector<1x16xf32> to vector<16xf32>
      %swap3A_945 = vector.shape_cast %add3A_940 : vector<16xf32> to vector<1x16xf32>
      tpu.vector_store %arg12[%swap3A_941, %swap3A_942], %swap3A_945 {strides = array<i32>} : memref<16x1024xf32, #tpu.memory_space<vmem>>, vector<1x16xf32>,
      %get3A_946 = arith.index_cast %scan3A_148 : i32 to index
      %get3A_947 = arith.constant 912 : index
      %get3A_948 = tpu.vector_load %arg12[%get3A_946, %get3A_947] {strides = array<i32>} : memref<16x1024xf32, #tpu.memory_space<vmem>>, vector<1x16xf32>,
      %get3A_949 = vector.shape_cast %get3A_948 : vector<1x16xf32> to vector<16xf32>
      %get3A_950 = arith.index_cast %scan3A_148 : i32 to index
      %get3A_951 = arith.constant 912 : index
      %get3A_952 = tpu.vector_load %arg13[%get3A_950, %get3A_951] {strides = array<i32>} : memref<16x1024xf32, #tpu.memory_space<vmem>>, vector<1x16xf32>,
      %get3A_953 = vector.shape_cast %get3A_952 : vector<1x16xf32> to vector<16xf32>
      %add3A_954 = arith.addf %get3A_949, %get3A_953 : vector<16xf32>
      %swap3A_955 = arith.index_cast %scan3A_148 : i32 to index
      %swap3A_956 = arith.constant 912 : index
      %swap3A_957 = tpu.vector_load %arg12[%swap3A_955, %swap3A_956] {strides = array<i32>} : memref<16x1024xf32, #tpu.memory_space<vmem>>, vector<1x16xf32>,
      %swap3A_958 = vector.shape_cast %swap3A_957 : vector<1x16xf32> to vector<16xf32>
      %swap3A_959 = vector.shape_cast %add3A_954 : vector<16xf32> to vector<1x16xf32>
      tpu.vector_store %arg12[%swap3A_955, %swap3A_956], %swap3A_959 {strides = array<i32>} : memref<16x1024xf32, #tpu.memory_space<vmem>>, vector<1x16xf32>,
      %get3A_960 = arith.index_cast %scan3A_148 : i32 to index
      %get3A_961 = arith.constant 928 : index
      %get3A_962 = tpu.vector_load %arg12[%get3A_960, %get3A_961] {strides = array<i32>} : memref<16x1024xf32, #tpu.memory_space<vmem>>, vector<1x16xf32>,
      %get3A_963 = vector.shape_cast %get3A_962 : vector<1x16xf32> to vector<16xf32>
      %get3A_964 = arith.index_cast %scan3A_148 : i32 to index
      %get3A_965 = arith.constant 928 : index
      %get3A_966 = tpu.vector_load %arg13[%get3A_964, %get3A_965] {strides = array<i32>} : memref<16x1024xf32, #tpu.memory_space<vmem>>, vector<1x16xf32>,
      %get3A_967 = vector.shape_cast %get3A_966 : vector<1x16xf32> to vector<16xf32>
      %add3A_968 = arith.addf %get3A_963, %get3A_967 : vector<16xf32>
      %swap3A_969 = arith.index_cast %scan3A_148 : i32 to index
      %swap3A_970 = arith.constant 928 : index
      %swap3A_971 = tpu.vector_load %arg12[%swap3A_969, %swap3A_970] {strides = array<i32>} : memref<16x1024xf32, #tpu.memory_space<vmem>>, vector<1x16xf32>,
      %swap3A_972 = vector.shape_cast %swap3A_971 : vector<1x16xf32> to vector<16xf32>
      %swap3A_973 = vector.shape_cast %add3A_968 : vector<16xf32> to vector<1x16xf32>
      tpu.vector_store %arg12[%swap3A_969, %swap3A_970], %swap3A_973 {strides = array<i32>} : memref<16x1024xf32, #tpu.memory_space<vmem>>, vector<1x16xf32>,
      %get3A_974 = arith.index_cast %scan3A_148 : i32 to index
      %get3A_975 = arith.constant 944 : index
      %get3A_976 = tpu.vector_load %arg12[%get3A_974, %get3A_975] {strides = array<i32>} : memref<16x1024xf32, #tpu.memory_space<vmem>>, vector<1x16xf32>,
      %get3A_977 = vector.shape_cast %get3A_976 : vector<1x16xf32> to vector<16xf32>
      %get3A_978 = arith.index_cast %scan3A_148 : i32 to index
      %get3A_979 = arith.constant 944 : index
      %get3A_980 = tpu.vector_load %arg13[%get3A_978, %get3A_979] {strides = array<i32>} : memref<16x1024xf32, #tpu.memory_space<vmem>>, vector<1x16xf32>,
      %get3A_981 = vector.shape_cast %get3A_980 : vector<1x16xf32> to vector<16xf32>
      %add3A_982 = arith.addf %get3A_977, %get3A_981 : vector<16xf32>
      %swap3A_983 = arith.index_cast %scan3A_148 : i32 to index
      %swap3A_984 = arith.constant 944 : index
      %swap3A_985 = tpu.vector_load %arg12[%swap3A_983, %swap3A_984] {strides = array<i32>} : memref<16x1024xf32, #tpu.memory_space<vmem>>, vector<1x16xf32>,
      %swap3A_986 = vector.shape_cast %swap3A_985 : vector<1x16xf32> to vector<16xf32>
      %swap3A_987 = vector.shape_cast %add3A_982 : vector<16xf32> to vector<1x16xf32>
      tpu.vector_store %arg12[%swap3A_983, %swap3A_984], %swap3A_987 {strides = array<i32>} : memref<16x1024xf32, #tpu.memory_space<vmem>>, vector<1x16xf32>,
      %get3A_988 = arith.index_cast %scan3A_148 : i32 to index
      %get3A_989 = arith.constant 960 : index
      %get3A_990 = tpu.vector_load %arg12[%get3A_988, %get3A_989] {strides = array<i32>} : memref<16x1024xf32, #tpu.memory_space<vmem>>, vector<1x16xf32>,
      %get3A_991 = vector.shape_cast %get3A_990 : vector<1x16xf32> to vector<16xf32>
      %get3A_992 = arith.index_cast %scan3A_148 : i32 to index
      %get3A_993 = arith.constant 960 : index
      %get3A_994 = tpu.vector_load %arg13[%get3A_992, %get3A_993] {strides = array<i32>} : memref<16x1024xf32, #tpu.memory_space<vmem>>, vector<1x16xf32>,
      %get3A_995 = vector.shape_cast %get3A_994 : vector<1x16xf32> to vector<16xf32>
      %add3A_996 = arith.addf %get3A_991, %get3A_995 : vector<16xf32>
      %swap3A_997 = arith.index_cast %scan3A_148 : i32 to index
      %swap3A_998 = arith.constant 960 : index
      %swap3A_999 = tpu.vector_load %arg12[%swap3A_997, %swap3A_998] {strides = array<i32>} : memref<16x1024xf32, #tpu.memory_space<vmem>>, vector<1x16xf32>,
      %swap3A_1000 = vector.shape_cast %swap3A_999 : vector<1x16xf32> to vector<16xf32>
      %swap3A_1001 = vector.shape_cast %add3A_996 : vector<16xf32> to vector<1x16xf32>
      tpu.vector_store %arg12[%swap3A_997, %swap3A_998], %swap3A_1001 {strides = array<i32>} : memref<16x1024xf32, #tpu.memory_space<vmem>>, vector<1x16xf32>,
      %get3A_1002 = arith.index_cast %scan3A_148 : i32 to index
      %get3A_1003 = arith.constant 976 : index
      %get3A_1004 = tpu.vector_load %arg12[%get3A_1002, %get3A_1003] {strides = array<i32>} : memref<16x1024xf32, #tpu.memory_space<vmem>>, vector<1x16xf32>,
      %get3A_1005 = vector.shape_cast %get3A_1004 : vector<1x16xf32> to vector<16xf32>
      %get3A_1006 = arith.index_cast %scan3A_148 : i32 to index
      %get3A_1007 = arith.constant 976 : index
      %get3A_1008 = tpu.vector_load %arg13[%get3A_1006, %get3A_1007] {strides = array<i32>} : memref<16x1024xf32, #tpu.memory_space<vmem>>, vector<1x16xf32>,
      %get3A_1009 = vector.shape_cast %get3A_1008 : vector<1x16xf32> to vector<16xf32>
      %add3A_1010 = arith.addf %get3A_1005, %get3A_1009 : vector<16xf32>
      %swap3A_1011 = arith.index_cast %scan3A_148 : i32 to index
      %swap3A_1012 = arith.constant 976 : index
      %swap3A_1013 = tpu.vector_load %arg12[%swap3A_1011, %swap3A_1012] {strides = array<i32>} : memref<16x1024xf32, #tpu.memory_space<vmem>>, vector<1x16xf32>,
      %swap3A_1014 = vector.shape_cast %swap3A_1013 : vector<1x16xf32> to vector<16xf32>
      %swap3A_1015 = vector.shape_cast %add3A_1010 : vector<16xf32> to vector<1x16xf32>
      tpu.vector_store %arg12[%swap3A_1011, %swap3A_1012], %swap3A_1015 {strides = array<i32>} : memref<16x1024xf32, #tpu.memory_space<vmem>>, vector<1x16xf32>,
      %get3A_1016 = arith.index_cast %scan3A_148 : i32 to index
      %get3A_1017 = arith.constant 992 : index
      %get3A_1018 = tpu.vector_load %arg12[%get3A_1016, %get3A_1017] {strides = array<i32>} : memref<16x1024xf32, #tpu.memory_space<vmem>>, vector<1x16xf32>,
      %get3A_1019 = vector.shape_cast %get3A_1018 : vector<1x16xf32> to vector<16xf32>
      %get3A_1020 = arith.index_cast %scan3A_148 : i32 to index
      %get3A_1021 = arith.constant 992 : index
      %get3A_1022 = tpu.vector_load %arg13[%get3A_1020, %get3A_1021] {strides = array<i32>} : memref<16x1024xf32, #tpu.memory_space<vmem>>, vector<1x16xf32>,
      %get3A_1023 = vector.shape_cast %get3A_1022 : vector<1x16xf32> to vector<16xf32>
      %add3A_1024 = arith.addf %get3A_1019, %get3A_1023 : vector<16xf32>
      %swap3A_1025 = arith.index_cast %scan3A_148 : i32 to index
      %swap3A_1026 = arith.constant 992 : index
      %swap3A_1027 = tpu.vector_load %arg12[%swap3A_1025, %swap3A_1026] {strides = array<i32>} : memref<16x1024xf32, #tpu.memory_space<vmem>>, vector<1x16xf32>,
      %swap3A_1028 = vector.shape_cast %swap3A_1027 : vector<1x16xf32> to vector<16xf32>
      %swap3A_1029 = vector.shape_cast %add3A_1024 : vector<16xf32> to vector<1x16xf32>
      tpu.vector_store %arg12[%swap3A_1025, %swap3A_1026], %swap3A_1029 {strides = array<i32>} : memref<16x1024xf32, #tpu.memory_space<vmem>>, vector<1x16xf32>,
      %get3A_1030 = arith.index_cast %scan3A_148 : i32 to index
      %get3A_1031 = arith.constant 1008 : index
      %get3A_1032 = tpu.vector_load %arg12[%get3A_1030, %get3A_1031] {strides = array<i32>} : memref<16x1024xf32, #tpu.memory_space<vmem>>, vector<1x16xf32>,
      %get3A_1033 = vector.shape_cast %get3A_1032 : vector<1x16xf32> to vector<16xf32>
      %get3A_1034 = arith.index_cast %scan3A_148 : i32 to index
      %get3A_1035 = arith.constant 1008 : index
      %get3A_1036 = tpu.vector_load %arg13[%get3A_1034, %get3A_1035] {strides = array<i32>} : memref<16x1024xf32, #tpu.memory_space<vmem>>, vector<1x16xf32>,
      %get3A_1037 = vector.shape_cast %get3A_1036 : vector<1x16xf32> to vector<16xf32>
      %add3A_1038 = arith.addf %get3A_1033, %get3A_1037 : vector<16xf32>
      %swap3A_1039 = arith.index_cast %scan3A_148 : i32 to index
      %swap3A_1040 = arith.constant 1008 : index
      %swap3A_1041 = tpu.vector_load %arg12[%swap3A_1039, %swap3A_1040] {strides = array<i32>} : memref<16x1024xf32, #tpu.memory_space<vmem>>, vector<1x16xf32>,
      %swap3A_1042 = vector.shape_cast %swap3A_1041 : vector<1x16xf32> to vector<16xf32>
      %swap3A_1043 = vector.shape_cast %add3A_1038 : vector<16xf32> to vector<1x16xf32>
      tpu.vector_store %arg12[%swap3A_1039, %swap3A_1040], %swap3A_1043 {strides = array<i32>} : memref<16x1024xf32, #tpu.memory_space<vmem>>, vector<1x16xf32>,
      %scan3A_1044 = arith.constant 0 : i32
      scf.yield %scan3A_1044 : i32
    }
    %scan3A_106 = arith.constant 16 : i32
    %add3A_107 = arith.constant 32 : i32
    %add3A_108 = arith.addi %mul3A_2, %add3A_107 : i32
    %dma_start3A_109 = arith.constant 0 : i32
    %dma_start3A_110 = tpu.memref_slice %arg5[%add3A_108, %dma_start3A_109] : memref<2048x1024xf32, #tpu.memory_space<hbm>> -> memref<16x1024xf32, #tpu.memory_space<hbm>>
    %dma_start3A_111 = arith.constant 0 : i32
    %dma_start3A_112 = tpu.memref_slice %arg5[%add3A_108, %dma_start3A_111] : memref<2048x1024xf32, #tpu.memory_space<hbm>> -> memref<16x1024xf32, #tpu.memory_space<hbm>>
    tpu.enqueue_dma source(%arg12 : memref<16x1024xf32, #tpu.memory_space<vmem>>) target(%dma_start3A_112 : memref<16x1024xf32, #tpu.memory_space<hbm>>) target_semaphore(%arg22 : memref<!tpu.dma_semaphore, #tpu.memory_space<semaphore_mem>>)
    %dma_wait3A_113 = arith.constant 48 : i32
    %dma_wait3A_114 = tpu.memref_slice %arg6[%dma_wait3A_113] : memref<64xi32, #tpu.memory_space<vmem>> -> memref<16xi32, #tpu.memory_space<vmem>>
    %dma_wait3A_115 = arith.constant 0 : i32
    %dma_wait3A_116 = arith.constant 0 : i32
    %dma_wait3A_117 = tpu.memref_slice %arg2[%dma_wait3A_115, %dma_wait3A_116] : memref<5888x1024xf32, #tpu.memory_space<hbm>> -> memref<5888x1024xf32, #tpu.memory_space<hbm>>
    tpu.wait_indirect_dma semaphore(%arg14 : memref<!tpu.dma_semaphore, #tpu.memory_space<semaphore_mem>>) src(%dma_wait3A_117 : memref<5888x1024xf32, #tpu.memory_space<hbm>>) dst(%arg8 : memref<16x1024xf32, #tpu.memory_space<vmem>>)
    %dma_wait3A_118 = arith.constant 48 : i32
    %dma_wait3A_119 = tpu.memref_slice %arg7[%dma_wait3A_118] : memref<64xi32, #tpu.memory_space<vmem>> -> memref<16xi32, #tpu.memory_space<vmem>>
    %dma_wait3A_120 = arith.constant 0 : i32
    %dma_wait3A_121 = arith.constant 0 : i32
    %dma_wait3A_122 = tpu.memref_slice %arg2[%dma_wait3A_120, %dma_wait3A_121] : memref<5888x1024xf32, #tpu.memory_space<hbm>> -> memref<5888x1024xf32, #tpu.memory_space<hbm>>
    tpu.wait_indirect_dma semaphore(%arg15 : memref<!tpu.dma_semaphore, #tpu.memory_space<semaphore_mem>>) src(%dma_wait3A_122 : memref<5888x1024xf32, #tpu.memory_space<hbm>>) dst(%arg9 : memref<16x1024xf32, #tpu.memory_space<vmem>>)
    %scan3A_123 = arith.constant 0 : i32
    %scan3A_124 = arith.constant 0 : i32
    %scan3A_125 = arith.constant 16 : i32
    %scan3A_126 = arith.addi %scan3A_124, %scan3A_125 : i32
    %scan3A_127 = arith.constant 1 : i32
    %scan3A_128 = scf.for %scan3A_148 = %scan3A_124 to %scan3A_126 step %scan3A_127 iter_args(%scan3A_149 = %scan3A_123) -> (i32)  : i32 {
      %get3A = arith.index_cast %scan3A_148 : i32 to index
      %get3A_150 = arith.constant 0 : index
      %get3A_151 = tpu.vector_load %arg8[%get3A, %get3A_150] {strides = array<i32>} : memref<16x1024xf32, #tpu.memory_space<vmem>>, vector<1x16xf32>,
      %get3A_152 = vector.shape_cast %get3A_151 : vector<1x16xf32> to vector<16xf32>
      %get3A_153 = arith.index_cast %scan3A_148 : i32 to index
      %get3A_154 = arith.constant 0 : index
      %get3A_155 = tpu.vector_load %arg9[%get3A_153, %get3A_154] {strides = array<i32>} : memref<16x1024xf32, #tpu.memory_space<vmem>>, vector<1x16xf32>,
      %get3A_156 = vector.shape_cast %get3A_155 : vector<1x16xf32> to vector<16xf32>
      %add3A_157 = arith.addf %get3A_152, %get3A_156 : vector<16xf32>
      %swap3A = arith.index_cast %scan3A_148 : i32 to index
      %swap3A_158 = arith.constant 0 : index
      %swap3A_159 = tpu.vector_load %arg8[%swap3A, %swap3A_158] {strides = array<i32>} : memref<16x1024xf32, #tpu.memory_space<vmem>>, vector<1x16xf32>,
      %swap3A_160 = vector.shape_cast %swap3A_159 : vector<1x16xf32> to vector<16xf32>
      %swap3A_161 = vector.shape_cast %add3A_157 : vector<16xf32> to vector<1x16xf32>
      tpu.vector_store %arg8[%swap3A, %swap3A_158], %swap3A_161 {strides = array<i32>} : memref<16x1024xf32, #tpu.memory_space<vmem>>, vector<1x16xf32>,
      %get3A_162 = arith.index_cast %scan3A_148 : i32 to index
      %get3A_163 = arith.constant 16 : index
      %get3A_164 = tpu.vector_load %arg8[%get3A_162, %get3A_163] {strides = array<i32>} : memref<16x1024xf32, #tpu.memory_space<vmem>>, vector<1x16xf32>,
      %get3A_165 = vector.shape_cast %get3A_164 : vector<1x16xf32> to vector<16xf32>
      %get3A_166 = arith.index_cast %scan3A_148 : i32 to index
      %get3A_167 = arith.constant 16 : index
      %get3A_168 = tpu.vector_load %arg9[%get3A_166, %get3A_167] {strides = array<i32>} : memref<16x1024xf32, #tpu.memory_space<vmem>>, vector<1x16xf32>,
      %get3A_169 = vector.shape_cast %get3A_168 : vector<1x16xf32> to vector<16xf32>
      %add3A_170 = arith.addf %get3A_165, %get3A_169 : vector<16xf32>
      %swap3A_171 = arith.index_cast %scan3A_148 : i32 to index
      %swap3A_172 = arith.constant 16 : index
      %swap3A_173 = tpu.vector_load %arg8[%swap3A_171, %swap3A_172] {strides = array<i32>} : memref<16x1024xf32, #tpu.memory_space<vmem>>, vector<1x16xf32>,
      %swap3A_174 = vector.shape_cast %swap3A_173 : vector<1x16xf32> to vector<16xf32>
      %swap3A_175 = vector.shape_cast %add3A_170 : vector<16xf32> to vector<1x16xf32>
      tpu.vector_store %arg8[%swap3A_171, %swap3A_172], %swap3A_175 {strides = array<i32>} : memref<16x1024xf32, #tpu.memory_space<vmem>>, vector<1x16xf32>,
      %get3A_176 = arith.index_cast %scan3A_148 : i32 to index
      %get3A_177 = arith.constant 32 : index
      %get3A_178 = tpu.vector_load %arg8[%get3A_176, %get3A_177] {strides = array<i32>} : memref<16x1024xf32, #tpu.memory_space<vmem>>, vector<1x16xf32>,
      %get3A_179 = vector.shape_cast %get3A_178 : vector<1x16xf32> to vector<16xf32>
      %get3A_180 = arith.index_cast %scan3A_148 : i32 to index
      %get3A_181 = arith.constant 32 : index
      %get3A_182 = tpu.vector_load %arg9[%get3A_180, %get3A_181] {strides = array<i32>} : memref<16x1024xf32, #tpu.memory_space<vmem>>, vector<1x16xf32>,
      %get3A_183 = vector.shape_cast %get3A_182 : vector<1x16xf32> to vector<16xf32>
      %add3A_184 = arith.addf %get3A_179, %get3A_183 : vector<16xf32>
      %swap3A_185 = arith.index_cast %scan3A_148 : i32 to index
      %swap3A_186 = arith.constant 32 : index
      %swap3A_187 = tpu.vector_load %arg8[%swap3A_185, %swap3A_186] {strides = array<i32>} : memref<16x1024xf32, #tpu.memory_space<vmem>>, vector<1x16xf32>,
      %swap3A_188 = vector.shape_cast %swap3A_187 : vector<1x16xf32> to vector<16xf32>
      %swap3A_189 = vector.shape_cast %add3A_184 : vector<16xf32> to vector<1x16xf32>
      tpu.vector_store %arg8[%swap3A_185, %swap3A_186], %swap3A_189 {strides = array<i32>} : memref<16x1024xf32, #tpu.memory_space<vmem>>, vector<1x16xf32>,
      %get3A_190 = arith.index_cast %scan3A_148 : i32 to index
      %get3A_191 = arith.constant 48 : index
      %get3A_192 = tpu.vector_load %arg8[%get3A_190, %get3A_191] {strides = array<i32>} : memref<16x1024xf32, #tpu.memory_space<vmem>>, vector<1x16xf32>,
      %get3A_193 = vector.shape_cast %get3A_192 : vector<1x16xf32> to vector<16xf32>
      %get3A_194 = arith.index_cast %scan3A_148 : i32 to index
      %get3A_195 = arith.constant 48 : index
      %get3A_196 = tpu.vector_load %arg9[%get3A_194, %get3A_195] {strides = array<i32>} : memref<16x1024xf32, #tpu.memory_space<vmem>>, vector<1x16xf32>,
      %get3A_197 = vector.shape_cast %get3A_196 : vector<1x16xf32> to vector<16xf32>
      %add3A_198 = arith.addf %get3A_193, %get3A_197 : vector<16xf32>
      %swap3A_199 = arith.index_cast %scan3A_148 : i32 to index
      %swap3A_200 = arith.constant 48 : index
      %swap3A_201 = tpu.vector_load %arg8[%swap3A_199, %swap3A_200] {strides = array<i32>} : memref<16x1024xf32, #tpu.memory_space<vmem>>, vector<1x16xf32>,
      %swap3A_202 = vector.shape_cast %swap3A_201 : vector<1x16xf32> to vector<16xf32>
      %swap3A_203 = vector.shape_cast %add3A_198 : vector<16xf32> to vector<1x16xf32>
      tpu.vector_store %arg8[%swap3A_199, %swap3A_200], %swap3A_203 {strides = array<i32>} : memref<16x1024xf32, #tpu.memory_space<vmem>>, vector<1x16xf32>,
      %get3A_204 = arith.index_cast %scan3A_148 : i32 to index
      %get3A_205 = arith.constant 64 : index
      %get3A_206 = tpu.vector_load %arg8[%get3A_204, %get3A_205] {strides = array<i32>} : memref<16x1024xf32, #tpu.memory_space<vmem>>, vector<1x16xf32>,
      %get3A_207 = vector.shape_cast %get3A_206 : vector<1x16xf32> to vector<16xf32>
      %get3A_208 = arith.index_cast %scan3A_148 : i32 to index
      %get3A_209 = arith.constant 64 : index
      %get3A_210 = tpu.vector_load %arg9[%get3A_208, %get3A_209] {strides = array<i32>} : memref<16x1024xf32, #tpu.memory_space<vmem>>, vector<1x16xf32>,
      %get3A_211 = vector.shape_cast %get3A_210 : vector<1x16xf32> to vector<16xf32>
      %add3A_212 = arith.addf %get3A_207, %get3A_211 : vector<16xf32>
      %swap3A_213 = arith.index_cast %scan3A_148 : i32 to index
      %swap3A_214 = arith.constant 64 : index
      %swap3A_215 = tpu.vector_load %arg8[%swap3A_213, %swap3A_214] {strides = array<i32>} : memref<16x1024xf32, #tpu.memory_space<vmem>>, vector<1x16xf32>,
      %swap3A_216 = vector.shape_cast %swap3A_215 : vector<1x16xf32> to vector<16xf32>
      %swap3A_217 = vector.shape_cast %add3A_212 : vector<16xf32> to vector<1x16xf32>
      tpu.vector_store %arg8[%swap3A_213, %swap3A_214], %swap3A_217 {strides = array<i32>} : memref<16x1024xf32, #tpu.memory_space<vmem>>, vector<1x16xf32>,
      %get3A_218 = arith.index_cast %scan3A_148 : i32 to index
      %get3A_219 = arith.constant 80 : index
      %get3A_220 = tpu.vector_load %arg8[%get3A_218, %get3A_219] {strides = array<i32>} : memref<16x1024xf32, #tpu.memory_space<vmem>>, vector<1x16xf32>,
      %get3A_221 = vector.shape_cast %get3A_220 : vector<1x16xf32> to vector<16xf32>
      %get3A_222 = arith.index_cast %scan3A_148 : i32 to index
      %get3A_223 = arith.constant 80 : index
      %get3A_224 = tpu.vector_load %arg9[%get3A_222, %get3A_223] {strides = array<i32>} : memref<16x1024xf32, #tpu.memory_space<vmem>>, vector<1x16xf32>,
      %get3A_225 = vector.shape_cast %get3A_224 : vector<1x16xf32> to vector<16xf32>
      %add3A_226 = arith.addf %get3A_221, %get3A_225 : vector<16xf32>
      %swap3A_227 = arith.index_cast %scan3A_148 : i32 to index
      %swap3A_228 = arith.constant 80 : index
      %swap3A_229 = tpu.vector_load %arg8[%swap3A_227, %swap3A_228] {strides = array<i32>} : memref<16x1024xf32, #tpu.memory_space<vmem>>, vector<1x16xf32>,
      %swap3A_230 = vector.shape_cast %swap3A_229 : vector<1x16xf32> to vector<16xf32>
      %swap3A_231 = vector.shape_cast %add3A_226 : vector<16xf32> to vector<1x16xf32>
      tpu.vector_store %arg8[%swap3A_227, %swap3A_228], %swap3A_231 {strides = array<i32>} : memref<16x1024xf32, #tpu.memory_space<vmem>>, vector<1x16xf32>,
      %get3A_232 = arith.index_cast %scan3A_148 : i32 to index
      %get3A_233 = arith.constant 96 : index
      %get3A_234 = tpu.vector_load %arg8[%get3A_232, %get3A_233] {strides = array<i32>} : memref<16x1024xf32, #tpu.memory_space<vmem>>, vector<1x16xf32>,
      %get3A_235 = vector.shape_cast %get3A_234 : vector<1x16xf32> to vector<16xf32>
      %get3A_236 = arith.index_cast %scan3A_148 : i32 to index
      %get3A_237 = arith.constant 96 : index
      %get3A_238 = tpu.vector_load %arg9[%get3A_236, %get3A_237] {strides = array<i32>} : memref<16x1024xf32, #tpu.memory_space<vmem>>, vector<1x16xf32>,
      %get3A_239 = vector.shape_cast %get3A_238 : vector<1x16xf32> to vector<16xf32>
      %add3A_240 = arith.addf %get3A_235, %get3A_239 : vector<16xf32>
      %swap3A_241 = arith.index_cast %scan3A_148 : i32 to index
      %swap3A_242 = arith.constant 96 : index
      %swap3A_243 = tpu.vector_load %arg8[%swap3A_241, %swap3A_242] {strides = array<i32>} : memref<16x1024xf32, #tpu.memory_space<vmem>>, vector<1x16xf32>,
      %swap3A_244 = vector.shape_cast %swap3A_243 : vector<1x16xf32> to vector<16xf32>
      %swap3A_245 = vector.shape_cast %add3A_240 : vector<16xf32> to vector<1x16xf32>
      tpu.vector_store %arg8[%swap3A_241, %swap3A_242], %swap3A_245 {strides = array<i32>} : memref<16x1024xf32, #tpu.memory_space<vmem>>, vector<1x16xf32>,
      %get3A_246 = arith.index_cast %scan3A_148 : i32 to index
      %get3A_247 = arith.constant 112 : index
      %get3A_248 = tpu.vector_load %arg8[%get3A_246, %get3A_247] {strides = array<i32>} : memref<16x1024xf32, #tpu.memory_space<vmem>>, vector<1x16xf32>,
      %get3A_249 = vector.shape_cast %get3A_248 : vector<1x16xf32> to vector<16xf32>
      %get3A_250 = arith.index_cast %scan3A_148 : i32 to index
      %get3A_251 = arith.constant 112 : index
      %get3A_252 = tpu.vector_load %arg9[%get3A_250, %get3A_251] {strides = array<i32>} : memref<16x1024xf32, #tpu.memory_space<vmem>>, vector<1x16xf32>,
      %get3A_253 = vector.shape_cast %get3A_252 : vector<1x16xf32> to vector<16xf32>
      %add3A_254 = arith.addf %get3A_249, %get3A_253 : vector<16xf32>
      %swap3A_255 = arith.index_cast %scan3A_148 : i32 to index
      %swap3A_256 = arith.constant 112 : index
      %swap3A_257 = tpu.vector_load %arg8[%swap3A_255, %swap3A_256] {strides = array<i32>} : memref<16x1024xf32, #tpu.memory_space<vmem>>, vector<1x16xf32>,
      %swap3A_258 = vector.shape_cast %swap3A_257 : vector<1x16xf32> to vector<16xf32>
      %swap3A_259 = vector.shape_cast %add3A_254 : vector<16xf32> to vector<1x16xf32>
      tpu.vector_store %arg8[%swap3A_255, %swap3A_256], %swap3A_259 {strides = array<i32>} : memref<16x1024xf32, #tpu.memory_space<vmem>>, vector<1x16xf32>,
      %get3A_260 = arith.index_cast %scan3A_148 : i32 to index
      %get3A_261 = arith.constant 128 : index
      %get3A_262 = tpu.vector_load %arg8[%get3A_260, %get3A_261] {strides = array<i32>} : memref<16x1024xf32, #tpu.memory_space<vmem>>, vector<1x16xf32>,
      %get3A_263 = vector.shape_cast %get3A_262 : vector<1x16xf32> to vector<16xf32>
      %get3A_264 = arith.index_cast %scan3A_148 : i32 to index
      %get3A_265 = arith.constant 128 : index
      %get3A_266 = tpu.vector_load %arg9[%get3A_264, %get3A_265] {strides = array<i32>} : memref<16x1024xf32, #tpu.memory_space<vmem>>, vector<1x16xf32>,
      %get3A_267 = vector.shape_cast %get3A_266 : vector<1x16xf32> to vector<16xf32>
      %add3A_268 = arith.addf %get3A_263, %get3A_267 : vector<16xf32>
      %swap3A_269 = arith.index_cast %scan3A_148 : i32 to index
      %swap3A_270 = arith.constant 128 : index
      %swap3A_271 = tpu.vector_load %arg8[%swap3A_269, %swap3A_270] {strides = array<i32>} : memref<16x1024xf32, #tpu.memory_space<vmem>>, vector<1x16xf32>,
      %swap3A_272 = vector.shape_cast %swap3A_271 : vector<1x16xf32> to vector<16xf32>
      %swap3A_273 = vector.shape_cast %add3A_268 : vector<16xf32> to vector<1x16xf32>
      tpu.vector_store %arg8[%swap3A_269, %swap3A_270], %swap3A_273 {strides = array<i32>} : memref<16x1024xf32, #tpu.memory_space<vmem>>, vector<1x16xf32>,
      %get3A_274 = arith.index_cast %scan3A_148 : i32 to index
      %get3A_275 = arith.constant 144 : index
      %get3A_276 = tpu.vector_load %arg8[%get3A_274, %get3A_275] {strides = array<i32>} : memref<16x1024xf32, #tpu.memory_space<vmem>>, vector<1x16xf32>,
      %get3A_277 = vector.shape_cast %get3A_276 : vector<1x16xf32> to vector<16xf32>
      %get3A_278 = arith.index_cast %scan3A_148 : i32 to index
      %get3A_279 = arith.constant 144 : index
      %get3A_280 = tpu.vector_load %arg9[%get3A_278, %get3A_279] {strides = array<i32>} : memref<16x1024xf32, #tpu.memory_space<vmem>>, vector<1x16xf32>,
      %get3A_281 = vector.shape_cast %get3A_280 : vector<1x16xf32> to vector<16xf32>
      %add3A_282 = arith.addf %get3A_277, %get3A_281 : vector<16xf32>
      %swap3A_283 = arith.index_cast %scan3A_148 : i32 to index
      %swap3A_284 = arith.constant 144 : index
      %swap3A_285 = tpu.vector_load %arg8[%swap3A_283, %swap3A_284] {strides = array<i32>} : memref<16x1024xf32, #tpu.memory_space<vmem>>, vector<1x16xf32>,
      %swap3A_286 = vector.shape_cast %swap3A_285 : vector<1x16xf32> to vector<16xf32>
      %swap3A_287 = vector.shape_cast %add3A_282 : vector<16xf32> to vector<1x16xf32>
      tpu.vector_store %arg8[%swap3A_283, %swap3A_284], %swap3A_287 {strides = array<i32>} : memref<16x1024xf32, #tpu.memory_space<vmem>>, vector<1x16xf32>,
      %get3A_288 = arith.index_cast %scan3A_148 : i32 to index
      %get3A_289 = arith.constant 160 : index
      %get3A_290 = tpu.vector_load %arg8[%get3A_288, %get3A_289] {strides = array<i32>} : memref<16x1024xf32, #tpu.memory_space<vmem>>, vector<1x16xf32>,
      %get3A_291 = vector.shape_cast %get3A_290 : vector<1x16xf32> to vector<16xf32>
      %get3A_292 = arith.index_cast %scan3A_148 : i32 to index
      %get3A_293 = arith.constant 160 : index
      %get3A_294 = tpu.vector_load %arg9[%get3A_292, %get3A_293] {strides = array<i32>} : memref<16x1024xf32, #tpu.memory_space<vmem>>, vector<1x16xf32>,
      %get3A_295 = vector.shape_cast %get3A_294 : vector<1x16xf32> to vector<16xf32>
      %add3A_296 = arith.addf %get3A_291, %get3A_295 : vector<16xf32>
      %swap3A_297 = arith.index_cast %scan3A_148 : i32 to index
      %swap3A_298 = arith.constant 160 : index
      %swap3A_299 = tpu.vector_load %arg8[%swap3A_297, %swap3A_298] {strides = array<i32>} : memref<16x1024xf32, #tpu.memory_space<vmem>>, vector<1x16xf32>,
      %swap3A_300 = vector.shape_cast %swap3A_299 : vector<1x16xf32> to vector<16xf32>
      %swap3A_301 = vector.shape_cast %add3A_296 : vector<16xf32> to vector<1x16xf32>
      tpu.vector_store %arg8[%swap3A_297, %swap3A_298], %swap3A_301 {strides = array<i32>} : memref<16x1024xf32, #tpu.memory_space<vmem>>, vector<1x16xf32>,
      %get3A_302 = arith.index_cast %scan3A_148 : i32 to index
      %get3A_303 = arith.constant 176 : index
      %get3A_304 = tpu.vector_load %arg8[%get3A_302, %get3A_303] {strides = array<i32>} : memref<16x1024xf32, #tpu.memory_space<vmem>>, vector<1x16xf32>,
      %get3A_305 = vector.shape_cast %get3A_304 : vector<1x16xf32> to vector<16xf32>
      %get3A_306 = arith.index_cast %scan3A_148 : i32 to index
      %get3A_307 = arith.constant 176 : index
      %get3A_308 = tpu.vector_load %arg9[%get3A_306, %get3A_307] {strides = array<i32>} : memref<16x1024xf32, #tpu.memory_space<vmem>>, vector<1x16xf32>,
      %get3A_309 = vector.shape_cast %get3A_308 : vector<1x16xf32> to vector<16xf32>
      %add3A_310 = arith.addf %get3A_305, %get3A_309 : vector<16xf32>
      %swap3A_311 = arith.index_cast %scan3A_148 : i32 to index
      %swap3A_312 = arith.constant 176 : index
      %swap3A_313 = tpu.vector_load %arg8[%swap3A_311, %swap3A_312] {strides = array<i32>} : memref<16x1024xf32, #tpu.memory_space<vmem>>, vector<1x16xf32>,
      %swap3A_314 = vector.shape_cast %swap3A_313 : vector<1x16xf32> to vector<16xf32>
      %swap3A_315 = vector.shape_cast %add3A_310 : vector<16xf32> to vector<1x16xf32>
      tpu.vector_store %arg8[%swap3A_311, %swap3A_312], %swap3A_315 {strides = array<i32>} : memref<16x1024xf32, #tpu.memory_space<vmem>>, vector<1x16xf32>,
      %get3A_316 = arith.index_cast %scan3A_148 : i32 to index
      %get3A_317 = arith.constant 192 : index
      %get3A_318 = tpu.vector_load %arg8[%get3A_316, %get3A_317] {strides = array<i32>} : memref<16x1024xf32, #tpu.memory_space<vmem>>, vector<1x16xf32>,
      %get3A_319 = vector.shape_cast %get3A_318 : vector<1x16xf32> to vector<16xf32>
      %get3A_320 = arith.index_cast %scan3A_148 : i32 to index
      %get3A_321 = arith.constant 192 : index
      %get3A_322 = tpu.vector_load %arg9[%get3A_320, %get3A_321] {strides = array<i32>} : memref<16x1024xf32, #tpu.memory_space<vmem>>, vector<1x16xf32>,
      %get3A_323 = vector.shape_cast %get3A_322 : vector<1x16xf32> to vector<16xf32>
      %add3A_324 = arith.addf %get3A_319, %get3A_323 : vector<16xf32>
      %swap3A_325 = arith.index_cast %scan3A_148 : i32 to index
      %swap3A_326 = arith.constant 192 : index
      %swap3A_327 = tpu.vector_load %arg8[%swap3A_325, %swap3A_326] {strides = array<i32>} : memref<16x1024xf32, #tpu.memory_space<vmem>>, vector<1x16xf32>,
      %swap3A_328 = vector.shape_cast %swap3A_327 : vector<1x16xf32> to vector<16xf32>
      %swap3A_329 = vector.shape_cast %add3A_324 : vector<16xf32> to vector<1x16xf32>
      tpu.vector_store %arg8[%swap3A_325, %swap3A_326], %swap3A_329 {strides = array<i32>} : memref<16x1024xf32, #tpu.memory_space<vmem>>, vector<1x16xf32>,
      %get3A_330 = arith.index_cast %scan3A_148 : i32 to index
      %get3A_331 = arith.constant 208 : index
      %get3A_332 = tpu.vector_load %arg8[%get3A_330, %get3A_331] {strides = array<i32>} : memref<16x1024xf32, #tpu.memory_space<vmem>>, vector<1x16xf32>,
      %get3A_333 = vector.shape_cast %get3A_332 : vector<1x16xf32> to vector<16xf32>
      %get3A_334 = arith.index_cast %scan3A_148 : i32 to index
      %get3A_335 = arith.constant 208 : index
      %get3A_336 = tpu.vector_load %arg9[%get3A_334, %get3A_335] {strides = array<i32>} : memref<16x1024xf32, #tpu.memory_space<vmem>>, vector<1x16xf32>,
      %get3A_337 = vector.shape_cast %get3A_336 : vector<1x16xf32> to vector<16xf32>
      %add3A_338 = arith.addf %get3A_333, %get3A_337 : vector<16xf32>
      %swap3A_339 = arith.index_cast %scan3A_148 : i32 to index
      %swap3A_340 = arith.constant 208 : index
      %swap3A_341 = tpu.vector_load %arg8[%swap3A_339, %swap3A_340] {strides = array<i32>} : memref<16x1024xf32, #tpu.memory_space<vmem>>, vector<1x16xf32>,
      %swap3A_342 = vector.shape_cast %swap3A_341 : vector<1x16xf32> to vector<16xf32>
      %swap3A_343 = vector.shape_cast %add3A_338 : vector<16xf32> to vector<1x16xf32>
      tpu.vector_store %arg8[%swap3A_339, %swap3A_340], %swap3A_343 {strides = array<i32>} : memref<16x1024xf32, #tpu.memory_space<vmem>>, vector<1x16xf32>,
      %get3A_344 = arith.index_cast %scan3A_148 : i32 to index
      %get3A_345 = arith.constant 224 : index
      %get3A_346 = tpu.vector_load %arg8[%get3A_344, %get3A_345] {strides = array<i32>} : memref<16x1024xf32, #tpu.memory_space<vmem>>, vector<1x16xf32>,
      %get3A_347 = vector.shape_cast %get3A_346 : vector<1x16xf32> to vector<16xf32>
      %get3A_348 = arith.index_cast %scan3A_148 : i32 to index
      %get3A_349 = arith.constant 224 : index
      %get3A_350 = tpu.vector_load %arg9[%get3A_348, %get3A_349] {strides = array<i32>} : memref<16x1024xf32, #tpu.memory_space<vmem>>, vector<1x16xf32>,
      %get3A_351 = vector.shape_cast %get3A_350 : vector<1x16xf32> to vector<16xf32>
      %add3A_352 = arith.addf %get3A_347, %get3A_351 : vector<16xf32>
      %swap3A_353 = arith.index_cast %scan3A_148 : i32 to index
      %swap3A_354 = arith.constant 224 : index
      %swap3A_355 = tpu.vector_load %arg8[%swap3A_353, %swap3A_354] {strides = array<i32>} : memref<16x1024xf32, #tpu.memory_space<vmem>>, vector<1x16xf32>,
      %swap3A_356 = vector.shape_cast %swap3A_355 : vector<1x16xf32> to vector<16xf32>
      %swap3A_357 = vector.shape_cast %add3A_352 : vector<16xf32> to vector<1x16xf32>
      tpu.vector_store %arg8[%swap3A_353, %swap3A_354], %swap3A_357 {strides = array<i32>} : memref<16x1024xf32, #tpu.memory_space<vmem>>, vector<1x16xf32>,
      %get3A_358 = arith.index_cast %scan3A_148 : i32 to index
      %get3A_359 = arith.constant 240 : index
      %get3A_360 = tpu.vector_load %arg8[%get3A_358, %get3A_359] {strides = array<i32>} : memref<16x1024xf32, #tpu.memory_space<vmem>>, vector<1x16xf32>,
      %get3A_361 = vector.shape_cast %get3A_360 : vector<1x16xf32> to vector<16xf32>
      %get3A_362 = arith.index_cast %scan3A_148 : i32 to index
      %get3A_363 = arith.constant 240 : index
      %get3A_364 = tpu.vector_load %arg9[%get3A_362, %get3A_363] {strides = array<i32>} : memref<16x1024xf32, #tpu.memory_space<vmem>>, vector<1x16xf32>,
      %get3A_365 = vector.shape_cast %get3A_364 : vector<1x16xf32> to vector<16xf32>
      %add3A_366 = arith.addf %get3A_361, %get3A_365 : vector<16xf32>
      %swap3A_367 = arith.index_cast %scan3A_148 : i32 to index
      %swap3A_368 = arith.constant 240 : index
      %swap3A_369 = tpu.vector_load %arg8[%swap3A_367, %swap3A_368] {strides = array<i32>} : memref<16x1024xf32, #tpu.memory_space<vmem>>, vector<1x16xf32>,
      %swap3A_370 = vector.shape_cast %swap3A_369 : vector<1x16xf32> to vector<16xf32>
      %swap3A_371 = vector.shape_cast %add3A_366 : vector<16xf32> to vector<1x16xf32>
      tpu.vector_store %arg8[%swap3A_367, %swap3A_368], %swap3A_371 {strides = array<i32>} : memref<16x1024xf32, #tpu.memory_space<vmem>>, vector<1x16xf32>,
      %get3A_372 = arith.index_cast %scan3A_148 : i32 to index
      %get3A_373 = arith.constant 256 : index
      %get3A_374 = tpu.vector_load %arg8[%get3A_372, %get3A_373] {strides = array<i32>} : memref<16x1024xf32, #tpu.memory_space<vmem>>, vector<1x16xf32>,
      %get3A_375 = vector.shape_cast %get3A_374 : vector<1x16xf32> to vector<16xf32>
      %get3A_376 = arith.index_cast %scan3A_148 : i32 to index
      %get3A_377 = arith.constant 256 : index
      %get3A_378 = tpu.vector_load %arg9[%get3A_376, %get3A_377] {strides = array<i32>} : memref<16x1024xf32, #tpu.memory_space<vmem>>, vector<1x16xf32>,
      %get3A_379 = vector.shape_cast %get3A_378 : vector<1x16xf32> to vector<16xf32>
      %add3A_380 = arith.addf %get3A_375, %get3A_379 : vector<16xf32>
      %swap3A_381 = arith.index_cast %scan3A_148 : i32 to index
      %swap3A_382 = arith.constant 256 : index
      %swap3A_383 = tpu.vector_load %arg8[%swap3A_381, %swap3A_382] {strides = array<i32>} : memref<16x1024xf32, #tpu.memory_space<vmem>>, vector<1x16xf32>,
      %swap3A_384 = vector.shape_cast %swap3A_383 : vector<1x16xf32> to vector<16xf32>
      %swap3A_385 = vector.shape_cast %add3A_380 : vector<16xf32> to vector<1x16xf32>
      tpu.vector_store %arg8[%swap3A_381, %swap3A_382], %swap3A_385 {strides = array<i32>} : memref<16x1024xf32, #tpu.memory_space<vmem>>, vector<1x16xf32>,
      %get3A_386 = arith.index_cast %scan3A_148 : i32 to index
      %get3A_387 = arith.constant 272 : index
      %get3A_388 = tpu.vector_load %arg8[%get3A_386, %get3A_387] {strides = array<i32>} : memref<16x1024xf32, #tpu.memory_space<vmem>>, vector<1x16xf32>,
      %get3A_389 = vector.shape_cast %get3A_388 : vector<1x16xf32> to vector<16xf32>
      %get3A_390 = arith.index_cast %scan3A_148 : i32 to index
      %get3A_391 = arith.constant 272 : index
      %get3A_392 = tpu.vector_load %arg9[%get3A_390, %get3A_391] {strides = array<i32>} : memref<16x1024xf32, #tpu.memory_space<vmem>>, vector<1x16xf32>,
      %get3A_393 = vector.shape_cast %get3A_392 : vector<1x16xf32> to vector<16xf32>
      %add3A_394 = arith.addf %get3A_389, %get3A_393 : vector<16xf32>
      %swap3A_395 = arith.index_cast %scan3A_148 : i32 to index
      %swap3A_396 = arith.constant 272 : index
      %swap3A_397 = tpu.vector_load %arg8[%swap3A_395, %swap3A_396] {strides = array<i32>} : memref<16x1024xf32, #tpu.memory_space<vmem>>, vector<1x16xf32>,
      %swap3A_398 = vector.shape_cast %swap3A_397 : vector<1x16xf32> to vector<16xf32>
      %swap3A_399 = vector.shape_cast %add3A_394 : vector<16xf32> to vector<1x16xf32>
      tpu.vector_store %arg8[%swap3A_395, %swap3A_396], %swap3A_399 {strides = array<i32>} : memref<16x1024xf32, #tpu.memory_space<vmem>>, vector<1x16xf32>,
      %get3A_400 = arith.index_cast %scan3A_148 : i32 to index
      %get3A_401 = arith.constant 288 : index
      %get3A_402 = tpu.vector_load %arg8[%get3A_400, %get3A_401] {strides = array<i32>} : memref<16x1024xf32, #tpu.memory_space<vmem>>, vector<1x16xf32>,
      %get3A_403 = vector.shape_cast %get3A_402 : vector<1x16xf32> to vector<16xf32>
      %get3A_404 = arith.index_cast %scan3A_148 : i32 to index
      %get3A_405 = arith.constant 288 : index
      %get3A_406 = tpu.vector_load %arg9[%get3A_404, %get3A_405] {strides = array<i32>} : memref<16x1024xf32, #tpu.memory_space<vmem>>, vector<1x16xf32>,
      %get3A_407 = vector.shape_cast %get3A_406 : vector<1x16xf32> to vector<16xf32>
      %add3A_408 = arith.addf %get3A_403, %get3A_407 : vector<16xf32>
      %swap3A_409 = arith.index_cast %scan3A_148 : i32 to index
      %swap3A_410 = arith.constant 288 : index
      %swap3A_411 = tpu.vector_load %arg8[%swap3A_409, %swap3A_410] {strides = array<i32>} : memref<16x1024xf32, #tpu.memory_space<vmem>>, vector<1x16xf32>,
      %swap3A_412 = vector.shape_cast %swap3A_411 : vector<1x16xf32> to vector<16xf32>
      %swap3A_413 = vector.shape_cast %add3A_408 : vector<16xf32> to vector<1x16xf32>
      tpu.vector_store %arg8[%swap3A_409, %swap3A_410], %swap3A_413 {strides = array<i32>} : memref<16x1024xf32, #tpu.memory_space<vmem>>, vector<1x16xf32>,
      %get3A_414 = arith.index_cast %scan3A_148 : i32 to index
      %get3A_415 = arith.constant 304 : index
      %get3A_416 = tpu.vector_load %arg8[%get3A_414, %get3A_415] {strides = array<i32>} : memref<16x1024xf32, #tpu.memory_space<vmem>>, vector<1x16xf32>,
      %get3A_417 = vector.shape_cast %get3A_416 : vector<1x16xf32> to vector<16xf32>
      %get3A_418 = arith.index_cast %scan3A_148 : i32 to index
      %get3A_419 = arith.constant 304 : index
      %get3A_420 = tpu.vector_load %arg9[%get3A_418, %get3A_419] {strides = array<i32>} : memref<16x1024xf32, #tpu.memory_space<vmem>>, vector<1x16xf32>,
      %get3A_421 = vector.shape_cast %get3A_420 : vector<1x16xf32> to vector<16xf32>
      %add3A_422 = arith.addf %get3A_417, %get3A_421 : vector<16xf32>
      %swap3A_423 = arith.index_cast %scan3A_148 : i32 to index
      %swap3A_424 = arith.constant 304 : index
      %swap3A_425 = tpu.vector_load %arg8[%swap3A_423, %swap3A_424] {strides = array<i32>} : memref<16x1024xf32, #tpu.memory_space<vmem>>, vector<1x16xf32>,
      %swap3A_426 = vector.shape_cast %swap3A_425 : vector<1x16xf32> to vector<16xf32>
      %swap3A_427 = vector.shape_cast %add3A_422 : vector<16xf32> to vector<1x16xf32>
      tpu.vector_store %arg8[%swap3A_423, %swap3A_424], %swap3A_427 {strides = array<i32>} : memref<16x1024xf32, #tpu.memory_space<vmem>>, vector<1x16xf32>,
      %get3A_428 = arith.index_cast %scan3A_148 : i32 to index
      %get3A_429 = arith.constant 320 : index
      %get3A_430 = tpu.vector_load %arg8[%get3A_428, %get3A_429] {strides = array<i32>} : memref<16x1024xf32, #tpu.memory_space<vmem>>, vector<1x16xf32>,
      %get3A_431 = vector.shape_cast %get3A_430 : vector<1x16xf32> to vector<16xf32>
      %get3A_432 = arith.index_cast %scan3A_148 : i32 to index
      %get3A_433 = arith.constant 320 : index
      %get3A_434 = tpu.vector_load %arg9[%get3A_432, %get3A_433] {strides = array<i32>} : memref<16x1024xf32, #tpu.memory_space<vmem>>, vector<1x16xf32>,
      %get3A_435 = vector.shape_cast %get3A_434 : vector<1x16xf32> to vector<16xf32>
      %add3A_436 = arith.addf %get3A_431, %get3A_435 : vector<16xf32>
      %swap3A_437 = arith.index_cast %scan3A_148 : i32 to index
      %swap3A_438 = arith.constant 320 : index
      %swap3A_439 = tpu.vector_load %arg8[%swap3A_437, %swap3A_438] {strides = array<i32>} : memref<16x1024xf32, #tpu.memory_space<vmem>>, vector<1x16xf32>,
      %swap3A_440 = vector.shape_cast %swap3A_439 : vector<1x16xf32> to vector<16xf32>
      %swap3A_441 = vector.shape_cast %add3A_436 : vector<16xf32> to vector<1x16xf32>
      tpu.vector_store %arg8[%swap3A_437, %swap3A_438], %swap3A_441 {strides = array<i32>} : memref<16x1024xf32, #tpu.memory_space<vmem>>, vector<1x16xf32>,
      %get3A_442 = arith.index_cast %scan3A_148 : i32 to index
      %get3A_443 = arith.constant 336 : index
      %get3A_444 = tpu.vector_load %arg8[%get3A_442, %get3A_443] {strides = array<i32>} : memref<16x1024xf32, #tpu.memory_space<vmem>>, vector<1x16xf32>,
      %get3A_445 = vector.shape_cast %get3A_444 : vector<1x16xf32> to vector<16xf32>
      %get3A_446 = arith.index_cast %scan3A_148 : i32 to index
      %get3A_447 = arith.constant 336 : index
      %get3A_448 = tpu.vector_load %arg9[%get3A_446, %get3A_447] {strides = array<i32>} : memref<16x1024xf32, #tpu.memory_space<vmem>>, vector<1x16xf32>,
      %get3A_449 = vector.shape_cast %get3A_448 : vector<1x16xf32> to vector<16xf32>
      %add3A_450 = arith.addf %get3A_445, %get3A_449 : vector<16xf32>
      %swap3A_451 = arith.index_cast %scan3A_148 : i32 to index
      %swap3A_452 = arith.constant 336 : index
      %swap3A_453 = tpu.vector_load %arg8[%swap3A_451, %swap3A_452] {strides = array<i32>} : memref<16x1024xf32, #tpu.memory_space<vmem>>, vector<1x16xf32>,
      %swap3A_454 = vector.shape_cast %swap3A_453 : vector<1x16xf32> to vector<16xf32>
      %swap3A_455 = vector.shape_cast %add3A_450 : vector<16xf32> to vector<1x16xf32>
      tpu.vector_store %arg8[%swap3A_451, %swap3A_452], %swap3A_455 {strides = array<i32>} : memref<16x1024xf32, #tpu.memory_space<vmem>>, vector<1x16xf32>,
      %get3A_456 = arith.index_cast %scan3A_148 : i32 to index
      %get3A_457 = arith.constant 352 : index
      %get3A_458 = tpu.vector_load %arg8[%get3A_456, %get3A_457] {strides = array<i32>} : memref<16x1024xf32, #tpu.memory_space<vmem>>, vector<1x16xf32>,
      %get3A_459 = vector.shape_cast %get3A_458 : vector<1x16xf32> to vector<16xf32>
      %get3A_460 = arith.index_cast %scan3A_148 : i32 to index
      %get3A_461 = arith.constant 352 : index
      %get3A_462 = tpu.vector_load %arg9[%get3A_460, %get3A_461] {strides = array<i32>} : memref<16x1024xf32, #tpu.memory_space<vmem>>, vector<1x16xf32>,
      %get3A_463 = vector.shape_cast %get3A_462 : vector<1x16xf32> to vector<16xf32>
      %add3A_464 = arith.addf %get3A_459, %get3A_463 : vector<16xf32>
      %swap3A_465 = arith.index_cast %scan3A_148 : i32 to index
      %swap3A_466 = arith.constant 352 : index
      %swap3A_467 = tpu.vector_load %arg8[%swap3A_465, %swap3A_466] {strides = array<i32>} : memref<16x1024xf32, #tpu.memory_space<vmem>>, vector<1x16xf32>,
      %swap3A_468 = vector.shape_cast %swap3A_467 : vector<1x16xf32> to vector<16xf32>
      %swap3A_469 = vector.shape_cast %add3A_464 : vector<16xf32> to vector<1x16xf32>
      tpu.vector_store %arg8[%swap3A_465, %swap3A_466], %swap3A_469 {strides = array<i32>} : memref<16x1024xf32, #tpu.memory_space<vmem>>, vector<1x16xf32>,
      %get3A_470 = arith.index_cast %scan3A_148 : i32 to index
      %get3A_471 = arith.constant 368 : index
      %get3A_472 = tpu.vector_load %arg8[%get3A_470, %get3A_471] {strides = array<i32>} : memref<16x1024xf32, #tpu.memory_space<vmem>>, vector<1x16xf32>,
      %get3A_473 = vector.shape_cast %get3A_472 : vector<1x16xf32> to vector<16xf32>
      %get3A_474 = arith.index_cast %scan3A_148 : i32 to index
      %get3A_475 = arith.constant 368 : index
      %get3A_476 = tpu.vector_load %arg9[%get3A_474, %get3A_475] {strides = array<i32>} : memref<16x1024xf32, #tpu.memory_space<vmem>>, vector<1x16xf32>,
      %get3A_477 = vector.shape_cast %get3A_476 : vector<1x16xf32> to vector<16xf32>
      %add3A_478 = arith.addf %get3A_473, %get3A_477 : vector<16xf32>
      %swap3A_479 = arith.index_cast %scan3A_148 : i32 to index
      %swap3A_480 = arith.constant 368 : index
      %swap3A_481 = tpu.vector_load %arg8[%swap3A_479, %swap3A_480] {strides = array<i32>} : memref<16x1024xf32, #tpu.memory_space<vmem>>, vector<1x16xf32>,
      %swap3A_482 = vector.shape_cast %swap3A_481 : vector<1x16xf32> to vector<16xf32>
      %swap3A_483 = vector.shape_cast %add3A_478 : vector<16xf32> to vector<1x16xf32>
      tpu.vector_store %arg8[%swap3A_479, %swap3A_480], %swap3A_483 {strides = array<i32>} : memref<16x1024xf32, #tpu.memory_space<vmem>>, vector<1x16xf32>,
      %get3A_484 = arith.index_cast %scan3A_148 : i32 to index
      %get3A_485 = arith.constant 384 : index
      %get3A_486 = tpu.vector_load %arg8[%get3A_484, %get3A_485] {strides = array<i32>} : memref<16x1024xf32, #tpu.memory_space<vmem>>, vector<1x16xf32>,
      %get3A_487 = vector.shape_cast %get3A_486 : vector<1x16xf32> to vector<16xf32>
      %get3A_488 = arith.index_cast %scan3A_148 : i32 to index
      %get3A_489 = arith.constant 384 : index
      %get3A_490 = tpu.vector_load %arg9[%get3A_488, %get3A_489] {strides = array<i32>} : memref<16x1024xf32, #tpu.memory_space<vmem>>, vector<1x16xf32>,
      %get3A_491 = vector.shape_cast %get3A_490 : vector<1x16xf32> to vector<16xf32>
      %add3A_492 = arith.addf %get3A_487, %get3A_491 : vector<16xf32>
      %swap3A_493 = arith.index_cast %scan3A_148 : i32 to index
      %swap3A_494 = arith.constant 384 : index
      %swap3A_495 = tpu.vector_load %arg8[%swap3A_493, %swap3A_494] {strides = array<i32>} : memref<16x1024xf32, #tpu.memory_space<vmem>>, vector<1x16xf32>,
      %swap3A_496 = vector.shape_cast %swap3A_495 : vector<1x16xf32> to vector<16xf32>
      %swap3A_497 = vector.shape_cast %add3A_492 : vector<16xf32> to vector<1x16xf32>
      tpu.vector_store %arg8[%swap3A_493, %swap3A_494], %swap3A_497 {strides = array<i32>} : memref<16x1024xf32, #tpu.memory_space<vmem>>, vector<1x16xf32>,
      %get3A_498 = arith.index_cast %scan3A_148 : i32 to index
      %get3A_499 = arith.constant 400 : index
      %get3A_500 = tpu.vector_load %arg8[%get3A_498, %get3A_499] {strides = array<i32>} : memref<16x1024xf32, #tpu.memory_space<vmem>>, vector<1x16xf32>,
      %get3A_501 = vector.shape_cast %get3A_500 : vector<1x16xf32> to vector<16xf32>
      %get3A_502 = arith.index_cast %scan3A_148 : i32 to index
      %get3A_503 = arith.constant 400 : index
      %get3A_504 = tpu.vector_load %arg9[%get3A_502, %get3A_503] {strides = array<i32>} : memref<16x1024xf32, #tpu.memory_space<vmem>>, vector<1x16xf32>,
      %get3A_505 = vector.shape_cast %get3A_504 : vector<1x16xf32> to vector<16xf32>
      %add3A_506 = arith.addf %get3A_501, %get3A_505 : vector<16xf32>
      %swap3A_507 = arith.index_cast %scan3A_148 : i32 to index
      %swap3A_508 = arith.constant 400 : index
      %swap3A_509 = tpu.vector_load %arg8[%swap3A_507, %swap3A_508] {strides = array<i32>} : memref<16x1024xf32, #tpu.memory_space<vmem>>, vector<1x16xf32>,
      %swap3A_510 = vector.shape_cast %swap3A_509 : vector<1x16xf32> to vector<16xf32>
      %swap3A_511 = vector.shape_cast %add3A_506 : vector<16xf32> to vector<1x16xf32>
      tpu.vector_store %arg8[%swap3A_507, %swap3A_508], %swap3A_511 {strides = array<i32>} : memref<16x1024xf32, #tpu.memory_space<vmem>>, vector<1x16xf32>,
      %get3A_512 = arith.index_cast %scan3A_148 : i32 to index
      %get3A_513 = arith.constant 416 : index
      %get3A_514 = tpu.vector_load %arg8[%get3A_512, %get3A_513] {strides = array<i32>} : memref<16x1024xf32, #tpu.memory_space<vmem>>, vector<1x16xf32>,
      %get3A_515 = vector.shape_cast %get3A_514 : vector<1x16xf32> to vector<16xf32>
      %get3A_516 = arith.index_cast %scan3A_148 : i32 to index
      %get3A_517 = arith.constant 416 : index
      %get3A_518 = tpu.vector_load %arg9[%get3A_516, %get3A_517] {strides = array<i32>} : memref<16x1024xf32, #tpu.memory_space<vmem>>, vector<1x16xf32>,
      %get3A_519 = vector.shape_cast %get3A_518 : vector<1x16xf32> to vector<16xf32>
      %add3A_520 = arith.addf %get3A_515, %get3A_519 : vector<16xf32>
      %swap3A_521 = arith.index_cast %scan3A_148 : i32 to index
      %swap3A_522 = arith.constant 416 : index
      %swap3A_523 = tpu.vector_load %arg8[%swap3A_521, %swap3A_522] {strides = array<i32>} : memref<16x1024xf32, #tpu.memory_space<vmem>>, vector<1x16xf32>,
      %swap3A_524 = vector.shape_cast %swap3A_523 : vector<1x16xf32> to vector<16xf32>
      %swap3A_525 = vector.shape_cast %add3A_520 : vector<16xf32> to vector<1x16xf32>
      tpu.vector_store %arg8[%swap3A_521, %swap3A_522], %swap3A_525 {strides = array<i32>} : memref<16x1024xf32, #tpu.memory_space<vmem>>, vector<1x16xf32>,
      %get3A_526 = arith.index_cast %scan3A_148 : i32 to index
      %get3A_527 = arith.constant 432 : index
      %get3A_528 = tpu.vector_load %arg8[%get3A_526, %get3A_527] {strides = array<i32>} : memref<16x1024xf32, #tpu.memory_space<vmem>>, vector<1x16xf32>,
      %get3A_529 = vector.shape_cast %get3A_528 : vector<1x16xf32> to vector<16xf32>
      %get3A_530 = arith.index_cast %scan3A_148 : i32 to index
      %get3A_531 = arith.constant 432 : index
      %get3A_532 = tpu.vector_load %arg9[%get3A_530, %get3A_531] {strides = array<i32>} : memref<16x1024xf32, #tpu.memory_space<vmem>>, vector<1x16xf32>,
      %get3A_533 = vector.shape_cast %get3A_532 : vector<1x16xf32> to vector<16xf32>
      %add3A_534 = arith.addf %get3A_529, %get3A_533 : vector<16xf32>
      %swap3A_535 = arith.index_cast %scan3A_148 : i32 to index
      %swap3A_536 = arith.constant 432 : index
      %swap3A_537 = tpu.vector_load %arg8[%swap3A_535, %swap3A_536] {strides = array<i32>} : memref<16x1024xf32, #tpu.memory_space<vmem>>, vector<1x16xf32>,
      %swap3A_538 = vector.shape_cast %swap3A_537 : vector<1x16xf32> to vector<16xf32>
      %swap3A_539 = vector.shape_cast %add3A_534 : vector<16xf32> to vector<1x16xf32>
      tpu.vector_store %arg8[%swap3A_535, %swap3A_536], %swap3A_539 {strides = array<i32>} : memref<16x1024xf32, #tpu.memory_space<vmem>>, vector<1x16xf32>,
      %get3A_540 = arith.index_cast %scan3A_148 : i32 to index
      %get3A_541 = arith.constant 448 : index
      %get3A_542 = tpu.vector_load %arg8[%get3A_540, %get3A_541] {strides = array<i32>} : memref<16x1024xf32, #tpu.memory_space<vmem>>, vector<1x16xf32>,
      %get3A_543 = vector.shape_cast %get3A_542 : vector<1x16xf32> to vector<16xf32>
      %get3A_544 = arith.index_cast %scan3A_148 : i32 to index
      %get3A_545 = arith.constant 448 : index
      %get3A_546 = tpu.vector_load %arg9[%get3A_544, %get3A_545] {strides = array<i32>} : memref<16x1024xf32, #tpu.memory_space<vmem>>, vector<1x16xf32>,
      %get3A_547 = vector.shape_cast %get3A_546 : vector<1x16xf32> to vector<16xf32>
      %add3A_548 = arith.addf %get3A_543, %get3A_547 : vector<16xf32>
      %swap3A_549 = arith.index_cast %scan3A_148 : i32 to index
      %swap3A_550 = arith.constant 448 : index
      %swap3A_551 = tpu.vector_load %arg8[%swap3A_549, %swap3A_550] {strides = array<i32>} : memref<16x1024xf32, #tpu.memory_space<vmem>>, vector<1x16xf32>,
      %swap3A_552 = vector.shape_cast %swap3A_551 : vector<1x16xf32> to vector<16xf32>
      %swap3A_553 = vector.shape_cast %add3A_548 : vector<16xf32> to vector<1x16xf32>
      tpu.vector_store %arg8[%swap3A_549, %swap3A_550], %swap3A_553 {strides = array<i32>} : memref<16x1024xf32, #tpu.memory_space<vmem>>, vector<1x16xf32>,
      %get3A_554 = arith.index_cast %scan3A_148 : i32 to index
      %get3A_555 = arith.constant 464 : index
      %get3A_556 = tpu.vector_load %arg8[%get3A_554, %get3A_555] {strides = array<i32>} : memref<16x1024xf32, #tpu.memory_space<vmem>>, vector<1x16xf32>,
      %get3A_557 = vector.shape_cast %get3A_556 : vector<1x16xf32> to vector<16xf32>
      %get3A_558 = arith.index_cast %scan3A_148 : i32 to index
      %get3A_559 = arith.constant 464 : index
      %get3A_560 = tpu.vector_load %arg9[%get3A_558, %get3A_559] {strides = array<i32>} : memref<16x1024xf32, #tpu.memory_space<vmem>>, vector<1x16xf32>,
      %get3A_561 = vector.shape_cast %get3A_560 : vector<1x16xf32> to vector<16xf32>
      %add3A_562 = arith.addf %get3A_557, %get3A_561 : vector<16xf32>
      %swap3A_563 = arith.index_cast %scan3A_148 : i32 to index
      %swap3A_564 = arith.constant 464 : index
      %swap3A_565 = tpu.vector_load %arg8[%swap3A_563, %swap3A_564] {strides = array<i32>} : memref<16x1024xf32, #tpu.memory_space<vmem>>, vector<1x16xf32>,
      %swap3A_566 = vector.shape_cast %swap3A_565 : vector<1x16xf32> to vector<16xf32>
      %swap3A_567 = vector.shape_cast %add3A_562 : vector<16xf32> to vector<1x16xf32>
      tpu.vector_store %arg8[%swap3A_563, %swap3A_564], %swap3A_567 {strides = array<i32>} : memref<16x1024xf32, #tpu.memory_space<vmem>>, vector<1x16xf32>,
      %get3A_568 = arith.index_cast %scan3A_148 : i32 to index
      %get3A_569 = arith.constant 480 : index
      %get3A_570 = tpu.vector_load %arg8[%get3A_568, %get3A_569] {strides = array<i32>} : memref<16x1024xf32, #tpu.memory_space<vmem>>, vector<1x16xf32>,
      %get3A_571 = vector.shape_cast %get3A_570 : vector<1x16xf32> to vector<16xf32>
      %get3A_572 = arith.index_cast %scan3A_148 : i32 to index
      %get3A_573 = arith.constant 480 : index
      %get3A_574 = tpu.vector_load %arg9[%get3A_572, %get3A_573] {strides = array<i32>} : memref<16x1024xf32, #tpu.memory_space<vmem>>, vector<1x16xf32>,
      %get3A_575 = vector.shape_cast %get3A_574 : vector<1x16xf32> to vector<16xf32>
      %add3A_576 = arith.addf %get3A_571, %get3A_575 : vector<16xf32>
      %swap3A_577 = arith.index_cast %scan3A_148 : i32 to index
      %swap3A_578 = arith.constant 480 : index
      %swap3A_579 = tpu.vector_load %arg8[%swap3A_577, %swap3A_578] {strides = array<i32>} : memref<16x1024xf32, #tpu.memory_space<vmem>>, vector<1x16xf32>,
      %swap3A_580 = vector.shape_cast %swap3A_579 : vector<1x16xf32> to vector<16xf32>
      %swap3A_581 = vector.shape_cast %add3A_576 : vector<16xf32> to vector<1x16xf32>
      tpu.vector_store %arg8[%swap3A_577, %swap3A_578], %swap3A_581 {strides = array<i32>} : memref<16x1024xf32, #tpu.memory_space<vmem>>, vector<1x16xf32>,
      %get3A_582 = arith.index_cast %scan3A_148 : i32 to index
      %get3A_583 = arith.constant 496 : index
      %get3A_584 = tpu.vector_load %arg8[%get3A_582, %get3A_583] {strides = array<i32>} : memref<16x1024xf32, #tpu.memory_space<vmem>>, vector<1x16xf32>,
      %get3A_585 = vector.shape_cast %get3A_584 : vector<1x16xf32> to vector<16xf32>
      %get3A_586 = arith.index_cast %scan3A_148 : i32 to index
      %get3A_587 = arith.constant 496 : index
      %get3A_588 = tpu.vector_load %arg9[%get3A_586, %get3A_587] {strides = array<i32>} : memref<16x1024xf32, #tpu.memory_space<vmem>>, vector<1x16xf32>,
      %get3A_589 = vector.shape_cast %get3A_588 : vector<1x16xf32> to vector<16xf32>
      %add3A_590 = arith.addf %get3A_585, %get3A_589 : vector<16xf32>
      %swap3A_591 = arith.index_cast %scan3A_148 : i32 to index
      %swap3A_592 = arith.constant 496 : index
      %swap3A_593 = tpu.vector_load %arg8[%swap3A_591, %swap3A_592] {strides = array<i32>} : memref<16x1024xf32, #tpu.memory_space<vmem>>, vector<1x16xf32>,
      %swap3A_594 = vector.shape_cast %swap3A_593 : vector<1x16xf32> to vector<16xf32>
      %swap3A_595 = vector.shape_cast %add3A_590 : vector<16xf32> to vector<1x16xf32>
      tpu.vector_store %arg8[%swap3A_591, %swap3A_592], %swap3A_595 {strides = array<i32>} : memref<16x1024xf32, #tpu.memory_space<vmem>>, vector<1x16xf32>,
      %get3A_596 = arith.index_cast %scan3A_148 : i32 to index
      %get3A_597 = arith.constant 512 : index
      %get3A_598 = tpu.vector_load %arg8[%get3A_596, %get3A_597] {strides = array<i32>} : memref<16x1024xf32, #tpu.memory_space<vmem>>, vector<1x16xf32>,
      %get3A_599 = vector.shape_cast %get3A_598 : vector<1x16xf32> to vector<16xf32>
      %get3A_600 = arith.index_cast %scan3A_148 : i32 to index
      %get3A_601 = arith.constant 512 : index
      %get3A_602 = tpu.vector_load %arg9[%get3A_600, %get3A_601] {strides = array<i32>} : memref<16x1024xf32, #tpu.memory_space<vmem>>, vector<1x16xf32>,
      %get3A_603 = vector.shape_cast %get3A_602 : vector<1x16xf32> to vector<16xf32>
      %add3A_604 = arith.addf %get3A_599, %get3A_603 : vector<16xf32>
      %swap3A_605 = arith.index_cast %scan3A_148 : i32 to index
      %swap3A_606 = arith.constant 512 : index
      %swap3A_607 = tpu.vector_load %arg8[%swap3A_605, %swap3A_606] {strides = array<i32>} : memref<16x1024xf32, #tpu.memory_space<vmem>>, vector<1x16xf32>,
      %swap3A_608 = vector.shape_cast %swap3A_607 : vector<1x16xf32> to vector<16xf32>
      %swap3A_609 = vector.shape_cast %add3A_604 : vector<16xf32> to vector<1x16xf32>
      tpu.vector_store %arg8[%swap3A_605, %swap3A_606], %swap3A_609 {strides = array<i32>} : memref<16x1024xf32, #tpu.memory_space<vmem>>, vector<1x16xf32>,
      %get3A_610 = arith.index_cast %scan3A_148 : i32 to index
      %get3A_611 = arith.constant 528 : index
      %get3A_612 = tpu.vector_load %arg8[%get3A_610, %get3A_611] {strides = array<i32>} : memref<16x1024xf32, #tpu.memory_space<vmem>>, vector<1x16xf32>,
      %get3A_613 = vector.shape_cast %get3A_612 : vector<1x16xf32> to vector<16xf32>
      %get3A_614 = arith.index_cast %scan3A_148 : i32 to index
      %get3A_615 = arith.constant 528 : index
      %get3A_616 = tpu.vector_load %arg9[%get3A_614, %get3A_615] {strides = array<i32>} : memref<16x1024xf32, #tpu.memory_space<vmem>>, vector<1x16xf32>,
      %get3A_617 = vector.shape_cast %get3A_616 : vector<1x16xf32> to vector<16xf32>
      %add3A_618 = arith.addf %get3A_613, %get3A_617 : vector<16xf32>
      %swap3A_619 = arith.index_cast %scan3A_148 : i32 to index
      %swap3A_620 = arith.constant 528 : index
      %swap3A_621 = tpu.vector_load %arg8[%swap3A_619, %swap3A_620] {strides = array<i32>} : memref<16x1024xf32, #tpu.memory_space<vmem>>, vector<1x16xf32>,
      %swap3A_622 = vector.shape_cast %swap3A_621 : vector<1x16xf32> to vector<16xf32>
      %swap3A_623 = vector.shape_cast %add3A_618 : vector<16xf32> to vector<1x16xf32>
      tpu.vector_store %arg8[%swap3A_619, %swap3A_620], %swap3A_623 {strides = array<i32>} : memref<16x1024xf32, #tpu.memory_space<vmem>>, vector<1x16xf32>,
      %get3A_624 = arith.index_cast %scan3A_148 : i32 to index
      %get3A_625 = arith.constant 544 : index
      %get3A_626 = tpu.vector_load %arg8[%get3A_624, %get3A_625] {strides = array<i32>} : memref<16x1024xf32, #tpu.memory_space<vmem>>, vector<1x16xf32>,
      %get3A_627 = vector.shape_cast %get3A_626 : vector<1x16xf32> to vector<16xf32>
      %get3A_628 = arith.index_cast %scan3A_148 : i32 to index
      %get3A_629 = arith.constant 544 : index
      %get3A_630 = tpu.vector_load %arg9[%get3A_628, %get3A_629] {strides = array<i32>} : memref<16x1024xf32, #tpu.memory_space<vmem>>, vector<1x16xf32>,
      %get3A_631 = vector.shape_cast %get3A_630 : vector<1x16xf32> to vector<16xf32>
      %add3A_632 = arith.addf %get3A_627, %get3A_631 : vector<16xf32>
      %swap3A_633 = arith.index_cast %scan3A_148 : i32 to index
      %swap3A_634 = arith.constant 544 : index
      %swap3A_635 = tpu.vector_load %arg8[%swap3A_633, %swap3A_634] {strides = array<i32>} : memref<16x1024xf32, #tpu.memory_space<vmem>>, vector<1x16xf32>,
      %swap3A_636 = vector.shape_cast %swap3A_635 : vector<1x16xf32> to vector<16xf32>
      %swap3A_637 = vector.shape_cast %add3A_632 : vector<16xf32> to vector<1x16xf32>
      tpu.vector_store %arg8[%swap3A_633, %swap3A_634], %swap3A_637 {strides = array<i32>} : memref<16x1024xf32, #tpu.memory_space<vmem>>, vector<1x16xf32>,
      %get3A_638 = arith.index_cast %scan3A_148 : i32 to index
      %get3A_639 = arith.constant 560 : index
      %get3A_640 = tpu.vector_load %arg8[%get3A_638, %get3A_639] {strides = array<i32>} : memref<16x1024xf32, #tpu.memory_space<vmem>>, vector<1x16xf32>,
      %get3A_641 = vector.shape_cast %get3A_640 : vector<1x16xf32> to vector<16xf32>
      %get3A_642 = arith.index_cast %scan3A_148 : i32 to index
      %get3A_643 = arith.constant 560 : index
      %get3A_644 = tpu.vector_load %arg9[%get3A_642, %get3A_643] {strides = array<i32>} : memref<16x1024xf32, #tpu.memory_space<vmem>>, vector<1x16xf32>,
      %get3A_645 = vector.shape_cast %get3A_644 : vector<1x16xf32> to vector<16xf32>
      %add3A_646 = arith.addf %get3A_641, %get3A_645 : vector<16xf32>
      %swap3A_647 = arith.index_cast %scan3A_148 : i32 to index
      %swap3A_648 = arith.constant 560 : index
      %swap3A_649 = tpu.vector_load %arg8[%swap3A_647, %swap3A_648] {strides = array<i32>} : memref<16x1024xf32, #tpu.memory_space<vmem>>, vector<1x16xf32>,
      %swap3A_650 = vector.shape_cast %swap3A_649 : vector<1x16xf32> to vector<16xf32>
      %swap3A_651 = vector.shape_cast %add3A_646 : vector<16xf32> to vector<1x16xf32>
      tpu.vector_store %arg8[%swap3A_647, %swap3A_648], %swap3A_651 {strides = array<i32>} : memref<16x1024xf32, #tpu.memory_space<vmem>>, vector<1x16xf32>,
      %get3A_652 = arith.index_cast %scan3A_148 : i32 to index
      %get3A_653 = arith.constant 576 : index
      %get3A_654 = tpu.vector_load %arg8[%get3A_652, %get3A_653] {strides = array<i32>} : memref<16x1024xf32, #tpu.memory_space<vmem>>, vector<1x16xf32>,
      %get3A_655 = vector.shape_cast %get3A_654 : vector<1x16xf32> to vector<16xf32>
      %get3A_656 = arith.index_cast %scan3A_148 : i32 to index
      %get3A_657 = arith.constant 576 : index
      %get3A_658 = tpu.vector_load %arg9[%get3A_656, %get3A_657] {strides = array<i32>} : memref<16x1024xf32, #tpu.memory_space<vmem>>, vector<1x16xf32>,
      %get3A_659 = vector.shape_cast %get3A_658 : vector<1x16xf32> to vector<16xf32>
      %add3A_660 = arith.addf %get3A_655, %get3A_659 : vector<16xf32>
      %swap3A_661 = arith.index_cast %scan3A_148 : i32 to index
      %swap3A_662 = arith.constant 576 : index
      %swap3A_663 = tpu.vector_load %arg8[%swap3A_661, %swap3A_662] {strides = array<i32>} : memref<16x1024xf32, #tpu.memory_space<vmem>>, vector<1x16xf32>,
      %swap3A_664 = vector.shape_cast %swap3A_663 : vector<1x16xf32> to vector<16xf32>
      %swap3A_665 = vector.shape_cast %add3A_660 : vector<16xf32> to vector<1x16xf32>
      tpu.vector_store %arg8[%swap3A_661, %swap3A_662], %swap3A_665 {strides = array<i32>} : memref<16x1024xf32, #tpu.memory_space<vmem>>, vector<1x16xf32>,
      %get3A_666 = arith.index_cast %scan3A_148 : i32 to index
      %get3A_667 = arith.constant 592 : index
      %get3A_668 = tpu.vector_load %arg8[%get3A_666, %get3A_667] {strides = array<i32>} : memref<16x1024xf32, #tpu.memory_space<vmem>>, vector<1x16xf32>,
      %get3A_669 = vector.shape_cast %get3A_668 : vector<1x16xf32> to vector<16xf32>
      %get3A_670 = arith.index_cast %scan3A_148 : i32 to index
      %get3A_671 = arith.constant 592 : index
      %get3A_672 = tpu.vector_load %arg9[%get3A_670, %get3A_671] {strides = array<i32>} : memref<16x1024xf32, #tpu.memory_space<vmem>>, vector<1x16xf32>,
      %get3A_673 = vector.shape_cast %get3A_672 : vector<1x16xf32> to vector<16xf32>
      %add3A_674 = arith.addf %get3A_669, %get3A_673 : vector<16xf32>
      %swap3A_675 = arith.index_cast %scan3A_148 : i32 to index
      %swap3A_676 = arith.constant 592 : index
      %swap3A_677 = tpu.vector_load %arg8[%swap3A_675, %swap3A_676] {strides = array<i32>} : memref<16x1024xf32, #tpu.memory_space<vmem>>, vector<1x16xf32>,
      %swap3A_678 = vector.shape_cast %swap3A_677 : vector<1x16xf32> to vector<16xf32>
      %swap3A_679 = vector.shape_cast %add3A_674 : vector<16xf32> to vector<1x16xf32>
      tpu.vector_store %arg8[%swap3A_675, %swap3A_676], %swap3A_679 {strides = array<i32>} : memref<16x1024xf32, #tpu.memory_space<vmem>>, vector<1x16xf32>,
      %get3A_680 = arith.index_cast %scan3A_148 : i32 to index
      %get3A_681 = arith.constant 608 : index
      %get3A_682 = tpu.vector_load %arg8[%get3A_680, %get3A_681] {strides = array<i32>} : memref<16x1024xf32, #tpu.memory_space<vmem>>, vector<1x16xf32>,
      %get3A_683 = vector.shape_cast %get3A_682 : vector<1x16xf32> to vector<16xf32>
      %get3A_684 = arith.index_cast %scan3A_148 : i32 to index
      %get3A_685 = arith.constant 608 : index
      %get3A_686 = tpu.vector_load %arg9[%get3A_684, %get3A_685] {strides = array<i32>} : memref<16x1024xf32, #tpu.memory_space<vmem>>, vector<1x16xf32>,
      %get3A_687 = vector.shape_cast %get3A_686 : vector<1x16xf32> to vector<16xf32>
      %add3A_688 = arith.addf %get3A_683, %get3A_687 : vector<16xf32>
      %swap3A_689 = arith.index_cast %scan3A_148 : i32 to index
      %swap3A_690 = arith.constant 608 : index
      %swap3A_691 = tpu.vector_load %arg8[%swap3A_689, %swap3A_690] {strides = array<i32>} : memref<16x1024xf32, #tpu.memory_space<vmem>>, vector<1x16xf32>,
      %swap3A_692 = vector.shape_cast %swap3A_691 : vector<1x16xf32> to vector<16xf32>
      %swap3A_693 = vector.shape_cast %add3A_688 : vector<16xf32> to vector<1x16xf32>
      tpu.vector_store %arg8[%swap3A_689, %swap3A_690], %swap3A_693 {strides = array<i32>} : memref<16x1024xf32, #tpu.memory_space<vmem>>, vector<1x16xf32>,
      %get3A_694 = arith.index_cast %scan3A_148 : i32 to index
      %get3A_695 = arith.constant 624 : index
      %get3A_696 = tpu.vector_load %arg8[%get3A_694, %get3A_695] {strides = array<i32>} : memref<16x1024xf32, #tpu.memory_space<vmem>>, vector<1x16xf32>,
      %get3A_697 = vector.shape_cast %get3A_696 : vector<1x16xf32> to vector<16xf32>
      %get3A_698 = arith.index_cast %scan3A_148 : i32 to index
      %get3A_699 = arith.constant 624 : index
      %get3A_700 = tpu.vector_load %arg9[%get3A_698, %get3A_699] {strides = array<i32>} : memref<16x1024xf32, #tpu.memory_space<vmem>>, vector<1x16xf32>,
      %get3A_701 = vector.shape_cast %get3A_700 : vector<1x16xf32> to vector<16xf32>
      %add3A_702 = arith.addf %get3A_697, %get3A_701 : vector<16xf32>
      %swap3A_703 = arith.index_cast %scan3A_148 : i32 to index
      %swap3A_704 = arith.constant 624 : index
      %swap3A_705 = tpu.vector_load %arg8[%swap3A_703, %swap3A_704] {strides = array<i32>} : memref<16x1024xf32, #tpu.memory_space<vmem>>, vector<1x16xf32>,
      %swap3A_706 = vector.shape_cast %swap3A_705 : vector<1x16xf32> to vector<16xf32>
      %swap3A_707 = vector.shape_cast %add3A_702 : vector<16xf32> to vector<1x16xf32>
      tpu.vector_store %arg8[%swap3A_703, %swap3A_704], %swap3A_707 {strides = array<i32>} : memref<16x1024xf32, #tpu.memory_space<vmem>>, vector<1x16xf32>,
      %get3A_708 = arith.index_cast %scan3A_148 : i32 to index
      %get3A_709 = arith.constant 640 : index
      %get3A_710 = tpu.vector_load %arg8[%get3A_708, %get3A_709] {strides = array<i32>} : memref<16x1024xf32, #tpu.memory_space<vmem>>, vector<1x16xf32>,
      %get3A_711 = vector.shape_cast %get3A_710 : vector<1x16xf32> to vector<16xf32>
      %get3A_712 = arith.index_cast %scan3A_148 : i32 to index
      %get3A_713 = arith.constant 640 : index
      %get3A_714 = tpu.vector_load %arg9[%get3A_712, %get3A_713] {strides = array<i32>} : memref<16x1024xf32, #tpu.memory_space<vmem>>, vector<1x16xf32>,
      %get3A_715 = vector.shape_cast %get3A_714 : vector<1x16xf32> to vector<16xf32>
      %add3A_716 = arith.addf %get3A_711, %get3A_715 : vector<16xf32>
      %swap3A_717 = arith.index_cast %scan3A_148 : i32 to index
      %swap3A_718 = arith.constant 640 : index
      %swap3A_719 = tpu.vector_load %arg8[%swap3A_717, %swap3A_718] {strides = array<i32>} : memref<16x1024xf32, #tpu.memory_space<vmem>>, vector<1x16xf32>,
      %swap3A_720 = vector.shape_cast %swap3A_719 : vector<1x16xf32> to vector<16xf32>
      %swap3A_721 = vector.shape_cast %add3A_716 : vector<16xf32> to vector<1x16xf32>
      tpu.vector_store %arg8[%swap3A_717, %swap3A_718], %swap3A_721 {strides = array<i32>} : memref<16x1024xf32, #tpu.memory_space<vmem>>, vector<1x16xf32>,
      %get3A_722 = arith.index_cast %scan3A_148 : i32 to index
      %get3A_723 = arith.constant 656 : index
      %get3A_724 = tpu.vector_load %arg8[%get3A_722, %get3A_723] {strides = array<i32>} : memref<16x1024xf32, #tpu.memory_space<vmem>>, vector<1x16xf32>,
      %get3A_725 = vector.shape_cast %get3A_724 : vector<1x16xf32> to vector<16xf32>
      %get3A_726 = arith.index_cast %scan3A_148 : i32 to index
      %get3A_727 = arith.constant 656 : index
      %get3A_728 = tpu.vector_load %arg9[%get3A_726, %get3A_727] {strides = array<i32>} : memref<16x1024xf32, #tpu.memory_space<vmem>>, vector<1x16xf32>,
      %get3A_729 = vector.shape_cast %get3A_728 : vector<1x16xf32> to vector<16xf32>
      %add3A_730 = arith.addf %get3A_725, %get3A_729 : vector<16xf32>
      %swap3A_731 = arith.index_cast %scan3A_148 : i32 to index
      %swap3A_732 = arith.constant 656 : index
      %swap3A_733 = tpu.vector_load %arg8[%swap3A_731, %swap3A_732] {strides = array<i32>} : memref<16x1024xf32, #tpu.memory_space<vmem>>, vector<1x16xf32>,
      %swap3A_734 = vector.shape_cast %swap3A_733 : vector<1x16xf32> to vector<16xf32>
      %swap3A_735 = vector.shape_cast %add3A_730 : vector<16xf32> to vector<1x16xf32>
      tpu.vector_store %arg8[%swap3A_731, %swap3A_732], %swap3A_735 {strides = array<i32>} : memref<16x1024xf32, #tpu.memory_space<vmem>>, vector<1x16xf32>,
      %get3A_736 = arith.index_cast %scan3A_148 : i32 to index
      %get3A_737 = arith.constant 672 : index
      %get3A_738 = tpu.vector_load %arg8[%get3A_736, %get3A_737] {strides = array<i32>} : memref<16x1024xf32, #tpu.memory_space<vmem>>, vector<1x16xf32>,
      %get3A_739 = vector.shape_cast %get3A_738 : vector<1x16xf32> to vector<16xf32>
      %get3A_740 = arith.index_cast %scan3A_148 : i32 to index
      %get3A_741 = arith.constant 672 : index
      %get3A_742 = tpu.vector_load %arg9[%get3A_740, %get3A_741] {strides = array<i32>} : memref<16x1024xf32, #tpu.memory_space<vmem>>, vector<1x16xf32>,
      %get3A_743 = vector.shape_cast %get3A_742 : vector<1x16xf32> to vector<16xf32>
      %add3A_744 = arith.addf %get3A_739, %get3A_743 : vector<16xf32>
      %swap3A_745 = arith.index_cast %scan3A_148 : i32 to index
      %swap3A_746 = arith.constant 672 : index
      %swap3A_747 = tpu.vector_load %arg8[%swap3A_745, %swap3A_746] {strides = array<i32>} : memref<16x1024xf32, #tpu.memory_space<vmem>>, vector<1x16xf32>,
      %swap3A_748 = vector.shape_cast %swap3A_747 : vector<1x16xf32> to vector<16xf32>
      %swap3A_749 = vector.shape_cast %add3A_744 : vector<16xf32> to vector<1x16xf32>
      tpu.vector_store %arg8[%swap3A_745, %swap3A_746], %swap3A_749 {strides = array<i32>} : memref<16x1024xf32, #tpu.memory_space<vmem>>, vector<1x16xf32>,
      %get3A_750 = arith.index_cast %scan3A_148 : i32 to index
      %get3A_751 = arith.constant 688 : index
      %get3A_752 = tpu.vector_load %arg8[%get3A_750, %get3A_751] {strides = array<i32>} : memref<16x1024xf32, #tpu.memory_space<vmem>>, vector<1x16xf32>,
      %get3A_753 = vector.shape_cast %get3A_752 : vector<1x16xf32> to vector<16xf32>
      %get3A_754 = arith.index_cast %scan3A_148 : i32 to index
      %get3A_755 = arith.constant 688 : index
      %get3A_756 = tpu.vector_load %arg9[%get3A_754, %get3A_755] {strides = array<i32>} : memref<16x1024xf32, #tpu.memory_space<vmem>>, vector<1x16xf32>,
      %get3A_757 = vector.shape_cast %get3A_756 : vector<1x16xf32> to vector<16xf32>
      %add3A_758 = arith.addf %get3A_753, %get3A_757 : vector<16xf32>
      %swap3A_759 = arith.index_cast %scan3A_148 : i32 to index
      %swap3A_760 = arith.constant 688 : index
      %swap3A_761 = tpu.vector_load %arg8[%swap3A_759, %swap3A_760] {strides = array<i32>} : memref<16x1024xf32, #tpu.memory_space<vmem>>, vector<1x16xf32>,
      %swap3A_762 = vector.shape_cast %swap3A_761 : vector<1x16xf32> to vector<16xf32>
      %swap3A_763 = vector.shape_cast %add3A_758 : vector<16xf32> to vector<1x16xf32>
      tpu.vector_store %arg8[%swap3A_759, %swap3A_760], %swap3A_763 {strides = array<i32>} : memref<16x1024xf32, #tpu.memory_space<vmem>>, vector<1x16xf32>,
      %get3A_764 = arith.index_cast %scan3A_148 : i32 to index
      %get3A_765 = arith.constant 704 : index
      %get3A_766 = tpu.vector_load %arg8[%get3A_764, %get3A_765] {strides = array<i32>} : memref<16x1024xf32, #tpu.memory_space<vmem>>, vector<1x16xf32>,
      %get3A_767 = vector.shape_cast %get3A_766 : vector<1x16xf32> to vector<16xf32>
      %get3A_768 = arith.index_cast %scan3A_148 : i32 to index
      %get3A_769 = arith.constant 704 : index
      %get3A_770 = tpu.vector_load %arg9[%get3A_768, %get3A_769] {strides = array<i32>} : memref<16x1024xf32, #tpu.memory_space<vmem>>, vector<1x16xf32>,
      %get3A_771 = vector.shape_cast %get3A_770 : vector<1x16xf32> to vector<16xf32>
      %add3A_772 = arith.addf %get3A_767, %get3A_771 : vector<16xf32>
      %swap3A_773 = arith.index_cast %scan3A_148 : i32 to index
      %swap3A_774 = arith.constant 704 : index
      %swap3A_775 = tpu.vector_load %arg8[%swap3A_773, %swap3A_774] {strides = array<i32>} : memref<16x1024xf32, #tpu.memory_space<vmem>>, vector<1x16xf32>,
      %swap3A_776 = vector.shape_cast %swap3A_775 : vector<1x16xf32> to vector<16xf32>
      %swap3A_777 = vector.shape_cast %add3A_772 : vector<16xf32> to vector<1x16xf32>
      tpu.vector_store %arg8[%swap3A_773, %swap3A_774], %swap3A_777 {strides = array<i32>} : memref<16x1024xf32, #tpu.memory_space<vmem>>, vector<1x16xf32>,
      %get3A_778 = arith.index_cast %scan3A_148 : i32 to index
      %get3A_779 = arith.constant 720 : index
      %get3A_780 = tpu.vector_load %arg8[%get3A_778, %get3A_779] {strides = array<i32>} : memref<16x1024xf32, #tpu.memory_space<vmem>>, vector<1x16xf32>,
      %get3A_781 = vector.shape_cast %get3A_780 : vector<1x16xf32> to vector<16xf32>
      %get3A_782 = arith.index_cast %scan3A_148 : i32 to index
      %get3A_783 = arith.constant 720 : index
      %get3A_784 = tpu.vector_load %arg9[%get3A_782, %get3A_783] {strides = array<i32>} : memref<16x1024xf32, #tpu.memory_space<vmem>>, vector<1x16xf32>,
      %get3A_785 = vector.shape_cast %get3A_784 : vector<1x16xf32> to vector<16xf32>
      %add3A_786 = arith.addf %get3A_781, %get3A_785 : vector<16xf32>
      %swap3A_787 = arith.index_cast %scan3A_148 : i32 to index
      %swap3A_788 = arith.constant 720 : index
      %swap3A_789 = tpu.vector_load %arg8[%swap3A_787, %swap3A_788] {strides = array<i32>} : memref<16x1024xf32, #tpu.memory_space<vmem>>, vector<1x16xf32>,
      %swap3A_790 = vector.shape_cast %swap3A_789 : vector<1x16xf32> to vector<16xf32>
      %swap3A_791 = vector.shape_cast %add3A_786 : vector<16xf32> to vector<1x16xf32>
      tpu.vector_store %arg8[%swap3A_787, %swap3A_788], %swap3A_791 {strides = array<i32>} : memref<16x1024xf32, #tpu.memory_space<vmem>>, vector<1x16xf32>,
      %get3A_792 = arith.index_cast %scan3A_148 : i32 to index
      %get3A_793 = arith.constant 736 : index
      %get3A_794 = tpu.vector_load %arg8[%get3A_792, %get3A_793] {strides = array<i32>} : memref<16x1024xf32, #tpu.memory_space<vmem>>, vector<1x16xf32>,
      %get3A_795 = vector.shape_cast %get3A_794 : vector<1x16xf32> to vector<16xf32>
      %get3A_796 = arith.index_cast %scan3A_148 : i32 to index
      %get3A_797 = arith.constant 736 : index
      %get3A_798 = tpu.vector_load %arg9[%get3A_796, %get3A_797] {strides = array<i32>} : memref<16x1024xf32, #tpu.memory_space<vmem>>, vector<1x16xf32>,
      %get3A_799 = vector.shape_cast %get3A_798 : vector<1x16xf32> to vector<16xf32>
      %add3A_800 = arith.addf %get3A_795, %get3A_799 : vector<16xf32>
      %swap3A_801 = arith.index_cast %scan3A_148 : i32 to index
      %swap3A_802 = arith.constant 736 : index
      %swap3A_803 = tpu.vector_load %arg8[%swap3A_801, %swap3A_802] {strides = array<i32>} : memref<16x1024xf32, #tpu.memory_space<vmem>>, vector<1x16xf32>,
      %swap3A_804 = vector.shape_cast %swap3A_803 : vector<1x16xf32> to vector<16xf32>
      %swap3A_805 = vector.shape_cast %add3A_800 : vector<16xf32> to vector<1x16xf32>
      tpu.vector_store %arg8[%swap3A_801, %swap3A_802], %swap3A_805 {strides = array<i32>} : memref<16x1024xf32, #tpu.memory_space<vmem>>, vector<1x16xf32>,
      %get3A_806 = arith.index_cast %scan3A_148 : i32 to index
      %get3A_807 = arith.constant 752 : index
      %get3A_808 = tpu.vector_load %arg8[%get3A_806, %get3A_807] {strides = array<i32>} : memref<16x1024xf32, #tpu.memory_space<vmem>>, vector<1x16xf32>,
      %get3A_809 = vector.shape_cast %get3A_808 : vector<1x16xf32> to vector<16xf32>
      %get3A_810 = arith.index_cast %scan3A_148 : i32 to index
      %get3A_811 = arith.constant 752 : index
      %get3A_812 = tpu.vector_load %arg9[%get3A_810, %get3A_811] {strides = array<i32>} : memref<16x1024xf32, #tpu.memory_space<vmem>>, vector<1x16xf32>,
      %get3A_813 = vector.shape_cast %get3A_812 : vector<1x16xf32> to vector<16xf32>
      %add3A_814 = arith.addf %get3A_809, %get3A_813 : vector<16xf32>
      %swap3A_815 = arith.index_cast %scan3A_148 : i32 to index
      %swap3A_816 = arith.constant 752 : index
      %swap3A_817 = tpu.vector_load %arg8[%swap3A_815, %swap3A_816] {strides = array<i32>} : memref<16x1024xf32, #tpu.memory_space<vmem>>, vector<1x16xf32>,
      %swap3A_818 = vector.shape_cast %swap3A_817 : vector<1x16xf32> to vector<16xf32>
      %swap3A_819 = vector.shape_cast %add3A_814 : vector<16xf32> to vector<1x16xf32>
      tpu.vector_store %arg8[%swap3A_815, %swap3A_816], %swap3A_819 {strides = array<i32>} : memref<16x1024xf32, #tpu.memory_space<vmem>>, vector<1x16xf32>,
      %get3A_820 = arith.index_cast %scan3A_148 : i32 to index
      %get3A_821 = arith.constant 768 : index
      %get3A_822 = tpu.vector_load %arg8[%get3A_820, %get3A_821] {strides = array<i32>} : memref<16x1024xf32, #tpu.memory_space<vmem>>, vector<1x16xf32>,
      %get3A_823 = vector.shape_cast %get3A_822 : vector<1x16xf32> to vector<16xf32>
      %get3A_824 = arith.index_cast %scan3A_148 : i32 to index
      %get3A_825 = arith.constant 768 : index
      %get3A_826 = tpu.vector_load %arg9[%get3A_824, %get3A_825] {strides = array<i32>} : memref<16x1024xf32, #tpu.memory_space<vmem>>, vector<1x16xf32>,
      %get3A_827 = vector.shape_cast %get3A_826 : vector<1x16xf32> to vector<16xf32>
      %add3A_828 = arith.addf %get3A_823, %get3A_827 : vector<16xf32>
      %swap3A_829 = arith.index_cast %scan3A_148 : i32 to index
      %swap3A_830 = arith.constant 768 : index
      %swap3A_831 = tpu.vector_load %arg8[%swap3A_829, %swap3A_830] {strides = array<i32>} : memref<16x1024xf32, #tpu.memory_space<vmem>>, vector<1x16xf32>,
      %swap3A_832 = vector.shape_cast %swap3A_831 : vector<1x16xf32> to vector<16xf32>
      %swap3A_833 = vector.shape_cast %add3A_828 : vector<16xf32> to vector<1x16xf32>
      tpu.vector_store %arg8[%swap3A_829, %swap3A_830], %swap3A_833 {strides = array<i32>} : memref<16x1024xf32, #tpu.memory_space<vmem>>, vector<1x16xf32>,
      %get3A_834 = arith.index_cast %scan3A_148 : i32 to index
      %get3A_835 = arith.constant 784 : index
      %get3A_836 = tpu.vector_load %arg8[%get3A_834, %get3A_835] {strides = array<i32>} : memref<16x1024xf32, #tpu.memory_space<vmem>>, vector<1x16xf32>,
      %get3A_837 = vector.shape_cast %get3A_836 : vector<1x16xf32> to vector<16xf32>
      %get3A_838 = arith.index_cast %scan3A_148 : i32 to index
      %get3A_839 = arith.constant 784 : index
      %get3A_840 = tpu.vector_load %arg9[%get3A_838, %get3A_839] {strides = array<i32>} : memref<16x1024xf32, #tpu.memory_space<vmem>>, vector<1x16xf32>,
      %get3A_841 = vector.shape_cast %get3A_840 : vector<1x16xf32> to vector<16xf32>
      %add3A_842 = arith.addf %get3A_837, %get3A_841 : vector<16xf32>
      %swap3A_843 = arith.index_cast %scan3A_148 : i32 to index
      %swap3A_844 = arith.constant 784 : index
      %swap3A_845 = tpu.vector_load %arg8[%swap3A_843, %swap3A_844] {strides = array<i32>} : memref<16x1024xf32, #tpu.memory_space<vmem>>, vector<1x16xf32>,
      %swap3A_846 = vector.shape_cast %swap3A_845 : vector<1x16xf32> to vector<16xf32>
      %swap3A_847 = vector.shape_cast %add3A_842 : vector<16xf32> to vector<1x16xf32>
      tpu.vector_store %arg8[%swap3A_843, %swap3A_844], %swap3A_847 {strides = array<i32>} : memref<16x1024xf32, #tpu.memory_space<vmem>>, vector<1x16xf32>,
      %get3A_848 = arith.index_cast %scan3A_148 : i32 to index
      %get3A_849 = arith.constant 800 : index
      %get3A_850 = tpu.vector_load %arg8[%get3A_848, %get3A_849] {strides = array<i32>} : memref<16x1024xf32, #tpu.memory_space<vmem>>, vector<1x16xf32>,
      %get3A_851 = vector.shape_cast %get3A_850 : vector<1x16xf32> to vector<16xf32>
      %get3A_852 = arith.index_cast %scan3A_148 : i32 to index
      %get3A_853 = arith.constant 800 : index
      %get3A_854 = tpu.vector_load %arg9[%get3A_852, %get3A_853] {strides = array<i32>} : memref<16x1024xf32, #tpu.memory_space<vmem>>, vector<1x16xf32>,
      %get3A_855 = vector.shape_cast %get3A_854 : vector<1x16xf32> to vector<16xf32>
      %add3A_856 = arith.addf %get3A_851, %get3A_855 : vector<16xf32>
      %swap3A_857 = arith.index_cast %scan3A_148 : i32 to index
      %swap3A_858 = arith.constant 800 : index
      %swap3A_859 = tpu.vector_load %arg8[%swap3A_857, %swap3A_858] {strides = array<i32>} : memref<16x1024xf32, #tpu.memory_space<vmem>>, vector<1x16xf32>,
      %swap3A_860 = vector.shape_cast %swap3A_859 : vector<1x16xf32> to vector<16xf32>
      %swap3A_861 = vector.shape_cast %add3A_856 : vector<16xf32> to vector<1x16xf32>
      tpu.vector_store %arg8[%swap3A_857, %swap3A_858], %swap3A_861 {strides = array<i32>} : memref<16x1024xf32, #tpu.memory_space<vmem>>, vector<1x16xf32>,
      %get3A_862 = arith.index_cast %scan3A_148 : i32 to index
      %get3A_863 = arith.constant 816 : index
      %get3A_864 = tpu.vector_load %arg8[%get3A_862, %get3A_863] {strides = array<i32>} : memref<16x1024xf32, #tpu.memory_space<vmem>>, vector<1x16xf32>,
      %get3A_865 = vector.shape_cast %get3A_864 : vector<1x16xf32> to vector<16xf32>
      %get3A_866 = arith.index_cast %scan3A_148 : i32 to index
      %get3A_867 = arith.constant 816 : index
      %get3A_868 = tpu.vector_load %arg9[%get3A_866, %get3A_867] {strides = array<i32>} : memref<16x1024xf32, #tpu.memory_space<vmem>>, vector<1x16xf32>,
      %get3A_869 = vector.shape_cast %get3A_868 : vector<1x16xf32> to vector<16xf32>
      %add3A_870 = arith.addf %get3A_865, %get3A_869 : vector<16xf32>
      %swap3A_871 = arith.index_cast %scan3A_148 : i32 to index
      %swap3A_872 = arith.constant 816 : index
      %swap3A_873 = tpu.vector_load %arg8[%swap3A_871, %swap3A_872] {strides = array<i32>} : memref<16x1024xf32, #tpu.memory_space<vmem>>, vector<1x16xf32>,
      %swap3A_874 = vector.shape_cast %swap3A_873 : vector<1x16xf32> to vector<16xf32>
      %swap3A_875 = vector.shape_cast %add3A_870 : vector<16xf32> to vector<1x16xf32>
      tpu.vector_store %arg8[%swap3A_871, %swap3A_872], %swap3A_875 {strides = array<i32>} : memref<16x1024xf32, #tpu.memory_space<vmem>>, vector<1x16xf32>,
      %get3A_876 = arith.index_cast %scan3A_148 : i32 to index
      %get3A_877 = arith.constant 832 : index
      %get3A_878 = tpu.vector_load %arg8[%get3A_876, %get3A_877] {strides = array<i32>} : memref<16x1024xf32, #tpu.memory_space<vmem>>, vector<1x16xf32>,
      %get3A_879 = vector.shape_cast %get3A_878 : vector<1x16xf32> to vector<16xf32>
      %get3A_880 = arith.index_cast %scan3A_148 : i32 to index
      %get3A_881 = arith.constant 832 : index
      %get3A_882 = tpu.vector_load %arg9[%get3A_880, %get3A_881] {strides = array<i32>} : memref<16x1024xf32, #tpu.memory_space<vmem>>, vector<1x16xf32>,
      %get3A_883 = vector.shape_cast %get3A_882 : vector<1x16xf32> to vector<16xf32>
      %add3A_884 = arith.addf %get3A_879, %get3A_883 : vector<16xf32>
      %swap3A_885 = arith.index_cast %scan3A_148 : i32 to index
      %swap3A_886 = arith.constant 832 : index
      %swap3A_887 = tpu.vector_load %arg8[%swap3A_885, %swap3A_886] {strides = array<i32>} : memref<16x1024xf32, #tpu.memory_space<vmem>>, vector<1x16xf32>,
      %swap3A_888 = vector.shape_cast %swap3A_887 : vector<1x16xf32> to vector<16xf32>
      %swap3A_889 = vector.shape_cast %add3A_884 : vector<16xf32> to vector<1x16xf32>
      tpu.vector_store %arg8[%swap3A_885, %swap3A_886], %swap3A_889 {strides = array<i32>} : memref<16x1024xf32, #tpu.memory_space<vmem>>, vector<1x16xf32>,
      %get3A_890 = arith.index_cast %scan3A_148 : i32 to index
      %get3A_891 = arith.constant 848 : index
      %get3A_892 = tpu.vector_load %arg8[%get3A_890, %get3A_891] {strides = array<i32>} : memref<16x1024xf32, #tpu.memory_space<vmem>>, vector<1x16xf32>,
      %get3A_893 = vector.shape_cast %get3A_892 : vector<1x16xf32> to vector<16xf32>
      %get3A_894 = arith.index_cast %scan3A_148 : i32 to index
      %get3A_895 = arith.constant 848 : index
      %get3A_896 = tpu.vector_load %arg9[%get3A_894, %get3A_895] {strides = array<i32>} : memref<16x1024xf32, #tpu.memory_space<vmem>>, vector<1x16xf32>,
      %get3A_897 = vector.shape_cast %get3A_896 : vector<1x16xf32> to vector<16xf32>
      %add3A_898 = arith.addf %get3A_893, %get3A_897 : vector<16xf32>
      %swap3A_899 = arith.index_cast %scan3A_148 : i32 to index
      %swap3A_900 = arith.constant 848 : index
      %swap3A_901 = tpu.vector_load %arg8[%swap3A_899, %swap3A_900] {strides = array<i32>} : memref<16x1024xf32, #tpu.memory_space<vmem>>, vector<1x16xf32>,
      %swap3A_902 = vector.shape_cast %swap3A_901 : vector<1x16xf32> to vector<16xf32>
      %swap3A_903 = vector.shape_cast %add3A_898 : vector<16xf32> to vector<1x16xf32>
      tpu.vector_store %arg8[%swap3A_899, %swap3A_900], %swap3A_903 {strides = array<i32>} : memref<16x1024xf32, #tpu.memory_space<vmem>>, vector<1x16xf32>,
      %get3A_904 = arith.index_cast %scan3A_148 : i32 to index
      %get3A_905 = arith.constant 864 : index
      %get3A_906 = tpu.vector_load %arg8[%get3A_904, %get3A_905] {strides = array<i32>} : memref<16x1024xf32, #tpu.memory_space<vmem>>, vector<1x16xf32>,
      %get3A_907 = vector.shape_cast %get3A_906 : vector<1x16xf32> to vector<16xf32>
      %get3A_908 = arith.index_cast %scan3A_148 : i32 to index
      %get3A_909 = arith.constant 864 : index
      %get3A_910 = tpu.vector_load %arg9[%get3A_908, %get3A_909] {strides = array<i32>} : memref<16x1024xf32, #tpu.memory_space<vmem>>, vector<1x16xf32>,
      %get3A_911 = vector.shape_cast %get3A_910 : vector<1x16xf32> to vector<16xf32>
      %add3A_912 = arith.addf %get3A_907, %get3A_911 : vector<16xf32>
      %swap3A_913 = arith.index_cast %scan3A_148 : i32 to index
      %swap3A_914 = arith.constant 864 : index
      %swap3A_915 = tpu.vector_load %arg8[%swap3A_913, %swap3A_914] {strides = array<i32>} : memref<16x1024xf32, #tpu.memory_space<vmem>>, vector<1x16xf32>,
      %swap3A_916 = vector.shape_cast %swap3A_915 : vector<1x16xf32> to vector<16xf32>
      %swap3A_917 = vector.shape_cast %add3A_912 : vector<16xf32> to vector<1x16xf32>
      tpu.vector_store %arg8[%swap3A_913, %swap3A_914], %swap3A_917 {strides = array<i32>} : memref<16x1024xf32, #tpu.memory_space<vmem>>, vector<1x16xf32>,
      %get3A_918 = arith.index_cast %scan3A_148 : i32 to index
      %get3A_919 = arith.constant 880 : index
      %get3A_920 = tpu.vector_load %arg8[%get3A_918, %get3A_919] {strides = array<i32>} : memref<16x1024xf32, #tpu.memory_space<vmem>>, vector<1x16xf32>,
      %get3A_921 = vector.shape_cast %get3A_920 : vector<1x16xf32> to vector<16xf32>
      %get3A_922 = arith.index_cast %scan3A_148 : i32 to index
      %get3A_923 = arith.constant 880 : index
      %get3A_924 = tpu.vector_load %arg9[%get3A_922, %get3A_923] {strides = array<i32>} : memref<16x1024xf32, #tpu.memory_space<vmem>>, vector<1x16xf32>,
      %get3A_925 = vector.shape_cast %get3A_924 : vector<1x16xf32> to vector<16xf32>
      %add3A_926 = arith.addf %get3A_921, %get3A_925 : vector<16xf32>
      %swap3A_927 = arith.index_cast %scan3A_148 : i32 to index
      %swap3A_928 = arith.constant 880 : index
      %swap3A_929 = tpu.vector_load %arg8[%swap3A_927, %swap3A_928] {strides = array<i32>} : memref<16x1024xf32, #tpu.memory_space<vmem>>, vector<1x16xf32>,
      %swap3A_930 = vector.shape_cast %swap3A_929 : vector<1x16xf32> to vector<16xf32>
      %swap3A_931 = vector.shape_cast %add3A_926 : vector<16xf32> to vector<1x16xf32>
      tpu.vector_store %arg8[%swap3A_927, %swap3A_928], %swap3A_931 {strides = array<i32>} : memref<16x1024xf32, #tpu.memory_space<vmem>>, vector<1x16xf32>,
      %get3A_932 = arith.index_cast %scan3A_148 : i32 to index
      %get3A_933 = arith.constant 896 : index
      %get3A_934 = tpu.vector_load %arg8[%get3A_932, %get3A_933] {strides = array<i32>} : memref<16x1024xf32, #tpu.memory_space<vmem>>, vector<1x16xf32>,
      %get3A_935 = vector.shape_cast %get3A_934 : vector<1x16xf32> to vector<16xf32>
      %get3A_936 = arith.index_cast %scan3A_148 : i32 to index
      %get3A_937 = arith.constant 896 : index
      %get3A_938 = tpu.vector_load %arg9[%get3A_936, %get3A_937] {strides = array<i32>} : memref<16x1024xf32, #tpu.memory_space<vmem>>, vector<1x16xf32>,
      %get3A_939 = vector.shape_cast %get3A_938 : vector<1x16xf32> to vector<16xf32>
      %add3A_940 = arith.addf %get3A_935, %get3A_939 : vector<16xf32>
      %swap3A_941 = arith.index_cast %scan3A_148 : i32 to index
      %swap3A_942 = arith.constant 896 : index
      %swap3A_943 = tpu.vector_load %arg8[%swap3A_941, %swap3A_942] {strides = array<i32>} : memref<16x1024xf32, #tpu.memory_space<vmem>>, vector<1x16xf32>,
      %swap3A_944 = vector.shape_cast %swap3A_943 : vector<1x16xf32> to vector<16xf32>
      %swap3A_945 = vector.shape_cast %add3A_940 : vector<16xf32> to vector<1x16xf32>
      tpu.vector_store %arg8[%swap3A_941, %swap3A_942], %swap3A_945 {strides = array<i32>} : memref<16x1024xf32, #tpu.memory_space<vmem>>, vector<1x16xf32>,
      %get3A_946 = arith.index_cast %scan3A_148 : i32 to index
      %get3A_947 = arith.constant 912 : index
      %get3A_948 = tpu.vector_load %arg8[%get3A_946, %get3A_947] {strides = array<i32>} : memref<16x1024xf32, #tpu.memory_space<vmem>>, vector<1x16xf32>,
      %get3A_949 = vector.shape_cast %get3A_948 : vector<1x16xf32> to vector<16xf32>
      %get3A_950 = arith.index_cast %scan3A_148 : i32 to index
      %get3A_951 = arith.constant 912 : index
      %get3A_952 = tpu.vector_load %arg9[%get3A_950, %get3A_951] {strides = array<i32>} : memref<16x1024xf32, #tpu.memory_space<vmem>>, vector<1x16xf32>,
      %get3A_953 = vector.shape_cast %get3A_952 : vector<1x16xf32> to vector<16xf32>
      %add3A_954 = arith.addf %get3A_949, %get3A_953 : vector<16xf32>
      %swap3A_955 = arith.index_cast %scan3A_148 : i32 to index
      %swap3A_956 = arith.constant 912 : index
      %swap3A_957 = tpu.vector_load %arg8[%swap3A_955, %swap3A_956] {strides = array<i32>} : memref<16x1024xf32, #tpu.memory_space<vmem>>, vector<1x16xf32>,
      %swap3A_958 = vector.shape_cast %swap3A_957 : vector<1x16xf32> to vector<16xf32>
      %swap3A_959 = vector.shape_cast %add3A_954 : vector<16xf32> to vector<1x16xf32>
      tpu.vector_store %arg8[%swap3A_955, %swap3A_956], %swap3A_959 {strides = array<i32>} : memref<16x1024xf32, #tpu.memory_space<vmem>>, vector<1x16xf32>,
      %get3A_960 = arith.index_cast %scan3A_148 : i32 to index
      %get3A_961 = arith.constant 928 : index
      %get3A_962 = tpu.vector_load %arg8[%get3A_960, %get3A_961] {strides = array<i32>} : memref<16x1024xf32, #tpu.memory_space<vmem>>, vector<1x16xf32>,
      %get3A_963 = vector.shape_cast %get3A_962 : vector<1x16xf32> to vector<16xf32>
      %get3A_964 = arith.index_cast %scan3A_148 : i32 to index
      %get3A_965 = arith.constant 928 : index
      %get3A_966 = tpu.vector_load %arg9[%get3A_964, %get3A_965] {strides = array<i32>} : memref<16x1024xf32, #tpu.memory_space<vmem>>, vector<1x16xf32>,
      %get3A_967 = vector.shape_cast %get3A_966 : vector<1x16xf32> to vector<16xf32>
      %add3A_968 = arith.addf %get3A_963, %get3A_967 : vector<16xf32>
      %swap3A_969 = arith.index_cast %scan3A_148 : i32 to index
      %swap3A_970 = arith.constant 928 : index
      %swap3A_971 = tpu.vector_load %arg8[%swap3A_969, %swap3A_970] {strides = array<i32>} : memref<16x1024xf32, #tpu.memory_space<vmem>>, vector<1x16xf32>,
      %swap3A_972 = vector.shape_cast %swap3A_971 : vector<1x16xf32> to vector<16xf32>
      %swap3A_973 = vector.shape_cast %add3A_968 : vector<16xf32> to vector<1x16xf32>
      tpu.vector_store %arg8[%swap3A_969, %swap3A_970], %swap3A_973 {strides = array<i32>} : memref<16x1024xf32, #tpu.memory_space<vmem>>, vector<1x16xf32>,
      %get3A_974 = arith.index_cast %scan3A_148 : i32 to index
      %get3A_975 = arith.constant 944 : index
      %get3A_976 = tpu.vector_load %arg8[%get3A_974, %get3A_975] {strides = array<i32>} : memref<16x1024xf32, #tpu.memory_space<vmem>>, vector<1x16xf32>,
      %get3A_977 = vector.shape_cast %get3A_976 : vector<1x16xf32> to vector<16xf32>
      %get3A_978 = arith.index_cast %scan3A_148 : i32 to index
      %get3A_979 = arith.constant 944 : index
      %get3A_980 = tpu.vector_load %arg9[%get3A_978, %get3A_979] {strides = array<i32>} : memref<16x1024xf32, #tpu.memory_space<vmem>>, vector<1x16xf32>,
      %get3A_981 = vector.shape_cast %get3A_980 : vector<1x16xf32> to vector<16xf32>
      %add3A_982 = arith.addf %get3A_977, %get3A_981 : vector<16xf32>
      %swap3A_983 = arith.index_cast %scan3A_148 : i32 to index
      %swap3A_984 = arith.constant 944 : index
      %swap3A_985 = tpu.vector_load %arg8[%swap3A_983, %swap3A_984] {strides = array<i32>} : memref<16x1024xf32, #tpu.memory_space<vmem>>, vector<1x16xf32>,
      %swap3A_986 = vector.shape_cast %swap3A_985 : vector<1x16xf32> to vector<16xf32>
      %swap3A_987 = vector.shape_cast %add3A_982 : vector<16xf32> to vector<1x16xf32>
      tpu.vector_store %arg8[%swap3A_983, %swap3A_984], %swap3A_987 {strides = array<i32>} : memref<16x1024xf32, #tpu.memory_space<vmem>>, vector<1x16xf32>,
      %get3A_988 = arith.index_cast %scan3A_148 : i32 to index
      %get3A_989 = arith.constant 960 : index
      %get3A_990 = tpu.vector_load %arg8[%get3A_988, %get3A_989] {strides = array<i32>} : memref<16x1024xf32, #tpu.memory_space<vmem>>, vector<1x16xf32>,
      %get3A_991 = vector.shape_cast %get3A_990 : vector<1x16xf32> to vector<16xf32>
      %get3A_992 = arith.index_cast %scan3A_148 : i32 to index
      %get3A_993 = arith.constant 960 : index
      %get3A_994 = tpu.vector_load %arg9[%get3A_992, %get3A_993] {strides = array<i32>} : memref<16x1024xf32, #tpu.memory_space<vmem>>, vector<1x16xf32>,
      %get3A_995 = vector.shape_cast %get3A_994 : vector<1x16xf32> to vector<16xf32>
      %add3A_996 = arith.addf %get3A_991, %get3A_995 : vector<16xf32>
      %swap3A_997 = arith.index_cast %scan3A_148 : i32 to index
      %swap3A_998 = arith.constant 960 : index
      %swap3A_999 = tpu.vector_load %arg8[%swap3A_997, %swap3A_998] {strides = array<i32>} : memref<16x1024xf32, #tpu.memory_space<vmem>>, vector<1x16xf32>,
      %swap3A_1000 = vector.shape_cast %swap3A_999 : vector<1x16xf32> to vector<16xf32>
      %swap3A_1001 = vector.shape_cast %add3A_996 : vector<16xf32> to vector<1x16xf32>
      tpu.vector_store %arg8[%swap3A_997, %swap3A_998], %swap3A_1001 {strides = array<i32>} : memref<16x1024xf32, #tpu.memory_space<vmem>>, vector<1x16xf32>,
      %get3A_1002 = arith.index_cast %scan3A_148 : i32 to index
      %get3A_1003 = arith.constant 976 : index
      %get3A_1004 = tpu.vector_load %arg8[%get3A_1002, %get3A_1003] {strides = array<i32>} : memref<16x1024xf32, #tpu.memory_space<vmem>>, vector<1x16xf32>,
      %get3A_1005 = vector.shape_cast %get3A_1004 : vector<1x16xf32> to vector<16xf32>
      %get3A_1006 = arith.index_cast %scan3A_148 : i32 to index
      %get3A_1007 = arith.constant 976 : index
      %get3A_1008 = tpu.vector_load %arg9[%get3A_1006, %get3A_1007] {strides = array<i32>} : memref<16x1024xf32, #tpu.memory_space<vmem>>, vector<1x16xf32>,
      %get3A_1009 = vector.shape_cast %get3A_1008 : vector<1x16xf32> to vector<16xf32>
      %add3A_1010 = arith.addf %get3A_1005, %get3A_1009 : vector<16xf32>
      %swap3A_1011 = arith.index_cast %scan3A_148 : i32 to index
      %swap3A_1012 = arith.constant 976 : index
      %swap3A_1013 = tpu.vector_load %arg8[%swap3A_1011, %swap3A_1012] {strides = array<i32>} : memref<16x1024xf32, #tpu.memory_space<vmem>>, vector<1x16xf32>,
      %swap3A_1014 = vector.shape_cast %swap3A_1013 : vector<1x16xf32> to vector<16xf32>
      %swap3A_1015 = vector.shape_cast %add3A_1010 : vector<16xf32> to vector<1x16xf32>
      tpu.vector_store %arg8[%swap3A_1011, %swap3A_1012], %swap3A_1015 {strides = array<i32>} : memref<16x1024xf32, #tpu.memory_space<vmem>>, vector<1x16xf32>,
      %get3A_1016 = arith.index_cast %scan3A_148 : i32 to index
      %get3A_1017 = arith.constant 992 : index
      %get3A_1018 = tpu.vector_load %arg8[%get3A_1016, %get3A_1017] {strides = array<i32>} : memref<16x1024xf32, #tpu.memory_space<vmem>>, vector<1x16xf32>,
      %get3A_1019 = vector.shape_cast %get3A_1018 : vector<1x16xf32> to vector<16xf32>
      %get3A_1020 = arith.index_cast %scan3A_148 : i32 to index
      %get3A_1021 = arith.constant 992 : index
      %get3A_1022 = tpu.vector_load %arg9[%get3A_1020, %get3A_1021] {strides = array<i32>} : memref<16x1024xf32, #tpu.memory_space<vmem>>, vector<1x16xf32>,
      %get3A_1023 = vector.shape_cast %get3A_1022 : vector<1x16xf32> to vector<16xf32>
      %add3A_1024 = arith.addf %get3A_1019, %get3A_1023 : vector<16xf32>
      %swap3A_1025 = arith.index_cast %scan3A_148 : i32 to index
      %swap3A_1026 = arith.constant 992 : index
      %swap3A_1027 = tpu.vector_load %arg8[%swap3A_1025, %swap3A_1026] {strides = array<i32>} : memref<16x1024xf32, #tpu.memory_space<vmem>>, vector<1x16xf32>,
      %swap3A_1028 = vector.shape_cast %swap3A_1027 : vector<1x16xf32> to vector<16xf32>
      %swap3A_1029 = vector.shape_cast %add3A_1024 : vector<16xf32> to vector<1x16xf32>
      tpu.vector_store %arg8[%swap3A_1025, %swap3A_1026], %swap3A_1029 {strides = array<i32>} : memref<16x1024xf32, #tpu.memory_space<vmem>>, vector<1x16xf32>,
      %get3A_1030 = arith.index_cast %scan3A_148 : i32 to index
      %get3A_1031 = arith.constant 1008 : index
      %get3A_1032 = tpu.vector_load %arg8[%get3A_1030, %get3A_1031] {strides = array<i32>} : memref<16x1024xf32, #tpu.memory_space<vmem>>, vector<1x16xf32>,
      %get3A_1033 = vector.shape_cast %get3A_1032 : vector<1x16xf32> to vector<16xf32>
      %get3A_1034 = arith.index_cast %scan3A_148 : i32 to index
      %get3A_1035 = arith.constant 1008 : index
      %get3A_1036 = tpu.vector_load %arg9[%get3A_1034, %get3A_1035] {strides = array<i32>} : memref<16x1024xf32, #tpu.memory_space<vmem>>, vector<1x16xf32>,
      %get3A_1037 = vector.shape_cast %get3A_1036 : vector<1x16xf32> to vector<16xf32>
      %add3A_1038 = arith.addf %get3A_1033, %get3A_1037 : vector<16xf32>
      %swap3A_1039 = arith.index_cast %scan3A_148 : i32 to index
      %swap3A_1040 = arith.constant 1008 : index
      %swap3A_1041 = tpu.vector_load %arg8[%swap3A_1039, %swap3A_1040] {strides = array<i32>} : memref<16x1024xf32, #tpu.memory_space<vmem>>, vector<1x16xf32>,
      %swap3A_1042 = vector.shape_cast %swap3A_1041 : vector<1x16xf32> to vector<16xf32>
      %swap3A_1043 = vector.shape_cast %add3A_1038 : vector<16xf32> to vector<1x16xf32>
      tpu.vector_store %arg8[%swap3A_1039, %swap3A_1040], %swap3A_1043 {strides = array<i32>} : memref<16x1024xf32, #tpu.memory_space<vmem>>, vector<1x16xf32>,
      %scan3A_1044 = arith.constant 0 : i32
      scf.yield %scan3A_1044 : i32
    }
    %scan3A_129 = arith.constant 16 : i32
    %add3A_130 = arith.constant 48 : i32
    %add3A_131 = arith.addi %mul3A_2, %add3A_130 : i32
    %dma_start3A_132 = arith.constant 0 : i32
    %dma_start3A_133 = tpu.memref_slice %arg5[%add3A_131, %dma_start3A_132] : memref<2048x1024xf32, #tpu.memory_space<hbm>> -> memref<16x1024xf32, #tpu.memory_space<hbm>>
    %dma_start3A_134 = arith.constant 0 : i32
    %dma_start3A_135 = tpu.memref_slice %arg5[%add3A_131, %dma_start3A_134] : memref<2048x1024xf32, #tpu.memory_space<hbm>> -> memref<16x1024xf32, #tpu.memory_space<hbm>>
    tpu.enqueue_dma source(%arg8 : memref<16x1024xf32, #tpu.memory_space<vmem>>) target(%dma_start3A_135 : memref<16x1024xf32, #tpu.memory_space<hbm>>) target_semaphore(%arg20 : memref<!tpu.dma_semaphore, #tpu.memory_space<semaphore_mem>>)
    %dma_wait3A_136 = arith.constant 0 : i32
    %dma_wait3A_137 = tpu.memref_slice %arg5[%add3A_85, %dma_wait3A_136] : memref<2048x1024xf32, #tpu.memory_space<hbm>> -> memref<16x1024xf32, #tpu.memory_space<hbm>>
    %dma_wait3A_138 = arith.constant 0 : i32
    %dma_wait3A_139 = tpu.memref_slice %arg5[%add3A_85, %dma_wait3A_138] : memref<2048x1024xf32, #tpu.memory_space<hbm>> -> memref<16x1024xf32, #tpu.memory_space<hbm>>
    tpu.wait_dma2 semaphore(%arg21 : memref<!tpu.dma_semaphore, #tpu.memory_space<semaphore_mem>>) src(%arg10 : memref<16x1024xf32, #tpu.memory_space<vmem>>) dst(%dma_wait3A_139 : memref<16x1024xf32, #tpu.memory_space<hbm>>)
    %dma_wait3A_140 = arith.constant 0 : i32
    %dma_wait3A_141 = tpu.memref_slice %arg5[%add3A_108, %dma_wait3A_140] : memref<2048x1024xf32, #tpu.memory_space<hbm>> -> memref<16x1024xf32, #tpu.memory_space<hbm>>
    %dma_wait3A_142 = arith.constant 0 : i32
    %dma_wait3A_143 = tpu.memref_slice %arg5[%add3A_108, %dma_wait3A_142] : memref<2048x1024xf32, #tpu.memory_space<hbm>> -> memref<16x1024xf32, #tpu.memory_space<hbm>>
    tpu.wait_dma2 semaphore(%arg22 : memref<!tpu.dma_semaphore, #tpu.memory_space<semaphore_mem>>) src(%arg12 : memref<16x1024xf32, #tpu.memory_space<vmem>>) dst(%dma_wait3A_143 : memref<16x1024xf32, #tpu.memory_space<hbm>>)
    %dma_wait3A_144 = arith.constant 0 : i32
    %dma_wait3A_145 = tpu.memref_slice %arg5[%add3A_131, %dma_wait3A_144] : memref<2048x1024xf32, #tpu.memory_space<hbm>> -> memref<16x1024xf32, #tpu.memory_space<hbm>>
    %dma_wait3A_146 = arith.constant 0 : i32
    %dma_wait3A_147 = tpu.memref_slice %arg5[%add3A_131, %dma_wait3A_146] : memref<2048x1024xf32, #tpu.memory_space<hbm>> -> memref<16x1024xf32, #tpu.memory_space<hbm>>
    tpu.wait_dma2 semaphore(%arg20 : memref<!tpu.dma_semaphore, #tpu.memory_space<semaphore_mem>>) src(%arg8 : memref<16x1024xf32, #tpu.memory_space<vmem>>) dst(%dma_wait3A_147 : memref<16x1024xf32, #tpu.memory_space<hbm>>)
    return
  }
}

#map = affine_map<(d0, d1) -> (0, 0)>
#map1 = affine_map<(d0, d1) -> (0, 0, 0)>
#map2 = affine_map<(d0, d1) -> (0, 0, 0, 0)>
module attributes {stable_mosaic.version = 14 : i64} {
  func.func @sc_dispatch_scatter(%arg0: i32, %arg1: i32, %arg2: memref<2048x1024xf32, #tpu.memory_space<hbm>>, %arg3: memref<32x2x64xi32, #tpu.memory_space<hbm>>, %arg4: memref<32x2x64x128xf32, #tpu.memory_space<hbm>>, %arg5: memref<5888x1024xf32, #tpu.memory_space<hbm>>, %arg6: memref<5888x128xf32, #tpu.memory_space<hbm>>, %arg7: memref<2x64xi32, #tpu.memory_space<vmem>>, %arg8: memref<64x1024xf32, #tpu.memory_space<vmem>>, %arg9: memref<2x64x128xf32, #tpu.memory_space<vmem>>, %arg10: memref<!tpu.dma_semaphore, #tpu.memory_space<semaphore_mem>>, %arg11: memref<!tpu.dma_semaphore, #tpu.memory_space<semaphore_mem>>, %arg12: memref<!tpu.dma_semaphore, #tpu.memory_space<semaphore_mem>>, %arg13: memref<!tpu.dma_semaphore, #tpu.memory_space<semaphore_mem>>) attributes {dimension_semantics = [#tpu.dimension_semantics<core_parallel>, #tpu.dimension_semantics<subcore_parallel>], iteration_bounds = array<i64: 2, 16>, scalar_prefetch = 0 : i64, scratch_operands = 7 : i64, tpu.core_type = #tpu.core_type<sc_vector_subcore>, window_params = [{transform_indices = #map}, {transform_indices = #map1}, {transform_indices = #map2}, {transform_indices = #map}, {transform_indices = #map}]} {
    %mul3A = arith.constant 2 : i32
    %mul3A_0 = arith.muli %arg1, %mul3A : i32
    %add3A = arith.addi %mul3A_0, %arg0 : i32
    %mul3A_1 = arith.constant 64 : i32
    %mul3A_2 = arith.muli %add3A, %mul3A_1 : i32
    "tpu.region"() ({
      %run_scoped3A = tpu.sem_alloc : memref<!tpu.dma_semaphore, #tpu.memory_space<semaphore_mem>>
      %dma_start3A_77 = arith.constant 0 : i32
      %dma_start3A_78 = arith.constant 0 : i32
      %dma_start3A_79 = tpu.memref_slice %arg3[%add3A, %dma_start3A_77, %dma_start3A_78] : memref<32x2x64xi32, #tpu.memory_space<hbm>> -> memref<1x2x64xi32, #tpu.memory_space<hbm>>
      %dma_start3A_80 = tpu.memref_squeeze %dma_start3A_79 : memref<1x2x64xi32, #tpu.memory_space<hbm>> -> memref<2x64xi32, #tpu.memory_space<hbm>>
      %dma_start3A_81 = arith.constant 0 : i32
      %dma_start3A_82 = arith.constant 0 : i32
      %dma_start3A_83 = tpu.memref_slice %arg3[%add3A, %dma_start3A_81, %dma_start3A_82] : memref<32x2x64xi32, #tpu.memory_space<hbm>> -> memref<1x2x64xi32, #tpu.memory_space<hbm>>
      %dma_start3A_84 = tpu.memref_squeeze %dma_start3A_83 : memref<1x2x64xi32, #tpu.memory_space<hbm>> -> memref<2x64xi32, #tpu.memory_space<hbm>>
      tpu.enqueue_dma source(%dma_start3A_84 : memref<2x64xi32, #tpu.memory_space<hbm>>) target(%arg7 : memref<2x64xi32, #tpu.memory_space<vmem>>) target_semaphore(%run_scoped3A : memref<!tpu.dma_semaphore, #tpu.memory_space<semaphore_mem>>)
      %dma_wait3A_85 = arith.constant 0 : i32
      %dma_wait3A_86 = arith.constant 0 : i32
      %dma_wait3A_87 = tpu.memref_slice %arg3[%add3A, %dma_wait3A_85, %dma_wait3A_86] : memref<32x2x64xi32, #tpu.memory_space<hbm>> -> memref<1x2x64xi32, #tpu.memory_space<hbm>>
      %dma_wait3A_88 = tpu.memref_squeeze %dma_wait3A_87 : memref<1x2x64xi32, #tpu.memory_space<hbm>> -> memref<2x64xi32, #tpu.memory_space<hbm>>
      %dma_wait3A_89 = arith.constant 0 : i32
      %dma_wait3A_90 = arith.constant 0 : i32
      %dma_wait3A_91 = tpu.memref_slice %arg3[%add3A, %dma_wait3A_89, %dma_wait3A_90] : memref<32x2x64xi32, #tpu.memory_space<hbm>> -> memref<1x2x64xi32, #tpu.memory_space<hbm>>
      %dma_wait3A_92 = tpu.memref_squeeze %dma_wait3A_91 : memref<1x2x64xi32, #tpu.memory_space<hbm>> -> memref<2x64xi32, #tpu.memory_space<hbm>>
      tpu.wait_dma2 semaphore(%run_scoped3A : memref<!tpu.dma_semaphore, #tpu.memory_space<semaphore_mem>>) src(%dma_wait3A_92 : memref<2x64xi32, #tpu.memory_space<hbm>>) dst(%arg7 : memref<2x64xi32, #tpu.memory_space<vmem>>)
      tpu.yield
    }) : () -> ()
    "tpu.region"() ({
      %run_scoped3A = tpu.sem_alloc : memref<!tpu.dma_semaphore, #tpu.memory_space<semaphore_mem>>
      %dma_start3A_77 = arith.constant 0 : i32
      %dma_start3A_78 = arith.constant 0 : i32
      %dma_start3A_79 = arith.constant 0 : i32
      %dma_start3A_80 = tpu.memref_slice %arg4[%add3A, %dma_start3A_77, %dma_start3A_78, %dma_start3A_79] : memref<32x2x64x128xf32, #tpu.memory_space<hbm>> -> memref<1x2x64x128xf32, #tpu.memory_space<hbm>>
      %dma_start3A_81 = tpu.memref_squeeze %dma_start3A_80 : memref<1x2x64x128xf32, #tpu.memory_space<hbm>> -> memref<2x64x128xf32, #tpu.memory_space<hbm>>
      %dma_start3A_82 = arith.constant 0 : i32
      %dma_start3A_83 = arith.constant 0 : i32
      %dma_start3A_84 = arith.constant 0 : i32
      %dma_start3A_85 = tpu.memref_slice %arg4[%add3A, %dma_start3A_82, %dma_start3A_83, %dma_start3A_84] : memref<32x2x64x128xf32, #tpu.memory_space<hbm>> -> memref<1x2x64x128xf32, #tpu.memory_space<hbm>>
      %dma_start3A_86 = tpu.memref_squeeze %dma_start3A_85 : memref<1x2x64x128xf32, #tpu.memory_space<hbm>> -> memref<2x64x128xf32, #tpu.memory_space<hbm>>
      tpu.enqueue_dma source(%dma_start3A_86 : memref<2x64x128xf32, #tpu.memory_space<hbm>>) target(%arg9 : memref<2x64x128xf32, #tpu.memory_space<vmem>>) target_semaphore(%run_scoped3A : memref<!tpu.dma_semaphore, #tpu.memory_space<semaphore_mem>>)
      %dma_wait3A_87 = arith.constant 0 : i32
      %dma_wait3A_88 = arith.constant 0 : i32
      %dma_wait3A_89 = arith.constant 0 : i32
      %dma_wait3A_90 = tpu.memref_slice %arg4[%add3A, %dma_wait3A_87, %dma_wait3A_88, %dma_wait3A_89] : memref<32x2x64x128xf32, #tpu.memory_space<hbm>> -> memref<1x2x64x128xf32, #tpu.memory_space<hbm>>
      %dma_wait3A_91 = tpu.memref_squeeze %dma_wait3A_90 : memref<1x2x64x128xf32, #tpu.memory_space<hbm>> -> memref<2x64x128xf32, #tpu.memory_space<hbm>>
      %dma_wait3A_92 = arith.constant 0 : i32
      %dma_wait3A_93 = arith.constant 0 : i32
      %dma_wait3A_94 = arith.constant 0 : i32
      %dma_wait3A_95 = tpu.memref_slice %arg4[%add3A, %dma_wait3A_92, %dma_wait3A_93, %dma_wait3A_94] : memref<32x2x64x128xf32, #tpu.memory_space<hbm>> -> memref<1x2x64x128xf32, #tpu.memory_space<hbm>>
      %dma_wait3A_96 = tpu.memref_squeeze %dma_wait3A_95 : memref<1x2x64x128xf32, #tpu.memory_space<hbm>> -> memref<2x64x128xf32, #tpu.memory_space<hbm>>
      tpu.wait_dma2 semaphore(%run_scoped3A : memref<!tpu.dma_semaphore, #tpu.memory_space<semaphore_mem>>) src(%dma_wait3A_96 : memref<2x64x128xf32, #tpu.memory_space<hbm>>) dst(%arg9 : memref<2x64x128xf32, #tpu.memory_space<vmem>>)
      tpu.yield
    }) : () -> ()
    "tpu.region"() ({
      %run_scoped3A = tpu.sem_alloc : memref<!tpu.dma_semaphore, #tpu.memory_space<semaphore_mem>>
      %dma_start3A_77 = arith.constant 0 : i32
      %dma_start3A_78 = tpu.memref_slice %arg2[%mul3A_2, %dma_start3A_77] : memref<2048x1024xf32, #tpu.memory_space<hbm>> -> memref<64x1024xf32, #tpu.memory_space<hbm>>
      %dma_start3A_79 = arith.constant 0 : i32
      %dma_start3A_80 = tpu.memref_slice %arg2[%mul3A_2, %dma_start3A_79] : memref<2048x1024xf32, #tpu.memory_space<hbm>> -> memref<64x1024xf32, #tpu.memory_space<hbm>>
      tpu.enqueue_dma source(%dma_start3A_80 : memref<64x1024xf32, #tpu.memory_space<hbm>>) target(%arg8 : memref<64x1024xf32, #tpu.memory_space<vmem>>) target_semaphore(%run_scoped3A : memref<!tpu.dma_semaphore, #tpu.memory_space<semaphore_mem>>)
      %dma_wait3A_81 = arith.constant 0 : i32
      %dma_wait3A_82 = tpu.memref_slice %arg2[%mul3A_2, %dma_wait3A_81] : memref<2048x1024xf32, #tpu.memory_space<hbm>> -> memref<64x1024xf32, #tpu.memory_space<hbm>>
      %dma_wait3A_83 = arith.constant 0 : i32
      %dma_wait3A_84 = tpu.memref_slice %arg2[%mul3A_2, %dma_wait3A_83] : memref<2048x1024xf32, #tpu.memory_space<hbm>> -> memref<64x1024xf32, #tpu.memory_space<hbm>>
      tpu.wait_dma2 semaphore(%run_scoped3A : memref<!tpu.dma_semaphore, #tpu.memory_space<semaphore_mem>>) src(%dma_wait3A_84 : memref<64x1024xf32, #tpu.memory_space<hbm>>) dst(%arg8 : memref<64x1024xf32, #tpu.memory_space<vmem>>)
      tpu.yield
    }) : () -> ()
    %dma_start3A = arith.constant 0 : i32
    %dma_start3A_3 = arith.constant 0 : i32
    %dma_start3A_4 = tpu.memref_slice %arg7[%dma_start3A, %dma_start3A_3] : memref<2x64xi32, #tpu.memory_space<vmem>> -> memref<1x64xi32, #tpu.memory_space<vmem>>
    %dma_start3A_5 = tpu.memref_squeeze %dma_start3A_4 : memref<1x64xi32, #tpu.memory_space<vmem>> -> memref<64xi32, #tpu.memory_space<vmem>>
    %dma_start3A_6 = arith.constant 0 : i32
    %dma_start3A_7 = arith.constant 0 : i32
    %dma_start3A_8 = tpu.memref_slice %arg5[%dma_start3A_6, %dma_start3A_7] : memref<5888x1024xf32, #tpu.memory_space<hbm>> -> memref<5888x1024xf32, #tpu.memory_space<hbm>>
    tpu.enqueue_indirect_dma source(%arg8 : memref<64x1024xf32, #tpu.memory_space<vmem>>) target(%dma_start3A_8 : memref<5888x1024xf32, #tpu.memory_space<hbm>>) offsets(%dma_start3A_5 : memref<64xi32, #tpu.memory_space<vmem>>) semaphore(%arg10 : memref<!tpu.dma_semaphore, #tpu.memory_space<semaphore_mem>>)
    %dma_start3A_9 = arith.constant 1 : i32
    %dma_start3A_10 = arith.constant 0 : i32
    %dma_start3A_11 = tpu.memref_slice %arg7[%dma_start3A_9, %dma_start3A_10] : memref<2x64xi32, #tpu.memory_space<vmem>> -> memref<1x64xi32, #tpu.memory_space<vmem>>
    %dma_start3A_12 = tpu.memref_squeeze %dma_start3A_11 : memref<1x64xi32, #tpu.memory_space<vmem>> -> memref<64xi32, #tpu.memory_space<vmem>>
    %dma_start3A_13 = arith.constant 0 : i32
    %dma_start3A_14 = arith.constant 0 : i32
    %dma_start3A_15 = tpu.memref_slice %arg5[%dma_start3A_13, %dma_start3A_14] : memref<5888x1024xf32, #tpu.memory_space<hbm>> -> memref<5888x1024xf32, #tpu.memory_space<hbm>>
    tpu.enqueue_indirect_dma source(%arg8 : memref<64x1024xf32, #tpu.memory_space<vmem>>) target(%dma_start3A_15 : memref<5888x1024xf32, #tpu.memory_space<hbm>>) offsets(%dma_start3A_12 : memref<64xi32, #tpu.memory_space<vmem>>) semaphore(%arg11 : memref<!tpu.dma_semaphore, #tpu.memory_space<semaphore_mem>>)
    %dma_start3A_16 = arith.constant 0 : i32
    %dma_start3A_17 = arith.constant 0 : i32
    %dma_start3A_18 = arith.constant 0 : i32
    %dma_start3A_19 = arith.constant 0 : i32
    %dma_start3A_20 = tpu.memref_slice %arg9[%dma_start3A_16, %dma_start3A_18, %dma_start3A_19] : memref<2x64x128xf32, #tpu.memory_space<vmem>> -> memref<1x64x128xf32, #tpu.memory_space<vmem>>
    %dma_start3A_21 = tpu.memref_squeeze %dma_start3A_20 : memref<1x64x128xf32, #tpu.memory_space<vmem>> -> memref<64x128xf32, #tpu.memory_space<vmem>>
    %dma_start3A_22 = arith.constant 0 : i32
    %dma_start3A_23 = tpu.memref_slice %arg7[%dma_start3A_17, %dma_start3A_22] : memref<2x64xi32, #tpu.memory_space<vmem>> -> memref<1x64xi32, #tpu.memory_space<vmem>>
    %dma_start3A_24 = tpu.memref_squeeze %dma_start3A_23 : memref<1x64xi32, #tpu.memory_space<vmem>> -> memref<64xi32, #tpu.memory_space<vmem>>
    %dma_start3A_25 = arith.constant 0 : i32
    %dma_start3A_26 = arith.constant 0 : i32
    %dma_start3A_27 = tpu.memref_slice %arg6[%dma_start3A_25, %dma_start3A_26] : memref<5888x128xf32, #tpu.memory_space<hbm>> -> memref<5888x128xf32, #tpu.memory_space<hbm>>
    tpu.enqueue_indirect_dma source(%dma_start3A_21 : memref<64x128xf32, #tpu.memory_space<vmem>>) target(%dma_start3A_27 : memref<5888x128xf32, #tpu.memory_space<hbm>>) offsets(%dma_start3A_24 : memref<64xi32, #tpu.memory_space<vmem>>) semaphore(%arg12 : memref<!tpu.dma_semaphore, #tpu.memory_space<semaphore_mem>>)
    %dma_start3A_28 = arith.constant 1 : i32
    %dma_start3A_29 = arith.constant 1 : i32
    %dma_start3A_30 = arith.constant 0 : i32
    %dma_start3A_31 = arith.constant 0 : i32
    %dma_start3A_32 = tpu.memref_slice %arg9[%dma_start3A_28, %dma_start3A_30, %dma_start3A_31] : memref<2x64x128xf32, #tpu.memory_space<vmem>> -> memref<1x64x128xf32, #tpu.memory_space<vmem>>
    %dma_start3A_33 = tpu.memref_squeeze %dma_start3A_32 : memref<1x64x128xf32, #tpu.memory_space<vmem>> -> memref<64x128xf32, #tpu.memory_space<vmem>>
    %dma_start3A_34 = arith.constant 0 : i32
    %dma_start3A_35 = tpu.memref_slice %arg7[%dma_start3A_29, %dma_start3A_34] : memref<2x64xi32, #tpu.memory_space<vmem>> -> memref<1x64xi32, #tpu.memory_space<vmem>>
    %dma_start3A_36 = tpu.memref_squeeze %dma_start3A_35 : memref<1x64xi32, #tpu.memory_space<vmem>> -> memref<64xi32, #tpu.memory_space<vmem>>
    %dma_start3A_37 = arith.constant 0 : i32
    %dma_start3A_38 = arith.constant 0 : i32
    %dma_start3A_39 = tpu.memref_slice %arg6[%dma_start3A_37, %dma_start3A_38] : memref<5888x128xf32, #tpu.memory_space<hbm>> -> memref<5888x128xf32, #tpu.memory_space<hbm>>
    tpu.enqueue_indirect_dma source(%dma_start3A_33 : memref<64x128xf32, #tpu.memory_space<vmem>>) target(%dma_start3A_39 : memref<5888x128xf32, #tpu.memory_space<hbm>>) offsets(%dma_start3A_36 : memref<64xi32, #tpu.memory_space<vmem>>) semaphore(%arg13 : memref<!tpu.dma_semaphore, #tpu.memory_space<semaphore_mem>>)
    %dma_wait3A = arith.constant 0 : i32
    %dma_wait3A_40 = arith.constant 0 : i32
    %dma_wait3A_41 = tpu.memref_slice %arg7[%dma_wait3A, %dma_wait3A_40] : memref<2x64xi32, #tpu.memory_space<vmem>> -> memref<1x64xi32, #tpu.memory_space<vmem>>
    %dma_wait3A_42 = tpu.memref_squeeze %dma_wait3A_41 : memref<1x64xi32, #tpu.memory_space<vmem>> -> memref<64xi32, #tpu.memory_space<vmem>>
    %dma_wait3A_43 = arith.constant 0 : i32
    %dma_wait3A_44 = arith.constant 0 : i32
    %dma_wait3A_45 = tpu.memref_slice %arg5[%dma_wait3A_43, %dma_wait3A_44] : memref<5888x1024xf32, #tpu.memory_space<hbm>> -> memref<5888x1024xf32, #tpu.memory_space<hbm>>
    tpu.wait_indirect_dma semaphore(%arg10 : memref<!tpu.dma_semaphore, #tpu.memory_space<semaphore_mem>>) src(%arg8 : memref<64x1024xf32, #tpu.memory_space<vmem>>) dst(%dma_wait3A_45 : memref<5888x1024xf32, #tpu.memory_space<hbm>>)
    %dma_wait3A_46 = arith.constant 1 : i32
    %dma_wait3A_47 = arith.constant 0 : i32
    %dma_wait3A_48 = tpu.memref_slice %arg7[%dma_wait3A_46, %dma_wait3A_47] : memref<2x64xi32, #tpu.memory_space<vmem>> -> memref<1x64xi32, #tpu.memory_space<vmem>>
    %dma_wait3A_49 = tpu.memref_squeeze %dma_wait3A_48 : memref<1x64xi32, #tpu.memory_space<vmem>> -> memref<64xi32, #tpu.memory_space<vmem>>
    %dma_wait3A_50 = arith.constant 0 : i32
    %dma_wait3A_51 = arith.constant 0 : i32
    %dma_wait3A_52 = tpu.memref_slice %arg5[%dma_wait3A_50, %dma_wait3A_51] : memref<5888x1024xf32, #tpu.memory_space<hbm>> -> memref<5888x1024xf32, #tpu.memory_space<hbm>>
    tpu.wait_indirect_dma semaphore(%arg11 : memref<!tpu.dma_semaphore, #tpu.memory_space<semaphore_mem>>) src(%arg8 : memref<64x1024xf32, #tpu.memory_space<vmem>>) dst(%dma_wait3A_52 : memref<5888x1024xf32, #tpu.memory_space<hbm>>)
    %dma_wait3A_53 = arith.constant 0 : i32
    %dma_wait3A_54 = arith.constant 0 : i32
    %dma_wait3A_55 = arith.constant 0 : i32
    %dma_wait3A_56 = arith.constant 0 : i32
    %dma_wait3A_57 = tpu.memref_slice %arg9[%dma_wait3A_53, %dma_wait3A_55, %dma_wait3A_56] : memref<2x64x128xf32, #tpu.memory_space<vmem>> -> memref<1x64x128xf32, #tpu.memory_space<vmem>>
    %dma_wait3A_58 = tpu.memref_squeeze %dma_wait3A_57 : memref<1x64x128xf32, #tpu.memory_space<vmem>> -> memref<64x128xf32, #tpu.memory_space<vmem>>
    %dma_wait3A_59 = arith.constant 0 : i32
    %dma_wait3A_60 = tpu.memref_slice %arg7[%dma_wait3A_54, %dma_wait3A_59] : memref<2x64xi32, #tpu.memory_space<vmem>> -> memref<1x64xi32, #tpu.memory_space<vmem>>
    %dma_wait3A_61 = tpu.memref_squeeze %dma_wait3A_60 : memref<1x64xi32, #tpu.memory_space<vmem>> -> memref<64xi32, #tpu.memory_space<vmem>>
    %dma_wait3A_62 = arith.constant 0 : i32
    %dma_wait3A_63 = arith.constant 0 : i32
    %dma_wait3A_64 = tpu.memref_slice %arg6[%dma_wait3A_62, %dma_wait3A_63] : memref<5888x128xf32, #tpu.memory_space<hbm>> -> memref<5888x128xf32, #tpu.memory_space<hbm>>
    tpu.wait_indirect_dma semaphore(%arg12 : memref<!tpu.dma_semaphore, #tpu.memory_space<semaphore_mem>>) src(%dma_wait3A_58 : memref<64x128xf32, #tpu.memory_space<vmem>>) dst(%dma_wait3A_64 : memref<5888x128xf32, #tpu.memory_space<hbm>>)
    %dma_wait3A_65 = arith.constant 1 : i32
    %dma_wait3A_66 = arith.constant 1 : i32
    %dma_wait3A_67 = arith.constant 0 : i32
    %dma_wait3A_68 = arith.constant 0 : i32
    %dma_wait3A_69 = tpu.memref_slice %arg9[%dma_wait3A_65, %dma_wait3A_67, %dma_wait3A_68] : memref<2x64x128xf32, #tpu.memory_space<vmem>> -> memref<1x64x128xf32, #tpu.memory_space<vmem>>
    %dma_wait3A_70 = tpu.memref_squeeze %dma_wait3A_69 : memref<1x64x128xf32, #tpu.memory_space<vmem>> -> memref<64x128xf32, #tpu.memory_space<vmem>>
    %dma_wait3A_71 = arith.constant 0 : i32
    %dma_wait3A_72 = tpu.memref_slice %arg7[%dma_wait3A_66, %dma_wait3A_71] : memref<2x64xi32, #tpu.memory_space<vmem>> -> memref<1x64xi32, #tpu.memory_space<vmem>>
    %dma_wait3A_73 = tpu.memref_squeeze %dma_wait3A_72 : memref<1x64xi32, #tpu.memory_space<vmem>> -> memref<64xi32, #tpu.memory_space<vmem>>
    %dma_wait3A_74 = arith.constant 0 : i32
    %dma_wait3A_75 = arith.constant 0 : i32
    %dma_wait3A_76 = tpu.memref_slice %arg6[%dma_wait3A_74, %dma_wait3A_75] : memref<5888x128xf32, #tpu.memory_space<hbm>> -> memref<5888x128xf32, #tpu.memory_space<hbm>>
    tpu.wait_indirect_dma semaphore(%arg13 : memref<!tpu.dma_semaphore, #tpu.memory_space<semaphore_mem>>) src(%dma_wait3A_70 : memref<64x128xf32, #tpu.memory_space<vmem>>) dst(%dma_wait3A_76 : memref<5888x128xf32, #tpu.memory_space<hbm>>)
    return
  }
}

module attributes {stable_mosaic.version = 14 : i64} {
  func.func @_ffn_body(%arg0: i32, %arg1: memref<23xi32, #tpu.memory_space<smem>>, %arg2: memref<256x1024xf32, #tpu.memory_space<vmem>>, %arg3: memref<1x1024x1024xf32, #tpu.memory_space<vmem>>, %arg4: memref<1x1024x512xf32, #tpu.memory_space<vmem>>, %arg5: memref<256x128xf32, #tpu.memory_space<vmem>>, %arg6: memref<256x1024xf32, #tpu.memory_space<vmem>>) attributes {dimension_semantics = [#tpu.dimension_semantics<arbitrary>], iteration_bounds = array<i64: 23>, scalar_prefetch = 1 : i64, scratch_operands = 0 : i64, tpu.core_type = #tpu.core_type<tc>, window_params = [{transform_indices = @transform_0, window_bounds = array<i64: 256, 1024>}, {transform_indices = @transform_1, window_bounds = array<i64: 1, 1024, 1024>}, {transform_indices = @transform_2, window_bounds = array<i64: 1, 1024, 512>}, {transform_indices = @transform_3, window_bounds = array<i64: 256, 128>}, {transform_indices = @transform_4, window_bounds = array<i64: 256, 1024>}]} {
    %get3A = arith.constant 0 : index
    %get3A_0 = arith.constant 0 : index
    %get3A_1 = vector.load %arg2[%get3A, %get3A_0] : memref<256x1024xf32, #tpu.memory_space<vmem>>, vector<256x1024xf32>
    %get3A_2 = arith.constant 0 : index
    %get3A_3 = arith.constant 0 : index
    %get3A_4 = arith.constant 0 : index
    %get3A_5 = vector.load %arg3[%get3A_2, %get3A_3, %get3A_4] : memref<1x1024x1024xf32, #tpu.memory_space<vmem>>, vector<1x1024x1024xf32>
    %get3A_6 = vector.shape_cast %get3A_5 : vector<1x1024x1024xf32> to vector<1024x1024xf32>
    %dot_general3A = arith.constant dense<0.000000e+00> : vector<256x1024xf32>
    %dot_general3A_7 = tpu.matmul %get3A_1, %get3A_6, %dot_general3A {dimension_numbers = #tpu.dot_dimension_numbers<[1], [1], [0], [0], [0, 0, 1, 0], [], []>, transpose_lhs_hint = false} : vector<256x1024xf32>, vector<1024x1024xf32>, vector<256x1024xf32> -> vector<256x1024xf32>
    %slice3A = vector.extract_strided_slice %dot_general3A_7 {offsets = [0, 0], sizes = [256, 512], strides = [1, 1]} : vector<256x1024xf32> to vector<256x512xf32>
    %slice3A_8 = vector.extract_strided_slice %dot_general3A_7 {offsets = [0, 512], sizes = [256, 512], strides = [1, 1]} : vector<256x1024xf32> to vector<256x512xf32>
    %logistic3A = arith.negf %slice3A : vector<256x512xf32>
    %logistic3A_9 = math.exp %logistic3A : vector<256x512xf32>
    %logistic3A_10 = arith.constant 1.000000e+00 : f32
    %logistic3A_11 = vector.broadcast %logistic3A_10 : f32 to vector<256x512xf32>
    %logistic3A_12 = arith.addf %logistic3A_11, %logistic3A_9 : vector<256x512xf32>
    %logistic3A_13 = arith.divf %logistic3A_11, %logistic3A_12 : vector<256x512xf32>
    %mul3A = arith.mulf %slice3A, %logistic3A_13 : vector<256x512xf32>
    %mul3A_14 = arith.mulf %mul3A, %slice3A_8 : vector<256x512xf32>
    %get3A_15 = arith.constant 0 : index
    %get3A_16 = arith.constant 0 : index
    %get3A_17 = arith.constant 0 : index
    %get3A_18 = vector.load %arg4[%get3A_15, %get3A_16, %get3A_17] : memref<1x1024x512xf32, #tpu.memory_space<vmem>>, vector<1x1024x512xf32>
    %get3A_19 = vector.shape_cast %get3A_18 : vector<1x1024x512xf32> to vector<1024x512xf32>
    %dot_general3A_20 = arith.constant dense<0.000000e+00> : vector<256x1024xf32>
    %dot_general3A_21 = tpu.matmul %mul3A_14, %get3A_19, %dot_general3A_20 {dimension_numbers = #tpu.dot_dimension_numbers<[1], [1], [0], [0], [0, 0, 1, 0], [], []>, transpose_lhs_hint = false} : vector<256x512xf32>, vector<1024x512xf32>, vector<256x1024xf32> -> vector<256x1024xf32>
    %get3A_22 = arith.constant 0 : index
    %get3A_23 = arith.constant 0 : index
    %get3A_24 = vector.load %arg5[%get3A_22, %get3A_23] : memref<256x128xf32, #tpu.memory_space<vmem>>, vector<256x1xf32>
    %mul3A_25 = vector.broadcast %get3A_24 : vector<256x1xf32> to vector<256x1024xf32>
    %mul3A_26 = arith.mulf %dot_general3A_21, %mul3A_25 : vector<256x1024xf32>
    %swap3A = arith.constant 0 : index
    %swap3A_27 = arith.constant 0 : index
    %swap3A_28 = vector.load %arg6[%swap3A, %swap3A_27] : memref<256x1024xf32, #tpu.memory_space<vmem>>, vector<256x1024xf32>
    tpu.vector_store %arg6[%swap3A, %swap3A_27], %mul3A_26 {strides = array<i32>} : memref<256x1024xf32, #tpu.memory_space<vmem>>, vector<256x1024xf32>,
    return
  }
  func.func @transform_0(%arg0: i32, %arg1: memref<23xi32, #tpu.memory_space<smem>>) -> (i32, i32) {
    %c0_i32 = arith.constant 0 : i32
    %c0_i32_0 = arith.constant 0 : i32
    return %arg0, %c0_i32 : i32, i32
  }
  func.func @transform_1(%arg0: i32, %arg1: memref<23xi32, #tpu.memory_space<smem>>) -> (i32, i32, i32) {
    %get3A = arith.index_cast %arg0 : i32 to index
    %get3A_0 = memref.load %arg1[%get3A] : memref<23xi32, #tpu.memory_space<smem>>
    %c0_i32 = arith.constant 0 : i32
    %c0_i32_1 = arith.constant 0 : i32
    %c0_i32_2 = arith.constant 0 : i32
    return %get3A_0, %c0_i32, %c0_i32_1 : i32, i32, i32
  }
  func.func @transform_2(%arg0: i32, %arg1: memref<23xi32, #tpu.memory_space<smem>>) -> (i32, i32, i32) {
    %get3A = arith.index_cast %arg0 : i32 to index
    %get3A_0 = memref.load %arg1[%get3A] : memref<23xi32, #tpu.memory_space<smem>>
    %c0_i32 = arith.constant 0 : i32
    %c0_i32_1 = arith.constant 0 : i32
    %c0_i32_2 = arith.constant 0 : i32
    return %get3A_0, %c0_i32, %c0_i32_1 : i32, i32, i32
  }
  func.func @transform_3(%arg0: i32, %arg1: memref<23xi32, #tpu.memory_space<smem>>) -> (i32, i32) {
    %c0_i32 = arith.constant 0 : i32
    %c0_i32_0 = arith.constant 0 : i32
    return %arg0, %c0_i32 : i32, i32
  }
  func.func @transform_4(%arg0: i32, %arg1: memref<23xi32, #tpu.memory_space<smem>>) -> (i32, i32) {
    %c0_i32 = arith.constant 0 : i32
    %c0_i32_0 = arith.constant 0 : i32
    return %arg0, %c0_i32 : i32, i32
  }
}

</mosaic_0001>

<sc_bundles>
// kernel: sc_combine_gather.3.cloned.1.call-start
scs
__scs_entry_jumppad:
0x0: {  	(pc) =	sbr.rel $0x88, $3  }
0x1: {  	(tag) =	ssettag $0x0;
	lr =	simm.s32 $0x1  }
0x2: {  	[smem:$0x3F9C] =	sst lr;
	_ =	strace $0xD0000000  }
0x3: {  	_ = 	snop  }
0x4: {  	_ = 	snop  }
0x5: {  	_ = 	snop  }
0x6: {  	_ = 	snop  }
0x7: {  	_ = 	snop  }
__scs_overlays_trampoline_lowered:
0x8: {  	[smem:$0x3FAB] =	sst s0  }
0x9: {  	[smem:$0x3FAC] =	sst s1  }
0xa: {  	[smem:$0x3FAD] =	sst s2  }
0xb: {  	[smem:$0x3FAE] =	sst s3  }
0xc: {  	[smem:$0x3FAF] =	sst s4  }
0xd: {  	[smem:$0x3FB0] =	sst s5  }
0xe: {  	[smem:$0x3FB1] =	sst s6  }
0xf: {  	[smem:$0x3FB2] =	sst s7  }
0x10: {  	[smem:$0x3FB3] =	sst s8  }
0x11: {  	[smem:$0x3FB4] =	sst s9;
	s0 =	simm.s32 @!p0 $0x0  }
0x12: {  	s1 =	sld [smem:$0x3F9A];
	s0 =	simm.s32 @p0 $0x1  }
0x13: {  	[smem:$0x3FB5] =	sst s0;
	s0 =	simm.s32 @!p1 $0x0  }
0x14: {  	s2 =	sld [smem:$0x3F99];
	s0 =	simm.s32 @p1 $0x1  }
0x15: {  	[smem:$0x3FB6] =	sst s0;
	s0 =	simm.s32 @!p2 $0x0  }
0x16: {  	s3 =	sld [smem:$0x3FDB];
	s0 =	simm.s32 @p2 $0x1  }
0x17: {  	s4 =	simm.s32 $0x1BF5;
	[smem:$0x3FB8] =	sst s0  }
0x18: {  	s0 =	sld [smem:$0x3F9B];
	_ =	swait.ge [sflag:s4], $0x0  }
0x19: {  	s7 =	sld [smem:$0x3F9C]  }
0x1a: {  	s8 =	sadd.s32 $0xFFFFE003, lr  }
0x1b: {  	s9 =	sadd.s32 $0xFFFFFEF7, lr;
	s5 =	simm.s32 $0xFFFFFFFF;
	p2 =	slt.u32 s8, $0xFFFFF086  }
0x1c: {  	p1 =	slt.u32 s9, $0xF7A;
	s5 =	simm.s32 @!p2 $0x0  }
0x1d: {  	s5 =	simm.s32 @p1 $0x1;
	p0 =	seq.s32 s7, s2  }
0x1e: {  	s7 =	smul.u32 @!p0 $0xF7A, s2;
	p2 =	seq.s32 @!p0 s5, $0x0  }
0x1f: {  	s9 =	smul.u32 $0xF7A, s1;
	s8 =	simm.s32 @!p0 $0x1BF5;
	p2 =	por !p2, p0  }
0x20: {  	[sflag:s8] =	ssyncset.s32 @!p0 $0xFFFFF086;
	s6 =	sadd.s32 @!p0 s3, s7;
	s7 =	simm.s32 @!p0 $0x108  }
0x21: {  	s3 =	sadd.s32 s3, s9;
	s6 =	sadd.s32 @!p0 $0x88, s6;
	s7 =	simm.s32 @p2 $0x1082  }
0x22: {  	[simem:s7], [sflag:s8] =	dma.local @!p0 [hbm:s6], $0xF7A  }
0x23: {  	s9 =	sor.u32 $0xD0000000, s2;
	s6 =	simm.s32 $0x108;
	_ =	swait.ge @!p0 [sflag:s8], $0x0  }
0x24: {  	s3 =	sadd.s32 $0x88, s3;
	s6 =	simm.s32 @!p1 $0x1082;
	[sflag:s4] =	ssyncset.s32 $0xFFFFF086  }
0x25: {  	[simem:s6], [sflag:s4] =	dma.local [hbm:s3], $0xF7A  }
0x26: {  	[smem:$0x3F9C] =	sst s1;
	(tag) =	ssettag s2;
	_ =	strace s9  }
0x27: {  	s1 =	sld [smem:$0x3FAC]  }
0x28: {  	s2 =	sld [smem:$0x3FAD]  }
0x29: {  	s4 =	sld [smem:$0x3FAF]  }
0x2a: {  	p0 =	seq.s32 s5, $0x0;
	s5 =	sld [smem:$0x3FB0]  }
0x2b: {  	s6 =	sld [smem:$0x3FB1]  }
0x2c: {  	s7 =	sld [smem:$0x3FB2]  }
0x2d: {  	s3 =	simm.s32 $0x108;
	s8 =	sld [smem:$0x3FB3]  }
0x2e: {  	s3 =	simm.s32 @!p0 $0x1082;
	s9 =	sld [smem:$0x3FB4]  }
0x2f: {  	lr =	sadd.s32 s0, s3;
	s0 =	sld [smem:$0x3FAB]  }
0x30: {  	s3 =	sld [smem:$0x3FAE]  }
0x31: {  	[smem:$0x3FB7] =	sst s10  }
0x32: {  	s10 =	sld [smem:$0x3FB5];
	_ =	sdelay $0x3  }
0x33: {  	p0 =	seq.s32 s10, $0x1;
	s10 =	sld [smem:$0x3FB7];
	_ =	sdelay $0x3  }
0x34: {  	[smem:$0x3FB7] =	sst s10  }
0x35: {  	s10 =	sld [smem:$0x3FB6];
	_ =	sdelay $0x3  }
0x36: {  	p1 =	seq.s32 s10, $0x1;
	s10 =	sld [smem:$0x3FB7];
	_ =	sdelay $0x3  }
0x37: {  	[smem:$0x3FB7] =	sst s10  }
0x38: {  	s10 =	sld [smem:$0x3FB8]  }
0x39: {  	_ = 	snop;
	(pc) =	sbr.ind lr, $3  }
0x3a: {  	_ = 	snop  }
0x3b: {  	_ = 	snop  }
0x3c: {  	p2 =	seq.s32 s10, $0x1;
	s10 =	sld [smem:$0x3FB7]  }
0x3d: {  	_ =	shalt  }
0x3e: {  	_ =	shalt  }
0x3f: {  	_ =	shalt  }
0x40: {  	_ =	shalt  }
0x41: {  	_ =	shalt  }
0x42: {  	_ =	shalt  }
0x43: {  	_ =	shalt  }
0x44: {  	_ =	shalt  }
0x45: {  	_ =	shalt  }
0x46: {  	_ =	shalt  }
0x47: {  	_ =	shalt  }
0x48: {  	_ =	shalt  }
0x49: {  	_ =	shalt  }
0x4a: {  	_ =	shalt  }
0x4b: {  	_ =	shalt  }
0x4c: {  	_ =	shalt  }
0x4d: {  	_ =	shalt  }
0x4e: {  	_ =	shalt  }
0x4f: {  	_ =	shalt  }
0x50: {  	_ =	shalt  }
0x51: {  	_ =	shalt  }
0x52: {  	_ =	shalt  }
0x53: {  	_ =	shalt  }
0x54: {  	_ =	shalt  }
0x55: {  	_ =	shalt  }
0x56: {  	_ =	shalt  }
0x57: {  	_ =	shalt  }
0x58: {  	_ =	shalt  }
0x59: {  	_ =	shalt  }
0x5a: {  	_ =	shalt  }
0x5b: {  	_ =	shalt  }
0x5c: {  	_ =	shalt  }
0x5d: {  	_ =	shalt  }
0x5e: {  	_ =	shalt  }
0x5f: {  	_ =	shalt  }
0x60: {  	_ =	shalt  }
0x61: {  	_ =	shalt  }
0x62: {  	_ =	shalt  }
0x63: {  	_ =	shalt  }
0x64: {  	_ =	shalt  }
0x65: {  	_ =	shalt  }
0x66: {  	_ =	shalt  }
0x67: {  	_ =	shalt  }
0x68: {  	_ =	shalt  }
0x69: {  	_ =	shalt  }
0x6a: {  	_ =	shalt  }
0x6b: {  	_ =	shalt  }
0x6c: {  	_ =	shalt  }
0x6d: {  	_ =	shalt  }
0x6e: {  	_ =	shalt  }
0x6f: {  	_ =	shalt  }
0x70: {  	_ =	shalt  }
0x71: {  	_ =	shalt  }
0x72: {  	_ =	shalt  }
0x73: {  	_ =	shalt  }
0x74: {  	_ =	shalt  }
0x75: {  	_ =	shalt  }
0x76: {  	_ =	shalt  }
0x77: {  	_ =	shalt  }
0x78: {  	_ =	shalt  }
0x79: {  	_ =	shalt  }
0x7a: {  	_ =	shalt  }
0x7b: {  	_ =	shalt  }
0x7c: {  	_ =	shalt  }
0x7d: {  	_ =	shalt  }
0x7e: {  	_ =	shalt  }
0x7f: {  	_ =	shalt  }
0x80: {  	_ =	shalt  }
0x81: {  	_ =	shalt  }
0x82: {  	_ =	shalt  }
0x83: {  	_ =	shalt  }
0x84: {  	_ =	shalt  }
0x85: {  	_ =	shalt  }
0x86: {  	_ =	shalt  }
0x87: {  	_ =	shalt  }
.Lfunc_end0:
.L_simem_size_0:
called_computation.1_lowered:
.L_overlay_start_0:
0x88: {  	s2 =	sld [smem:$0x3FD9]  }
0x89: {  	s3 =	sld [smem:$0x3FFE];
	_ =	sdelay $0x1  }
0x8a: {  	s1 =	srdreg.scid  }
0x8b: {  	s0 =	sand.u32 $0x1, s1  }
0x8c: {  	s17 =	sshll.u32 s0, $0xA;
	s2 =	sadd.s32 s3, s2  }
0x8d: {  	s2 =	sadd.s32 s2, s17  }
0x8e: {  	[smem:$0x3FC3] =	sst s2  }
0x8f: {  	_ = 	snop  }
0x90: {  	s2 =	sld [smem:$0x3FD0];
	(tm) =	ssettm $0x1  }
0x91: {  	s18 =	sld [smem:$0x3FFB];
	_ =	sdelay $0x3  }
0x92: {  	_ =	strace s18  }
0x93: {  	s3 =	sld [smem:$0x3FFC];
	_ =	sdelay $0x3  }
0x94: {  	_ =	strace s3  }
0x95: {  	s3 =	sld [smem:$0x3FFD];
	_ =	sdelay $0x3  }
0x96: {  	_ =	strace s3  }
0x97: {  	_ =	strace $0x8FFFFFFF  }
0x98: {  	s19 =	sld [smem:$0x3FDB];
	_ =	sdelay $0x1  }
0x99: {  	s4 =	simm.s32 $_scs_section_size  }
0x9a: {  	s5 =	simm.s32 $_size__tile_overlayer_lowered;
	s6 =	simm.s32 $_tile_overlayer_lowered  }
0x9b: {  	s22 =	simm.s32 $0x1BFF;
	s21 =	sshll.u32 s6, $0x1;
	s3 =	sadd.s32 s4, s19  }
0x9c: {  	s7 =	simm.s32 $0x0;
	s20 =	sshll.u32 s5, $0x1;
	s5 =	sadd.s32 s21, s3  }
0x9d: {  	[timem:s7], [sflag:s22] =	dma.local [hbm:s5], s20  }
0x9e: {  	_ =	swait.ge [sflag:s22], s20  }
0x9f: {  	s4 =	ssub.s32 $0x0, s20;
	[sflag:s22] =	ssyncset.done $0x0  }
0xa0: {  	[sflag:s22] =	ssyncadd.s32 s4;
	_ =	sdelay $0x1  }
0xa1: {  	s23 =	simm.s32 $0x1B8B  }
0xa2: {  	_ =	swait.ge [sflag:s23], $0x1  }
0xa3: {  	[sflag:s23] =	ssyncset.done $0x0  }
0xa4: {  	s25 =	simm.s32 $0x1B8E;
	s24 =	sld [smem:$0x3FFE];
	[sflag:s23] =	ssyncadd.s32 $0xFFFFFFFF  }
0xa5: {  	s26 =	simm.s32 $execute0_lowered;
	[smem:$0x3FD2] =	sst s25  }
0xa6: {  	s5 =	sshll.u32 s26, $0x1;
	_ =	strace $0x80000049;
	[dreg:$0x1] =	wrdreg $0xFFFFFFFF  }
0xa7: {  	s28 =	simm.s32 $_size_execute0_lowered;
	s3 =	sadd.s32 s3, s5;
	[dreg:$0x0] =	wrdreg $0x0  }
0xa8: {  	s5 =	sshll.u32 s28, $0x1;
	[dreg:$0x2] =	wrdreg s3  }
0xa9: {  	[dreg:$0x3] =	wrdreg s5  }
0xaa: {  	[dreg:$0x4] =	wrdreg $0xC0  }
0xab: {  	_ =	task [dreg:s7], $0x5FFFF  }
0xac: {  	[dreg:$0x1] =	wrdreg $0xFFFFFFFF  }
0xad: {  	[dreg:$0x0] =	wrdreg $0x60  }
0xae: {  	[dreg:$0x2] =	wrdreg s24  }
0xaf: {  	[dreg:$0x3] =	wrdreg s2  }
0xb0: {  	[dreg:$0x4] =	wrdreg $0x9  }
0xb1: {  	_ =	task.clear_ibuf [dreg:s7], $0x5FFFF;
	_ =	strace $0x90000049  }
0xb2: {  	s29 =	simm.s32 $0x9;
	_ =	strace $0x8000004B  }
0xb3: {  	_ =	swait.ge [sflag:s29], $0x1  }
0xb4: {  	[sflag:s29] =	ssyncadd.s32 $0xFFFFFFFF  }
0xb5: {  	_ =	strace $0x9000004B  }
0xb6: {  	_ =	sfence  }
0xb7: {  	s30 =	sld [smem:$0x0];
	_ =	sdelay $0x2  }
0xb8: {  	s31 =	sshll.u32 s1, $0xD;
	s1 =	sshrl.u32 s1, $0x2  }
0xb9: {  	s3 =	sand.u32 $0x4000, s31;
	s1 =	sadd.s32 s1, s30  }
0xba: {  	s0 =	sor.u32 s3, s0;
	s1 =	sshll.u32 s1, $0x11  }
0xbb: {  	s0 =	sor.u32 s1, s0  }
0xbc: {  	s0 =	sadd.s32 $0x8F2B, s0  }
0xbd: {  	[sflag:s0] =	ssyncadd.remote.s32 $0x1  }
0xbe: {  	_ =	sfence.sel $0xFFFF  }
0xbf: {  	[dreg:$0x0] =	wrdreg $0xFFFFFFFF;
	(pc) =	sbr.abs _section_cstart, $3  }
0xc0: {  	[dreg:$0x1] =	wrdreg $0xFFFFFFFF  }
0xc1: {  	_ =	task.clear_ibuf [dreg:s7], $0x2FFFF;
	_ =	strace $0x9FFFFFFF  }
0xc2: {  	(tm) =	ssettm $0x7FFFFFFF  }
0xc3: {  	_ =	shalt  }
tec
execute0_lowered:
.L_overlay_start_1:
0x0: {  	(tag) =	ssettag $0x1  }
0x1: {  	s0 =	rddreg [dreg:$0x0]  }
0x2: {  	s1 =	rddreg [dreg:$0x1];
	s3 =	srdreg.scid;
	s2 =	simm.s32 $0x0  }
0x3: {  	s4 =	stileid.u32;
	s14 =	simm.s32 $0xA;
	s16 =	simm.s32 $0x100  }
0x4: {  	s15 =	simm.s32 $0x10100;
	s17 =	simm.s32 $0x1;
	s18 =	simm.s32 $0x2  }
0x5: {  	s19 =	simm.s32 $0x7;
	s20 =	simm.s32 $0x3;
	s21 =	simm.s32 $0x4  }
0x6: {  	s22 =	simm.s32 $0x5;
	s23 =	simm.s32 $0x6;
	s24 =	simm.s32 $0x8  }
0x7: {  	s25 =	simm.s32 $0x9;
	s26 =	simm.s32 $0x0;
	s3 =	sand.u32 $0x1, s3  }
0x8: {  	[smem:$0x7FF] =	sst s2;
	s4 =	sshll.u32 s4, $0x7;
	s8 =	sadd.s32 $0xC8A00, s0  }
0x9: {  	s9 =	sadd.s32 $0xC8B00, s0;
	s5 =	sshll.u32 s3, $0x6;
	s6 =	ssub.s32 $0x2, s3  }
0xa: {  	_ =	strace $0x8000004A;
	s5 =	sor.u32 s5, s4;
	s29 =	sshrl.u32 s6, $0x1  }
0xb: {  	s3 =	sadd.s32 $0xC8800, s0;
	s7 =	sshrl.u32 s5, $0x3;
	s13 =	ssub.s32 s6, s29  }
0xc: {  	s5 =	sshll.u32 s5, $0x7;
	s6 =	sadd.s32 $0xC8900, s0;
	s4 =	sadd.s32 s0, s7  }
0xd: {  	v2 =	vlaneseq.u32;
	s7 =	sadd.s32 s1, s5;
	s13 =	smax.u32 s13, $0x1;
	s30 =	sadd.s32 $0x200, s4  }
0xe: {  	vm0 =	vmmov $0xffff;
	v1 =	vshrl.u32 v2, $0x3;
	s1 =	simm.s32 $0x8100;
	s31 =	sadd.s32 $0x800, s7;
	[dreg:$0x3] =	wrdreg s30  }
0xf: {  	v0 =	vand.u32 $0x7, v2;
	v2 =	vor.u32 $0x8, v2;
	v1 =	vmul.u32 $0x8, v1;
	s11 =	sadd.s32 $0x1000, s7;
	s12 =	sadd.s32 $0x1800, s7;
	[dreg:$0x4] =	wrdreg s31  }
.LBB2_1:
0x10: {  	[tilespmem:s2], [sflag:$0xA] =	stream.linear.gather [hbm4b:s4+s2], $0x40, $0x38;
	[tilespmem:$0x18100] =	vst v63  }
0x11: {  	_ =	swait.ge [sflag:s14], $0x40  }
0x12: {  	[sflag:s14] =	ssyncset.done $0x0  }
0x13: {  	s5 =	simm.s32 $0x80;
	s0 =	rddreg [dreg:$0x3];
	[sflag:s14] =	ssyncadd.s32 $0xFFFFFFC0  }
0x14: {  	[tilespmem:s5], [sflag:$0xA] =	stream.linear.gather [hbm4b:s0+s2], $0x40, $0x38;
	[tilespmem:$0x18100] =	vst v63  }
0x15: {  	_ =	swait.ge [sflag:s14], $0x40  }
0x16: {  	[sflag:s14] =	ssyncset.done $0x0  }
0x17: {  	[sflag:s14] =	ssyncadd.s32 $0xFFFFFFC0  }
0x18: {  	v3 =	vld [tilespmem:$0x0];
	_ =	sdelay $0x4  }
0x19: {  	v4 =	vshll.u32 v3, $0x3  }
0x1a: {  	v3 =	vand.u32 $0x7, v3;
	v4 =	vand.u32 $0xFFFFFFC0, v4  }
0x1b: {  	v3 =	vor.u32 v3, v4  }
0x1c: {  	v4 =	vperm.xlane v3, v0;
	_ =	sdelay $0x1  }
0x1d: {  	v4 =	vadd.s32 v1, v4;
	_ =	sdelay $0x4  }
0x1e: {  	[tilespmem:s16], [sflag:$0x1] =	stream.indirect_vreg.gather [hbm4b:s3+s2], $0x80, v4, vm0, $0xb8;
	[tilespmem:$0x18100] =	vst v63  }
0x1f: {  	s5 =	simm.s32 $0x900;
	v3 =	vperm.xlane v3, v2  }
0x20: {  	[tilespmem:s5], [sflag:$0x1] =	stream.indirect_vreg.gather [hbm4b:s6+s2], $0x80, v4, vm0, $0xb8;
	[tilespmem:$0x18100] =	vst v63  }
0x21: {  	s10 =	simm.s32 $0x1100;
	v3 =	vadd.s32 v1, v3  }
0x22: {  	[tilespmem:s10], [sflag:$0x1] =	stream.indirect_vreg.gather [hbm4b:s8+s2], $0x80, v4, vm0, $0xb8;
	[tilespmem:$0x18100] =	vst v63  }
0x23: {  	s31 =	simm.s32 $0x1900  }
0x24: {  	[tilespmem:s31], [sflag:$0x1] =	stream.indirect_vreg.gather [hbm4b:s9+s2], $0x80, v4, vm0, $0xb8;
	[tilespmem:$0x18100] =	vst v63  }
0x25: {  	s5 =	simm.s32 $0x2100  }
0x26: {  	[tilespmem:s5], [sflag:$0x1] =	stream.indirect_vreg.gather [hbm4b:s3+s2], $0x80, v3, vm0, $0xb8;
	[tilespmem:$0x18100] =	vst v63  }
0x27: {  	s10 =	simm.s32 $0x2900  }
0x28: {  	[tilespmem:s10], [sflag:$0x1] =	stream.indirect_vreg.gather [hbm4b:s6+s2], $0x80, v3, vm0, $0xb8;
	[tilespmem:$0x18100] =	vst v63  }
0x29: {  	s31 =	simm.s32 $0x3100  }
0x2a: {  	[tilespmem:s31], [sflag:$0x1] =	stream.indirect_vreg.gather [hbm4b:s8+s2], $0x80, v3, vm0, $0xb8;
	[tilespmem:$0x18100] =	vst v63  }
0x2b: {  	s5 =	simm.s32 $0x3900  }
0x2c: {  	[tilespmem:s5], [sflag:$0x1] =	stream.indirect_vreg.gather [hbm4b:s9+s2], $0x80, v3, vm0, $0xb8;
	[tilespmem:$0x18100] =	vst v63  }
0x2d: {  	v3 =	vld [tilespmem:$0x80];
	_ =	sdelay $0x4  }
0x2e: {  	v59 =	vshll.u32 v3, $0x3  }
0x2f: {  	v3 =	vand.u32 $0x7, v3;
	v4 =	vand.u32 $0xFFFFFFC0, v59  }
0x30: {  	v3 =	vor.u32 v3, v4  }
0x31: {  	v4 =	vperm.xlane v3, v0;
	_ =	sdelay $0x1  }
0x32: {  	v4 =	vadd.s32 v1, v4;
	_ =	sdelay $0x3  }
0x33: {  	s10 =	simm.s32 $0x4100  }
0x34: {  	[tilespmem:s10], [sflag:$0x2] =	stream.indirect_vreg.gather [hbm4b:s3+s2], $0x80, v4, vm0, $0xb8;
	[tilespmem:$0x18100] =	vst v63  }
0x35: {  	s31 =	simm.s32 $0x4900;
	v3 =	vperm.xlane v3, v2  }
0x36: {  	[tilespmem:s31], [sflag:$0x2] =	stream.indirect_vreg.gather [hbm4b:s6+s2], $0x80, v4, vm0, $0xb8;
	[tilespmem:$0x18100] =	vst v63  }
0x37: {  	s5 =	simm.s32 $0x5100;
	v3 =	vadd.s32 v1, v3  }
0x38: {  	[tilespmem:s5], [sflag:$0x2] =	stream.indirect_vreg.gather [hbm4b:s8+s2], $0x80, v4, vm0, $0xb8;
	[tilespmem:$0x18100] =	vst v63  }
0x39: {  	s10 =	simm.s32 $0x5900  }
0x3a: {  	[tilespmem:s10], [sflag:$0x2] =	stream.indirect_vreg.gather [hbm4b:s9+s2], $0x80, v4, vm0, $0xb8;
	[tilespmem:$0x18100] =	vst v63  }
0x3b: {  	s31 =	simm.s32 $0x6100  }
0x3c: {  	[tilespmem:s31], [sflag:$0x2] =	stream.indirect_vreg.gather [hbm4b:s3+s2], $0x80, v3, vm0, $0xb8;
	[tilespmem:$0x18100] =	vst v63  }
0x3d: {  	s5 =	simm.s32 $0x6900  }
0x3e: {  	[tilespmem:s5], [sflag:$0x2] =	stream.indirect_vreg.gather [hbm4b:s6+s2], $0x80, v3, vm0, $0xb8;
	[tilespmem:$0x18100] =	vst v63  }
0x3f: {  	s10 =	simm.s32 $0x7100  }
0x40: {  	[tilespmem:s10], [sflag:$0x2] =	stream.indirect_vreg.gather [hbm4b:s8+s2], $0x80, v3, vm0, $0xb8;
	[tilespmem:$0x18100] =	vst v63  }
0x41: {  	s31 =	simm.s32 $0x7900  }
0x42: {  	[tilespmem:s31], [sflag:$0x2] =	stream.indirect_vreg.gather [hbm4b:s9+s2], $0x80, v3, vm0, $0xb8;
	[tilespmem:$0x18100] =	vst v63  }
0x43: {  	v3 =	vld [tilespmem:$0x10];
	_ =	sdelay $0x4  }
0x44: {  	v60 =	vshll.u32 v3, $0x3  }
0x45: {  	v3 =	vand.u32 $0x7, v3;
	v4 =	vand.u32 $0xFFFFFFC0, v60  }
0x46: {  	v3 =	vor.u32 v3, v4  }
0x47: {  	v4 =	vperm.xlane v3, v0;
	_ =	sdelay $0x1  }
0x48: {  	v4 =	vadd.s32 v1, v4;
	_ =	sdelay $0x4  }
0x49: {  	[tilespmem:s1], [sflag:$0x3] =	stream.indirect_vreg.gather [hbm4b:s3+s2], $0x80, v4, vm0, $0xb8;
	[tilespmem:$0x18100] =	vst v63  }
0x4a: {  	s5 =	simm.s32 $0x8900;
	v3 =	vperm.xlane v3, v2  }
0x4b: {  	[tilespmem:s5], [sflag:$0x3] =	stream.indirect_vreg.gather [hbm4b:s6+s2], $0x80, v4, vm0, $0xb8;
	[tilespmem:$0x18100] =	vst v63  }
0x4c: {  	s10 =	simm.s32 $0x9100;
	v3 =	vadd.s32 v1, v3  }
0x4d: {  	[tilespmem:s10], [sflag:$0x3] =	stream.indirect_vreg.gather [hbm4b:s8+s2], $0x80, v4, vm0, $0xb8;
	[tilespmem:$0x18100] =	vst v63  }
0x4e: {  	s31 =	simm.s32 $0x9900  }
0x4f: {  	[tilespmem:s31], [sflag:$0x3] =	stream.indirect_vreg.gather [hbm4b:s9+s2], $0x80, v4, vm0, $0xb8;
	[tilespmem:$0x18100] =	vst v63  }
0x50: {  	s5 =	simm.s32 $0xA100  }
0x51: {  	[tilespmem:s5], [sflag:$0x3] =	stream.indirect_vreg.gather [hbm4b:s3+s2], $0x80, v3, vm0, $0xb8;
	[tilespmem:$0x18100] =	vst v63  }
0x52: {  	s10 =	simm.s32 $0xA900  }
0x53: {  	[tilespmem:s10], [sflag:$0x3] =	stream.indirect_vreg.gather [hbm4b:s6+s2], $0x80, v3, vm0, $0xb8;
	[tilespmem:$0x18100] =	vst v63  }
0x54: {  	s31 =	simm.s32 $0xB100  }
0x55: {  	[tilespmem:s31], [sflag:$0x3] =	stream.indirect_vreg.gather [hbm4b:s8+s2], $0x80, v3, vm0, $0xb8;
	[tilespmem:$0x18100] =	vst v63  }
0x56: {  	s5 =	simm.s32 $0xB900  }
0x57: {  	[tilespmem:s5], [sflag:$0x3] =	stream.indirect_vreg.gather [hbm4b:s9+s2], $0x80, v3, vm0, $0xb8;
	[tilespmem:$0x18100] =	vst v63  }
0x58: {  	v3 =	vld [tilespmem:$0x90];
	_ =	sdelay $0x4  }
0x59: {  	v61 =	vshll.u32 v3, $0x3  }
0x5a: {  	v3 =	vand.u32 $0x7, v3;
	v4 =	vand.u32 $0xFFFFFFC0, v61  }
0x5b: {  	v3 =	vor.u32 v3, v4  }
0x5c: {  	v4 =	vperm.xlane v3, v0;
	_ =	sdelay $0x1  }
0x5d: {  	v4 =	vadd.s32 v1, v4;
	_ =	sdelay $0x3  }
0x5e: {  	s10 =	simm.s32 $0xC100  }
0x5f: {  	[tilespmem:s10], [sflag:$0x4] =	stream.indirect_vreg.gather [hbm4b:s3+s2], $0x80, v4, vm0, $0xb8;
	[tilespmem:$0x18100] =	vst v63  }
0x60: {  	s31 =	simm.s32 $0xC900;
	v3 =	vperm.xlane v3, v2  }
0x61: {  	[tilespmem:s31], [sflag:$0x4] =	stream.indirect_vreg.gather [hbm4b:s6+s2], $0x80, v4, vm0, $0xb8;
	[tilespmem:$0x18100] =	vst v63  }
0x62: {  	s5 =	simm.s32 $0xD100;
	v3 =	vadd.s32 v1, v3  }
0x63: {  	[tilespmem:s5], [sflag:$0x4] =	stream.indirect_vreg.gather [hbm4b:s8+s2], $0x80, v4, vm0, $0xb8;
	[tilespmem:$0x18100] =	vst v63  }
0x64: {  	s10 =	simm.s32 $0xD900  }
0x65: {  	[tilespmem:s10], [sflag:$0x4] =	stream.indirect_vreg.gather [hbm4b:s9+s2], $0x80, v4, vm0, $0xb8;
	[tilespmem:$0x18100] =	vst v63  }
0x66: {  	s31 =	simm.s32 $0xE100  }
0x67: {  	[tilespmem:s31], [sflag:$0x4] =	stream.indirect_vreg.gather [hbm4b:s3+s2], $0x80, v3, vm0, $0xb8;
	[tilespmem:$0x18100] =	vst v63  }
0x68: {  	s5 =	simm.s32 $0xE900  }
0x69: {  	[tilespmem:s5], [sflag:$0x4] =	stream.indirect_vreg.gather [hbm4b:s6+s2], $0x80, v3, vm0, $0xb8;
	[tilespmem:$0x18100] =	vst v63  }
0x6a: {  	s10 =	simm.s32 $0xF100  }
0x6b: {  	[tilespmem:s10], [sflag:$0x4] =	stream.indirect_vreg.gather [hbm4b:s8+s2], $0x80, v3, vm0, $0xb8;
	[tilespmem:$0x18100] =	vst v63  }
0x6c: {  	s31 =	simm.s32 $0xF900  }
0x6d: {  	[tilespmem:s31], [sflag:$0x4] =	stream.indirect_vreg.gather [hbm4b:s9+s2], $0x80, v3, vm0, $0xb8;
	[tilespmem:$0x18100] =	vst v63  }
0x6e: {  	v3 =	vld [tilespmem:$0x20];
	_ =	sdelay $0x4  }
0x6f: {  	v62 =	vshll.u32 v3, $0x3  }
0x70: {  	v3 =	vand.u32 $0x7, v3;
	v4 =	vand.u32 $0xFFFFFFC0, v62  }
0x71: {  	v3 =	vor.u32 v3, v4  }
0x72: {  	v4 =	vperm.xlane v3, v0;
	_ =	sdelay $0x1  }
0x73: {  	v4 =	vadd.s32 v1, v4;
	_ =	sdelay $0x4  }
0x74: {  	[tilespmem:s15], [sflag:$0x5] =	stream.indirect_vreg.gather [hbm4b:s3+s2], $0x80, v4, vm0, $0xb8;
	[tilespmem:$0x18100] =	vst v63  }
0x75: {  	s5 =	simm.s32 $0x10900;
	v3 =	vperm.xlane v3, v2  }
0x76: {  	[tilespmem:s5], [sflag:$0x5] =	stream.indirect_vreg.gather [hbm4b:s6+s2], $0x80, v4, vm0, $0xb8;
	[tilespmem:$0x18100] =	vst v63  }
0x77: {  	s10 =	simm.s32 $0x11100;
	v3 =	vadd.s32 v1, v3  }
0x78: {  	[tilespmem:s10], [sflag:$0x5] =	stream.indirect_vreg.gather [hbm4b:s8+s2], $0x80, v4, vm0, $0xb8;
	[tilespmem:$0x18100] =	vst v63  }
0x79: {  	s31 =	simm.s32 $0x11900  }
0x7a: {  	[tilespmem:s31], [sflag:$0x5] =	stream.indirect_vreg.gather [hbm4b:s9+s2], $0x80, v4, vm0, $0xb8;
	[tilespmem:$0x18100] =	vst v63  }
0x7b: {  	s5 =	simm.s32 $0x12100  }
0x7c: {  	[tilespmem:s5], [sflag:$0x5] =	stream.indirect_vreg.gather [hbm4b:s3+s2], $0x80, v3, vm0, $0xb8;
	[tilespmem:$0x18100] =	vst v63  }
0x7d: {  	s10 =	simm.s32 $0x12900  }
0x7e: {  	[tilespmem:s10], [sflag:$0x5] =	stream.indirect_vreg.gather [hbm4b:s6+s2], $0x80, v3, vm0, $0xb8;
	[tilespmem:$0x18100] =	vst v63  }
0x7f: {  	s31 =	simm.s32 $0x13100  }
0x80: {  	[tilespmem:s31], [sflag:$0x5] =	stream.indirect_vreg.gather [hbm4b:s8+s2], $0x80, v3, vm0, $0xb8;
	[tilespmem:$0x18100] =	vst v63  }
0x81: {  	s5 =	simm.s32 $0x13900  }
0x82: {  	[tilespmem:s5], [sflag:$0x5] =	stream.indirect_vreg.gather [hbm4b:s9+s2], $0x80, v3, vm0, $0xb8;
	[tilespmem:$0x18100] =	vst v63  }
0x83: {  	v3 =	vld [tilespmem:$0xA0];
	_ =	sdelay $0x4  }
0x84: {  	v63 =	vshll.u32 v3, $0x3  }
0x85: {  	v3 =	vand.u32 $0x7, v3;
	v4 =	vand.u32 $0xFFFFFFC0, v63  }
0x86: {  	v3 =	vor.u32 v3, v4  }
0x87: {  	v4 =	vperm.xlane v3, v0;
	_ =	sdelay $0x1  }
0x88: {  	v4 =	vadd.s32 v1, v4;
	_ =	sdelay $0x3  }
0x89: {  	s10 =	simm.s32 $0x14100  }
0x8a: {  	[tilespmem:s10], [sflag:$0x6] =	stream.indirect_vreg.gather [hbm4b:s3+s2], $0x80, v4, vm0, $0xb8;
	[tilespmem:$0x18100] =	vst v63  }
0x8b: {  	s31 =	simm.s32 $0x14900;
	v3 =	vperm.xlane v3, v2  }
0x8c: {  	[tilespmem:s31], [sflag:$0x6] =	stream.indirect_vreg.gather [hbm4b:s6+s2], $0x80, v4, vm0, $0xb8;
	[tilespmem:$0x18100] =	vst v63  }
0x8d: {  	s5 =	simm.s32 $0x15100;
	v3 =	vadd.s32 v1, v3  }
0x8e: {  	[tilespmem:s5], [sflag:$0x6] =	stream.indirect_vreg.gather [hbm4b:s8+s2], $0x80, v4, vm0, $0xb8;
	[tilespmem:$0x18100] =	vst v63  }
0x8f: {  	s10 =	simm.s32 $0x15900  }
0x90: {  	[tilespmem:s10], [sflag:$0x6] =	stream.indirect_vreg.gather [hbm4b:s9+s2], $0x80, v4, vm0, $0xb8;
	[tilespmem:$0x18100] =	vst v63  }
0x91: {  	s31 =	simm.s32 $0x16100  }
0x92: {  	[tilespmem:s31], [sflag:$0x6] =	stream.indirect_vreg.gather [hbm4b:s3+s2], $0x80, v3, vm0, $0xb8;
	[tilespmem:$0x18100] =	vst v63  }
0x93: {  	s5 =	simm.s32 $0x16900  }
0x94: {  	[tilespmem:s5], [sflag:$0x6] =	stream.indirect_vreg.gather [hbm4b:s6+s2], $0x80, v3, vm0, $0xb8;
	[tilespmem:$0x18100] =	vst v63  }
0x95: {  	s10 =	simm.s32 $0x17100  }
0x96: {  	[tilespmem:s10], [sflag:$0x6] =	stream.indirect_vreg.gather [hbm4b:s8+s2], $0x80, v3, vm0, $0xb8;
	[tilespmem:$0x18100] =	vst v63  }
0x97: {  	s31 =	simm.s32 $0x17900  }
0x98: {  	[tilespmem:s31], [sflag:$0x6] =	stream.indirect_vreg.gather [hbm4b:s9+s2], $0x80, v3, vm0, $0xb8;
	[tilespmem:$0x18100] =	vst v63  }
0x99: {  	_ =	swait.ge [sflag:s17], $0x4000  }
0x9a: {  	[sflag:s17] =	ssyncset.done $0x0  }
0x9b: {  	[sflag:s17] =	ssyncadd.s32 $0xFFFFC000  }
0x9c: {  	_ =	swait.ge [sflag:s18], $0x4000  }
0x9d: {  	s28 =	simm.s32 $0x0;
	s29 =	simm.s32 $0x0;
	[sflag:s18] =	ssyncset.done $0x0  }
0x9e: {  	s30 =	simm.s32 $0x0;
	s5 =	simm.s32 $0xFFFFC000;
	[sflag:s18] =	ssyncadd.s32 $0xFFFFC000  }
.LBB2_2:
0x9f: {  	s31 =	sadd.s32 $0x4000, s5  }
0xa0: {  	s0 =	sand.u32 $0x380, s30;
	s31 =	sand.u32 $0x2000, s31  }
0xa1: {  	s31 =	sor.u32 s0, s31  }
0xa2: {  	v3 =	vld [tilespmem:s31+$0x100]  }
0xa3: {  	v4 =	vld [tilespmem:s31+$0x4100]  }
0xa4: {  	v5 =	vld [tilespmem:s31+$0x110]  }
0xa5: {  	v6 =	vld [tilespmem:s31+$0x4110]  }
0xa6: {  	v7 =	vld [tilespmem:s31+$0x120]  }
0xa7: {  	v8 =	vld [tilespmem:s31+$0x4120]  }
0xa8: {  	v9 =	vld [tilespmem:s31+$0x130]  }
0xa9: {  	v10 =	vld [tilespmem:s31+$0x4130]  }
0xaa: {  	v11 =	vld [tilespmem:s31+$0x140]  }
0xab: {  	v12 =	vld [tilespmem:s31+$0x4140]  }
0xac: {  	v13 =	vld [tilespmem:s31+$0x150]  }
0xad: {  	v14 =	vld [tilespmem:s31+$0x4150]  }
0xae: {  	v15 =	vld [tilespmem:s31+$0x160]  }
0xaf: {  	v16 =	vld [tilespmem:s31+$0x4160]  }
0xb0: {  	v17 =	vld [tilespmem:s31+$0x170]  }
0xb1: {  	v18 =	vld [tilespmem:s31+$0x4170]  }
0xb2: {  	v19 =	vld [tilespmem:s31+$0x500]  }
0xb3: {  	v20 =	vld [tilespmem:s31+$0x4500]  }
0xb4: {  	v21 =	vld [tilespmem:s31+$0x510]  }
0xb5: {  	v22 =	vld [tilespmem:s31+$0x4510]  }
0xb6: {  	v23 =	vld [tilespmem:s31+$0x520]  }
0xb7: {  	v24 =	vld [tilespmem:s31+$0x4520]  }
0xb8: {  	v25 =	vld [tilespmem:s31+$0x530]  }
0xb9: {  	v26 =	vld [tilespmem:s31+$0x4530]  }
0xba: {  	v27 =	vld [tilespmem:s31+$0x540]  }
0xbb: {  	v28 =	vld [tilespmem:s31+$0x4540]  }
0xbc: {  	v29 =	vld [tilespmem:s31+$0x550]  }
0xbd: {  	v30 =	vld [tilespmem:s31+$0x4550]  }
0xbe: {  	v31 =	vld [tilespmem:s31+$0x560]  }
0xbf: {  	v32 =	vld [tilespmem:s31+$0x4560]  }
0xc0: {  	v33 =	vld [tilespmem:s31+$0x570]  }
0xc1: {  	v34 =	vld [tilespmem:s31+$0x4570]  }
0xc2: {  	v35 =	vld [tilespmem:s31+$0x900]  }
0xc3: {  	v36 =	vld [tilespmem:s31+$0x4900]  }
0xc4: {  	v37 =	vld [tilespmem:s31+$0x910]  }
0xc5: {  	v38 =	vld [tilespmem:s31+$0x4910]  }
0xc6: {  	v39 =	vld [tilespmem:s31+$0x920]  }
0xc7: {  	v40 =	vld [tilespmem:s31+$0x4920]  }
0xc8: {  	v41 =	vld [tilespmem:s31+$0x930]  }
0xc9: {  	v42 =	vld [tilespmem:s31+$0x4930]  }
0xca: {  	v43 =	vld [tilespmem:s31+$0x940]  }
0xcb: {  	v44 =	vld [tilespmem:s31+$0x4940]  }
0xcc: {  	v45 =	vld [tilespmem:s31+$0x950]  }
0xcd: {  	v46 =	vld [tilespmem:s31+$0x4950]  }
0xce: {  	v47 =	vld [tilespmem:s31+$0x960]  }
0xcf: {  	v48 =	vld [tilespmem:s31+$0x4960]  }
0xd0: {  	v49 =	vld [tilespmem:s31+$0x970]  }
0xd1: {  	v50 =	vld [tilespmem:s31+$0x4970]  }
0xd2: {  	v51 =	vld [tilespmem:s31+$0xD00]  }
0xd3: {  	v52 =	vld [tilespmem:s31+$0x4D00]  }
0xd4: {  	v53 =	vld [tilespmem:s31+$0xD10]  }
0xd5: {  	v54 =	vld [tilespmem:s31+$0x4D10]  }
0xd6: {  	v55 =	vld [tilespmem:s31+$0xD20]  }
0xd7: {  	v56 =	vld [tilespmem:s31+$0x4D20]  }
0xd8: {  	v57 =	vld [tilespmem:s31+$0xD30]  }
0xd9: {  	v58 =	vld [tilespmem:s31+$0x4D30]  }
0xda: {  	v59 =	vld [tilespmem:s31+$0xD40]  }
0xdb: {  	v60 =	vld [tilespmem:s31+$0x4D40]  }
0xdc: {  	v61 =	vld [tilespmem:s31+$0xD50]  }
0xdd: {  	v62 =	vld [tilespmem:s31+$0x4D50]  }
0xde: {  	v63 =	vld [tilespmem:s31+$0xD60]  }
0xdf: {  	v3 =	vadd.f32 v4, v3;
	v4 =	vld [tilespmem:s31+$0x4D60]  }
0xe0: {  	v5 =	vadd.f32 v6, v5;
	v6 =	vld [tilespmem:s31+$0xD70]  }
0xe1: {  	v14 =	vadd.f32 v14, v13;
	v13 =	vld [tilespmem:s31+$0x5120];
	[tilespmem:s31+$0x100] =	vst v3;
	v3 =	vadd.f32 v8, v7  }
0xe2: {  	v18 =	vadd.f32 v18, v17;
	v17 =	vld [tilespmem:s31+$0x5140];
	[tilespmem:s31+$0x110] =	vst v5  }
0xe3: {  	v22 =	vadd.f32 v22, v21;
	v21 =	vld [tilespmem:s31+$0x5160];
	[tilespmem:s31+$0x120] =	vst v3;
	v3 =	vadd.f32 v12, v11  }
0xe4: {  	v7 =	vld [tilespmem:s31+$0x4D70];
	[tilespmem:s31+$0x150] =	vst v14  }
0xe5: {  	v8 =	vld [tilespmem:s31+$0x1100];
	[tilespmem:s31+$0x140] =	vst v3;
	v3 =	vadd.f32 v16, v15  }
0xe6: {  	v5 =	vadd.f32 v10, v9;
	v9 =	vld [tilespmem:s31+$0x5100];
	[tilespmem:s31+$0x170] =	vst v18  }
0xe7: {  	v10 =	vld [tilespmem:s31+$0x1110];
	[tilespmem:s31+$0x160] =	vst v3;
	v3 =	vadd.f32 v20, v19  }
0xe8: {  	v26 =	vadd.f32 v26, v25;
	v14 =	vld [tilespmem:s31+$0x1130];
	[tilespmem:s31+$0x510] =	vst v22  }
0xe9: {  	v18 =	vld [tilespmem:s31+$0x1150];
	[tilespmem:s31+$0x500] =	vst v3;
	v3 =	vadd.f32 v24, v23  }
0xea: {  	v30 =	vadd.f32 v30, v29;
	[tilespmem:s31+$0x530] =	vst v26;
	v22 =	vld [tilespmem:s31+$0x1170]  }
0xeb: {  	v19 =	vld [tilespmem:s31+$0x5150];
	[tilespmem:s31+$0x520] =	vst v3;
	v3 =	vadd.f32 v28, v27  }
0xec: {  	v34 =	vadd.f32 v34, v33;
	[tilespmem:s31+$0x550] =	vst v30;
	v11 =	vld [tilespmem:s31+$0x5110]  }
0xed: {  	v12 =	vld [tilespmem:s31+$0x1120];
	[tilespmem:s31+$0x540] =	vst v3;
	v3 =	vadd.f32 v32, v31  }
0xee: {  	[tilespmem:s31+$0x570] =	vst v34;
	v15 =	vld [tilespmem:s31+$0x5130]  }
0xef: {  	v16 =	vld [tilespmem:s31+$0x1140];
	[tilespmem:s31+$0x560] =	vst v3;
	v3 =	vadd.f32 v36, v35  }
0xf0: {  	[tilespmem:s31+$0x130] =	vst v5;
	v20 =	vld [tilespmem:s31+$0x1160];
	v19 =	vadd.f32 v19, v18  }
0xf1: {  	v24 =	vld [tilespmem:s31+$0x1500];
	[tilespmem:s31+$0x900] =	vst v3;
	v3 =	vadd.f32 v40, v39  }
0xf2: {  	[tilespmem:s31+$0x1150] =	vst v19;
	v36 =	vadd.f32 v38, v37;
	v37 =	vld [tilespmem:s31+$0x5170]  }
0xf3: {  	v38 =	vadd.f32 v42, v41;
	v41 =	vld [tilespmem:s31+$0x1510];
	[tilespmem:s31+$0x920] =	vst v3;
	v3 =	vadd.f32 v44, v43  }
0xf4: {  	v42 =	vld [tilespmem:s31+$0x5510];
	[tilespmem:s31+$0x910] =	vst v36  }
0xf5: {  	v35 =	vld [tilespmem:s31+$0x1910];
	[tilespmem:s31+$0x940] =	vst v3;
	v3 =	vadd.f32 v48, v47  }
0xf6: {  	v39 =	vld [tilespmem:s31+$0x5500];
	[tilespmem:s31+$0x930] =	vst v38;
	v40 =	vadd.f32 v46, v45  }
0xf7: {  	v45 =	vld [tilespmem:s31+$0x5520];
	[tilespmem:s31+$0x960] =	vst v3;
	v3 =	vadd.f32 v52, v51  }
0xf8: {  	v46 =	vadd.f32 v54, v53;
	v53 =	vld [tilespmem:s31+$0x1550];
	[tilespmem:s31+$0x950] =	vst v40  }
0xf9: {  	v54 =	vld [tilespmem:s31+$0x5550];
	[tilespmem:s31+$0xD00] =	vst v3;
	v3 =	vadd.f32 v56, v55  }
0xfa: {  	v36 =	vld [tilespmem:s31+$0x5910];
	v43 =	vadd.f32 v50, v49;
	[tilespmem:s31+$0xD10] =	vst v46  }
0xfb: {  	v38 =	vld [tilespmem:s31+$0x1920];
	[tilespmem:s31+$0xD20] =	vst v3;
	v3 =	vadd.f32 v60, v59  }
0xfc: {  	v44 =	vld [tilespmem:s31+$0x1520];
	v49 =	vadd.f32 v58, v57;
	[tilespmem:s31+$0x970] =	vst v43  }
0xfd: {  	v50 =	vld [tilespmem:s31+$0x1540];
	[tilespmem:s31+$0xD40] =	vst v3;
	v3 =	vadd.f32 v4, v63  }
0xfe: {  	v57 =	vld [tilespmem:s31+$0x5560];
	v58 =	vadd.f32 v11, v10;
	[tilespmem:s31+$0xD30] =	vst v49  }
0xff: {  	v46 =	vld [tilespmem:s31+$0x5950];
	[tilespmem:s31+$0xD60] =	vst v3;
	v3 =	vadd.f32 v9, v8  }
0x100: {  	v37 =	vadd.f32 v37, v22;
	v40 =	vadd.f32 v42, v41;
	v41 =	vld [tilespmem:s31+$0x1930];
	[tilespmem:s31+$0x1110] =	vst v58  }
0x101: {  	v42 =	vld [tilespmem:s31+$0x5930];
	[tilespmem:s31+$0x1100] =	vst v3;
	v3 =	vadd.f32 v13, v12  }
0x102: {  	v47 =	vld [tilespmem:s31+$0x1530];
	[tilespmem:s31+$0x1170] =	vst v37  }
0x103: {  	v48 =	vld [tilespmem:s31+$0x5530];
	[tilespmem:s31+$0x1120] =	vst v3;
	v3 =	vadd.f32 v17, v16  }
0x104: {  	v49 =	vld [tilespmem:s31+$0x5960];
	[tilespmem:s31+$0x1510] =	vst v40;
	v52 =	vadd.f32 v62, v61  }
0x105: {  	v51 =	vld [tilespmem:s31+$0x5540];
	[tilespmem:s31+$0x1140] =	vst v3;
	v3 =	vadd.f32 v21, v20  }
0x106: {  	v61 =	vadd.f32 v15, v14;
	v62 =	vld [tilespmem:s31+$0x1900];
	[tilespmem:s31+$0xD50] =	vst v52  }
0x107: {  	v56 =	vld [tilespmem:s31+$0x1560];
	[tilespmem:s31+$0x1160] =	vst v3;
	v3 =	vadd.f32 v39, v24  }
0x108: {  	v55 =	vadd.f32 v7, v6;
	[tilespmem:s31+$0x1130] =	vst v61;
	v52 =	vld [tilespmem:s31+$0x5970]  }
0x109: {  	v43 =	vadd.f32 v48, v47;
	v47 =	vld [tilespmem:s31+$0x1960];
	[tilespmem:s31+$0x1500] =	vst v3;
	v3 =	vadd.f32 v45, v44  }
0x10a: {  	[tilespmem:s31+$0xD70] =	vst v55;
	v63 =	vld [tilespmem:s31+$0x5900]  }
0x10b: {  	v59 =	vld [tilespmem:s31+$0x1570];
	[tilespmem:s31+$0x1520] =	vst v3;
	v3 =	vadd.f32 v51, v50  }
0x10c: {  	[tilespmem:s31+$0x1530] =	vst v43;
	v4 =	vadd.f32 v54, v53;
	v39 =	vld [tilespmem:s31+$0x5920]  }
0x10d: {  	v60 =	vld [tilespmem:s31+$0x5570];
	[tilespmem:s31+$0x1540] =	vst v3;
	v3 =	vadd.f32 v57, v56  }
0x10e: {  	v54 =	vadd.f32 v42, v41;
	[tilespmem:s31+$0x1550] =	vst v4;
	v45 =	vld [tilespmem:s31+$0x1950]  }
0x10f: {  	v53 =	vld [tilespmem:s31+$0x5940];
	[tilespmem:s31+$0x1560] =	vst v3;
	v3 =	vadd.f32 v63, v62  }
0x110: {  	[tilespmem:s31+$0x1930] =	vst v54;
	v55 =	vadd.f32 v49, v47;
	v50 =	vld [tilespmem:s31+$0x1970]  }
0x111: {  	v44 =	vld [tilespmem:s31+$0x1940];
	[tilespmem:s31+$0x1900] =	vst v3;
	v3 =	vadd.f32 v39, v38  }
0x112: {  	v48 =	vadd.f32 v60, v59;
	[tilespmem:s31+$0x1960] =	vst v55  }
0x113: {  	[tilespmem:s31+$0x1920] =	vst v3;
	v3 =	vadd.f32 v46, v45  }
0x114: {  	s10 =	sand.u32 $0x7, s28;
	[tilespmem:s31+$0x1570] =	vst v48;
	v51 =	vadd.f32 v36, v35  }
0x115: {  	s0 =	sshll.u32 s10, $0x7;
	[tilespmem:s31+$0x1950] =	vst v3;
	v3 =	vadd.f32 v52, v50  }
0x116: {  	s0 =	sadd.s32 s0, s29;
	[tilespmem:s31+$0x1910] =	vst v51;
	v56 =	vadd.f32 v53, v44  }
0x117: {  	s10 =	sor.u32 $0x1C00, s0;
	[tilespmem:s31+$0x1970] =	vst v3  }
0x118: {  	[tilespmem:s31+$0x1940] =	vst v56;
	v3 =	vld [tilespmem:s10+$0x100]  }
0x119: {  	v4 =	vld [tilespmem:s10+$0x4100];
	_ =	sdelay $0x4  }
0x11a: {  	v3 =	vadd.f32 v4, v3;
	_ =	sdelay $0x1  }
0x11b: {  	s31 =	sor.u32 $0x1C10, s0;
	[tilespmem:s10+$0x100] =	vst v3  }
0x11c: {  	v3 =	vld [tilespmem:s31+$0x100]  }
0x11d: {  	v57 =	vld [tilespmem:s31+$0x4100];
	_ =	sdelay $0x4  }
0x11e: {  	v3 =	vadd.f32 v57, v3;
	_ =	sdelay $0x1  }
0x11f: {  	[tilespmem:s31+$0x100] =	vst v3;
	s31 =	sor.u32 $0x1C20, s0  }
0x120: {  	v3 =	vld [tilespmem:s31+$0x100]  }
0x121: {  	v58 =	vld [tilespmem:s31+$0x4100];
	_ =	sdelay $0x4  }
0x122: {  	v3 =	vadd.f32 v58, v3;
	_ =	sdelay $0x1  }
0x123: {  	[tilespmem:s31+$0x100] =	vst v3;
	s31 =	sor.u32 $0x1C30, s0  }
0x124: {  	v3 =	vld [tilespmem:s31+$0x100]  }
0x125: {  	v59 =	vld [tilespmem:s31+$0x4100];
	_ =	sdelay $0x4  }
0x126: {  	v3 =	vadd.f32 v59, v3;
	_ =	sdelay $0x1  }
0x127: {  	[tilespmem:s31+$0x100] =	vst v3;
	s31 =	sor.u32 $0x1C40, s0  }
0x128: {  	v3 =	vld [tilespmem:s31+$0x100]  }
0x129: {  	v60 =	vld [tilespmem:s31+$0x4100];
	_ =	sdelay $0x4  }
0x12a: {  	v3 =	vadd.f32 v60, v3;
	_ =	sdelay $0x1  }
0x12b: {  	[tilespmem:s31+$0x100] =	vst v3;
	s31 =	sor.u32 $0x1C50, s0  }
0x12c: {  	v3 =	vld [tilespmem:s31+$0x100]  }
0x12d: {  	v61 =	vld [tilespmem:s31+$0x4100];
	_ =	sdelay $0x4  }
0x12e: {  	v3 =	vadd.f32 v61, v3;
	_ =	sdelay $0x1  }
0x12f: {  	[tilespmem:s31+$0x100] =	vst v3;
	s31 =	sor.u32 $0x1C60, s0  }
0x130: {  	v3 =	vld [tilespmem:s31+$0x100]  }
0x131: {  	v62 =	vld [tilespmem:s31+$0x4100];
	_ =	sdelay $0x4  }
0x132: {  	v3 =	vadd.f32 v62, v3;
	_ =	sdelay $0x1  }
0x133: {  	s0 =	sor.u32 $0x1C70, s0;
	[tilespmem:s31+$0x100] =	vst v3  }
0x134: {  	v3 =	vld [tilespmem:s0+$0x100]  }
0x135: {  	v63 =	vld [tilespmem:s0+$0x4100];
	_ =	sdelay $0x1  }
0x136: {  	p0 =	sne.s32 s30, $0x780  }
.Ltmp0:
0x137: {  	_ = 	snop;
	(pc) =	sbr.rel @p0 .LBB2_2-.Ltmp0, $4  }
0x138: {  	_ = 	snop  }
0x139: {  	v3 =	vadd.f32 v63, v3  }
0x13a: {  	s28 =	sadd.s32 $0x1, s28  }
0x13b: {  	s5 =	sadd.s32 $0x400, s5;
	s30 =	sadd.s32 $0x80, s30;
	s29 =	sadd.s32 $0x400, s29;
	[tilespmem:s0+$0x100] =	vst v3  }
0x13c: {  	s5 =	simm.s32 $0x0  }
0x13d: {  	[hbm4b:s7+s5] =	stream.linear.scatter [tilespmem:s16], [sflag:$0x7], $0x4000, $0x38;
	[tilespmem:$0x18100] =	vst v63  }
0x13e: {  	_ =	swait.ge [sflag:s19], $0x4000  }
0x13f: {  	[sflag:s19] =	ssyncset.done $0x0  }
0x140: {  	[sflag:s19] =	ssyncadd.s32 $0xFFFFC000  }
0x141: {  	v3 =	vld [tilespmem:$0x30];
	_ =	sdelay $0x4  }
0x142: {  	v4 =	vshll.u32 v3, $0x3  }
0x143: {  	v3 =	vand.u32 $0x7, v3;
	v4 =	vand.u32 $0xFFFFFFC0, v4  }
0x144: {  	v3 =	vor.u32 v3, v4  }
0x145: {  	v4 =	vperm.xlane v3, v0;
	_ =	sdelay $0x1  }
0x146: {  	v4 =	vadd.s32 v1, v4;
	_ =	sdelay $0x4  }
0x147: {  	[tilespmem:s16], [sflag:$0x1] =	stream.indirect_vreg.gather [hbm4b:s3+s5], $0x80, v4, vm0, $0xb8;
	[tilespmem:$0x18100] =	vst v63  }
0x148: {  	s0 =	simm.s32 $0x900;
	v3 =	vperm.xlane v3, v2  }
0x149: {  	[tilespmem:s0], [sflag:$0x1] =	stream.indirect_vreg.gather [hbm4b:s6+s5], $0x80, v4, vm0, $0xb8;
	[tilespmem:$0x18100] =	vst v63  }
0x14a: {  	s10 =	simm.s32 $0x1100;
	v3 =	vadd.s32 v1, v3  }
0x14b: {  	[tilespmem:s10], [sflag:$0x1] =	stream.indirect_vreg.gather [hbm4b:s8+s5], $0x80, v4, vm0, $0xb8;
	[tilespmem:$0x18100] =	vst v63  }
0x14c: {  	s31 =	simm.s32 $0x1900  }
0x14d: {  	[tilespmem:s31], [sflag:$0x1] =	stream.indirect_vreg.gather [hbm4b:s9+s5], $0x80, v4, vm0, $0xb8;
	[tilespmem:$0x18100] =	vst v63  }
0x14e: {  	s10 =	simm.s32 $0x2100  }
0x14f: {  	[tilespmem:s10], [sflag:$0x1] =	stream.indirect_vreg.gather [hbm4b:s3+s5], $0x80, v3, vm0, $0xb8;
	[tilespmem:$0x18100] =	vst v63  }
0x150: {  	s31 =	simm.s32 $0x2900  }
0x151: {  	[tilespmem:s31], [sflag:$0x1] =	stream.indirect_vreg.gather [hbm4b:s6+s5], $0x80, v3, vm0, $0xb8;
	[tilespmem:$0x18100] =	vst v63  }
0x152: {  	s10 =	simm.s32 $0x3100  }
0x153: {  	[tilespmem:s10], [sflag:$0x1] =	stream.indirect_vreg.gather [hbm4b:s8+s5], $0x80, v3, vm0, $0xb8;
	[tilespmem:$0x18100] =	vst v63  }
0x154: {  	s31 =	simm.s32 $0x3900  }
0x155: {  	[tilespmem:s31], [sflag:$0x1] =	stream.indirect_vreg.gather [hbm4b:s9+s5], $0x80, v3, vm0, $0xb8;
	[tilespmem:$0x18100] =	vst v63  }
0x156: {  	v3 =	vld [tilespmem:$0xB0];
	_ =	sdelay $0x4  }
0x157: {  	v63 =	vshll.u32 v3, $0x3  }
0x158: {  	v3 =	vand.u32 $0x7, v3;
	v4 =	vand.u32 $0xFFFFFFC0, v63  }
0x159: {  	v3 =	vor.u32 v3, v4  }
0x15a: {  	v4 =	vperm.xlane v3, v0;
	_ =	sdelay $0x1  }
0x15b: {  	v4 =	vadd.s32 v1, v4;
	_ =	sdelay $0x3  }
0x15c: {  	s10 =	simm.s32 $0x4100  }
0x15d: {  	[tilespmem:s10], [sflag:$0x2] =	stream.indirect_vreg.gather [hbm4b:s3+s5], $0x80, v4, vm0, $0xb8;
	[tilespmem:$0x18100] =	vst v63  }
0x15e: {  	s31 =	simm.s32 $0x4900;
	v3 =	vperm.xlane v3, v2  }
0x15f: {  	[tilespmem:s31], [sflag:$0x2] =	stream.indirect_vreg.gather [hbm4b:s6+s5], $0x80, v4, vm0, $0xb8;
	[tilespmem:$0x18100] =	vst v63  }
0x160: {  	v3 =	vadd.s32 v1, v3;
	s10 =	simm.s32 $0x5100  }
0x161: {  	[tilespmem:s10], [sflag:$0x2] =	stream.indirect_vreg.gather [hbm4b:s8+s5], $0x80, v4, vm0, $0xb8;
	[tilespmem:$0x18100] =	vst v63  }
0x162: {  	s31 =	simm.s32 $0x5900  }
0x163: {  	[tilespmem:s31], [sflag:$0x2] =	stream.indirect_vreg.gather [hbm4b:s9+s5], $0x80, v4, vm0, $0xb8;
	[tilespmem:$0x18100] =	vst v63  }
0x164: {  	s10 =	simm.s32 $0x6100  }
0x165: {  	[tilespmem:s10], [sflag:$0x2] =	stream.indirect_vreg.gather [hbm4b:s3+s5], $0x80, v3, vm0, $0xb8;
	[tilespmem:$0x18100] =	vst v63  }
0x166: {  	s31 =	simm.s32 $0x6900  }
0x167: {  	[tilespmem:s31], [sflag:$0x2] =	stream.indirect_vreg.gather [hbm4b:s6+s5], $0x80, v3, vm0, $0xb8;
	[tilespmem:$0x18100] =	vst v63  }
0x168: {  	s10 =	simm.s32 $0x7100  }
0x169: {  	[tilespmem:s10], [sflag:$0x2] =	stream.indirect_vreg.gather [hbm4b:s8+s5], $0x80, v3, vm0, $0xb8;
	[tilespmem:$0x18100] =	vst v63  }
0x16a: {  	s31 =	simm.s32 $0x7900  }
0x16b: {  	[tilespmem:s31], [sflag:$0x2] =	stream.indirect_vreg.gather [hbm4b:s9+s5], $0x80, v3, vm0, $0xb8;
	[tilespmem:$0x18100] =	vst v63  }
0x16c: {  	_ =	swait.ge [sflag:s20], $0x4000  }
0x16d: {  	[sflag:s20] =	ssyncset.done $0x0  }
0x16e: {  	[sflag:s20] =	ssyncadd.s32 $0xFFFFC000  }
0x16f: {  	_ =	swait.ge [sflag:s21], $0x4000  }
0x170: {  	s28 =	simm.s32 $0xFFFFC000;
	[sflag:s21] =	ssyncset.done $0x0  }
0x171: {  	s29 =	simm.s32 $0x0;
	s30 =	simm.s32 $0x0;
	[sflag:s21] =	ssyncadd.s32 $0xFFFFC000  }
.LBB2_4:
0x172: {  	s0 =	sadd.s32 $0x4000, s28  }
0x173: {  	s10 =	sand.u32 $0x380, s30;
	s0 =	sand.u32 $0x2000, s0  }
0x174: {  	s31 =	sor.u32 s10, s0  }
0x175: {  	v3 =	vld [tilespmem:s31+$0x8100]  }
0x176: {  	v4 =	vld [tilespmem:s31+$0xC100]  }
0x177: {  	v5 =	vld [tilespmem:s31+$0x8110]  }
0x178: {  	v6 =	vld [tilespmem:s31+$0xC110]  }
0x179: {  	v7 =	vld [tilespmem:s31+$0x8120]  }
0x17a: {  	v8 =	vld [tilespmem:s31+$0xC120]  }
0x17b: {  	v9 =	vld [tilespmem:s31+$0x8130]  }
0x17c: {  	v10 =	vld [tilespmem:s31+$0xC130]  }
0x17d: {  	v11 =	vld [tilespmem:s31+$0x8140]  }
0x17e: {  	v12 =	vld [tilespmem:s31+$0xC140]  }
0x17f: {  	v13 =	vld [tilespmem:s31+$0x8150]  }
0x180: {  	v14 =	vld [tilespmem:s31+$0xC150]  }
0x181: {  	v15 =	vld [tilespmem:s31+$0x8160]  }
0x182: {  	v16 =	vld [tilespmem:s31+$0xC160]  }
0x183: {  	v17 =	vld [tilespmem:s31+$0x8170]  }
0x184: {  	v18 =	vld [tilespmem:s31+$0xC170]  }
0x185: {  	v19 =	vld [tilespmem:s31+$0x8500]  }
0x186: {  	v20 =	vld [tilespmem:s31+$0xC500]  }
0x187: {  	v21 =	vld [tilespmem:s31+$0x8510]  }
0x188: {  	v22 =	vld [tilespmem:s31+$0xC510]  }
0x189: {  	v23 =	vld [tilespmem:s31+$0x8520]  }
0x18a: {  	v24 =	vld [tilespmem:s31+$0xC520]  }
0x18b: {  	v25 =	vld [tilespmem:s31+$0x8530]  }
0x18c: {  	v26 =	vld [tilespmem:s31+$0xC530]  }
0x18d: {  	v27 =	vld [tilespmem:s31+$0x8540]  }
0x18e: {  	v28 =	vld [tilespmem:s31+$0xC540]  }
0x18f: {  	v29 =	vld [tilespmem:s31+$0x8550]  }
0x190: {  	v30 =	vld [tilespmem:s31+$0xC550]  }
0x191: {  	v31 =	vld [tilespmem:s31+$0x8560]  }
0x192: {  	v32 =	vld [tilespmem:s31+$0xC560]  }
0x193: {  	v33 =	vld [tilespmem:s31+$0x8570]  }
0x194: {  	v34 =	vld [tilespmem:s31+$0xC570]  }
0x195: {  	v35 =	vld [tilespmem:s31+$0x8900]  }
0x196: {  	v36 =	vld [tilespmem:s31+$0xC900]  }
0x197: {  	v37 =	vld [tilespmem:s31+$0x8910]  }
0x198: {  	v38 =	vld [tilespmem:s31+$0xC910]  }
0x199: {  	v39 =	vld [tilespmem:s31+$0x8920]  }
0x19a: {  	v40 =	vld [tilespmem:s31+$0xC920]  }
0x19b: {  	v41 =	vld [tilespmem:s31+$0x8930]  }
0x19c: {  	v42 =	vld [tilespmem:s31+$0xC930]  }
0x19d: {  	v43 =	vld [tilespmem:s31+$0x8940]  }
0x19e: {  	v44 =	vld [tilespmem:s31+$0xC940]  }
0x19f: {  	v45 =	vld [tilespmem:s31+$0x8950]  }
0x1a0: {  	v46 =	vld [tilespmem:s31+$0xC950]  }
0x1a1: {  	v47 =	vld [tilespmem:s31+$0x8960]  }
0x1a2: {  	v48 =	vld [tilespmem:s31+$0xC960]  }
0x1a3: {  	v49 =	vld [tilespmem:s31+$0x8970]  }
0x1a4: {  	v50 =	vld [tilespmem:s31+$0xC970]  }
0x1a5: {  	v51 =	vld [tilespmem:s31+$0x8D00]  }
0x1a6: {  	v52 =	vld [tilespmem:s31+$0xCD00]  }
0x1a7: {  	v53 =	vld [tilespmem:s31+$0x8D10]  }
0x1a8: {  	v54 =	vld [tilespmem:s31+$0xCD10]  }
0x1a9: {  	v55 =	vld [tilespmem:s31+$0x8D20]  }
0x1aa: {  	v56 =	vld [tilespmem:s31+$0xCD20]  }
0x1ab: {  	v57 =	vld [tilespmem:s31+$0x8D30]  }
0x1ac: {  	v58 =	vld [tilespmem:s31+$0xCD30]  }
0x1ad: {  	v59 =	vld [tilespmem:s31+$0x8D40]  }
0x1ae: {  	v60 =	vld [tilespmem:s31+$0xCD40]  }
0x1af: {  	v61 =	vld [tilespmem:s31+$0x8D50]  }
0x1b0: {  	v62 =	vld [tilespmem:s31+$0xCD50]  }
0x1b1: {  	v63 =	vld [tilespmem:s31+$0x8D60]  }
0x1b2: {  	v3 =	vadd.f32 v4, v3;
	v4 =	vld [tilespmem:s31+$0xCD60]  }
0x1b3: {  	v5 =	vadd.f32 v6, v5;
	v6 =	vld [tilespmem:s31+$0x8D70]  }
0x1b4: {  	v14 =	vadd.f32 v14, v13;
	v13 =	vld [tilespmem:s31+$0xD120];
	[tilespmem:s31+$0x8100] =	vst v3;
	v3 =	vadd.f32 v8, v7  }
0x1b5: {  	v18 =	vadd.f32 v18, v17;
	v17 =	vld [tilespmem:s31+$0xD140];
	[tilespmem:s31+$0x8110] =	vst v5  }
0x1b6: {  	v22 =	vadd.f32 v22, v21;
	v21 =	vld [tilespmem:s31+$0xD160];
	[tilespmem:s31+$0x8120] =	vst v3;
	v3 =	vadd.f32 v12, v11  }
0x1b7: {  	v7 =	vld [tilespmem:s31+$0xCD70];
	[tilespmem:s31+$0x8150] =	vst v14  }
0x1b8: {  	v8 =	vld [tilespmem:s31+$0x9100];
	[tilespmem:s31+$0x8140] =	vst v3;
	v3 =	vadd.f32 v16, v15  }
0x1b9: {  	v5 =	vadd.f32 v10, v9;
	v9 =	vld [tilespmem:s31+$0xD100];
	[tilespmem:s31+$0x8170] =	vst v18  }
0x1ba: {  	v10 =	vld [tilespmem:s31+$0x9110];
	[tilespmem:s31+$0x8160] =	vst v3;
	v3 =	vadd.f32 v20, v19  }
0x1bb: {  	v26 =	vadd.f32 v26, v25;
	v14 =	vld [tilespmem:s31+$0x9130];
	[tilespmem:s31+$0x8510] =	vst v22  }
0x1bc: {  	v18 =	vld [tilespmem:s31+$0x9150];
	[tilespmem:s31+$0x8500] =	vst v3;
	v3 =	vadd.f32 v24, v23  }
0x1bd: {  	v30 =	vadd.f32 v30, v29;
	[tilespmem:s31+$0x8530] =	vst v26;
	v22 =	vld [tilespmem:s31+$0x9170]  }
0x1be: {  	v19 =	vld [tilespmem:s31+$0xD150];
	[tilespmem:s31+$0x8520] =	vst v3;
	v3 =	vadd.f32 v28, v27  }
0x1bf: {  	v34 =	vadd.f32 v34, v33;
	[tilespmem:s31+$0x8550] =	vst v30;
	v11 =	vld [tilespmem:s31+$0xD110]  }
0x1c0: {  	v12 =	vld [tilespmem:s31+$0x9120];
	[tilespmem:s31+$0x8540] =	vst v3;
	v3 =	vadd.f32 v32, v31  }
0x1c1: {  	[tilespmem:s31+$0x8570] =	vst v34;
	v15 =	vld [tilespmem:s31+$0xD130]  }
0x1c2: {  	v16 =	vld [tilespmem:s31+$0x9140];
	[tilespmem:s31+$0x8560] =	vst v3;
	v3 =	vadd.f32 v36, v35  }
0x1c3: {  	[tilespmem:s31+$0x8130] =	vst v5;
	v20 =	vld [tilespmem:s31+$0x9160];
	v19 =	vadd.f32 v19, v18  }
0x1c4: {  	v24 =	vld [tilespmem:s31+$0x9500];
	[tilespmem:s31+$0x8900] =	vst v3;
	v3 =	vadd.f32 v40, v39  }
0x1c5: {  	[tilespmem:s31+$0x9150] =	vst v19;
	v36 =	vadd.f32 v38, v37;
	v37 =	vld [tilespmem:s31+$0xD170]  }
0x1c6: {  	v38 =	vadd.f32 v42, v41;
	v41 =	vld [tilespmem:s31+$0x9510];
	[tilespmem:s31+$0x8920] =	vst v3;
	v3 =	vadd.f32 v44, v43  }
0x1c7: {  	v42 =	vld [tilespmem:s31+$0xD510];
	[tilespmem:s31+$0x8910] =	vst v36  }
0x1c8: {  	v35 =	vld [tilespmem:s31+$0x9910];
	[tilespmem:s31+$0x8940] =	vst v3;
	v3 =	vadd.f32 v48, v47  }
0x1c9: {  	v39 =	vld [tilespmem:s31+$0xD500];
	[tilespmem:s31+$0x8930] =	vst v38;
	v40 =	vadd.f32 v46, v45  }
0x1ca: {  	v45 =	vld [tilespmem:s31+$0xD520];
	[tilespmem:s31+$0x8960] =	vst v3;
	v3 =	vadd.f32 v52, v51  }
0x1cb: {  	v46 =	vadd.f32 v54, v53;
	v53 =	vld [tilespmem:s31+$0x9550];
	[tilespmem:s31+$0x8950] =	vst v40  }
0x1cc: {  	v54 =	vld [tilespmem:s31+$0xD550];
	[tilespmem:s31+$0x8D00] =	vst v3;
	v3 =	vadd.f32 v56, v55  }
0x1cd: {  	v36 =	vld [tilespmem:s31+$0xD910];
	v43 =	vadd.f32 v50, v49;
	[tilespmem:s31+$0x8D10] =	vst v46  }
0x1ce: {  	v38 =	vld [tilespmem:s31+$0x9920];
	[tilespmem:s31+$0x8D20] =	vst v3;
	v3 =	vadd.f32 v60, v59  }
0x1cf: {  	v44 =	vld [tilespmem:s31+$0x9520];
	v49 =	vadd.f32 v58, v57;
	[tilespmem:s31+$0x8970] =	vst v43  }
0x1d0: {  	v50 =	vld [tilespmem:s31+$0x9540];
	[tilespmem:s31+$0x8D40] =	vst v3;
	v3 =	vadd.f32 v4, v63  }
0x1d1: {  	v57 =	vld [tilespmem:s31+$0xD560];
	v58 =	vadd.f32 v11, v10;
	[tilespmem:s31+$0x8D30] =	vst v49  }
0x1d2: {  	v46 =	vld [tilespmem:s31+$0xD950];
	[tilespmem:s31+$0x8D60] =	vst v3;
	v3 =	vadd.f32 v9, v8  }
0x1d3: {  	v37 =	vadd.f32 v37, v22;
	v40 =	vadd.f32 v42, v41;
	v41 =	vld [tilespmem:s31+$0x9930];
	[tilespmem:s31+$0x9110] =	vst v58  }
0x1d4: {  	v42 =	vld [tilespmem:s31+$0xD930];
	[tilespmem:s31+$0x9100] =	vst v3;
	v3 =	vadd.f32 v13, v12  }
0x1d5: {  	v47 =	vld [tilespmem:s31+$0x9530];
	[tilespmem:s31+$0x9170] =	vst v37  }
0x1d6: {  	v48 =	vld [tilespmem:s31+$0xD530];
	[tilespmem:s31+$0x9120] =	vst v3;
	v3 =	vadd.f32 v17, v16  }
0x1d7: {  	v49 =	vld [tilespmem:s31+$0xD960];
	[tilespmem:s31+$0x9510] =	vst v40;
	v52 =	vadd.f32 v62, v61  }
0x1d8: {  	v51 =	vld [tilespmem:s31+$0xD540];
	[tilespmem:s31+$0x9140] =	vst v3;
	v3 =	vadd.f32 v21, v20  }
0x1d9: {  	v61 =	vadd.f32 v15, v14;
	v62 =	vld [tilespmem:s31+$0x9900];
	[tilespmem:s31+$0x8D50] =	vst v52  }
0x1da: {  	v56 =	vld [tilespmem:s31+$0x9560];
	[tilespmem:s31+$0x9160] =	vst v3;
	v3 =	vadd.f32 v39, v24  }
0x1db: {  	v55 =	vadd.f32 v7, v6;
	[tilespmem:s31+$0x9130] =	vst v61;
	v52 =	vld [tilespmem:s31+$0xD970]  }
0x1dc: {  	v43 =	vadd.f32 v48, v47;
	v47 =	vld [tilespmem:s31+$0x9960];
	[tilespmem:s31+$0x9500] =	vst v3;
	v3 =	vadd.f32 v45, v44  }
0x1dd: {  	[tilespmem:s31+$0x8D70] =	vst v55;
	v63 =	vld [tilespmem:s31+$0xD900]  }
0x1de: {  	v59 =	vld [tilespmem:s31+$0x9570];
	[tilespmem:s31+$0x9520] =	vst v3;
	v3 =	vadd.f32 v51, v50  }
0x1df: {  	[tilespmem:s31+$0x9530] =	vst v43;
	v4 =	vadd.f32 v54, v53;
	v39 =	vld [tilespmem:s31+$0xD920]  }
0x1e0: {  	v60 =	vld [tilespmem:s31+$0xD570];
	[tilespmem:s31+$0x9540] =	vst v3;
	v3 =	vadd.f32 v57, v56  }
0x1e1: {  	v54 =	vadd.f32 v42, v41;
	[tilespmem:s31+$0x9550] =	vst v4;
	v45 =	vld [tilespmem:s31+$0x9950]  }
0x1e2: {  	v53 =	vld [tilespmem:s31+$0xD940];
	[tilespmem:s31+$0x9560] =	vst v3;
	v3 =	vadd.f32 v63, v62  }
0x1e3: {  	[tilespmem:s31+$0x9930] =	vst v54;
	v55 =	vadd.f32 v49, v47;
	v50 =	vld [tilespmem:s31+$0x9970]  }
0x1e4: {  	v44 =	vld [tilespmem:s31+$0x9940];
	[tilespmem:s31+$0x9900] =	vst v3;
	v3 =	vadd.f32 v39, v38  }
0x1e5: {  	v48 =	vadd.f32 v60, v59;
	[tilespmem:s31+$0x9960] =	vst v55  }
0x1e6: {  	[tilespmem:s31+$0x9920] =	vst v3;
	v3 =	vadd.f32 v46, v45  }
0x1e7: {  	s10 =	sand.u32 $0x7, s5;
	[tilespmem:s31+$0x9570] =	vst v48;
	v51 =	vadd.f32 v36, v35  }
0x1e8: {  	s0 =	sshll.u32 s10, $0x7;
	[tilespmem:s31+$0x9950] =	vst v3;
	v3 =	vadd.f32 v52, v50  }
0x1e9: {  	s0 =	sadd.s32 s0, s29;
	[tilespmem:s31+$0x9910] =	vst v51;
	v56 =	vadd.f32 v53, v44  }
0x1ea: {  	s10 =	sor.u32 $0x1C00, s0;
	[tilespmem:s31+$0x9970] =	vst v3  }
0x1eb: {  	[tilespmem:s31+$0x9940] =	vst v56;
	v3 =	vld [tilespmem:s10+$0x8100]  }
0x1ec: {  	v4 =	vld [tilespmem:s10+$0xC100];
	_ =	sdelay $0x4  }
0x1ed: {  	v3 =	vadd.f32 v4, v3;
	_ =	sdelay $0x1  }
0x1ee: {  	s31 =	sor.u32 $0x1C10, s0;
	[tilespmem:s10+$0x8100] =	vst v3  }
0x1ef: {  	v3 =	vld [tilespmem:s31+$0x8100]  }
0x1f0: {  	v57 =	vld [tilespmem:s31+$0xC100];
	_ =	sdelay $0x4  }
0x1f1: {  	v3 =	vadd.f32 v57, v3;
	_ =	sdelay $0x1  }
0x1f2: {  	[tilespmem:s31+$0x8100] =	vst v3;
	s31 =	sor.u32 $0x1C20, s0  }
0x1f3: {  	v3 =	vld [tilespmem:s31+$0x8100]  }
0x1f4: {  	v58 =	vld [tilespmem:s31+$0xC100];
	_ =	sdelay $0x4  }
0x1f5: {  	v3 =	vadd.f32 v58, v3;
	_ =	sdelay $0x1  }
0x1f6: {  	[tilespmem:s31+$0x8100] =	vst v3;
	s31 =	sor.u32 $0x1C30, s0  }
0x1f7: {  	v3 =	vld [tilespmem:s31+$0x8100]  }
0x1f8: {  	v59 =	vld [tilespmem:s31+$0xC100];
	_ =	sdelay $0x4  }
0x1f9: {  	v3 =	vadd.f32 v59, v3;
	_ =	sdelay $0x1  }
0x1fa: {  	[tilespmem:s31+$0x8100] =	vst v3;
	s31 =	sor.u32 $0x1C40, s0  }
0x1fb: {  	v3 =	vld [tilespmem:s31+$0x8100]  }
0x1fc: {  	v60 =	vld [tilespmem:s31+$0xC100];
	_ =	sdelay $0x4  }
0x1fd: {  	v3 =	vadd.f32 v60, v3;
	_ =	sdelay $0x1  }
0x1fe: {  	[tilespmem:s31+$0x8100] =	vst v3;
	s31 =	sor.u32 $0x1C50, s0  }
0x1ff: {  	v3 =	vld [tilespmem:s31+$0x8100]  }
0x200: {  	v61 =	vld [tilespmem:s31+$0xC100];
	_ =	sdelay $0x4  }
0x201: {  	v3 =	vadd.f32 v61, v3;
	_ =	sdelay $0x1  }
0x202: {  	[tilespmem:s31+$0x8100] =	vst v3;
	s31 =	sor.u32 $0x1C60, s0  }
0x203: {  	v3 =	vld [tilespmem:s31+$0x8100]  }
0x204: {  	v62 =	vld [tilespmem:s31+$0xC100];
	_ =	sdelay $0x4  }
0x205: {  	v3 =	vadd.f32 v62, v3;
	_ =	sdelay $0x1  }
0x206: {  	s0 =	sor.u32 $0x1C70, s0;
	[tilespmem:s31+$0x8100] =	vst v3  }
0x207: {  	v3 =	vld [tilespmem:s0+$0x8100]  }
0x208: {  	v63 =	vld [tilespmem:s0+$0xC100];
	_ =	sdelay $0x1  }
0x209: {  	p0 =	sne.s32 s30, $0x780  }
.Ltmp1:
0x20a: {  	_ = 	snop;
	(pc) =	sbr.rel @p0 .LBB2_4-.Ltmp1, $4  }
0x20b: {  	_ = 	snop  }
0x20c: {  	v3 =	vadd.f32 v63, v3  }
0x20d: {  	s28 =	sadd.s32 $0x400, s28  }
0x20e: {  	s30 =	sadd.s32 $0x80, s30;
	s5 =	sadd.s32 $0x1, s5;
	s29 =	sadd.s32 $0x400, s29;
	[tilespmem:s0+$0x8100] =	vst v3  }
0x20f: {  	s5 =	simm.s32 $0x0;
	s0 =	rddreg [dreg:$0x4]  }
0x210: {  	[hbm4b:s0+s5] =	stream.linear.scatter [tilespmem:s1], [sflag:$0x8], $0x4000, $0x38;
	[tilespmem:$0x18100] =	vst v63  }
0x211: {  	_ =	swait.ge [sflag:s22], $0x4000  }
0x212: {  	[sflag:s22] =	ssyncset.done $0x0  }
0x213: {  	[sflag:s22] =	ssyncadd.s32 $0xFFFFC000  }
0x214: {  	_ =	swait.ge [sflag:s23], $0x4000  }
0x215: {  	s28 =	simm.s32 $0xFFFFC000;
	[sflag:s23] =	ssyncset.done $0x0  }
0x216: {  	s29 =	simm.s32 $0x0;
	s30 =	simm.s32 $0x0;
	[sflag:s23] =	ssyncadd.s32 $0xFFFFC000  }
.LBB2_6:
0x217: {  	s0 =	sadd.s32 $0x4000, s28  }
0x218: {  	s10 =	sand.u32 $0x380, s30;
	s0 =	sand.u32 $0x2000, s0  }
0x219: {  	s31 =	sor.u32 s10, s0  }
0x21a: {  	v3 =	vld [tilespmem:s31+$0x10100]  }
0x21b: {  	v4 =	vld [tilespmem:s31+$0x14100]  }
0x21c: {  	v5 =	vld [tilespmem:s31+$0x10110]  }
0x21d: {  	v6 =	vld [tilespmem:s31+$0x14110]  }
0x21e: {  	v7 =	vld [tilespmem:s31+$0x10120]  }
0x21f: {  	v8 =	vld [tilespmem:s31+$0x14120]  }
0x220: {  	v9 =	vld [tilespmem:s31+$0x10130]  }
0x221: {  	v10 =	vld [tilespmem:s31+$0x14130]  }
0x222: {  	v11 =	vld [tilespmem:s31+$0x10140]  }
0x223: {  	v12 =	vld [tilespmem:s31+$0x14140]  }
0x224: {  	v13 =	vld [tilespmem:s31+$0x10150]  }
0x225: {  	v14 =	vld [tilespmem:s31+$0x14150]  }
0x226: {  	v15 =	vld [tilespmem:s31+$0x10160]  }
0x227: {  	v16 =	vld [tilespmem:s31+$0x14160]  }
0x228: {  	v17 =	vld [tilespmem:s31+$0x10170]  }
0x229: {  	v18 =	vld [tilespmem:s31+$0x14170]  }
0x22a: {  	v19 =	vld [tilespmem:s31+$0x10500]  }
0x22b: {  	v20 =	vld [tilespmem:s31+$0x14500]  }
0x22c: {  	v21 =	vld [tilespmem:s31+$0x10510]  }
0x22d: {  	v22 =	vld [tilespmem:s31+$0x14510]  }
0x22e: {  	v23 =	vld [tilespmem:s31+$0x10520]  }
0x22f: {  	v24 =	vld [tilespmem:s31+$0x14520]  }
0x230: {  	v25 =	vld [tilespmem:s31+$0x10530]  }
0x231: {  	v26 =	vld [tilespmem:s31+$0x14530]  }
0x232: {  	v27 =	vld [tilespmem:s31+$0x10540]  }
0x233: {  	v28 =	vld [tilespmem:s31+$0x14540]  }
0x234: {  	v29 =	vld [tilespmem:s31+$0x10550]  }
0x235: {  	v30 =	vld [tilespmem:s31+$0x14550]  }
0x236: {  	v31 =	vld [tilespmem:s31+$0x10560]  }
0x237: {  	v32 =	vld [tilespmem:s31+$0x14560]  }
0x238: {  	v33 =	vld [tilespmem:s31+$0x10570]  }
0x239: {  	v34 =	vld [tilespmem:s31+$0x14570]  }
0x23a: {  	v35 =	vld [tilespmem:s31+$0x10900]  }
0x23b: {  	v36 =	vld [tilespmem:s31+$0x14900]  }
0x23c: {  	v37 =	vld [tilespmem:s31+$0x10910]  }
0x23d: {  	v38 =	vld [tilespmem:s31+$0x14910]  }
0x23e: {  	v39 =	vld [tilespmem:s31+$0x10920]  }
0x23f: {  	v40 =	vld [tilespmem:s31+$0x14920]  }
0x240: {  	v41 =	vld [tilespmem:s31+$0x10930]  }
0x241: {  	v42 =	vld [tilespmem:s31+$0x14930]  }
0x242: {  	v43 =	vld [tilespmem:s31+$0x10940]  }
0x243: {  	v44 =	vld [tilespmem:s31+$0x14940]  }
0x244: {  	v45 =	vld [tilespmem:s31+$0x10950]  }
0x245: {  	v46 =	vld [tilespmem:s31+$0x14950]  }
0x246: {  	v47 =	vld [tilespmem:s31+$0x10960]  }
0x247: {  	v48 =	vld [tilespmem:s31+$0x14960]  }
0x248: {  	v49 =	vld [tilespmem:s31+$0x10970]  }
0x249: {  	v50 =	vld [tilespmem:s31+$0x14970]  }
0x24a: {  	v51 =	vld [tilespmem:s31+$0x10D00]  }
0x24b: {  	v52 =	vld [tilespmem:s31+$0x14D00]  }
0x24c: {  	v53 =	vld [tilespmem:s31+$0x10D10]  }
0x24d: {  	v54 =	vld [tilespmem:s31+$0x14D10]  }
0x24e: {  	v55 =	vld [tilespmem:s31+$0x10D20]  }
0x24f: {  	v56 =	vld [tilespmem:s31+$0x14D20]  }
0x250: {  	v57 =	vld [tilespmem:s31+$0x10D30]  }
0x251: {  	v58 =	vld [tilespmem:s31+$0x14D30]  }
0x252: {  	v59 =	vld [tilespmem:s31+$0x10D40]  }
0x253: {  	v60 =	vld [tilespmem:s31+$0x14D40]  }
0x254: {  	v61 =	vld [tilespmem:s31+$0x10D50]  }
0x255: {  	v62 =	vld [tilespmem:s31+$0x14D50]  }
0x256: {  	v63 =	vld [tilespmem:s31+$0x10D60]  }
0x257: {  	v3 =	vadd.f32 v4, v3;
	v4 =	vld [tilespmem:s31+$0x14D60]  }
0x258: {  	v5 =	vadd.f32 v6, v5;
	v6 =	vld [tilespmem:s31+$0x10D70]  }
0x259: {  	v14 =	vadd.f32 v14, v13;
	v13 =	vld [tilespmem:s31+$0x15120];
	[tilespmem:s31+$0x10100] =	vst v3;
	v3 =	vadd.f32 v8, v7  }
0x25a: {  	v18 =	vadd.f32 v18, v17;
	v17 =	vld [tilespmem:s31+$0x15140];
	[tilespmem:s31+$0x10110] =	vst v5  }
0x25b: {  	v22 =	vadd.f32 v22, v21;
	v21 =	vld [tilespmem:s31+$0x15160];
	[tilespmem:s31+$0x10120] =	vst v3;
	v3 =	vadd.f32 v12, v11  }
0x25c: {  	v7 =	vld [tilespmem:s31+$0x14D70];
	[tilespmem:s31+$0x10150] =	vst v14  }
0x25d: {  	v8 =	vld [tilespmem:s31+$0x11100];
	[tilespmem:s31+$0x10140] =	vst v3;
	v3 =	vadd.f32 v16, v15  }
0x25e: {  	v5 =	vadd.f32 v10, v9;
	v9 =	vld [tilespmem:s31+$0x15100];
	[tilespmem:s31+$0x10170] =	vst v18  }
0x25f: {  	v10 =	vld [tilespmem:s31+$0x11110];
	[tilespmem:s31+$0x10160] =	vst v3;
	v3 =	vadd.f32 v20, v19  }
0x260: {  	v26 =	vadd.f32 v26, v25;
	v14 =	vld [tilespmem:s31+$0x11130];
	[tilespmem:s31+$0x10510] =	vst v22  }
0x261: {  	v18 =	vld [tilespmem:s31+$0x11150];
	[tilespmem:s31+$0x10500] =	vst v3;
	v3 =	vadd.f32 v24, v23  }
0x262: {  	v30 =	vadd.f32 v30, v29;
	[tilespmem:s31+$0x10530] =	vst v26;
	v22 =	vld [tilespmem:s31+$0x11170]  }
0x263: {  	v19 =	vld [tilespmem:s31+$0x15150];
	[tilespmem:s31+$0x10520] =	vst v3;
	v3 =	vadd.f32 v28, v27  }
0x264: {  	v34 =	vadd.f32 v34, v33;
	[tilespmem:s31+$0x10550] =	vst v30;
	v11 =	vld [tilespmem:s31+$0x15110]  }
0x265: {  	v12 =	vld [tilespmem:s31+$0x11120];
	[tilespmem:s31+$0x10540] =	vst v3;
	v3 =	vadd.f32 v32, v31  }
0x266: {  	[tilespmem:s31+$0x10570] =	vst v34;
	v15 =	vld [tilespmem:s31+$0x15130]  }
0x267: {  	v16 =	vld [tilespmem:s31+$0x11140];
	[tilespmem:s31+$0x10560] =	vst v3;
	v3 =	vadd.f32 v36, v35  }
0x268: {  	[tilespmem:s31+$0x10130] =	vst v5;
	v20 =	vld [tilespmem:s31+$0x11160];
	v19 =	vadd.f32 v19, v18  }
0x269: {  	v24 =	vld [tilespmem:s31+$0x11500];
	[tilespmem:s31+$0x10900] =	vst v3;
	v3 =	vadd.f32 v40, v39  }
0x26a: {  	[tilespmem:s31+$0x11150] =	vst v19;
	v36 =	vadd.f32 v38, v37;
	v37 =	vld [tilespmem:s31+$0x15170]  }
0x26b: {  	v38 =	vadd.f32 v42, v41;
	v41 =	vld [tilespmem:s31+$0x11510];
	[tilespmem:s31+$0x10920] =	vst v3;
	v3 =	vadd.f32 v44, v43  }
0x26c: {  	v42 =	vld [tilespmem:s31+$0x15510];
	[tilespmem:s31+$0x10910] =	vst v36  }
0x26d: {  	v35 =	vld [tilespmem:s31+$0x11910];
	[tilespmem:s31+$0x10940] =	vst v3;
	v3 =	vadd.f32 v48, v47  }
0x26e: {  	v39 =	vld [tilespmem:s31+$0x15500];
	[tilespmem:s31+$0x10930] =	vst v38;
	v40 =	vadd.f32 v46, v45  }
0x26f: {  	v45 =	vld [tilespmem:s31+$0x15520];
	[tilespmem:s31+$0x10960] =	vst v3;
	v3 =	vadd.f32 v52, v51  }
0x270: {  	v46 =	vadd.f32 v54, v53;
	v53 =	vld [tilespmem:s31+$0x11550];
	[tilespmem:s31+$0x10950] =	vst v40  }
0x271: {  	v54 =	vld [tilespmem:s31+$0x15550];
	[tilespmem:s31+$0x10D00] =	vst v3;
	v3 =	vadd.f32 v56, v55  }
0x272: {  	v36 =	vld [tilespmem:s31+$0x15910];
	v43 =	vadd.f32 v50, v49;
	[tilespmem:s31+$0x10D10] =	vst v46  }
0x273: {  	v38 =	vld [tilespmem:s31+$0x11920];
	[tilespmem:s31+$0x10D20] =	vst v3;
	v3 =	vadd.f32 v60, v59  }
0x274: {  	v44 =	vld [tilespmem:s31+$0x11520];
	v49 =	vadd.f32 v58, v57;
	[tilespmem:s31+$0x10970] =	vst v43  }
0x275: {  	v50 =	vld [tilespmem:s31+$0x11540];
	[tilespmem:s31+$0x10D40] =	vst v3;
	v3 =	vadd.f32 v4, v63  }
0x276: {  	v57 =	vld [tilespmem:s31+$0x15560];
	v58 =	vadd.f32 v11, v10;
	[tilespmem:s31+$0x10D30] =	vst v49  }
0x277: {  	v46 =	vld [tilespmem:s31+$0x15950];
	[tilespmem:s31+$0x10D60] =	vst v3;
	v3 =	vadd.f32 v9, v8  }
0x278: {  	v37 =	vadd.f32 v37, v22;
	v40 =	vadd.f32 v42, v41;
	v41 =	vld [tilespmem:s31+$0x11930];
	[tilespmem:s31+$0x11110] =	vst v58  }
0x279: {  	v42 =	vld [tilespmem:s31+$0x15930];
	[tilespmem:s31+$0x11100] =	vst v3;
	v3 =	vadd.f32 v13, v12  }
0x27a: {  	v47 =	vld [tilespmem:s31+$0x11530];
	[tilespmem:s31+$0x11170] =	vst v37  }
0x27b: {  	v48 =	vld [tilespmem:s31+$0x15530];
	[tilespmem:s31+$0x11120] =	vst v3;
	v3 =	vadd.f32 v17, v16  }
0x27c: {  	v49 =	vld [tilespmem:s31+$0x15960];
	[tilespmem:s31+$0x11510] =	vst v40;
	v52 =	vadd.f32 v62, v61  }
0x27d: {  	v51 =	vld [tilespmem:s31+$0x15540];
	[tilespmem:s31+$0x11140] =	vst v3;
	v3 =	vadd.f32 v21, v20  }
0x27e: {  	v61 =	vadd.f32 v15, v14;
	v62 =	vld [tilespmem:s31+$0x11900];
	[tilespmem:s31+$0x10D50] =	vst v52  }
0x27f: {  	v56 =	vld [tilespmem:s31+$0x11560];
	[tilespmem:s31+$0x11160] =	vst v3;
	v3 =	vadd.f32 v39, v24  }
0x280: {  	v55 =	vadd.f32 v7, v6;
	[tilespmem:s31+$0x11130] =	vst v61;
	v52 =	vld [tilespmem:s31+$0x15970]  }
0x281: {  	v43 =	vadd.f32 v48, v47;
	v47 =	vld [tilespmem:s31+$0x11960];
	[tilespmem:s31+$0x11500] =	vst v3;
	v3 =	vadd.f32 v45, v44  }
0x282: {  	[tilespmem:s31+$0x10D70] =	vst v55;
	v63 =	vld [tilespmem:s31+$0x15900]  }
0x283: {  	v59 =	vld [tilespmem:s31+$0x11570];
	[tilespmem:s31+$0x11520] =	vst v3;
	v3 =	vadd.f32 v51, v50  }
0x284: {  	[tilespmem:s31+$0x11530] =	vst v43;
	v4 =	vadd.f32 v54, v53;
	v39 =	vld [tilespmem:s31+$0x15920]  }
0x285: {  	v60 =	vld [tilespmem:s31+$0x15570];
	[tilespmem:s31+$0x11540] =	vst v3;
	v3 =	vadd.f32 v57, v56  }
0x286: {  	v54 =	vadd.f32 v42, v41;
	[tilespmem:s31+$0x11550] =	vst v4;
	v45 =	vld [tilespmem:s31+$0x11950]  }
0x287: {  	v53 =	vld [tilespmem:s31+$0x15940];
	[tilespmem:s31+$0x11560] =	vst v3;
	v3 =	vadd.f32 v63, v62  }
0x288: {  	[tilespmem:s31+$0x11930] =	vst v54;
	v55 =	vadd.f32 v49, v47;
	v50 =	vld [tilespmem:s31+$0x11970]  }
0x289: {  	v44 =	vld [tilespmem:s31+$0x11940];
	[tilespmem:s31+$0x11900] =	vst v3;
	v3 =	vadd.f32 v39, v38  }
0x28a: {  	v48 =	vadd.f32 v60, v59;
	[tilespmem:s31+$0x11960] =	vst v55  }
0x28b: {  	[tilespmem:s31+$0x11920] =	vst v3;
	v3 =	vadd.f32 v46, v45  }
0x28c: {  	s10 =	sand.u32 $0x7, s5;
	[tilespmem:s31+$0x11570] =	vst v48;
	v51 =	vadd.f32 v36, v35  }
0x28d: {  	s0 =	sshll.u32 s10, $0x7;
	[tilespmem:s31+$0x11950] =	vst v3;
	v3 =	vadd.f32 v52, v50  }
0x28e: {  	s0 =	sadd.s32 s0, s29;
	[tilespmem:s31+$0x11910] =	vst v51;
	v56 =	vadd.f32 v53, v44  }
0x28f: {  	s10 =	sor.u32 $0x1C00, s0;
	[tilespmem:s31+$0x11970] =	vst v3  }
0x290: {  	[tilespmem:s31+$0x11940] =	vst v56;
	v3 =	vld [tilespmem:s10+$0x10100]  }
0x291: {  	v4 =	vld [tilespmem:s10+$0x14100];
	_ =	sdelay $0x4  }
0x292: {  	v3 =	vadd.f32 v4, v3;
	_ =	sdelay $0x1  }
0x293: {  	s31 =	sor.u32 $0x1C10, s0;
	[tilespmem:s10+$0x10100] =	vst v3  }
0x294: {  	v3 =	vld [tilespmem:s31+$0x10100]  }
0x295: {  	v57 =	vld [tilespmem:s31+$0x14100];
	_ =	sdelay $0x4  }
0x296: {  	v3 =	vadd.f32 v57, v3;
	_ =	sdelay $0x1  }
0x297: {  	[tilespmem:s31+$0x10100] =	vst v3;
	s31 =	sor.u32 $0x1C20, s0  }
0x298: {  	v3 =	vld [tilespmem:s31+$0x10100]  }
0x299: {  	v58 =	vld [tilespmem:s31+$0x14100];
	_ =	sdelay $0x4  }
0x29a: {  	v3 =	vadd.f32 v58, v3;
	_ =	sdelay $0x1  }
0x29b: {  	[tilespmem:s31+$0x10100] =	vst v3;
	s31 =	sor.u32 $0x1C30, s0  }
0x29c: {  	v3 =	vld [tilespmem:s31+$0x10100]  }
0x29d: {  	v59 =	vld [tilespmem:s31+$0x14100];
	_ =	sdelay $0x4  }
0x29e: {  	v3 =	vadd.f32 v59, v3;
	_ =	sdelay $0x1  }
0x29f: {  	[tilespmem:s31+$0x10100] =	vst v3;
	s31 =	sor.u32 $0x1C40, s0  }
0x2a0: {  	v3 =	vld [tilespmem:s31+$0x10100]  }
0x2a1: {  	v60 =	vld [tilespmem:s31+$0x14100];
	_ =	sdelay $0x4  }
0x2a2: {  	v3 =	vadd.f32 v60, v3;
	_ =	sdelay $0x1  }
0x2a3: {  	[tilespmem:s31+$0x10100] =	vst v3;
	s31 =	sor.u32 $0x1C50, s0  }
0x2a4: {  	v3 =	vld [tilespmem:s31+$0x10100]  }
0x2a5: {  	v61 =	vld [tilespmem:s31+$0x14100];
	_ =	sdelay $0x4  }
0x2a6: {  	v3 =	vadd.f32 v61, v3;
	_ =	sdelay $0x1  }
0x2a7: {  	[tilespmem:s31+$0x10100] =	vst v3;
	s31 =	sor.u32 $0x1C60, s0  }
0x2a8: {  	v3 =	vld [tilespmem:s31+$0x10100]  }
0x2a9: {  	v62 =	vld [tilespmem:s31+$0x14100];
	_ =	sdelay $0x4  }
0x2aa: {  	v3 =	vadd.f32 v62, v3;
	_ =	sdelay $0x1  }
0x2ab: {  	s0 =	sor.u32 $0x1C70, s0;
	[tilespmem:s31+$0x10100] =	vst v3  }
0x2ac: {  	v3 =	vld [tilespmem:s0+$0x10100]  }
0x2ad: {  	v63 =	vld [tilespmem:s0+$0x14100];
	_ =	sdelay $0x1  }
0x2ae: {  	p0 =	sne.s32 s30, $0x780  }
.Ltmp2:
0x2af: {  	_ = 	snop;
	(pc) =	sbr.rel @p0 .LBB2_6-.Ltmp2, $4  }
0x2b0: {  	_ = 	snop  }
0x2b1: {  	v3 =	vadd.f32 v63, v3  }
0x2b2: {  	s28 =	sadd.s32 $0x400, s28  }
0x2b3: {  	s30 =	sadd.s32 $0x80, s30;
	s5 =	sadd.s32 $0x1, s5;
	s29 =	sadd.s32 $0x400, s29;
	[tilespmem:s0+$0x10100] =	vst v3  }
0x2b4: {  	s5 =	simm.s32 $0x0  }
0x2b5: {  	[hbm4b:s11+s5] =	stream.linear.scatter [tilespmem:s15], [sflag:$0x9], $0x4000, $0x38;
	[tilespmem:$0x18100] =	vst v63  }
0x2b6: {  	_ =	swait.ge [sflag:s17], $0x4000  }
0x2b7: {  	[sflag:s17] =	ssyncset.done $0x0  }
0x2b8: {  	[sflag:s17] =	ssyncadd.s32 $0xFFFFC000  }
0x2b9: {  	_ =	swait.ge [sflag:s18], $0x4000  }
0x2ba: {  	s28 =	simm.s32 $0xFFFFC000;
	[sflag:s18] =	ssyncset.done $0x0  }
0x2bb: {  	s29 =	simm.s32 $0x0;
	s30 =	simm.s32 $0x0;
	[sflag:s18] =	ssyncadd.s32 $0xFFFFC000  }
.LBB2_8:
0x2bc: {  	s0 =	sadd.s32 $0x4000, s28  }
0x2bd: {  	s10 =	sand.u32 $0x380, s30;
	s0 =	sand.u32 $0x2000, s0  }
0x2be: {  	s31 =	sor.u32 s10, s0  }
0x2bf: {  	v3 =	vld [tilespmem:s31+$0x100]  }
0x2c0: {  	v4 =	vld [tilespmem:s31+$0x4100]  }
0x2c1: {  	v5 =	vld [tilespmem:s31+$0x110]  }
0x2c2: {  	v6 =	vld [tilespmem:s31+$0x4110]  }
0x2c3: {  	v7 =	vld [tilespmem:s31+$0x120]  }
0x2c4: {  	v8 =	vld [tilespmem:s31+$0x4120]  }
0x2c5: {  	v9 =	vld [tilespmem:s31+$0x130]  }
0x2c6: {  	v10 =	vld [tilespmem:s31+$0x4130]  }
0x2c7: {  	v11 =	vld [tilespmem:s31+$0x140]  }
0x2c8: {  	v12 =	vld [tilespmem:s31+$0x4140]  }
0x2c9: {  	v13 =	vld [tilespmem:s31+$0x150]  }
0x2ca: {  	v14 =	vld [tilespmem:s31+$0x4150]  }
0x2cb: {  	v15 =	vld [tilespmem:s31+$0x160]  }
0x2cc: {  	v16 =	vld [tilespmem:s31+$0x4160]  }
0x2cd: {  	v17 =	vld [tilespmem:s31+$0x170]  }
0x2ce: {  	v18 =	vld [tilespmem:s31+$0x4170]  }
0x2cf: {  	v19 =	vld [tilespmem:s31+$0x500]  }
0x2d0: {  	v20 =	vld [tilespmem:s31+$0x4500]  }
0x2d1: {  	v21 =	vld [tilespmem:s31+$0x510]  }
0x2d2: {  	v22 =	vld [tilespmem:s31+$0x4510]  }
0x2d3: {  	v23 =	vld [tilespmem:s31+$0x520]  }
0x2d4: {  	v24 =	vld [tilespmem:s31+$0x4520]  }
0x2d5: {  	v25 =	vld [tilespmem:s31+$0x530]  }
0x2d6: {  	v26 =	vld [tilespmem:s31+$0x4530]  }
0x2d7: {  	v27 =	vld [tilespmem:s31+$0x540]  }
0x2d8: {  	v28 =	vld [tilespmem:s31+$0x4540]  }
0x2d9: {  	v29 =	vld [tilespmem:s31+$0x550]  }
0x2da: {  	v30 =	vld [tilespmem:s31+$0x4550]  }
0x2db: {  	v31 =	vld [tilespmem:s31+$0x560]  }
0x2dc: {  	v32 =	vld [tilespmem:s31+$0x4560]  }
0x2dd: {  	v33 =	vld [tilespmem:s31+$0x570]  }
0x2de: {  	v34 =	vld [tilespmem:s31+$0x4570]  }
0x2df: {  	v35 =	vld [tilespmem:s31+$0x900]  }
0x2e0: {  	v36 =	vld [tilespmem:s31+$0x4900]  }
0x2e1: {  	v37 =	vld [tilespmem:s31+$0x910]  }
0x2e2: {  	v38 =	vld [tilespmem:s31+$0x4910]  }
0x2e3: {  	v39 =	vld [tilespmem:s31+$0x920]  }
0x2e4: {  	v40 =	vld [tilespmem:s31+$0x4920]  }
0x2e5: {  	v41 =	vld [tilespmem:s31+$0x930]  }
0x2e6: {  	v42 =	vld [tilespmem:s31+$0x4930]  }
0x2e7: {  	v43 =	vld [tilespmem:s31+$0x940]  }
0x2e8: {  	v44 =	vld [tilespmem:s31+$0x4940]  }
0x2e9: {  	v45 =	vld [tilespmem:s31+$0x950]  }
0x2ea: {  	v46 =	vld [tilespmem:s31+$0x4950]  }
0x2eb: {  	v47 =	vld [tilespmem:s31+$0x960]  }
0x2ec: {  	v48 =	vld [tilespmem:s31+$0x4960]  }
0x2ed: {  	v49 =	vld [tilespmem:s31+$0x970]  }
0x2ee: {  	v50 =	vld [tilespmem:s31+$0x4970]  }
0x2ef: {  	v51 =	vld [tilespmem:s31+$0xD00]  }
0x2f0: {  	v52 =	vld [tilespmem:s31+$0x4D00]  }
0x2f1: {  	v53 =	vld [tilespmem:s31+$0xD10]  }
0x2f2: {  	v54 =	vld [tilespmem:s31+$0x4D10]  }
0x2f3: {  	v55 =	vld [tilespmem:s31+$0xD20]  }
0x2f4: {  	v56 =	vld [tilespmem:s31+$0x4D20]  }
0x2f5: {  	v57 =	vld [tilespmem:s31+$0xD30]  }
0x2f6: {  	v58 =	vld [tilespmem:s31+$0x4D30]  }
0x2f7: {  	v59 =	vld [tilespmem:s31+$0xD40]  }
0x2f8: {  	v60 =	vld [tilespmem:s31+$0x4D40]  }
0x2f9: {  	v61 =	vld [tilespmem:s31+$0xD50]  }
0x2fa: {  	v62 =	vld [tilespmem:s31+$0x4D50]  }
0x2fb: {  	v63 =	vld [tilespmem:s31+$0xD60]  }
0x2fc: {  	v3 =	vadd.f32 v4, v3;
	v4 =	vld [tilespmem:s31+$0x4D60]  }
0x2fd: {  	v5 =	vadd.f32 v6, v5;
	v6 =	vld [tilespmem:s31+$0xD70]  }
0x2fe: {  	v14 =	vadd.f32 v14, v13;
	v13 =	vld [tilespmem:s31+$0x5120];
	[tilespmem:s31+$0x100] =	vst v3;
	v3 =	vadd.f32 v8, v7  }
0x2ff: {  	v18 =	vadd.f32 v18, v17;
	v17 =	vld [tilespmem:s31+$0x5140];
	[tilespmem:s31+$0x110] =	vst v5  }
0x300: {  	v22 =	vadd.f32 v22, v21;
	v21 =	vld [tilespmem:s31+$0x5160];
	[tilespmem:s31+$0x120] =	vst v3;
	v3 =	vadd.f32 v12, v11  }
0x301: {  	v7 =	vld [tilespmem:s31+$0x4D70];
	[tilespmem:s31+$0x150] =	vst v14  }
0x302: {  	v8 =	vld [tilespmem:s31+$0x1100];
	[tilespmem:s31+$0x140] =	vst v3;
	v3 =	vadd.f32 v16, v15  }
0x303: {  	v5 =	vadd.f32 v10, v9;
	v9 =	vld [tilespmem:s31+$0x5100];
	[tilespmem:s31+$0x170] =	vst v18  }
0x304: {  	v10 =	vld [tilespmem:s31+$0x1110];
	[tilespmem:s31+$0x160] =	vst v3;
	v3 =	vadd.f32 v20, v19  }
0x305: {  	v26 =	vadd.f32 v26, v25;
	v14 =	vld [tilespmem:s31+$0x1130];
	[tilespmem:s31+$0x510] =	vst v22  }
0x306: {  	v18 =	vld [tilespmem:s31+$0x1150];
	[tilespmem:s31+$0x500] =	vst v3;
	v3 =	vadd.f32 v24, v23  }
0x307: {  	v30 =	vadd.f32 v30, v29;
	[tilespmem:s31+$0x530] =	vst v26;
	v22 =	vld [tilespmem:s31+$0x1170]  }
0x308: {  	v19 =	vld [tilespmem:s31+$0x5150];
	[tilespmem:s31+$0x520] =	vst v3;
	v3 =	vadd.f32 v28, v27  }
0x309: {  	v34 =	vadd.f32 v34, v33;
	[tilespmem:s31+$0x550] =	vst v30;
	v11 =	vld [tilespmem:s31+$0x5110]  }
0x30a: {  	v12 =	vld [tilespmem:s31+$0x1120];
	[tilespmem:s31+$0x540] =	vst v3;
	v3 =	vadd.f32 v32, v31  }
0x30b: {  	[tilespmem:s31+$0x570] =	vst v34;
	v15 =	vld [tilespmem:s31+$0x5130]  }
0x30c: {  	v16 =	vld [tilespmem:s31+$0x1140];
	[tilespmem:s31+$0x560] =	vst v3;
	v3 =	vadd.f32 v36, v35  }
0x30d: {  	[tilespmem:s31+$0x130] =	vst v5;
	v20 =	vld [tilespmem:s31+$0x1160];
	v19 =	vadd.f32 v19, v18  }
0x30e: {  	v24 =	vld [tilespmem:s31+$0x1500];
	[tilespmem:s31+$0x900] =	vst v3;
	v3 =	vadd.f32 v40, v39  }
0x30f: {  	[tilespmem:s31+$0x1150] =	vst v19;
	v36 =	vadd.f32 v38, v37;
	v37 =	vld [tilespmem:s31+$0x5170]  }
0x310: {  	v38 =	vadd.f32 v42, v41;
	v41 =	vld [tilespmem:s31+$0x1510];
	[tilespmem:s31+$0x920] =	vst v3;
	v3 =	vadd.f32 v44, v43  }
0x311: {  	v42 =	vld [tilespmem:s31+$0x5510];
	[tilespmem:s31+$0x910] =	vst v36  }
0x312: {  	v35 =	vld [tilespmem:s31+$0x1910];
	[tilespmem:s31+$0x940] =	vst v3;
	v3 =	vadd.f32 v48, v47  }
0x313: {  	v39 =	vld [tilespmem:s31+$0x5500];
	[tilespmem:s31+$0x930] =	vst v38;
	v40 =	vadd.f32 v46, v45  }
0x314: {  	v45 =	vld [tilespmem:s31+$0x5520];
	[tilespmem:s31+$0x960] =	vst v3;
	v3 =	vadd.f32 v52, v51  }
0x315: {  	v46 =	vadd.f32 v54, v53;
	v53 =	vld [tilespmem:s31+$0x1550];
	[tilespmem:s31+$0x950] =	vst v40  }
0x316: {  	v54 =	vld [tilespmem:s31+$0x5550];
	[tilespmem:s31+$0xD00] =	vst v3;
	v3 =	vadd.f32 v56, v55  }
0x317: {  	v36 =	vld [tilespmem:s31+$0x5910];
	v43 =	vadd.f32 v50, v49;
	[tilespmem:s31+$0xD10] =	vst v46  }
0x318: {  	v38 =	vld [tilespmem:s31+$0x1920];
	[tilespmem:s31+$0xD20] =	vst v3;
	v3 =	vadd.f32 v60, v59  }
0x319: {  	v44 =	vld [tilespmem:s31+$0x1520];
	v49 =	vadd.f32 v58, v57;
	[tilespmem:s31+$0x970] =	vst v43  }
0x31a: {  	v50 =	vld [tilespmem:s31+$0x1540];
	[tilespmem:s31+$0xD40] =	vst v3;
	v3 =	vadd.f32 v4, v63  }
0x31b: {  	v57 =	vld [tilespmem:s31+$0x5560];
	v58 =	vadd.f32 v11, v10;
	[tilespmem:s31+$0xD30] =	vst v49  }
0x31c: {  	v46 =	vld [tilespmem:s31+$0x5950];
	[tilespmem:s31+$0xD60] =	vst v3;
	v3 =	vadd.f32 v9, v8  }
0x31d: {  	v37 =	vadd.f32 v37, v22;
	v40 =	vadd.f32 v42, v41;
	v41 =	vld [tilespmem:s31+$0x1930];
	[tilespmem:s31+$0x1110] =	vst v58  }
0x31e: {  	v42 =	vld [tilespmem:s31+$0x5930];
	[tilespmem:s31+$0x1100] =	vst v3;
	v3 =	vadd.f32 v13, v12  }
0x31f: {  	v47 =	vld [tilespmem:s31+$0x1530];
	[tilespmem:s31+$0x1170] =	vst v37  }
0x320: {  	v48 =	vld [tilespmem:s31+$0x5530];
	[tilespmem:s31+$0x1120] =	vst v3;
	v3 =	vadd.f32 v17, v16  }
0x321: {  	v49 =	vld [tilespmem:s31+$0x5960];
	[tilespmem:s31+$0x1510] =	vst v40;
	v52 =	vadd.f32 v62, v61  }
0x322: {  	v51 =	vld [tilespmem:s31+$0x5540];
	[tilespmem:s31+$0x1140] =	vst v3;
	v3 =	vadd.f32 v21, v20  }
0x323: {  	v61 =	vadd.f32 v15, v14;
	v62 =	vld [tilespmem:s31+$0x1900];
	[tilespmem:s31+$0xD50] =	vst v52  }
0x324: {  	v56 =	vld [tilespmem:s31+$0x1560];
	[tilespmem:s31+$0x1160] =	vst v3;
	v3 =	vadd.f32 v39, v24  }
0x325: {  	v55 =	vadd.f32 v7, v6;
	[tilespmem:s31+$0x1130] =	vst v61;
	v52 =	vld [tilespmem:s31+$0x5970]  }
0x326: {  	v43 =	vadd.f32 v48, v47;
	v47 =	vld [tilespmem:s31+$0x1960];
	[tilespmem:s31+$0x1500] =	vst v3;
	v3 =	vadd.f32 v45, v44  }
0x327: {  	[tilespmem:s31+$0xD70] =	vst v55;
	v63 =	vld [tilespmem:s31+$0x5900]  }
0x328: {  	v59 =	vld [tilespmem:s31+$0x1570];
	[tilespmem:s31+$0x1520] =	vst v3;
	v3 =	vadd.f32 v51, v50  }
0x329: {  	[tilespmem:s31+$0x1530] =	vst v43;
	v4 =	vadd.f32 v54, v53;
	v39 =	vld [tilespmem:s31+$0x5920]  }
0x32a: {  	v60 =	vld [tilespmem:s31+$0x5570];
	[tilespmem:s31+$0x1540] =	vst v3;
	v3 =	vadd.f32 v57, v56  }
0x32b: {  	v54 =	vadd.f32 v42, v41;
	[tilespmem:s31+$0x1550] =	vst v4;
	v45 =	vld [tilespmem:s31+$0x1950]  }
0x32c: {  	v53 =	vld [tilespmem:s31+$0x5940];
	[tilespmem:s31+$0x1560] =	vst v3;
	v3 =	vadd.f32 v63, v62  }
0x32d: {  	[tilespmem:s31+$0x1930] =	vst v54;
	v55 =	vadd.f32 v49, v47;
	v50 =	vld [tilespmem:s31+$0x1970]  }
0x32e: {  	v44 =	vld [tilespmem:s31+$0x1940];
	[tilespmem:s31+$0x1900] =	vst v3;
	v3 =	vadd.f32 v39, v38  }
0x32f: {  	v48 =	vadd.f32 v60, v59;
	[tilespmem:s31+$0x1960] =	vst v55  }
0x330: {  	[tilespmem:s31+$0x1920] =	vst v3;
	v3 =	vadd.f32 v46, v45  }
0x331: {  	s10 =	sand.u32 $0x7, s5;
	[tilespmem:s31+$0x1570] =	vst v48;
	v51 =	vadd.f32 v36, v35  }
0x332: {  	s0 =	sshll.u32 s10, $0x7;
	[tilespmem:s31+$0x1950] =	vst v3;
	v3 =	vadd.f32 v52, v50  }
0x333: {  	s0 =	sadd.s32 s0, s29;
	[tilespmem:s31+$0x1910] =	vst v51;
	v56 =	vadd.f32 v53, v44  }
0x334: {  	s10 =	sor.u32 $0x1C00, s0;
	[tilespmem:s31+$0x1970] =	vst v3  }
0x335: {  	[tilespmem:s31+$0x1940] =	vst v56;
	v3 =	vld [tilespmem:s10+$0x100]  }
0x336: {  	v4 =	vld [tilespmem:s10+$0x4100];
	_ =	sdelay $0x4  }
0x337: {  	v3 =	vadd.f32 v4, v3;
	_ =	sdelay $0x1  }
0x338: {  	s31 =	sor.u32 $0x1C10, s0;
	[tilespmem:s10+$0x100] =	vst v3  }
0x339: {  	v3 =	vld [tilespmem:s31+$0x100]  }
0x33a: {  	v57 =	vld [tilespmem:s31+$0x4100];
	_ =	sdelay $0x4  }
0x33b: {  	v3 =	vadd.f32 v57, v3;
	_ =	sdelay $0x1  }
0x33c: {  	[tilespmem:s31+$0x100] =	vst v3;
	s31 =	sor.u32 $0x1C20, s0  }
0x33d: {  	v3 =	vld [tilespmem:s31+$0x100]  }
0x33e: {  	v58 =	vld [tilespmem:s31+$0x4100];
	_ =	sdelay $0x4  }
0x33f: {  	v3 =	vadd.f32 v58, v3;
	_ =	sdelay $0x1  }
0x340: {  	[tilespmem:s31+$0x100] =	vst v3;
	s31 =	sor.u32 $0x1C30, s0  }
0x341: {  	v3 =	vld [tilespmem:s31+$0x100]  }
0x342: {  	v59 =	vld [tilespmem:s31+$0x4100];
	_ =	sdelay $0x4  }
0x343: {  	v3 =	vadd.f32 v59, v3;
	_ =	sdelay $0x1  }
0x344: {  	[tilespmem:s31+$0x100] =	vst v3;
	s31 =	sor.u32 $0x1C40, s0  }
0x345: {  	v3 =	vld [tilespmem:s31+$0x100]  }
0x346: {  	v60 =	vld [tilespmem:s31+$0x4100];
	_ =	sdelay $0x4  }
0x347: {  	v3 =	vadd.f32 v60, v3;
	_ =	sdelay $0x1  }
0x348: {  	[tilespmem:s31+$0x100] =	vst v3;
	s31 =	sor.u32 $0x1C50, s0  }
0x349: {  	v3 =	vld [tilespmem:s31+$0x100]  }
0x34a: {  	v61 =	vld [tilespmem:s31+$0x4100];
	_ =	sdelay $0x4  }
0x34b: {  	v3 =	vadd.f32 v61, v3;
	_ =	sdelay $0x1  }
0x34c: {  	[tilespmem:s31+$0x100] =	vst v3;
	s31 =	sor.u32 $0x1C60, s0  }
0x34d: {  	v3 =	vld [tilespmem:s31+$0x100]  }
0x34e: {  	v62 =	vld [tilespmem:s31+$0x4100];
	_ =	sdelay $0x4  }
0x34f: {  	v3 =	vadd.f32 v62, v3;
	_ =	sdelay $0x1  }
0x350: {  	s0 =	sor.u32 $0x1C70, s0;
	[tilespmem:s31+$0x100] =	vst v3  }
0x351: {  	v3 =	vld [tilespmem:s0+$0x100]  }
0x352: {  	v63 =	vld [tilespmem:s0+$0x4100];
	_ =	sdelay $0x1  }
0x353: {  	p0 =	sne.s32 s30, $0x780  }
.Ltmp3:
0x354: {  	_ = 	snop;
	(pc) =	sbr.rel @p0 .LBB2_8-.Ltmp3, $4  }
0x355: {  	_ = 	snop  }
0x356: {  	v3 =	vadd.f32 v63, v3  }
0x357: {  	s28 =	sadd.s32 $0x400, s28  }
0x358: {  	s30 =	sadd.s32 $0x80, s30;
	s5 =	sadd.s32 $0x1, s5;
	s29 =	sadd.s32 $0x400, s29;
	[tilespmem:s0+$0x100] =	vst v3  }
0x359: {  	[hbm4b:s12+s2] =	stream.linear.scatter [tilespmem:s16], [sflag:$0x7], $0x4000, $0x38;
	[tilespmem:$0x18100] =	vst v63  }
0x35a: {  	_ =	swait.ge [sflag:s24], $0x4000  }
0x35b: {  	[sflag:s24] =	ssyncset.done $0x0  }
0x35c: {  	s26 =	sadd.s32 $0x1, s26;
	[sflag:s24] =	ssyncadd.s32 $0xFFFFC000  }
0x35d: {  	p0 =	sne.s32 s26, s13;
	_ =	swait.ge [sflag:s25], $0x4000  }
.Ltmp4:
0x35e: {  	[sflag:s25] =	ssyncset.done $0x0;
	(pc) =	sbr.rel @p0 .LBB2_1-.Ltmp4, $4  }
0x35f: {  	[sflag:s25] =	ssyncadd.s32 $0xFFFFC000  }
0x360: {  	_ =	swait.ge [sflag:s19], $0x4000  }
0x361: {  	[sflag:s19] =	ssyncset.done $0x0  }
0x362: {  	[sflag:s19] =	ssyncadd.s32 $0xFFFFC000  }
0x363: {  	_ =	sfence.sel $0x180000  }
0x364: {  	[bflag:$0x0] =	sbarrier.arrive $0xFFFF  }
0x365: {  	_ =	strace $0x9000004A  }
0x366: {  	s0 =	stileid.u32;
	[bflag:$0x2] =	sbarrier.arrive $0xFFFF  }
0x367: {  	p0 =	sne.s32 s0, $0x0;
	s0 =	rddreg [dreg:$0x2]  }
0x368: {  	s0 =	sadd.s32 @!p0 $0x100000, s0  }
0x369: {  	[sflag:s0] =	ssyncadd.tile.s32 @!p0 $0x1;
	_ =	shalt  }
.Lfunc_end2:
_tile_overlayer_lowered:
.L_overlay_start_2:
0x36a: {  	(tag) =	ssettag $0x2  }
0x36b: {  	s0 =	rddreg [dreg:$0x0];
	s2 =	stileid.u32  }
0x36c: {  	s1 =	rddreg [dreg:$0x1];
	p0 =	sne.s32 s2, $0x0  }
0x36d: {  	s3 =	rddreg [dreg:$0x2];
	[bflag:$0x3] =	sbarrier.arrive $0xFFFF;
	s2 =	simm.s32 @!p0 $0x1C0A  }
0x36e: {  	[timem:s3], [sflag:s2] =	dma.local @!p0 [hbm:s0], s1  }
0x36f: {  	s0 =	simm.s32 @!p0 $0xA  }
0x370: {  	_ =	swait.ge @!p0 [sflag:s0], s1  }
0x371: {  	s1 =	ssub.s32 @!p0 $0x0, s1;
	[sflag:s0] =	ssyncset.done @!p0 $0x0  }
0x372: {  	[sflag:s0] =	ssyncadd.s32 @!p0 s1  }
0x373: {  	[bflag:$0x3] =	sbarrier.arrive $0xFFFF  }
0x374: {  	_ =	shalt  }

// kernel: sc_dispatch_scatter.3.cloned.1.call-start
scs
__scs_entry_jumppad:
0x0: {  	(pc) =	sbr.rel $0x88, $3  }
0x1: {  	(tag) =	ssettag $0x0;
	lr =	simm.s32 $0x1  }
0x2: {  	[smem:$0x3F9C] =	sst lr;
	_ =	strace $0xD0000000  }
0x3: {  	_ = 	snop  }
0x4: {  	_ = 	snop  }
0x5: {  	_ = 	snop  }
0x6: {  	_ = 	snop  }
0x7: {  	_ = 	snop  }
__scs_overlays_trampoline_lowered:
0x8: {  	[smem:$0x3FAB] =	sst s0  }
0x9: {  	[smem:$0x3FAC] =	sst s1  }
0xa: {  	[smem:$0x3FAD] =	sst s2  }
0xb: {  	[smem:$0x3FAE] =	sst s3  }
0xc: {  	[smem:$0x3FAF] =	sst s4  }
0xd: {  	[smem:$0x3FB0] =	sst s5  }
0xe: {  	[smem:$0x3FB1] =	sst s6  }
0xf: {  	[smem:$0x3FB2] =	sst s7  }
0x10: {  	[smem:$0x3FB3] =	sst s8  }
0x11: {  	[smem:$0x3FB4] =	sst s9;
	s0 =	simm.s32 @!p0 $0x0  }
0x12: {  	s1 =	sld [smem:$0x3F9A];
	s0 =	simm.s32 @p0 $0x1  }
0x13: {  	[smem:$0x3FB5] =	sst s0;
	s0 =	simm.s32 @!p1 $0x0  }
0x14: {  	s2 =	sld [smem:$0x3F99];
	s0 =	simm.s32 @p1 $0x1  }
0x15: {  	[smem:$0x3FB6] =	sst s0;
	s0 =	simm.s32 @!p2 $0x0  }
0x16: {  	s3 =	sld [smem:$0x3FDB];
	s0 =	simm.s32 @p2 $0x1  }
0x17: {  	s4 =	simm.s32 $0x1BF5;
	[smem:$0x3FB8] =	sst s0  }
0x18: {  	s0 =	sld [smem:$0x3F9B];
	_ =	swait.ge [sflag:s4], $0x0  }
0x19: {  	s7 =	sld [smem:$0x3F9C]  }
0x1a: {  	s8 =	sadd.s32 $0xFFFFE003, lr  }
0x1b: {  	s9 =	sadd.s32 $0xFFFFFEF7, lr;
	s5 =	simm.s32 $0xFFFFFFFF;
	p2 =	slt.u32 s8, $0xFFFFF086  }
0x1c: {  	p1 =	slt.u32 s9, $0xF7A;
	s5 =	simm.s32 @!p2 $0x0  }
0x1d: {  	s5 =	simm.s32 @p1 $0x1;
	p0 =	seq.s32 s7, s2  }
0x1e: {  	s7 =	smul.u32 @!p0 $0xF7A, s2;
	p2 =	seq.s32 @!p0 s5, $0x0  }
0x1f: {  	s9 =	smul.u32 $0xF7A, s1;
	s8 =	simm.s32 @!p0 $0x1BF5;
	p2 =	por !p2, p0  }
0x20: {  	[sflag:s8] =	ssyncset.s32 @!p0 $0xFFFFF086;
	s6 =	sadd.s32 @!p0 s3, s7;
	s7 =	simm.s32 @!p0 $0x108  }
0x21: {  	s3 =	sadd.s32 s3, s9;
	s6 =	sadd.s32 @!p0 $0x88, s6;
	s7 =	simm.s32 @p2 $0x1082  }
0x22: {  	[simem:s7], [sflag:s8] =	dma.local @!p0 [hbm:s6], $0xF7A  }
0x23: {  	s9 =	sor.u32 $0xD0000000, s2;
	s6 =	simm.s32 $0x108;
	_ =	swait.ge @!p0 [sflag:s8], $0x0  }
0x24: {  	s3 =	sadd.s32 $0x88, s3;
	s6 =	simm.s32 @!p1 $0x1082;
	[sflag:s4] =	ssyncset.s32 $0xFFFFF086  }
0x25: {  	[simem:s6], [sflag:s4] =	dma.local [hbm:s3], $0xF7A  }
0x26: {  	[smem:$0x3F9C] =	sst s1;
	(tag) =	ssettag s2;
	_ =	strace s9  }
0x27: {  	s1 =	sld [smem:$0x3FAC]  }
0x28: {  	s2 =	sld [smem:$0x3FAD]  }
0x29: {  	s4 =	sld [smem:$0x3FAF]  }
0x2a: {  	p0 =	seq.s32 s5, $0x0;
	s5 =	sld [smem:$0x3FB0]  }
0x2b: {  	s6 =	sld [smem:$0x3FB1]  }
0x2c: {  	s7 =	sld [smem:$0x3FB2]  }
0x2d: {  	s3 =	simm.s32 $0x108;
	s8 =	sld [smem:$0x3FB3]  }
0x2e: {  	s3 =	simm.s32 @!p0 $0x1082;
	s9 =	sld [smem:$0x3FB4]  }
0x2f: {  	lr =	sadd.s32 s0, s3;
	s0 =	sld [smem:$0x3FAB]  }
0x30: {  	s3 =	sld [smem:$0x3FAE]  }
0x31: {  	[smem:$0x3FB7] =	sst s10  }
0x32: {  	s10 =	sld [smem:$0x3FB5];
	_ =	sdelay $0x3  }
0x33: {  	p0 =	seq.s32 s10, $0x1;
	s10 =	sld [smem:$0x3FB7];
	_ =	sdelay $0x3  }
0x34: {  	[smem:$0x3FB7] =	sst s10  }
0x35: {  	s10 =	sld [smem:$0x3FB6];
	_ =	sdelay $0x3  }
0x36: {  	p1 =	seq.s32 s10, $0x1;
	s10 =	sld [smem:$0x3FB7];
	_ =	sdelay $0x3  }
0x37: {  	[smem:$0x3FB7] =	sst s10  }
0x38: {  	s10 =	sld [smem:$0x3FB8]  }
0x39: {  	_ = 	snop;
	(pc) =	sbr.ind lr, $3  }
0x3a: {  	_ = 	snop  }
0x3b: {  	_ = 	snop  }
0x3c: {  	p2 =	seq.s32 s10, $0x1;
	s10 =	sld [smem:$0x3FB7]  }
0x3d: {  	_ =	shalt  }
0x3e: {  	_ =	shalt  }
0x3f: {  	_ =	shalt  }
0x40: {  	_ =	shalt  }
0x41: {  	_ =	shalt  }
0x42: {  	_ =	shalt  }
0x43: {  	_ =	shalt  }
0x44: {  	_ =	shalt  }
0x45: {  	_ =	shalt  }
0x46: {  	_ =	shalt  }
0x47: {  	_ =	shalt  }
0x48: {  	_ =	shalt  }
0x49: {  	_ =	shalt  }
0x4a: {  	_ =	shalt  }
0x4b: {  	_ =	shalt  }
0x4c: {  	_ =	shalt  }
0x4d: {  	_ =	shalt  }
0x4e: {  	_ =	shalt  }
0x4f: {  	_ =	shalt  }
0x50: {  	_ =	shalt  }
0x51: {  	_ =	shalt  }
0x52: {  	_ =	shalt  }
0x53: {  	_ =	shalt  }
0x54: {  	_ =	shalt  }
0x55: {  	_ =	shalt  }
0x56: {  	_ =	shalt  }
0x57: {  	_ =	shalt  }
0x58: {  	_ =	shalt  }
0x59: {  	_ =	shalt  }
0x5a: {  	_ =	shalt  }
0x5b: {  	_ =	shalt  }
0x5c: {  	_ =	shalt  }
0x5d: {  	_ =	shalt  }
0x5e: {  	_ =	shalt  }
0x5f: {  	_ =	shalt  }
0x60: {  	_ =	shalt  }
0x61: {  	_ =	shalt  }
0x62: {  	_ =	shalt  }
0x63: {  	_ =	shalt  }
0x64: {  	_ =	shalt  }
0x65: {  	_ =	shalt  }
0x66: {  	_ =	shalt  }
0x67: {  	_ =	shalt  }
0x68: {  	_ =	shalt  }
0x69: {  	_ =	shalt  }
0x6a: {  	_ =	shalt  }
0x6b: {  	_ =	shalt  }
0x6c: {  	_ =	shalt  }
0x6d: {  	_ =	shalt  }
0x6e: {  	_ =	shalt  }
0x6f: {  	_ =	shalt  }
0x70: {  	_ =	shalt  }
0x71: {  	_ =	shalt  }
0x72: {  	_ =	shalt  }
0x73: {  	_ =	shalt  }
0x74: {  	_ =	shalt  }
0x75: {  	_ =	shalt  }
0x76: {  	_ =	shalt  }
0x77: {  	_ =	shalt  }
0x78: {  	_ =	shalt  }
0x79: {  	_ =	shalt  }
0x7a: {  	_ =	shalt  }
0x7b: {  	_ =	shalt  }
0x7c: {  	_ =	shalt  }
0x7d: {  	_ =	shalt  }
0x7e: {  	_ =	shalt  }
0x7f: {  	_ =	shalt  }
0x80: {  	_ =	shalt  }
0x81: {  	_ =	shalt  }
0x82: {  	_ =	shalt  }
0x83: {  	_ =	shalt  }
0x84: {  	_ =	shalt  }
0x85: {  	_ =	shalt  }
0x86: {  	_ =	shalt  }
0x87: {  	_ =	shalt  }
.Lfunc_end0:
.L_simem_size_0:
called_computation_lowered:
.L_overlay_start_0:
0x88: {  	s2 =	sld [smem:$0x3FD9]  }
0x89: {  	s3 =	sld [smem:$0x3FFE];
	_ =	sdelay $0x1  }
0x8a: {  	s1 =	srdreg.scid  }
0x8b: {  	s0 =	sand.u32 $0x1, s1  }
0x8c: {  	s17 =	sshll.u32 s0, $0xA;
	s2 =	sadd.s32 s3, s2  }
0x8d: {  	s2 =	sadd.s32 s2, s17  }
0x8e: {  	[smem:$0x3FC3] =	sst s2  }
0x8f: {  	_ = 	snop  }
0x90: {  	s2 =	sld [smem:$0x3FC9]  }
0x91: {  	s18 =	sld [smem:$0x3FD0];
	(tm) =	ssettm $0x1  }
0x92: {  	s4 =	sld [smem:$0x3FFB];
	_ =	sdelay $0x3  }
0x93: {  	_ =	strace s4  }
0x94: {  	s4 =	sld [smem:$0x3FFC];
	_ =	sdelay $0x3  }
0x95: {  	_ =	strace s4  }
0x96: {  	s4 =	sld [smem:$0x3FFD];
	_ =	sdelay $0x3  }
0x97: {  	_ =	strace s4  }
0x98: {  	_ =	strace $0x8FFFFFFF  }
0x99: {  	s19 =	sld [smem:$0x3FDB];
	_ =	sdelay $0x1  }
0x9a: {  	s5 =	simm.s32 $_scs_section_size  }
0x9b: {  	s6 =	simm.s32 $_size__tile_overlayer_lowered;
	s7 =	simm.s32 $_tile_overlayer_lowered  }
0x9c: {  	s22 =	simm.s32 $0x1BFF;
	s21 =	sshll.u32 s7, $0x1;
	s4 =	sadd.s32 s5, s19  }
0x9d: {  	s8 =	simm.s32 $0x0;
	s20 =	sshll.u32 s6, $0x1;
	s6 =	sadd.s32 s21, s4  }
0x9e: {  	[timem:s8], [sflag:s22] =	dma.local [hbm:s6], s20  }
0x9f: {  	_ =	swait.ge [sflag:s22], s20  }
0xa0: {  	s5 =	ssub.s32 $0x0, s20;
	[sflag:s22] =	ssyncset.done $0x0  }
0xa1: {  	[sflag:s22] =	ssyncadd.s32 s5;
	_ =	sdelay $0x1  }
0xa2: {  	s23 =	simm.s32 $0x1B8B  }
0xa3: {  	_ =	swait.ge [sflag:s23], $0x1  }
0xa4: {  	[sflag:s23] =	ssyncset.done $0x0  }
0xa5: {  	s25 =	simm.s32 $0x1B8E;
	s24 =	sld [smem:$0x3FFE];
	[sflag:s23] =	ssyncadd.s32 $0xFFFFFFFF  }
0xa6: {  	s26 =	simm.s32 $execute0_lowered;
	[smem:$0x3FD2] =	sst s25  }
0xa7: {  	s6 =	sshll.u32 s26, $0x1;
	_ =	strace $0x80000046;
	[dreg:$0x1] =	wrdreg $0xFFFFFFFF  }
0xa8: {  	s28 =	simm.s32 $_size_execute0_lowered;
	s4 =	sadd.s32 s4, s6;
	[dreg:$0x0] =	wrdreg $0x0  }
0xa9: {  	s6 =	sshll.u32 s28, $0x1;
	[dreg:$0x2] =	wrdreg s4  }
0xaa: {  	[dreg:$0x3] =	wrdreg s6  }
0xab: {  	[dreg:$0x4] =	wrdreg $0xC0  }
0xac: {  	_ =	task [dreg:s8], $0x5FFFF  }
0xad: {  	[dreg:$0x1] =	wrdreg $0xFFFFFFFF  }
0xae: {  	[dreg:$0x0] =	wrdreg $0x60  }
0xaf: {  	[dreg:$0x2] =	wrdreg s2  }
0xb0: {  	[dreg:$0x3] =	wrdreg s24  }
0xb1: {  	[dreg:$0x4] =	wrdreg s18  }
0xb2: {  	[dreg:$0x5] =	wrdreg $0x9  }
0xb3: {  	_ =	task.clear_ibuf [dreg:s8], $0x6FFFF;
	_ =	strace $0x90000046  }
0xb4: {  	s29 =	simm.s32 $0x9;
	_ =	strace $0x80000048  }
0xb5: {  	_ =	swait.ge [sflag:s29], $0x1  }
0xb6: {  	[sflag:s29] =	ssyncadd.s32 $0xFFFFFFFF  }
0xb7: {  	_ =	strace $0x90000048  }
0xb8: {  	_ =	sfence  }
0xb9: {  	s30 =	sld [smem:$0x0];
	_ =	sdelay $0x2  }
0xba: {  	s31 =	sshll.u32 s1, $0xD;
	s1 =	sshrl.u32 s1, $0x2  }
0xbb: {  	s3 =	sand.u32 $0x4000, s31;
	s1 =	sadd.s32 s1, s30  }
0xbc: {  	s0 =	sor.u32 s3, s0;
	s1 =	sshll.u32 s1, $0x11  }
0xbd: {  	s0 =	sor.u32 s1, s0  }
0xbe: {  	s0 =	sadd.s32 $0x8F2B, s0  }
0xbf: {  	[sflag:s0] =	ssyncadd.remote.s32 $0x1  }
0xc0: {  	_ =	sfence.sel $0xFFFF  }
0xc1: {  	[dreg:$0x0] =	wrdreg $0xFFFFFFFF;
	(pc) =	sbr.abs _section_cstart, $3  }
0xc2: {  	[dreg:$0x1] =	wrdreg $0xFFFFFFFF  }
0xc3: {  	_ =	task.clear_ibuf [dreg:s8], $0x2FFFF;
	_ =	strace $0x9FFFFFFF  }
0xc4: {  	(tm) =	ssettm $0x7FFFFFFF  }
0xc5: {  	_ =	shalt  }
tec
execute0_lowered:
.L_overlay_start_1:
0x0: {  	(tag) =	ssettag $0x1  }
0x1: {  	s0 =	rddreg [dreg:$0x0]  }
0x2: {  	s1 =	rddreg [dreg:$0x1]  }
0x3: {  	s2 =	srdreg.scid;
	s4 =	stileid.u32  }
0x4: {  	s3 =	simm.s32 $0x0;
	s9 =	simm.s32 $0x5;
	s26 =	simm.s32 $0x80  }
0x5: {  	s28 =	simm.s32 $0x12100;
	s30 =	simm.s32 $0x2100;
	s31 =	simm.s32 $0x2900  }
0x6: {  	s10 =	simm.s32 $0x4900;
	s12 =	simm.s32 $0x5100;
	s13 =	simm.s32 $0x5900  }
0x7: {  	s14 =	simm.s32 $0x6100;
	s15 =	simm.s32 $0x6900;
	s16 =	simm.s32 $0x7100  }
0x8: {  	s17 =	simm.s32 $0x7900;
	s18 =	simm.s32 $0x8100;
	s19 =	simm.s32 $0x8900  }
0x9: {  	s20 =	simm.s32 $0x9100;
	s11 =	simm.s32 $0x9900;
	s22 =	simm.s32 $0xA100  }
0xa: {  	s23 =	simm.s32 $0xA900;
	s24 =	simm.s32 $0xB100;
	s29 =	simm.s32 $0xB900  }
0xb: {  	s2 =	sand.u32 $0x1, s2;
	s4 =	sshll.u32 s4, $0x1;
	[smem:$0x7FF] =	sst s3  }
0xc: {  	s5 =	sor.u32 s2, s4;
	_ =	strace $0x80000047;
	[dreg:$0x7] =	wrdreg s26  }
0xd: {  	s2 =	ssub.s32 $0x2, s2;
	[dreg:$0x8] =	wrdreg s28;
	s4 =	sshll.u32 s5, $0x5  }
0xe: {  	s6 =	sshll.u32 s5, $0xB;
	s8 =	sshrl.u32 s2, $0x1;
	s5 =	sshll.u32 s5, $0xD  }
0xf: {  	s7 =	sadd.s32 s4, s1;
	s6 =	sadd.s32 s6, s1;
	s4 =	sadd.s32 $0x10800, s1  }
0x10: {  	s2 =	ssub.s32 s2, s8;
	s0 =	sadd.s32 s0, s5;
	s5 =	sadd.s32 $0x10900, s1  }
0x11: {  	v2 =	vlaneseq.u32;
	s7 =	sadd.s32 $0x400, s7;
	s6 =	sadd.s32 $0x800, s6;
	[dreg:$0x6] =	wrdreg s0  }
0x12: {  	vm0 =	vmmov $0xffff;
	v1 =	vshrl.u32 v2, $0x3;
	s8 =	smax.u32 s2, $0x1;
	s2 =	simm.s32 $0x4100;
	[dreg:$0x4] =	wrdreg s7  }
0x13: {  	v0 =	vand.u32 $0x7, v2;
	v2 =	vor.u32 $0x8, v2;
	v1 =	vmul.u32 $0x8, v1;
	[dreg:$0x5] =	wrdreg s6;
	s6 =	sadd.s32 $0x10A00, s1;
	s7 =	sadd.s32 $0x10B00, s1  }
.LBB2_1:
0x14: {  	s25 =	rddreg [dreg:$0x4]  }
0x15: {  	[tilespmem:s3], [sflag:$0x5] =	stream.linear.gather [hbm4b:s25+s3], $0x100, $0x38;
	[tilespmem:$0x14100] =	vst v63  }
0x16: {  	_ =	swait.ge [sflag:s9], $0x100  }
0x17: {  	[sflag:s9] =	ssyncset.done $0x0  }
0x18: {  	s0 =	simm.s32 $0x10100;
	s28 =	rddreg [dreg:$0x5];
	[sflag:s9] =	ssyncadd.s32 $0xFFFFFF00  }
0x19: {  	[tilespmem:s0], [sflag:$0x5] =	stream.linear.gather [hbm4b:s28+s3], $0x4000, $0x38;
	[tilespmem:$0x14100] =	vst v63  }
0x1a: {  	_ =	swait.ge [sflag:s9], $0x4000  }
0x1b: {  	[sflag:s9] =	ssyncset.done $0x0  }
0x1c: {  	s21 =	simm.s32 $0x100;
	s0 =	rddreg [dreg:$0x6];
	[sflag:s9] =	ssyncadd.s32 $0xFFFFC000  }
0x1d: {  	[tilespmem:s21], [sflag:$0x5] =	stream.linear.gather [hbm4b:s0+s3], $0x10000, $0x38;
	[tilespmem:$0x14100] =	vst v63  }
0x1e: {  	_ =	swait.ge [sflag:s9], $0x10000  }
0x1f: {  	[sflag:s9] =	ssyncset.done $0x0  }
0x20: {  	[sflag:s9] =	ssyncadd.s32 $0xFFFF0000  }
0x21: {  	v3 =	vld [tilespmem:$0x0];
	_ =	sdelay $0x4  }
0x22: {  	v4 =	vshll.u32 v3, $0x3  }
0x23: {  	v3 =	vand.u32 $0x7, v3;
	v4 =	vand.u32 $0xFFFFFFC0, v4  }
0x24: {  	v3 =	vor.u32 v3, v4  }
0x25: {  	v4 =	vperm.xlane v3, v0;
	_ =	sdelay $0x1  }
0x26: {  	v4 =	vadd.s32 v1, v4;
	_ =	sdelay $0x4  }
0x27: {  	[hbm4b:s4+s3] =	stream.indirect_vreg.scatter [tilespmem:s21], [sflag:$0x1], $0x80, v4, vm0, $0xb8;
	[tilespmem:$0x14100] =	vst v63  }
0x28: {  	s25 =	simm.s32 $0x900;
	v3 =	vperm.xlane v3, v2  }
0x29: {  	[hbm4b:s5+s3] =	stream.indirect_vreg.scatter [tilespmem:s25], [sflag:$0x1], $0x80, v4, vm0, $0xb8;
	[tilespmem:$0x14100] =	vst v63  }
0x2a: {  	s26 =	simm.s32 $0x1100;
	v3 =	vadd.s32 v1, v3  }
0x2b: {  	[hbm4b:s6+s3] =	stream.indirect_vreg.scatter [tilespmem:s26], [sflag:$0x1], $0x80, v4, vm0, $0xb8;
	[tilespmem:$0x14100] =	vst v63  }
0x2c: {  	s28 =	simm.s32 $0x1900  }
0x2d: {  	[hbm4b:s7+s3] =	stream.indirect_vreg.scatter [tilespmem:s28], [sflag:$0x1], $0x80, v4, vm0, $0xb8;
	[tilespmem:$0x14100] =	vst v63  }
0x2e: {  	_ = 	snop  }
0x2f: {  	[hbm4b:s4+s3] =	stream.indirect_vreg.scatter [tilespmem:s30], [sflag:$0x1], $0x80, v3, vm0, $0xb8;
	[tilespmem:$0x14100] =	vst v63  }
0x30: {  	_ = 	snop  }
0x31: {  	[hbm4b:s5+s3] =	stream.indirect_vreg.scatter [tilespmem:s31], [sflag:$0x1], $0x80, v3, vm0, $0xb8;
	[tilespmem:$0x14100] =	vst v63  }
0x32: {  	s1 =	simm.s32 $0x3100  }
0x33: {  	[hbm4b:s6+s3] =	stream.indirect_vreg.scatter [tilespmem:s1], [sflag:$0x1], $0x80, v3, vm0, $0xb8;
	[tilespmem:$0x14100] =	vst v63  }
0x34: {  	s1 =	simm.s32 $0x3900  }
0x35: {  	[hbm4b:s7+s3] =	stream.indirect_vreg.scatter [tilespmem:s1], [sflag:$0x1], $0x80, v3, vm0, $0xb8;
	[tilespmem:$0x14100] =	vst v63  }
0x36: {  	v3 =	vld [tilespmem:$0x10];
	_ =	sdelay $0x4  }
0x37: {  	v57 =	vshll.u32 v3, $0x3  }
0x38: {  	v3 =	vand.u32 $0x7, v3;
	v4 =	vand.u32 $0xFFFFFFC0, v57  }
0x39: {  	v3 =	vor.u32 v3, v4  }
0x3a: {  	v4 =	vperm.xlane v3, v0;
	_ =	sdelay $0x1  }
0x3b: {  	v4 =	vadd.s32 v1, v4;
	_ =	sdelay $0x4  }
0x3c: {  	[hbm4b:s4+s3] =	stream.indirect_vreg.scatter [tilespmem:s2], [sflag:$0x1], $0x80, v4, vm0, $0xb8;
	[tilespmem:$0x14100] =	vst v63  }
0x3d: {  	v3 =	vperm.xlane v3, v2  }
0x3e: {  	[hbm4b:s5+s3] =	stream.indirect_vreg.scatter [tilespmem:s10], [sflag:$0x1], $0x80, v4, vm0, $0xb8;
	[tilespmem:$0x14100] =	vst v63  }
0x3f: {  	v3 =	vadd.s32 v1, v3  }
0x40: {  	[hbm4b:s6+s3] =	stream.indirect_vreg.scatter [tilespmem:s12], [sflag:$0x1], $0x80, v4, vm0, $0xb8;
	[tilespmem:$0x14100] =	vst v63  }
0x41: {  	_ = 	snop  }
0x42: {  	[hbm4b:s7+s3] =	stream.indirect_vreg.scatter [tilespmem:s13], [sflag:$0x1], $0x80, v4, vm0, $0xb8;
	[tilespmem:$0x14100] =	vst v63  }
0x43: {  	_ = 	snop  }
0x44: {  	[hbm4b:s4+s3] =	stream.indirect_vreg.scatter [tilespmem:s14], [sflag:$0x1], $0x80, v3, vm0, $0xb8;
	[tilespmem:$0x14100] =	vst v63  }
0x45: {  	_ = 	snop  }
0x46: {  	[hbm4b:s5+s3] =	stream.indirect_vreg.scatter [tilespmem:s15], [sflag:$0x1], $0x80, v3, vm0, $0xb8;
	[tilespmem:$0x14100] =	vst v63  }
0x47: {  	_ = 	snop  }
0x48: {  	[hbm4b:s6+s3] =	stream.indirect_vreg.scatter [tilespmem:s16], [sflag:$0x1], $0x80, v3, vm0, $0xb8;
	[tilespmem:$0x14100] =	vst v63  }
0x49: {  	_ = 	snop  }
0x4a: {  	[hbm4b:s7+s3] =	stream.indirect_vreg.scatter [tilespmem:s17], [sflag:$0x1], $0x80, v3, vm0, $0xb8;
	[tilespmem:$0x14100] =	vst v63  }
0x4b: {  	v3 =	vld [tilespmem:$0x20];
	_ =	sdelay $0x4  }
0x4c: {  	v58 =	vshll.u32 v3, $0x3  }
0x4d: {  	v3 =	vand.u32 $0x7, v3;
	v4 =	vand.u32 $0xFFFFFFC0, v58  }
0x4e: {  	v3 =	vor.u32 v3, v4  }
0x4f: {  	v4 =	vperm.xlane v3, v0;
	_ =	sdelay $0x1  }
0x50: {  	v4 =	vadd.s32 v1, v4;
	_ =	sdelay $0x4  }
0x51: {  	[hbm4b:s4+s3] =	stream.indirect_vreg.scatter [tilespmem:s18], [sflag:$0x1], $0x80, v4, vm0, $0xb8;
	[tilespmem:$0x14100] =	vst v63  }
0x52: {  	v3 =	vperm.xlane v3, v2  }
0x53: {  	[hbm4b:s5+s3] =	stream.indirect_vreg.scatter [tilespmem:s19], [sflag:$0x1], $0x80, v4, vm0, $0xb8;
	[tilespmem:$0x14100] =	vst v63  }
0x54: {  	v3 =	vadd.s32 v1, v3  }
0x55: {  	[hbm4b:s6+s3] =	stream.indirect_vreg.scatter [tilespmem:s20], [sflag:$0x1], $0x80, v4, vm0, $0xb8;
	[tilespmem:$0x14100] =	vst v63  }
0x56: {  	_ = 	snop  }
0x57: {  	[hbm4b:s7+s3] =	stream.indirect_vreg.scatter [tilespmem:s11], [sflag:$0x1], $0x80, v4, vm0, $0xb8;
	[tilespmem:$0x14100] =	vst v63  }
0x58: {  	_ = 	snop  }
0x59: {  	[hbm4b:s4+s3] =	stream.indirect_vreg.scatter [tilespmem:s22], [sflag:$0x1], $0x80, v3, vm0, $0xb8;
	[tilespmem:$0x14100] =	vst v63  }
0x5a: {  	_ = 	snop  }
0x5b: {  	[hbm4b:s5+s3] =	stream.indirect_vreg.scatter [tilespmem:s23], [sflag:$0x1], $0x80, v3, vm0, $0xb8;
	[tilespmem:$0x14100] =	vst v63  }
0x5c: {  	_ = 	snop  }
0x5d: {  	[hbm4b:s6+s3] =	stream.indirect_vreg.scatter [tilespmem:s24], [sflag:$0x1], $0x80, v3, vm0, $0xb8;
	[tilespmem:$0x14100] =	vst v63  }
0x5e: {  	_ = 	snop  }
0x5f: {  	[hbm4b:s7+s3] =	stream.indirect_vreg.scatter [tilespmem:s29], [sflag:$0x1], $0x80, v3, vm0, $0xb8;
	[tilespmem:$0x14100] =	vst v63  }
0x60: {  	v3 =	vld [tilespmem:$0x30];
	_ =	sdelay $0x4  }
0x61: {  	v59 =	vshll.u32 v3, $0x3  }
0x62: {  	v3 =	vand.u32 $0x7, v3;
	v4 =	vand.u32 $0xFFFFFFC0, v59  }
0x63: {  	v3 =	vor.u32 v3, v4  }
0x64: {  	v4 =	vperm.xlane v3, v0;
	_ =	sdelay $0x1  }
0x65: {  	v4 =	vadd.s32 v1, v4;
	_ =	sdelay $0x3  }
0x66: {  	s0 =	simm.s32 $0xC100  }
0x67: {  	[hbm4b:s4+s3] =	stream.indirect_vreg.scatter [tilespmem:s0], [sflag:$0x1], $0x80, v4, vm0, $0xb8;
	[tilespmem:$0x14100] =	vst v63  }
0x68: {  	v3 =	vperm.xlane v3, v2;
	s0 =	simm.s32 $0xC900  }
0x69: {  	[hbm4b:s5+s3] =	stream.indirect_vreg.scatter [tilespmem:s0], [sflag:$0x1], $0x80, v4, vm0, $0xb8;
	[tilespmem:$0x14100] =	vst v63  }
0x6a: {  	v3 =	vadd.s32 v1, v3;
	s0 =	simm.s32 $0xD100  }
0x6b: {  	[hbm4b:s6+s3] =	stream.indirect_vreg.scatter [tilespmem:s0], [sflag:$0x1], $0x80, v4, vm0, $0xb8;
	[tilespmem:$0x14100] =	vst v63  }
0x6c: {  	s0 =	simm.s32 $0xD900  }
0x6d: {  	[hbm4b:s7+s3] =	stream.indirect_vreg.scatter [tilespmem:s0], [sflag:$0x1], $0x80, v4, vm0, $0xb8;
	[tilespmem:$0x14100] =	vst v63  }
0x6e: {  	s0 =	simm.s32 $0xE100  }
0x6f: {  	[hbm4b:s4+s3] =	stream.indirect_vreg.scatter [tilespmem:s0], [sflag:$0x1], $0x80, v3, vm0, $0xb8;
	[tilespmem:$0x14100] =	vst v63  }
0x70: {  	s0 =	simm.s32 $0xE900  }
0x71: {  	[hbm4b:s5+s3] =	stream.indirect_vreg.scatter [tilespmem:s0], [sflag:$0x1], $0x80, v3, vm0, $0xb8;
	[tilespmem:$0x14100] =	vst v63  }
0x72: {  	s0 =	simm.s32 $0xF100  }
0x73: {  	[hbm4b:s6+s3] =	stream.indirect_vreg.scatter [tilespmem:s0], [sflag:$0x1], $0x80, v3, vm0, $0xb8;
	[tilespmem:$0x14100] =	vst v63  }
0x74: {  	s0 =	simm.s32 $0xF900  }
0x75: {  	[hbm4b:s7+s3] =	stream.indirect_vreg.scatter [tilespmem:s0], [sflag:$0x1], $0x80, v3, vm0, $0xb8;
	[tilespmem:$0x14100] =	vst v63  }
0x76: {  	v3 =	vld [tilespmem:$0x80];
	_ =	sdelay $0x4  }
0x77: {  	v60 =	vshll.u32 v3, $0x3  }
0x78: {  	v3 =	vand.u32 $0x7, v3;
	v4 =	vand.u32 $0xFFFFFFC0, v60  }
0x79: {  	v3 =	vor.u32 v3, v4  }
0x7a: {  	v4 =	vperm.xlane v3, v0;
	_ =	sdelay $0x1  }
0x7b: {  	v4 =	vadd.s32 v1, v4;
	_ =	sdelay $0x4  }
0x7c: {  	[hbm4b:s4+s3] =	stream.indirect_vreg.scatter [tilespmem:s21], [sflag:$0x2], $0x80, v4, vm0, $0xb8;
	[tilespmem:$0x14100] =	vst v63  }
0x7d: {  	v3 =	vperm.xlane v3, v2  }
0x7e: {  	[hbm4b:s5+s3] =	stream.indirect_vreg.scatter [tilespmem:s25], [sflag:$0x2], $0x80, v4, vm0, $0xb8;
	[tilespmem:$0x14100] =	vst v63  }
0x7f: {  	v3 =	vadd.s32 v1, v3  }
0x80: {  	[hbm4b:s6+s3] =	stream.indirect_vreg.scatter [tilespmem:s26], [sflag:$0x2], $0x80, v4, vm0, $0xb8;
	[tilespmem:$0x14100] =	vst v63  }
0x81: {  	_ = 	snop  }
0x82: {  	[hbm4b:s7+s3] =	stream.indirect_vreg.scatter [tilespmem:s28], [sflag:$0x2], $0x80, v4, vm0, $0xb8;
	[tilespmem:$0x14100] =	vst v63  }
0x83: {  	_ = 	snop  }
0x84: {  	[hbm4b:s4+s3] =	stream.indirect_vreg.scatter [tilespmem:s30], [sflag:$0x2], $0x80, v3, vm0, $0xb8;
	[tilespmem:$0x14100] =	vst v63  }
0x85: {  	_ = 	snop  }
0x86: {  	[hbm4b:s5+s3] =	stream.indirect_vreg.scatter [tilespmem:s31], [sflag:$0x2], $0x80, v3, vm0, $0xb8;
	[tilespmem:$0x14100] =	vst v63  }
0x87: {  	s28 =	simm.s32 $0x3100  }
0x88: {  	[hbm4b:s6+s3] =	stream.indirect_vreg.scatter [tilespmem:s28], [sflag:$0x2], $0x80, v3, vm0, $0xb8;
	[tilespmem:$0x14100] =	vst v63  }
0x89: {  	_ = 	snop  }
0x8a: {  	[hbm4b:s7+s3] =	stream.indirect_vreg.scatter [tilespmem:s1], [sflag:$0x2], $0x80, v3, vm0, $0xb8;
	[tilespmem:$0x14100] =	vst v63  }
0x8b: {  	v3 =	vld [tilespmem:$0x90];
	_ =	sdelay $0x4  }
0x8c: {  	v61 =	vshll.u32 v3, $0x3  }
0x8d: {  	v3 =	vand.u32 $0x7, v3;
	v4 =	vand.u32 $0xFFFFFFC0, v61  }
0x8e: {  	v3 =	vor.u32 v3, v4  }
0x8f: {  	v4 =	vperm.xlane v3, v0;
	_ =	sdelay $0x1  }
0x90: {  	v4 =	vadd.s32 v1, v4;
	_ =	sdelay $0x4  }
0x91: {  	[hbm4b:s4+s3] =	stream.indirect_vreg.scatter [tilespmem:s2], [sflag:$0x2], $0x80, v4, vm0, $0xb8;
	[tilespmem:$0x14100] =	vst v63  }
0x92: {  	v3 =	vperm.xlane v3, v2  }
0x93: {  	[hbm4b:s5+s3] =	stream.indirect_vreg.scatter [tilespmem:s10], [sflag:$0x2], $0x80, v4, vm0, $0xb8;
	[tilespmem:$0x14100] =	vst v63  }
0x94: {  	v3 =	vadd.s32 v1, v3  }
0x95: {  	[hbm4b:s6+s3] =	stream.indirect_vreg.scatter [tilespmem:s12], [sflag:$0x2], $0x80, v4, vm0, $0xb8;
	[tilespmem:$0x14100] =	vst v63  }
0x96: {  	_ = 	snop  }
0x97: {  	[hbm4b:s7+s3] =	stream.indirect_vreg.scatter [tilespmem:s13], [sflag:$0x2], $0x80, v4, vm0, $0xb8;
	[tilespmem:$0x14100] =	vst v63  }
0x98: {  	_ = 	snop  }
0x99: {  	[hbm4b:s4+s3] =	stream.indirect_vreg.scatter [tilespmem:s14], [sflag:$0x2], $0x80, v3, vm0, $0xb8;
	[tilespmem:$0x14100] =	vst v63  }
0x9a: {  	_ = 	snop  }
0x9b: {  	[hbm4b:s5+s3] =	stream.indirect_vreg.scatter [tilespmem:s15], [sflag:$0x2], $0x80, v3, vm0, $0xb8;
	[tilespmem:$0x14100] =	vst v63  }
0x9c: {  	_ = 	snop  }
0x9d: {  	[hbm4b:s6+s3] =	stream.indirect_vreg.scatter [tilespmem:s16], [sflag:$0x2], $0x80, v3, vm0, $0xb8;
	[tilespmem:$0x14100] =	vst v63  }
0x9e: {  	_ = 	snop  }
0x9f: {  	[hbm4b:s7+s3] =	stream.indirect_vreg.scatter [tilespmem:s17], [sflag:$0x2], $0x80, v3, vm0, $0xb8;
	[tilespmem:$0x14100] =	vst v63  }
0xa0: {  	v3 =	vld [tilespmem:$0xA0];
	_ =	sdelay $0x4  }
0xa1: {  	v62 =	vshll.u32 v3, $0x3  }
0xa2: {  	v3 =	vand.u32 $0x7, v3;
	v4 =	vand.u32 $0xFFFFFFC0, v62  }
0xa3: {  	v3 =	vor.u32 v3, v4  }
0xa4: {  	v4 =	vperm.xlane v3, v0;
	_ =	sdelay $0x1  }
0xa5: {  	v4 =	vadd.s32 v1, v4;
	_ =	sdelay $0x4  }
0xa6: {  	[hbm4b:s4+s3] =	stream.indirect_vreg.scatter [tilespmem:s18], [sflag:$0x2], $0x80, v4, vm0, $0xb8;
	[tilespmem:$0x14100] =	vst v63  }
0xa7: {  	v3 =	vperm.xlane v3, v2  }
0xa8: {  	[hbm4b:s5+s3] =	stream.indirect_vreg.scatter [tilespmem:s19], [sflag:$0x2], $0x80, v4, vm0, $0xb8;
	[tilespmem:$0x14100] =	vst v63  }
0xa9: {  	v3 =	vadd.s32 v1, v3  }
0xaa: {  	[hbm4b:s6+s3] =	stream.indirect_vreg.scatter [tilespmem:s20], [sflag:$0x2], $0x80, v4, vm0, $0xb8;
	[tilespmem:$0x14100] =	vst v63  }
0xab: {  	_ = 	snop  }
0xac: {  	[hbm4b:s7+s3] =	stream.indirect_vreg.scatter [tilespmem:s11], [sflag:$0x2], $0x80, v4, vm0, $0xb8;
	[tilespmem:$0x14100] =	vst v63  }
0xad: {  	_ = 	snop  }
0xae: {  	[hbm4b:s4+s3] =	stream.indirect_vreg.scatter [tilespmem:s22], [sflag:$0x2], $0x80, v3, vm0, $0xb8;
	[tilespmem:$0x14100] =	vst v63  }
0xaf: {  	_ = 	snop  }
0xb0: {  	[hbm4b:s5+s3] =	stream.indirect_vreg.scatter [tilespmem:s23], [sflag:$0x2], $0x80, v3, vm0, $0xb8;
	[tilespmem:$0x14100] =	vst v63  }
0xb1: {  	_ = 	snop  }
0xb2: {  	[hbm4b:s6+s3] =	stream.indirect_vreg.scatter [tilespmem:s24], [sflag:$0x2], $0x80, v3, vm0, $0xb8;
	[tilespmem:$0x14100] =	vst v63  }
0xb3: {  	_ = 	snop  }
0xb4: {  	[hbm4b:s7+s3] =	stream.indirect_vreg.scatter [tilespmem:s29], [sflag:$0x2], $0x80, v3, vm0, $0xb8;
	[tilespmem:$0x14100] =	vst v63  }
0xb5: {  	v3 =	vld [tilespmem:$0xB0];
	_ =	sdelay $0x4  }
0xb6: {  	v63 =	vshll.u32 v3, $0x3  }
0xb7: {  	v3 =	vand.u32 $0x7, v3;
	v4 =	vand.u32 $0xFFFFFFC0, v63  }
0xb8: {  	v3 =	vor.u32 v3, v4  }
0xb9: {  	v4 =	vperm.xlane v3, v0;
	_ =	sdelay $0x1  }
0xba: {  	v4 =	vadd.s32 v1, v4;
	_ =	sdelay $0x3  }
0xbb: {  	s25 =	simm.s32 $0xC100  }
0xbc: {  	[hbm4b:s4+s3] =	stream.indirect_vreg.scatter [tilespmem:s25], [sflag:$0x2], $0x80, v4, vm0, $0xb8;
	[tilespmem:$0x14100] =	vst v63  }
0xbd: {  	s26 =	simm.s32 $0xC900;
	v3 =	vperm.xlane v3, v2  }
0xbe: {  	[hbm4b:s5+s3] =	stream.indirect_vreg.scatter [tilespmem:s26], [sflag:$0x2], $0x80, v4, vm0, $0xb8;
	[tilespmem:$0x14100] =	vst v63  }
0xbf: {  	s28 =	simm.s32 $0xD100;
	v3 =	vadd.s32 v1, v3  }
0xc0: {  	[hbm4b:s6+s3] =	stream.indirect_vreg.scatter [tilespmem:s28], [sflag:$0x2], $0x80, v4, vm0, $0xb8;
	[tilespmem:$0x14100] =	vst v63  }
0xc1: {  	s21 =	simm.s32 $0xD900  }
0xc2: {  	[hbm4b:s7+s3] =	stream.indirect_vreg.scatter [tilespmem:s21], [sflag:$0x2], $0x80, v4, vm0, $0xb8;
	[tilespmem:$0x14100] =	vst v63  }
0xc3: {  	s25 =	simm.s32 $0xE100  }
0xc4: {  	[hbm4b:s4+s3] =	stream.indirect_vreg.scatter [tilespmem:s25], [sflag:$0x2], $0x80, v3, vm0, $0xb8;
	[tilespmem:$0x14100] =	vst v63  }
0xc5: {  	s26 =	simm.s32 $0xE900  }
0xc6: {  	[hbm4b:s5+s3] =	stream.indirect_vreg.scatter [tilespmem:s26], [sflag:$0x2], $0x80, v3, vm0, $0xb8;
	[tilespmem:$0x14100] =	vst v63  }
0xc7: {  	s28 =	simm.s32 $0xF100  }
0xc8: {  	[hbm4b:s6+s3] =	stream.indirect_vreg.scatter [tilespmem:s28], [sflag:$0x2], $0x80, v3, vm0, $0xb8;
	[tilespmem:$0x14100] =	vst v63  }
0xc9: {  	s25 =	rddreg [dreg:$0x7]  }
0xca: {  	[hbm4b:s7+s3] =	stream.indirect_vreg.scatter [tilespmem:s0], [sflag:$0x2], $0x80, v3, vm0, $0xb8;
	[tilespmem:$0x14100] =	vst v63  }
0xcb: {  	s21 =	simm.s32 $0x10100;
	s28 =	rddreg [dreg:$0x2];
	s0 =	simm.s32 $0x40  }
0xcc: {  	[hbm4b:s28+s0] =	stream.indirect.scatter [tilespmem:s21], [sflag:$0x3], $0x80, s3, s0, $0xb8;
	[tilespmem:$0x14100] =	vst v63  }
0xcd: {  	s26 =	rddreg [dreg:$0x8];
	s21 =	simm.s32 $0x1  }
0xce: {  	[hbm4b:s28+s0] =	stream.indirect.scatter [tilespmem:s26], [sflag:$0x4], $0x80, s25, s0, $0xb8;
	[tilespmem:$0x14100] =	vst v63  }
0xcf: {  	_ =	swait.ge [sflag:s21], $0x10000  }
0xd0: {  	[sflag:s21] =	ssyncset.done $0x0  }
0xd1: {  	s25 =	simm.s32 $0x2;
	[sflag:s21] =	ssyncadd.s32 $0xFFFF0000  }
0xd2: {  	_ =	swait.ge [sflag:s25], $0x10000  }
0xd3: {  	[sflag:s25] =	ssyncset.done $0x0  }
0xd4: {  	s26 =	simm.s32 $0x3;
	[sflag:s25] =	ssyncadd.s32 $0xFFFF0000  }
0xd5: {  	p0 =	sne.s32 s8, $0x1;
	_ =	swait.ge [sflag:s26], $0x2000  }
.Ltmp0:
0xd6: {  	[sflag:s26] =	ssyncset.done $0x0;
	(pc) =	sbr.rel @p0 .LBB2_1-.Ltmp0, $4  }
0xd7: {  	s28 =	simm.s32 $0x4;
	[sflag:s26] =	ssyncadd.s32 $0xFFFFE000  }
0xd8: {  	_ =	swait.ge [sflag:s28], $0x2000  }
0xd9: {  	[sflag:s28] =	ssyncset.done $0x0  }
0xda: {  	s8 =	sadd.s32 $0xFFFFFFFF, s8;
	[sflag:s28] =	ssyncadd.s32 $0xFFFFE000  }
0xdb: {  	_ =	sfence.sel $0x180000  }
0xdc: {  	[bflag:$0x0] =	sbarrier.arrive $0xFFFF  }
0xdd: {  	_ =	strace $0x90000047  }
0xde: {  	s0 =	stileid.u32;
	[bflag:$0x2] =	sbarrier.arrive $0xFFFF  }
0xdf: {  	p0 =	sne.s32 s0, $0x0;
	s0 =	rddreg [dreg:$0x3]  }
0xe0: {  	s0 =	sadd.s32 @!p0 $0x100000, s0  }
0xe1: {  	[sflag:s0] =	ssyncadd.tile.s32 @!p0 $0x1;
	_ =	shalt  }
.Lfunc_end2:
_tile_overlayer_lowered:
.L_overlay_start_2:
0xe2: {  	(tag) =	ssettag $0x2  }
0xe3: {  	s0 =	rddreg [dreg:$0x0];
	s2 =	stileid.u32  }
0xe4: {  	s1 =	rddreg [dreg:$0x1];
	p0 =	sne.s32 s2, $0x0  }
0xe5: {  	s3 =	rddreg [dreg:$0x2];
	[bflag:$0x3] =	sbarrier.arrive $0xFFFF;
	s2 =	simm.s32 @!p0 $0x1C05  }
0xe6: {  	[timem:s3], [sflag:s2] =	dma.local @!p0 [hbm:s0], s1  }
0xe7: {  	s0 =	simm.s32 @!p0 $0x5  }
0xe8: {  	_ =	swait.ge @!p0 [sflag:s0], s1  }
0xe9: {  	s1 =	ssub.s32 @!p0 $0x0, s1;
	[sflag:s0] =	ssyncset.done @!p0 $0x0  }
0xea: {  	[sflag:s0] =	ssyncadd.s32 @!p0 s1  }
0xeb: {  	[bflag:$0x3] =	sbarrier.arrive $0xFFFF  }
0xec: {  	_ =	shalt  }

</sc_bundles>
